<compile_context>
chip_gen: v7x
topology: tpu7x:2x2x1
jax: 0.10.2.dev20260603
libtpu: 0.0.44.dev20260713+nightly
codegen_flags: <defaults>
</compile_context>

<pallas_src>
import functools

import jax
import jax.numpy as jnp
from jax import lax
from jax.experimental import pallas as pl
from jax.experimental.pallas import tpu as pltpu
from jax.experimental.pallas import tpu_sc as plsc

NC = 2
NS = 16
LANES = 16
CH = 128
DH = 128


def _fill_const(ref, rows, width, value):
    vec = jnp.full((LANES,), value, jnp.float32)

    def body(i, carry):
        for jj in range(width // LANES):
            ref[i, pl.ds(jj * LANES, LANES)] = vec
        return carry

    lax.fori_loop(0, rows, body, 0)


def _zero_shared_rows(zbuf, shared, start, count):
    off = 0
    while off < count:
        rows = min(CH, count - off)
        pltpu.sync_copy(zbuf.at[pl.ds(0, rows)], shared.at[pl.ds(start + off, rows)])
        off += rows


def _split(n):
    rps = (n // NS) // 8 * 8
    tail = n - (NS - 1) * rps
    return rps, tail


def _zero_my_slice(zbuf, shared, s, n):
    rps, tail = _split(n)

    @pl.when(s < NS - 1)
    def _():
        _zero_shared_rows(zbuf, shared, s * rps, rps)

    @pl.when(s == NS - 1)
    def _():
        _zero_shared_rows(zbuf, shared, (NS - 1) * rps, tail + LANES)


def _writeout_my_slice(shared, out_hbm, c, s, n):
    rps, tail = _split(n)

    @pl.when(s < NS - 1)
    def _():
        pltpu.sync_copy(shared.at[pl.ds(s * rps, rps)],
                        out_hbm.at[c, pl.ds(s * rps, rps)])

    @pl.when(s == NS - 1)
    def _():
        pltpu.sync_copy(shared.at[pl.ds((NS - 1) * rps, tail)],
                        out_hbm.at[c, pl.ds((NS - 1) * rps, tail)])


def _sc_degrees(degidx, n):
    epad = degidx.shape[0] // (2 * NS)
    nch = epad // CH
    mesh = plsc.VectorSubcoreMesh(core_axis_name="c", subcore_axis_name="s")

    @functools.partial(
        pl.kernel,
        mesh=mesh,
        out_type=jax.ShapeDtypeStruct((NC, n, DH), jnp.float32),
        scratch_types=[
            pltpu.VMEM((CH,), jnp.int32),
            pltpu.VMEM((CH, DH), jnp.float32),
            pltpu.VMEM_SHARED((n + LANES, DH), jnp.float32),
        ],
    )
    def deg_kernel(idx_hbm, out_hbm, idxv, onesbuf, shared):
        c = lax.axis_index("c")
        s = lax.axis_index("s")
        base = c * (NS * epad) + s * epad
        _fill_const(onesbuf, CH, DH, 0.0)
        _zero_my_slice(onesbuf, shared, s, n)
        _fill_const(onesbuf, CH, DH, 1.0)
        plsc.subcore_barrier()

        def fire(k, carry):
            pltpu.sync_copy(idx_hbm.at[pl.ds(base + k * CH, CH)], idxv)
            pltpu.sync_copy(onesbuf, shared.at[idxv], add=True)
            return carry

        lax.fori_loop(0, nch, fire, 0)
        plsc.subcore_barrier()
        _writeout_my_slice(shared, out_hbm, c, s, n)

    return deg_kernel(degidx)


def _sc_edge(hw2n, gsrc, gdst, n):
    epad = gdst.shape[0] // NS
    nch = epad // CH
    mesh = plsc.VectorSubcoreMesh(core_axis_name="c", subcore_axis_name="s")

    @functools.partial(
        pl.kernel,
        mesh=mesh,
        out_type=jax.ShapeDtypeStruct((NC, n, DH), jnp.float32),
        scratch_types=[
            pltpu.VMEM((CH,), jnp.int32),
            pltpu.VMEM((CH,), jnp.int32),
            pltpu.VMEM((CH,), jnp.int32),
            pltpu.VMEM((CH,), jnp.int32),
            pltpu.VMEM((CH, DH), jnp.float32),
            pltpu.VMEM((CH, DH), jnp.float32),
            pltpu.VMEM_SHARED((n + LANES, DH), jnp.float32),
            pltpu.SemaphoreType.DMA,
            pltpu.SemaphoreType.DMA,
            pltpu.SemaphoreType.DMA,
            pltpu.SemaphoreType.DMA,
        ],
    )
    def edge_kernel(hw_hbm, gsrc_hbm, gdst_hbm, out_hbm,
                    sidx0, sidx1, didx0, didx1, buf0, buf1, shared,
                    g0, g1, s0, s1):
        c = lax.axis_index("c")
        s = lax.axis_index("s")
        sidx = (sidx0, sidx1)
        didx = (didx0, didx1)
        bufs = (buf0, buf1)
        gsems = (g0, g1)
        ssems = (s0, s1)
        sbase = c * (NS * epad) + s * epad
        dbase = s * epad

        _fill_const(buf0, CH, DH, 0.0)
        _zero_my_slice(buf0, shared, s, n)
        plsc.subcore_barrier()

        def pair(j, carry):
            for b in (0, 1):
                k = j * 2 + b

                @pl.when(k >= 2)
                def _():
                    pltpu.make_async_copy(bufs[b], shared.at[didx[b]],
                                          ssems[b]).wait()

                pltpu.sync_copy(gsrc_hbm.at[pl.ds(sbase + k * CH, CH)], sidx[b])
                pltpu.sync_copy(gdst_hbm.at[pl.ds(dbase + k * CH, CH)], didx[b])
                pltpu.async_copy(hw_hbm.at[sidx[b]], bufs[b], gsems[b])
                pltpu.make_async_copy(hw_hbm.at[sidx[b]], bufs[b],
                                      gsems[b]).wait()
                pltpu.async_copy(bufs[b], shared.at[didx[b]], ssems[b],
                                 add=True)
            return carry

        lax.fori_loop(0, nch // 2, pair, 0)
        for b in (0, 1):
            pltpu.make_async_copy(bufs[b], shared.at[didx[b]], ssems[b]).wait()
        plsc.subcore_barrier()
        _writeout_my_slice(shared, out_hbm, c, s, n)

    return edge_kernel(hw2n, gsrc, gdst)


def _rsqrt_deg(deg_col):
    return lax.rsqrt(jnp.maximum(deg_col, 1.0))


def _tc_pre(x, thresh, logits, W_in, b_in, Wg0, degtab, bn):
    n, gene = x.shape
    hid = W_in.shape[1]

    def body(th_ref, lg_ref, x_ref, wi_ref, bi_ref, wg_ref, dg_ref, h_ref, hw_ref):
        mask = (lg_ref[...] >= th_ref[0, 0]).astype(jnp.float32)
        xb = x_ref[...] * mask
        h = jnp.dot(xb, wi_ref[...], preferred_element_type=jnp.float32) + bi_ref[...]
        a = _rsqrt_deg(dg_ref[0, :, 0:1])
        hw = jnp.dot(h, wg_ref[...], preferred_element_type=jnp.float32) * a
        h_ref[...] = h
        hw_ref[0, :, :] = hw[:, :DH]
        hw_ref[1, :, :] = hw[:, DH:]

    return pl.pallas_call(
        body,
        grid=(n // bn,),
        in_specs=[
            pl.BlockSpec((1, 1), lambda i: (0, 0)),
            pl.BlockSpec((1, gene), lambda i: (0, 0)),
            pl.BlockSpec((bn, gene), lambda i: (i, 0)),
            pl.BlockSpec((gene, hid), lambda i: (0, 0)),
            pl.BlockSpec((1, hid), lambda i: (0, 0)),
            pl.BlockSpec((hid, hid), lambda i: (0, 0)),
            pl.BlockSpec((2, bn, DH), lambda i: (0, i, 0)),
        ],
        out_specs=[
            pl.BlockSpec((bn, hid), lambda i: (i, 0)),
            pl.BlockSpec((2, bn, DH), lambda i: (0, i, 0)),
        ],
        out_shape=[
            jax.ShapeDtypeStruct((n, hid), jnp.float32),
            jax.ShapeDtypeStruct((2, n, DH), jnp.float32),
        ],
    )(thresh, logits, x, W_in, b_in, Wg0, degtab)


def _layer_core(h, ag0, ag1, bvec, wl, blv, lns, lnb):
    agg = jnp.concatenate([ag0, ag1], axis=-1) * bvec
    z = agg + jnp.dot(h, wl, preferred_element_type=jnp.float32) + blv
    mu = jnp.mean(z, axis=-1, keepdims=True)
    zc = z - mu
    var = jnp.mean(zc * zc, axis=-1, keepdims=True)
    zn = zc * lax.rsqrt(var + 1e-5) * lns + lnb
    return jnp.maximum(zn, 0.0) + h


def _tc_mid(h, aggr, degtab, Wl_i, bl_i, lns_i, lnb_i, Wg_next, bn):
    n, hid = h.shape

    def body(h_ref, ag_ref, dg_ref, wl_ref, bl_ref, s_ref, b_ref, wg_ref,
             hn_ref, hw_ref):
        bvec = _rsqrt_deg(dg_ref[1, :, 0:1])
        hn = _layer_core(h_ref[...], ag_ref[0, :, :], ag_ref[1, :, :], bvec,
                         wl_ref[...], bl_ref[...], s_ref[...], b_ref[...])
        hn_ref[...] = hn
        a = _rsqrt_deg(dg_ref[0, :, 0:1])
        hw = jnp.dot(hn, wg_ref[...], preferred_element_type=jnp.float32) * a
        hw_ref[0, :, :] = hw[:, :DH]
        hw_ref[1, :, :] = hw[:, DH:]

    return pl.pallas_call(
        body,
        grid=(n // bn,),
        in_specs=[
            pl.BlockSpec((bn, hid), lambda i: (i, 0)),
            pl.BlockSpec((2, bn, DH), lambda i: (0, i, 0)),
            pl.BlockSpec((2, bn, DH), lambda i: (0, i, 0)),
            pl.BlockSpec((hid, hid), lambda i: (0, 0)),
            pl.BlockSpec((1, hid), lambda i: (0, 0)),
            pl.BlockSpec((1, hid), lambda i: (0, 0)),
            pl.BlockSpec((1, hid), lambda i: (0, 0)),
            pl.BlockSpec((hid, hid), lambda i: (0, 0)),
        ],
        out_specs=[
            pl.BlockSpec((bn, hid), lambda i: (i, 0)),
            pl.BlockSpec((2, bn, DH), lambda i: (0, i, 0)),
        ],
        out_shape=[
            jax.ShapeDtypeStruct((n, hid), jnp.float32),
            jax.ShapeDtypeStruct((2, n, DH), jnp.float32),
        ],
    )(h, aggr, degtab, Wl_i, bl_i, lns_i, lnb_i, Wg_next)


def _tc_final(h, aggr, degtab, Wl_i, bl_i, lns_i, lnb_i, W_pred, b_pred, bn):
    n, hid = h.shape
    nout = W_pred.shape[1]

    def body(h_ref, ag_ref, dg_ref, wl_ref, bl_ref, s_ref, b_ref, wp_ref,
             bp_ref, o_ref):
        bvec = _rsqrt_deg(dg_ref[1, :, 0:1])
        hn = _layer_core(h_ref[...], ag_ref[0, :, :], ag_ref[1, :, :], bvec,
                         wl_ref[...], bl_ref[...], s_ref[...], b_ref[...])
        o_ref[...] = jnp.dot(hn, wp_ref[...],
                             preferred_element_type=jnp.float32) + bp_ref[...]

    return pl.pallas_call(
        body,
        grid=(n // bn,),
        in_specs=[
            pl.BlockSpec((bn, hid), lambda i: (i, 0)),
            pl.BlockSpec((2, bn, DH), lambda i: (0, i, 0)),
            pl.BlockSpec((2, bn, DH), lambda i: (0, i, 0)),
            pl.BlockSpec((hid, hid), lambda i: (0, 0)),
            pl.BlockSpec((1, hid), lambda i: (0, 0)),
            pl.BlockSpec((1, hid), lambda i: (0, 0)),
            pl.BlockSpec((1, hid), lambda i: (0, 0)),
            pl.BlockSpec((hid, nout), lambda i: (0, 0)),
            pl.BlockSpec((1, nout), lambda i: (0, 0)),
        ],
        out_specs=pl.BlockSpec((bn, nout), lambda i: (i, 0)),
        out_shape=jax.ShapeDtypeStruct((n, nout), jnp.float32),
    )(h, aggr, degtab, Wl_i, bl_i, lns_i, lnb_i, W_pred, b_pred)


def kernel(x, edge_index, logits, W_in, b_in, Wg, Wl, bl, ln_s, ln_b,
           W_pred, b_pred):
    n, gene = x.shape
    hid = W_in.shape[1]
    nlayers = Wg.shape[0]
    k = 64
    bn = 2000

    thresh = lax.top_k(logits, k)[0][k - 1].reshape(1, 1)
    lg2 = logits.reshape(1, gene)

    e = edge_index.shape[1]
    epw = e // NS
    epad = ((-(-epw // CH) + 1) // 2 * 2) * CH
    src3 = jnp.pad(edge_index[0].reshape(NS, epw), ((0, 0), (0, epad - epw)))
    gsrc = jnp.stack([src3, src3 + n]).reshape(-1)
    gdst = jnp.pad(edge_index[1].reshape(NS, epw), ((0, 0), (0, epad - epw)),
                   constant_values=n).reshape(-1)
    didx = jnp.pad(edge_index.reshape(2, NS, epw),
                   ((0, 0), (0, 0), (0, epad - epw)),
                   constant_values=n).reshape(-1)

    degtab = _sc_degrees(didx, n)
    h, hws = _tc_pre(x, thresh, lg2, W_in, b_in.reshape(1, hid), Wg[0],
                     degtab, bn)
    for i in range(nlayers):
        aggr = _sc_edge(hws.reshape(2 * n, DH), gsrc, gdst, n)
        if i + 1 < nlayers:
            h, hws = _tc_mid(h, aggr, degtab, Wl[i], bl[i].reshape(1, hid),
                             ln_s[i].reshape(1, hid), ln_b[i].reshape(1, hid),
                             Wg[i + 1], bn)
        else:
            out = _tc_final(h, aggr, degtab, Wl[i], bl[i].reshape(1, hid),
                            ln_s[i].reshape(1, hid), ln_b[i].reshape(1, hid),
                            W_pred, b_pred.reshape(1, -1), bn)
    return out

# --- scband reference (transcript-rebuilt; emitter-appended) ---
"""Pipeline reference for scband-gnn-fs-88596585382769 (READ-ONLY COPY).

The authoritative reference and input builder live on the scoring server;
editing this copy changes nothing except your own understanding.
"""

import jax, jax.numpy as jnp
import numpy as np

N = 10000
E = 320000
GENE = 128
HID = 256
OUT = 32
L = 3
K = 64


def setup_inputs(seed: int = 0) -> dict:
    key = jax.random.key(seed)
    ks = jax.random.split(key, 20)
    x = jax.random.normal(ks[0], (N, GENE), dtype=jnp.float32)
    edge_index = jax.random.randint(ks[1], (2, E), 0, N, dtype=jnp.int32)
    logits = jax.random.normal(ks[2], (GENE,), dtype=jnp.float32)
    W_in = jax.random.normal(ks[3], (GENE, HID), dtype=jnp.float32) / np.sqrt(GENE)
    b_in = jnp.zeros((HID,), dtype=jnp.float32)
    Wg = jax.random.normal(ks[4], (L, HID, HID), dtype=jnp.float32) / np.sqrt(HID)
    Wl = jax.random.normal(ks[5], (L, HID, HID), dtype=jnp.float32) / np.sqrt(HID)
    bl = jnp.zeros((L, HID), dtype=jnp.float32)
    ln_s = jnp.ones((L, HID), dtype=jnp.float32)
    ln_b = jnp.zeros((L, HID), dtype=jnp.float32)
    W_pred = jax.random.normal(ks[6], (HID, OUT), dtype=jnp.float32) / np.sqrt(HID)
    b_pred = jnp.zeros((OUT,), dtype=jnp.float32)
    return {"x": x, "edge_index": edge_index, "logits": logits, "W_in": W_in, "b_in": b_in,
            "Wg": Wg, "Wl": Wl, "bl": bl, "ln_s": ln_s, "ln_b": ln_b,
            "W_pred": W_pred, "b_pred": b_pred}


def reference(x, edge_index, logits, W_in, b_in, Wg, Wl, bl, ln_s, ln_b, W_pred, b_pred):
    # Eval-mode GnnFs forward: top-k feature-selection mask, pre-linear, L GCN layers
    # with linear skip, LayerNorm, ReLU, residual; final prediction head.
    src = edge_index[0]
    dst = edge_index[1]
    # feature selection (fs_method='topk', eval path: hard top-k k-hot mask)
    _, idx = jax.lax.top_k(logits, K)
    khot = jnp.zeros((GENE,), dtype=x.dtype).at[idx].set(1.0)
    xm = x * khot[None, :]
    # pre-linear
    h = xm @ W_in + b_in
    # symmetric GCN normalization
    ones_e = jnp.ones((E,), dtype=x.dtype)
    deg_dst = jax.ops.segment_sum(ones_e, dst, num_segments=N)
    deg_src = jax.ops.segment_sum(ones_e, src, num_segments=N)
    norm = jax.lax.rsqrt(jnp.maximum(deg_src[src], 1.0)) * jax.lax.rsqrt(jnp.maximum(deg_dst[dst], 1.0))
    for i in range(L):
        hw = h @ Wg[i]
        msg = hw[src] * norm[:, None]
        agg = jax.ops.segment_sum(msg, dst, num_segments=N)
        z = agg + h @ Wl[i] + bl[i]
        mu = jnp.mean(z, axis=-1, keepdims=True)
        var = jnp.var(z, axis=-1, keepdims=True)
        z = (z - mu) * jax.lax.rsqrt(var + 1e-5) * ln_s[i] + ln_b[i]
        z = jax.nn.relu(z)
        h = z + h  # residual
    return h @ W_pred + b_pred

if __name__ == "__main__":
    import jax
    _d = setup_inputs()
    print(jax.jit(kernel)(*tuple(_d.values())))

</pallas_src>

<mosaic_0001>
#map = affine_map<(d0, d1) -> (0, 0)>
#map1 = affine_map<(d0, d1) -> (0)>
#map2 = affine_map<(d0, d1) -> (0, 0, 0)>
module attributes {stable_mosaic.version = 14 : i64} {
  func.func @edge_kernel(%arg0: i32, %arg1: i32, %arg2: memref<20000x128xf32, #tpu.memory_space<hbm>>, %arg3: memref<647168xi32, #tpu.memory_space<hbm>>, %arg4: memref<323584xi32, #tpu.memory_space<hbm>>, %arg5: memref<2x10000x128xf32, #tpu.memory_space<hbm>>, %arg6: memref<128xi32, #tpu.memory_space<vmem>>, %arg7: memref<128xi32, #tpu.memory_space<vmem>>, %arg8: memref<128xi32, #tpu.memory_space<vmem>>, %arg9: memref<128xi32, #tpu.memory_space<vmem>>, %arg10: memref<128x128xf32, #tpu.memory_space<vmem>>, %arg11: memref<128x128xf32, #tpu.memory_space<vmem>>, %arg12: memref<10016x128xf32, #tpu.memory_space<vmem_shared>>, %arg13: memref<!tpu.dma_semaphore, #tpu.memory_space<semaphore_mem>>, %arg14: memref<!tpu.dma_semaphore, #tpu.memory_space<semaphore_mem>>, %arg15: memref<!tpu.dma_semaphore, #tpu.memory_space<semaphore_mem>>, %arg16: memref<!tpu.dma_semaphore, #tpu.memory_space<semaphore_mem>>) attributes {dimension_semantics = [#tpu.dimension_semantics<core_parallel>, #tpu.dimension_semantics<subcore_parallel>], iteration_bounds = array<i64: 2, 16>, scalar_prefetch = 0 : i64, scratch_operands = 11 : i64, tpu.core_type = #tpu.core_type<sc_vector_subcore>, window_params = [{transform_indices = #map}, {transform_indices = #map1}, {transform_indices = #map1}, {transform_indices = #map2}]} {
    %mul3A = arith.constant 323584 : i32
    %mul3A_0 = arith.muli %arg0, %mul3A : i32
    %mul3A_1 = arith.constant 20224 : i32
    %mul3A_2 = arith.muli %arg1, %mul3A_1 : i32
    %add3A = arith.addi %mul3A_0, %mul3A_2 : i32
    %mul3A_3 = arith.constant 20224 : i32
    %mul3A_4 = arith.muli %arg1, %mul3A_3 : i32
    %broadcast_in_dim3A = arith.constant 0.000000e+00 : f32
    %broadcast_in_dim3A_5 = vector.broadcast %broadcast_in_dim3A : f32 to vector<16xf32>
    %scan3A = arith.constant 0 : i32
    %scan3A_6 = arith.constant 0 : i32
    %scan3A_7 = arith.constant 128 : i32
    %scan3A_8 = arith.addi %scan3A_6, %scan3A_7 : i32
    %scan3A_9 = arith.constant 1 : i32
    scf.for %scan3A_39 = %scan3A_6 to %scan3A_8 step %scan3A_9  : i32 {
      %swap3A = arith.index_cast %scan3A_39 : i32 to index
      %swap3A_40 = arith.constant 0 : index
      %swap3A_41 = tpu.vector_load %arg10[%swap3A, %swap3A_40] {strides = array<i32>} : memref<128x128xf32, #tpu.memory_space<vmem>>, vector<1x16xf32>,
      %swap3A_42 = vector.shape_cast %swap3A_41 : vector<1x16xf32> to vector<16xf32>
      %swap3A_43 = vector.shape_cast %broadcast_in_dim3A_5 : vector<16xf32> to vector<1x16xf32>
      tpu.vector_store %arg10[%swap3A, %swap3A_40], %swap3A_43 {strides = array<i32>} : memref<128x128xf32, #tpu.memory_space<vmem>>, vector<1x16xf32>,
      %swap3A_44 = arith.index_cast %scan3A_39 : i32 to index
      %swap3A_45 = arith.constant 16 : index
      %swap3A_46 = tpu.vector_load %arg10[%swap3A_44, %swap3A_45] {strides = array<i32>} : memref<128x128xf32, #tpu.memory_space<vmem>>, vector<1x16xf32>,
      %swap3A_47 = vector.shape_cast %swap3A_46 : vector<1x16xf32> to vector<16xf32>
      %swap3A_48 = vector.shape_cast %broadcast_in_dim3A_5 : vector<16xf32> to vector<1x16xf32>
      tpu.vector_store %arg10[%swap3A_44, %swap3A_45], %swap3A_48 {strides = array<i32>} : memref<128x128xf32, #tpu.memory_space<vmem>>, vector<1x16xf32>,
      %swap3A_49 = arith.index_cast %scan3A_39 : i32 to index
      %swap3A_50 = arith.constant 32 : index
      %swap3A_51 = tpu.vector_load %arg10[%swap3A_49, %swap3A_50] {strides = array<i32>} : memref<128x128xf32, #tpu.memory_space<vmem>>, vector<1x16xf32>,
      %swap3A_52 = vector.shape_cast %swap3A_51 : vector<1x16xf32> to vector<16xf32>
      %swap3A_53 = vector.shape_cast %broadcast_in_dim3A_5 : vector<16xf32> to vector<1x16xf32>
      tpu.vector_store %arg10[%swap3A_49, %swap3A_50], %swap3A_53 {strides = array<i32>} : memref<128x128xf32, #tpu.memory_space<vmem>>, vector<1x16xf32>,
      %swap3A_54 = arith.index_cast %scan3A_39 : i32 to index
      %swap3A_55 = arith.constant 48 : index
      %swap3A_56 = tpu.vector_load %arg10[%swap3A_54, %swap3A_55] {strides = array<i32>} : memref<128x128xf32, #tpu.memory_space<vmem>>, vector<1x16xf32>,
      %swap3A_57 = vector.shape_cast %swap3A_56 : vector<1x16xf32> to vector<16xf32>
      %swap3A_58 = vector.shape_cast %broadcast_in_dim3A_5 : vector<16xf32> to vector<1x16xf32>
      tpu.vector_store %arg10[%swap3A_54, %swap3A_55], %swap3A_58 {strides = array<i32>} : memref<128x128xf32, #tpu.memory_space<vmem>>, vector<1x16xf32>,
      %swap3A_59 = arith.index_cast %scan3A_39 : i32 to index
      %swap3A_60 = arith.constant 64 : index
      %swap3A_61 = tpu.vector_load %arg10[%swap3A_59, %swap3A_60] {strides = array<i32>} : memref<128x128xf32, #tpu.memory_space<vmem>>, vector<1x16xf32>,
      %swap3A_62 = vector.shape_cast %swap3A_61 : vector<1x16xf32> to vector<16xf32>
      %swap3A_63 = vector.shape_cast %broadcast_in_dim3A_5 : vector<16xf32> to vector<1x16xf32>
      tpu.vector_store %arg10[%swap3A_59, %swap3A_60], %swap3A_63 {strides = array<i32>} : memref<128x128xf32, #tpu.memory_space<vmem>>, vector<1x16xf32>,
      %swap3A_64 = arith.index_cast %scan3A_39 : i32 to index
      %swap3A_65 = arith.constant 80 : index
      %swap3A_66 = tpu.vector_load %arg10[%swap3A_64, %swap3A_65] {strides = array<i32>} : memref<128x128xf32, #tpu.memory_space<vmem>>, vector<1x16xf32>,
      %swap3A_67 = vector.shape_cast %swap3A_66 : vector<1x16xf32> to vector<16xf32>
      %swap3A_68 = vector.shape_cast %broadcast_in_dim3A_5 : vector<16xf32> to vector<1x16xf32>
      tpu.vector_store %arg10[%swap3A_64, %swap3A_65], %swap3A_68 {strides = array<i32>} : memref<128x128xf32, #tpu.memory_space<vmem>>, vector<1x16xf32>,
      %swap3A_69 = arith.index_cast %scan3A_39 : i32 to index
      %swap3A_70 = arith.constant 96 : index
      %swap3A_71 = tpu.vector_load %arg10[%swap3A_69, %swap3A_70] {strides = array<i32>} : memref<128x128xf32, #tpu.memory_space<vmem>>, vector<1x16xf32>,
      %swap3A_72 = vector.shape_cast %swap3A_71 : vector<1x16xf32> to vector<16xf32>
      %swap3A_73 = vector.shape_cast %broadcast_in_dim3A_5 : vector<16xf32> to vector<1x16xf32>
      tpu.vector_store %arg10[%swap3A_69, %swap3A_70], %swap3A_73 {strides = array<i32>} : memref<128x128xf32, #tpu.memory_space<vmem>>, vector<1x16xf32>,
      %swap3A_74 = arith.index_cast %scan3A_39 : i32 to index
      %swap3A_75 = arith.constant 112 : index
      %swap3A_76 = tpu.vector_load %arg10[%swap3A_74, %swap3A_75] {strides = array<i32>} : memref<128x128xf32, #tpu.memory_space<vmem>>, vector<1x16xf32>,
      %swap3A_77 = vector.shape_cast %swap3A_76 : vector<1x16xf32> to vector<16xf32>
      %swap3A_78 = vector.shape_cast %broadcast_in_dim3A_5 : vector<16xf32> to vector<1x16xf32>
      tpu.vector_store %arg10[%swap3A_74, %swap3A_75], %swap3A_78 {strides = array<i32>} : memref<128x128xf32, #tpu.memory_space<vmem>>, vector<1x16xf32>,
    }
    %scan3A_10 = arith.constant 128 : i32
    %lt3A = arith.constant 15 : i32
    %lt3A_11 = arith.cmpi slt, %arg1, %lt3A : i32
    %convert_element_type3A = arith.extui %lt3A_11 : i1 to i32
    %cond3A = arith.constant 0 : i32
    %cond3A_12 = arith.cmpi ne, %convert_element_type3A, %cond3A : i32
    scf.if %cond3A_12 {
      %mul3A_39 = arith.constant 624 : i32
      %mul3A_40 = arith.muli %arg1, %mul3A_39 : i32
      %add3A_41 = arith.constant 0 : i32
      %add3A_42 = arith.addi %mul3A_40, %add3A_41 : i32
      "tpu.region"() ({
        %run_scoped3A = tpu.sem_alloc : memref<!tpu.dma_semaphore, #tpu.memory_space<semaphore_mem>>
        %dma_start3A = arith.constant 0 : i32
        %dma_start3A_51 = arith.constant 0 : i32
        %dma_start3A_52 = tpu.memref_slice %arg10[%dma_start3A, %dma_start3A_51] : memref<128x128xf32, #tpu.memory_space<vmem>> -> memref<128x128xf32, #tpu.memory_space<vmem>>
        %dma_start3A_53 = arith.constant 0 : i32
        %dma_start3A_54 = tpu.memref_slice %arg12[%add3A_42, %dma_start3A_53] : memref<10016x128xf32, #tpu.memory_space<vmem_shared>> -> memref<128x128xf32, #tpu.memory_space<vmem_shared>>
        %dma_start3A_55 = arith.constant 0 : i32
        %dma_start3A_56 = tpu.memref_slice %arg12[%add3A_42, %dma_start3A_55] : memref<10016x128xf32, #tpu.memory_space<vmem_shared>> -> memref<128x128xf32, #tpu.memory_space<vmem_shared>>
        %dma_start3A_57 = arith.constant 0 : i32
        %dma_start3A_58 = arith.constant 0 : i32
        %dma_start3A_59 = tpu.memref_slice %arg10[%dma_start3A_57, %dma_start3A_58] : memref<128x128xf32, #tpu.memory_space<vmem>> -> memref<128x128xf32, #tpu.memory_space<vmem>>
        tpu.enqueue_dma source(%dma_start3A_59 : memref<128x128xf32, #tpu.memory_space<vmem>>) target(%dma_start3A_56 : memref<128x128xf32, #tpu.memory_space<vmem_shared>>) target_semaphore(%run_scoped3A : memref<!tpu.dma_semaphore, #tpu.memory_space<semaphore_mem>>)
        %dma_wait3A_60 = arith.constant 0 : i32
        %dma_wait3A_61 = arith.constant 0 : i32
        %dma_wait3A_62 = tpu.memref_slice %arg10[%dma_wait3A_60, %dma_wait3A_61] : memref<128x128xf32, #tpu.memory_space<vmem>> -> memref<128x128xf32, #tpu.memory_space<vmem>>
        %dma_wait3A_63 = arith.constant 0 : i32
        %dma_wait3A_64 = tpu.memref_slice %arg12[%add3A_42, %dma_wait3A_63] : memref<10016x128xf32, #tpu.memory_space<vmem_shared>> -> memref<128x128xf32, #tpu.memory_space<vmem_shared>>
        %dma_wait3A_65 = arith.constant 0 : i32
        %dma_wait3A_66 = tpu.memref_slice %arg12[%add3A_42, %dma_wait3A_65] : memref<10016x128xf32, #tpu.memory_space<vmem_shared>> -> memref<128x128xf32, #tpu.memory_space<vmem_shared>>
        %dma_wait3A_67 = arith.constant 0 : i32
        %dma_wait3A_68 = arith.constant 0 : i32
        %dma_wait3A_69 = tpu.memref_slice %arg10[%dma_wait3A_67, %dma_wait3A_68] : memref<128x128xf32, #tpu.memory_space<vmem>> -> memref<128x128xf32, #tpu.memory_space<vmem>>
        tpu.wait_dma2 semaphore(%run_scoped3A : memref<!tpu.dma_semaphore, #tpu.memory_space<semaphore_mem>>) src(%dma_wait3A_69 : memref<128x128xf32, #tpu.memory_space<vmem>>) dst(%dma_wait3A_66 : memref<128x128xf32, #tpu.memory_space<vmem_shared>>)
        tpu.yield
      }) : () -> ()
      %add3A_43 = arith.constant 128 : i32
      %add3A_44 = arith.addi %mul3A_40, %add3A_43 : i32
      "tpu.region"() ({
        %run_scoped3A = tpu.sem_alloc : memref<!tpu.dma_semaphore, #tpu.memory_space<semaphore_mem>>
        %dma_start3A = arith.constant 0 : i32
        %dma_start3A_51 = arith.constant 0 : i32
        %dma_start3A_52 = tpu.memref_slice %arg10[%dma_start3A, %dma_start3A_51] : memref<128x128xf32, #tpu.memory_space<vmem>> -> memref<128x128xf32, #tpu.memory_space<vmem>>
        %dma_start3A_53 = arith.constant 0 : i32
        %dma_start3A_54 = tpu.memref_slice %arg12[%add3A_44, %dma_start3A_53] : memref<10016x128xf32, #tpu.memory_space<vmem_shared>> -> memref<128x128xf32, #tpu.memory_space<vmem_shared>>
        %dma_start3A_55 = arith.constant 0 : i32
        %dma_start3A_56 = tpu.memref_slice %arg12[%add3A_44, %dma_start3A_55] : memref<10016x128xf32, #tpu.memory_space<vmem_shared>> -> memref<128x128xf32, #tpu.memory_space<vmem_shared>>
        %dma_start3A_57 = arith.constant 0 : i32
        %dma_start3A_58 = arith.constant 0 : i32
        %dma_start3A_59 = tpu.memref_slice %arg10[%dma_start3A_57, %dma_start3A_58] : memref<128x128xf32, #tpu.memory_space<vmem>> -> memref<128x128xf32, #tpu.memory_space<vmem>>
        tpu.enqueue_dma source(%dma_start3A_59 : memref<128x128xf32, #tpu.memory_space<vmem>>) target(%dma_start3A_56 : memref<128x128xf32, #tpu.memory_space<vmem_shared>>) target_semaphore(%run_scoped3A : memref<!tpu.dma_semaphore, #tpu.memory_space<semaphore_mem>>)
        %dma_wait3A_60 = arith.constant 0 : i32
        %dma_wait3A_61 = arith.constant 0 : i32
        %dma_wait3A_62 = tpu.memref_slice %arg10[%dma_wait3A_60, %dma_wait3A_61] : memref<128x128xf32, #tpu.memory_space<vmem>> -> memref<128x128xf32, #tpu.memory_space<vmem>>
        %dma_wait3A_63 = arith.constant 0 : i32
        %dma_wait3A_64 = tpu.memref_slice %arg12[%add3A_44, %dma_wait3A_63] : memref<10016x128xf32, #tpu.memory_space<vmem_shared>> -> memref<128x128xf32, #tpu.memory_space<vmem_shared>>
        %dma_wait3A_65 = arith.constant 0 : i32
        %dma_wait3A_66 = tpu.memref_slice %arg12[%add3A_44, %dma_wait3A_65] : memref<10016x128xf32, #tpu.memory_space<vmem_shared>> -> memref<128x128xf32, #tpu.memory_space<vmem_shared>>
        %dma_wait3A_67 = arith.constant 0 : i32
        %dma_wait3A_68 = arith.constant 0 : i32
        %dma_wait3A_69 = tpu.memref_slice %arg10[%dma_wait3A_67, %dma_wait3A_68] : memref<128x128xf32, #tpu.memory_space<vmem>> -> memref<128x128xf32, #tpu.memory_space<vmem>>
        tpu.wait_dma2 semaphore(%run_scoped3A : memref<!tpu.dma_semaphore, #tpu.memory_space<semaphore_mem>>) src(%dma_wait3A_69 : memref<128x128xf32, #tpu.memory_space<vmem>>) dst(%dma_wait3A_66 : memref<128x128xf32, #tpu.memory_space<vmem_shared>>)
        tpu.yield
      }) : () -> ()
      %add3A_45 = arith.constant 256 : i32
      %add3A_46 = arith.addi %mul3A_40, %add3A_45 : i32
      "tpu.region"() ({
        %run_scoped3A = tpu.sem_alloc : memref<!tpu.dma_semaphore, #tpu.memory_space<semaphore_mem>>
        %dma_start3A = arith.constant 0 : i32
        %dma_start3A_51 = arith.constant 0 : i32
        %dma_start3A_52 = tpu.memref_slice %arg10[%dma_start3A, %dma_start3A_51] : memref<128x128xf32, #tpu.memory_space<vmem>> -> memref<128x128xf32, #tpu.memory_space<vmem>>
        %dma_start3A_53 = arith.constant 0 : i32
        %dma_start3A_54 = tpu.memref_slice %arg12[%add3A_46, %dma_start3A_53] : memref<10016x128xf32, #tpu.memory_space<vmem_shared>> -> memref<128x128xf32, #tpu.memory_space<vmem_shared>>
        %dma_start3A_55 = arith.constant 0 : i32
        %dma_start3A_56 = tpu.memref_slice %arg12[%add3A_46, %dma_start3A_55] : memref<10016x128xf32, #tpu.memory_space<vmem_shared>> -> memref<128x128xf32, #tpu.memory_space<vmem_shared>>
        %dma_start3A_57 = arith.constant 0 : i32
        %dma_start3A_58 = arith.constant 0 : i32
        %dma_start3A_59 = tpu.memref_slice %arg10[%dma_start3A_57, %dma_start3A_58] : memref<128x128xf32, #tpu.memory_space<vmem>> -> memref<128x128xf32, #tpu.memory_space<vmem>>
        tpu.enqueue_dma source(%dma_start3A_59 : memref<128x128xf32, #tpu.memory_space<vmem>>) target(%dma_start3A_56 : memref<128x128xf32, #tpu.memory_space<vmem_shared>>) target_semaphore(%run_scoped3A : memref<!tpu.dma_semaphore, #tpu.memory_space<semaphore_mem>>)
        %dma_wait3A_60 = arith.constant 0 : i32
        %dma_wait3A_61 = arith.constant 0 : i32
        %dma_wait3A_62 = tpu.memref_slice %arg10[%dma_wait3A_60, %dma_wait3A_61] : memref<128x128xf32, #tpu.memory_space<vmem>> -> memref<128x128xf32, #tpu.memory_space<vmem>>
        %dma_wait3A_63 = arith.constant 0 : i32
        %dma_wait3A_64 = tpu.memref_slice %arg12[%add3A_46, %dma_wait3A_63] : memref<10016x128xf32, #tpu.memory_space<vmem_shared>> -> memref<128x128xf32, #tpu.memory_space<vmem_shared>>
        %dma_wait3A_65 = arith.constant 0 : i32
        %dma_wait3A_66 = tpu.memref_slice %arg12[%add3A_46, %dma_wait3A_65] : memref<10016x128xf32, #tpu.memory_space<vmem_shared>> -> memref<128x128xf32, #tpu.memory_space<vmem_shared>>
        %dma_wait3A_67 = arith.constant 0 : i32
        %dma_wait3A_68 = arith.constant 0 : i32
        %dma_wait3A_69 = tpu.memref_slice %arg10[%dma_wait3A_67, %dma_wait3A_68] : memref<128x128xf32, #tpu.memory_space<vmem>> -> memref<128x128xf32, #tpu.memory_space<vmem>>
        tpu.wait_dma2 semaphore(%run_scoped3A : memref<!tpu.dma_semaphore, #tpu.memory_space<semaphore_mem>>) src(%dma_wait3A_69 : memref<128x128xf32, #tpu.memory_space<vmem>>) dst(%dma_wait3A_66 : memref<128x128xf32, #tpu.memory_space<vmem_shared>>)
        tpu.yield
      }) : () -> ()
      %add3A_47 = arith.constant 384 : i32
      %add3A_48 = arith.addi %mul3A_40, %add3A_47 : i32
      "tpu.region"() ({
        %run_scoped3A = tpu.sem_alloc : memref<!tpu.dma_semaphore, #tpu.memory_space<semaphore_mem>>
        %dma_start3A = arith.constant 0 : i32
        %dma_start3A_51 = arith.constant 0 : i32
        %dma_start3A_52 = tpu.memref_slice %arg10[%dma_start3A, %dma_start3A_51] : memref<128x128xf32, #tpu.memory_space<vmem>> -> memref<128x128xf32, #tpu.memory_space<vmem>>
        %dma_start3A_53 = arith.constant 0 : i32
        %dma_start3A_54 = tpu.memref_slice %arg12[%add3A_48, %dma_start3A_53] : memref<10016x128xf32, #tpu.memory_space<vmem_shared>> -> memref<128x128xf32, #tpu.memory_space<vmem_shared>>
        %dma_start3A_55 = arith.constant 0 : i32
        %dma_start3A_56 = tpu.memref_slice %arg12[%add3A_48, %dma_start3A_55] : memref<10016x128xf32, #tpu.memory_space<vmem_shared>> -> memref<128x128xf32, #tpu.memory_space<vmem_shared>>
        %dma_start3A_57 = arith.constant 0 : i32
        %dma_start3A_58 = arith.constant 0 : i32
        %dma_start3A_59 = tpu.memref_slice %arg10[%dma_start3A_57, %dma_start3A_58] : memref<128x128xf32, #tpu.memory_space<vmem>> -> memref<128x128xf32, #tpu.memory_space<vmem>>
        tpu.enqueue_dma source(%dma_start3A_59 : memref<128x128xf32, #tpu.memory_space<vmem>>) target(%dma_start3A_56 : memref<128x128xf32, #tpu.memory_space<vmem_shared>>) target_semaphore(%run_scoped3A : memref<!tpu.dma_semaphore, #tpu.memory_space<semaphore_mem>>)
        %dma_wait3A_60 = arith.constant 0 : i32
        %dma_wait3A_61 = arith.constant 0 : i32
        %dma_wait3A_62 = tpu.memref_slice %arg10[%dma_wait3A_60, %dma_wait3A_61] : memref<128x128xf32, #tpu.memory_space<vmem>> -> memref<128x128xf32, #tpu.memory_space<vmem>>
        %dma_wait3A_63 = arith.constant 0 : i32
        %dma_wait3A_64 = tpu.memref_slice %arg12[%add3A_48, %dma_wait3A_63] : memref<10016x128xf32, #tpu.memory_space<vmem_shared>> -> memref<128x128xf32, #tpu.memory_space<vmem_shared>>
        %dma_wait3A_65 = arith.constant 0 : i32
        %dma_wait3A_66 = tpu.memref_slice %arg12[%add3A_48, %dma_wait3A_65] : memref<10016x128xf32, #tpu.memory_space<vmem_shared>> -> memref<128x128xf32, #tpu.memory_space<vmem_shared>>
        %dma_wait3A_67 = arith.constant 0 : i32
        %dma_wait3A_68 = arith.constant 0 : i32
        %dma_wait3A_69 = tpu.memref_slice %arg10[%dma_wait3A_67, %dma_wait3A_68] : memref<128x128xf32, #tpu.memory_space<vmem>> -> memref<128x128xf32, #tpu.memory_space<vmem>>
        tpu.wait_dma2 semaphore(%run_scoped3A : memref<!tpu.dma_semaphore, #tpu.memory_space<semaphore_mem>>) src(%dma_wait3A_69 : memref<128x128xf32, #tpu.memory_space<vmem>>) dst(%dma_wait3A_66 : memref<128x128xf32, #tpu.memory_space<vmem_shared>>)
        tpu.yield
      }) : () -> ()
      %add3A_49 = arith.constant 512 : i32
      %add3A_50 = arith.addi %mul3A_40, %add3A_49 : i32
      "tpu.region"() ({
        %run_scoped3A = tpu.sem_alloc : memref<!tpu.dma_semaphore, #tpu.memory_space<semaphore_mem>>
        %dma_start3A = arith.constant 0 : i32
        %dma_start3A_51 = arith.constant 0 : i32
        %dma_start3A_52 = tpu.memref_slice %arg10[%dma_start3A, %dma_start3A_51] : memref<128x128xf32, #tpu.memory_space<vmem>> -> memref<112x128xf32, #tpu.memory_space<vmem>>
        %dma_start3A_53 = arith.constant 0 : i32
        %dma_start3A_54 = tpu.memref_slice %arg12[%add3A_50, %dma_start3A_53] : memref<10016x128xf32, #tpu.memory_space<vmem_shared>> -> memref<112x128xf32, #tpu.memory_space<vmem_shared>>
        %dma_start3A_55 = arith.constant 0 : i32
        %dma_start3A_56 = tpu.memref_slice %arg12[%add3A_50, %dma_start3A_55] : memref<10016x128xf32, #tpu.memory_space<vmem_shared>> -> memref<112x128xf32, #tpu.memory_space<vmem_shared>>
        %dma_start3A_57 = arith.constant 0 : i32
        %dma_start3A_58 = arith.constant 0 : i32
        %dma_start3A_59 = tpu.memref_slice %arg10[%dma_start3A_57, %dma_start3A_58] : memref<128x128xf32, #tpu.memory_space<vmem>> -> memref<112x128xf32, #tpu.memory_space<vmem>>
        tpu.enqueue_dma source(%dma_start3A_59 : memref<112x128xf32, #tpu.memory_space<vmem>>) target(%dma_start3A_56 : memref<112x128xf32, #tpu.memory_space<vmem_shared>>) target_semaphore(%run_scoped3A : memref<!tpu.dma_semaphore, #tpu.memory_space<semaphore_mem>>)
        %dma_wait3A_60 = arith.constant 0 : i32
        %dma_wait3A_61 = arith.constant 0 : i32
        %dma_wait3A_62 = tpu.memref_slice %arg10[%dma_wait3A_60, %dma_wait3A_61] : memref<128x128xf32, #tpu.memory_space<vmem>> -> memref<112x128xf32, #tpu.memory_space<vmem>>
        %dma_wait3A_63 = arith.constant 0 : i32
        %dma_wait3A_64 = tpu.memref_slice %arg12[%add3A_50, %dma_wait3A_63] : memref<10016x128xf32, #tpu.memory_space<vmem_shared>> -> memref<112x128xf32, #tpu.memory_space<vmem_shared>>
        %dma_wait3A_65 = arith.constant 0 : i32
        %dma_wait3A_66 = tpu.memref_slice %arg12[%add3A_50, %dma_wait3A_65] : memref<10016x128xf32, #tpu.memory_space<vmem_shared>> -> memref<112x128xf32, #tpu.memory_space<vmem_shared>>
        %dma_wait3A_67 = arith.constant 0 : i32
        %dma_wait3A_68 = arith.constant 0 : i32
        %dma_wait3A_69 = tpu.memref_slice %arg10[%dma_wait3A_67, %dma_wait3A_68] : memref<128x128xf32, #tpu.memory_space<vmem>> -> memref<112x128xf32, #tpu.memory_space<vmem>>
        tpu.wait_dma2 semaphore(%run_scoped3A : memref<!tpu.dma_semaphore, #tpu.memory_space<semaphore_mem>>) src(%dma_wait3A_69 : memref<112x128xf32, #tpu.memory_space<vmem>>) dst(%dma_wait3A_66 : memref<112x128xf32, #tpu.memory_space<vmem_shared>>)
        tpu.yield
      }) : () -> ()
    } else {
    }
    %eq3A = arith.constant 15 : i32
    %eq3A_13 = arith.cmpi eq, %arg1, %eq3A : i32
    %convert_element_type3A_14 = arith.extui %eq3A_13 : i1 to i32
    %cond3A_15 = arith.constant 0 : i32
    %cond3A_16 = arith.cmpi ne, %convert_element_type3A_14, %cond3A_15 : i32
    scf.if %cond3A_16 {
      "tpu.region"() ({
        %run_scoped3A = tpu.sem_alloc : memref<!tpu.dma_semaphore, #tpu.memory_space<semaphore_mem>>
        %dma_start3A = arith.constant 0 : i32
        %dma_start3A_39 = arith.constant 0 : i32
        %dma_start3A_40 = tpu.memref_slice %arg10[%dma_start3A, %dma_start3A_39] : memref<128x128xf32, #tpu.memory_space<vmem>> -> memref<128x128xf32, #tpu.memory_space<vmem>>
        %dma_start3A_41 = arith.constant 9360 : i32
        %dma_start3A_42 = arith.constant 0 : i32
        %dma_start3A_43 = tpu.memref_slice %arg12[%dma_start3A_41, %dma_start3A_42] : memref<10016x128xf32, #tpu.memory_space<vmem_shared>> -> memref<128x128xf32, #tpu.memory_space<vmem_shared>>
        %dma_start3A_44 = arith.constant 9360 : i32
        %dma_start3A_45 = arith.constant 0 : i32
        %dma_start3A_46 = tpu.memref_slice %arg12[%dma_start3A_44, %dma_start3A_45] : memref<10016x128xf32, #tpu.memory_space<vmem_shared>> -> memref<128x128xf32, #tpu.memory_space<vmem_shared>>
        %dma_start3A_47 = arith.constant 0 : i32
        %dma_start3A_48 = arith.constant 0 : i32
        %dma_start3A_49 = tpu.memref_slice %arg10[%dma_start3A_47, %dma_start3A_48] : memref<128x128xf32, #tpu.memory_space<vmem>> -> memref<128x128xf32, #tpu.memory_space<vmem>>
        tpu.enqueue_dma source(%dma_start3A_49 : memref<128x128xf32, #tpu.memory_space<vmem>>) target(%dma_start3A_46 : memref<128x128xf32, #tpu.memory_space<vmem_shared>>) target_semaphore(%run_scoped3A : memref<!tpu.dma_semaphore, #tpu.memory_space<semaphore_mem>>)
        %dma_wait3A_50 = arith.constant 0 : i32
        %dma_wait3A_51 = arith.constant 0 : i32
        %dma_wait3A_52 = tpu.memref_slice %arg10[%dma_wait3A_50, %dma_wait3A_51] : memref<128x128xf32, #tpu.memory_space<vmem>> -> memref<128x128xf32, #tpu.memory_space<vmem>>
        %dma_wait3A_53 = arith.constant 9360 : i32
        %dma_wait3A_54 = arith.constant 0 : i32
        %dma_wait3A_55 = tpu.memref_slice %arg12[%dma_wait3A_53, %dma_wait3A_54] : memref<10016x128xf32, #tpu.memory_space<vmem_shared>> -> memref<128x128xf32, #tpu.memory_space<vmem_shared>>
        %dma_wait3A_56 = arith.constant 9360 : i32
        %dma_wait3A_57 = arith.constant 0 : i32
        %dma_wait3A_58 = tpu.memref_slice %arg12[%dma_wait3A_56, %dma_wait3A_57] : memref<10016x128xf32, #tpu.memory_space<vmem_shared>> -> memref<128x128xf32, #tpu.memory_space<vmem_shared>>
        %dma_wait3A_59 = arith.constant 0 : i32
        %dma_wait3A_60 = arith.constant 0 : i32
        %dma_wait3A_61 = tpu.memref_slice %arg10[%dma_wait3A_59, %dma_wait3A_60] : memref<128x128xf32, #tpu.memory_space<vmem>> -> memref<128x128xf32, #tpu.memory_space<vmem>>
        tpu.wait_dma2 semaphore(%run_scoped3A : memref<!tpu.dma_semaphore, #tpu.memory_space<semaphore_mem>>) src(%dma_wait3A_61 : memref<128x128xf32, #tpu.memory_space<vmem>>) dst(%dma_wait3A_58 : memref<128x128xf32, #tpu.memory_space<vmem_shared>>)
        tpu.yield
      }) : () -> ()
      "tpu.region"() ({
        %run_scoped3A = tpu.sem_alloc : memref<!tpu.dma_semaphore, #tpu.memory_space<semaphore_mem>>
        %dma_start3A = arith.constant 0 : i32
        %dma_start3A_39 = arith.constant 0 : i32
        %dma_start3A_40 = tpu.memref_slice %arg10[%dma_start3A, %dma_start3A_39] : memref<128x128xf32, #tpu.memory_space<vmem>> -> memref<128x128xf32, #tpu.memory_space<vmem>>
        %dma_start3A_41 = arith.constant 9488 : i32
        %dma_start3A_42 = arith.constant 0 : i32
        %dma_start3A_43 = tpu.memref_slice %arg12[%dma_start3A_41, %dma_start3A_42] : memref<10016x128xf32, #tpu.memory_space<vmem_shared>> -> memref<128x128xf32, #tpu.memory_space<vmem_shared>>
        %dma_start3A_44 = arith.constant 9488 : i32
        %dma_start3A_45 = arith.constant 0 : i32
        %dma_start3A_46 = tpu.memref_slice %arg12[%dma_start3A_44, %dma_start3A_45] : memref<10016x128xf32, #tpu.memory_space<vmem_shared>> -> memref<128x128xf32, #tpu.memory_space<vmem_shared>>
        %dma_start3A_47 = arith.constant 0 : i32
        %dma_start3A_48 = arith.constant 0 : i32
        %dma_start3A_49 = tpu.memref_slice %arg10[%dma_start3A_47, %dma_start3A_48] : memref<128x128xf32, #tpu.memory_space<vmem>> -> memref<128x128xf32, #tpu.memory_space<vmem>>
        tpu.enqueue_dma source(%dma_start3A_49 : memref<128x128xf32, #tpu.memory_space<vmem>>) target(%dma_start3A_46 : memref<128x128xf32, #tpu.memory_space<vmem_shared>>) target_semaphore(%run_scoped3A : memref<!tpu.dma_semaphore, #tpu.memory_space<semaphore_mem>>)
        %dma_wait3A_50 = arith.constant 0 : i32
        %dma_wait3A_51 = arith.constant 0 : i32
        %dma_wait3A_52 = tpu.memref_slice %arg10[%dma_wait3A_50, %dma_wait3A_51] : memref<128x128xf32, #tpu.memory_space<vmem>> -> memref<128x128xf32, #tpu.memory_space<vmem>>
        %dma_wait3A_53 = arith.constant 9488 : i32
        %dma_wait3A_54 = arith.constant 0 : i32
        %dma_wait3A_55 = tpu.memref_slice %arg12[%dma_wait3A_53, %dma_wait3A_54] : memref<10016x128xf32, #tpu.memory_space<vmem_shared>> -> memref<128x128xf32, #tpu.memory_space<vmem_shared>>
        %dma_wait3A_56 = arith.constant 9488 : i32
        %dma_wait3A_57 = arith.constant 0 : i32
        %dma_wait3A_58 = tpu.memref_slice %arg12[%dma_wait3A_56, %dma_wait3A_57] : memref<10016x128xf32, #tpu.memory_space<vmem_shared>> -> memref<128x128xf32, #tpu.memory_space<vmem_shared>>
        %dma_wait3A_59 = arith.constant 0 : i32
        %dma_wait3A_60 = arith.constant 0 : i32
        %dma_wait3A_61 = tpu.memref_slice %arg10[%dma_wait3A_59, %dma_wait3A_60] : memref<128x128xf32, #tpu.memory_space<vmem>> -> memref<128x128xf32, #tpu.memory_space<vmem>>
        tpu.wait_dma2 semaphore(%run_scoped3A : memref<!tpu.dma_semaphore, #tpu.memory_space<semaphore_mem>>) src(%dma_wait3A_61 : memref<128x128xf32, #tpu.memory_space<vmem>>) dst(%dma_wait3A_58 : memref<128x128xf32, #tpu.memory_space<vmem_shared>>)
        tpu.yield
      }) : () -> ()
      "tpu.region"() ({
        %run_scoped3A = tpu.sem_alloc : memref<!tpu.dma_semaphore, #tpu.memory_space<semaphore_mem>>
        %dma_start3A = arith.constant 0 : i32
        %dma_start3A_39 = arith.constant 0 : i32
        %dma_start3A_40 = tpu.memref_slice %arg10[%dma_start3A, %dma_start3A_39] : memref<128x128xf32, #tpu.memory_space<vmem>> -> memref<128x128xf32, #tpu.memory_space<vmem>>
        %dma_start3A_41 = arith.constant 9616 : i32
        %dma_start3A_42 = arith.constant 0 : i32
        %dma_start3A_43 = tpu.memref_slice %arg12[%dma_start3A_41, %dma_start3A_42] : memref<10016x128xf32, #tpu.memory_space<vmem_shared>> -> memref<128x128xf32, #tpu.memory_space<vmem_shared>>
        %dma_start3A_44 = arith.constant 9616 : i32
        %dma_start3A_45 = arith.constant 0 : i32
        %dma_start3A_46 = tpu.memref_slice %arg12[%dma_start3A_44, %dma_start3A_45] : memref<10016x128xf32, #tpu.memory_space<vmem_shared>> -> memref<128x128xf32, #tpu.memory_space<vmem_shared>>
        %dma_start3A_47 = arith.constant 0 : i32
        %dma_start3A_48 = arith.constant 0 : i32
        %dma_start3A_49 = tpu.memref_slice %arg10[%dma_start3A_47, %dma_start3A_48] : memref<128x128xf32, #tpu.memory_space<vmem>> -> memref<128x128xf32, #tpu.memory_space<vmem>>
        tpu.enqueue_dma source(%dma_start3A_49 : memref<128x128xf32, #tpu.memory_space<vmem>>) target(%dma_start3A_46 : memref<128x128xf32, #tpu.memory_space<vmem_shared>>) target_semaphore(%run_scoped3A : memref<!tpu.dma_semaphore, #tpu.memory_space<semaphore_mem>>)
        %dma_wait3A_50 = arith.constant 0 : i32
        %dma_wait3A_51 = arith.constant 0 : i32
        %dma_wait3A_52 = tpu.memref_slice %arg10[%dma_wait3A_50, %dma_wait3A_51] : memref<128x128xf32, #tpu.memory_space<vmem>> -> memref<128x128xf32, #tpu.memory_space<vmem>>
        %dma_wait3A_53 = arith.constant 9616 : i32
        %dma_wait3A_54 = arith.constant 0 : i32
        %dma_wait3A_55 = tpu.memref_slice %arg12[%dma_wait3A_53, %dma_wait3A_54] : memref<10016x128xf32, #tpu.memory_space<vmem_shared>> -> memref<128x128xf32, #tpu.memory_space<vmem_shared>>
        %dma_wait3A_56 = arith.constant 9616 : i32
        %dma_wait3A_57 = arith.constant 0 : i32
        %dma_wait3A_58 = tpu.memref_slice %arg12[%dma_wait3A_56, %dma_wait3A_57] : memref<10016x128xf32, #tpu.memory_space<vmem_shared>> -> memref<128x128xf32, #tpu.memory_space<vmem_shared>>
        %dma_wait3A_59 = arith.constant 0 : i32
        %dma_wait3A_60 = arith.constant 0 : i32
        %dma_wait3A_61 = tpu.memref_slice %arg10[%dma_wait3A_59, %dma_wait3A_60] : memref<128x128xf32, #tpu.memory_space<vmem>> -> memref<128x128xf32, #tpu.memory_space<vmem>>
        tpu.wait_dma2 semaphore(%run_scoped3A : memref<!tpu.dma_semaphore, #tpu.memory_space<semaphore_mem>>) src(%dma_wait3A_61 : memref<128x128xf32, #tpu.memory_space<vmem>>) dst(%dma_wait3A_58 : memref<128x128xf32, #tpu.memory_space<vmem_shared>>)
        tpu.yield
      }) : () -> ()
      "tpu.region"() ({
        %run_scoped3A = tpu.sem_alloc : memref<!tpu.dma_semaphore, #tpu.memory_space<semaphore_mem>>
        %dma_start3A = arith.constant 0 : i32
        %dma_start3A_39 = arith.constant 0 : i32
        %dma_start3A_40 = tpu.memref_slice %arg10[%dma_start3A, %dma_start3A_39] : memref<128x128xf32, #tpu.memory_space<vmem>> -> memref<128x128xf32, #tpu.memory_space<vmem>>
        %dma_start3A_41 = arith.constant 9744 : i32
        %dma_start3A_42 = arith.constant 0 : i32
        %dma_start3A_43 = tpu.memref_slice %arg12[%dma_start3A_41, %dma_start3A_42] : memref<10016x128xf32, #tpu.memory_space<vmem_shared>> -> memref<128x128xf32, #tpu.memory_space<vmem_shared>>
        %dma_start3A_44 = arith.constant 9744 : i32
        %dma_start3A_45 = arith.constant 0 : i32
        %dma_start3A_46 = tpu.memref_slice %arg12[%dma_start3A_44, %dma_start3A_45] : memref<10016x128xf32, #tpu.memory_space<vmem_shared>> -> memref<128x128xf32, #tpu.memory_space<vmem_shared>>
        %dma_start3A_47 = arith.constant 0 : i32
        %dma_start3A_48 = arith.constant 0 : i32
        %dma_start3A_49 = tpu.memref_slice %arg10[%dma_start3A_47, %dma_start3A_48] : memref<128x128xf32, #tpu.memory_space<vmem>> -> memref<128x128xf32, #tpu.memory_space<vmem>>
        tpu.enqueue_dma source(%dma_start3A_49 : memref<128x128xf32, #tpu.memory_space<vmem>>) target(%dma_start3A_46 : memref<128x128xf32, #tpu.memory_space<vmem_shared>>) target_semaphore(%run_scoped3A : memref<!tpu.dma_semaphore, #tpu.memory_space<semaphore_mem>>)
        %dma_wait3A_50 = arith.constant 0 : i32
        %dma_wait3A_51 = arith.constant 0 : i32
        %dma_wait3A_52 = tpu.memref_slice %arg10[%dma_wait3A_50, %dma_wait3A_51] : memref<128x128xf32, #tpu.memory_space<vmem>> -> memref<128x128xf32, #tpu.memory_space<vmem>>
        %dma_wait3A_53 = arith.constant 9744 : i32
        %dma_wait3A_54 = arith.constant 0 : i32
        %dma_wait3A_55 = tpu.memref_slice %arg12[%dma_wait3A_53, %dma_wait3A_54] : memref<10016x128xf32, #tpu.memory_space<vmem_shared>> -> memref<128x128xf32, #tpu.memory_space<vmem_shared>>
        %dma_wait3A_56 = arith.constant 9744 : i32
        %dma_wait3A_57 = arith.constant 0 : i32
        %dma_wait3A_58 = tpu.memref_slice %arg12[%dma_wait3A_56, %dma_wait3A_57] : memref<10016x128xf32, #tpu.memory_space<vmem_shared>> -> memref<128x128xf32, #tpu.memory_space<vmem_shared>>
        %dma_wait3A_59 = arith.constant 0 : i32
        %dma_wait3A_60 = arith.constant 0 : i32
        %dma_wait3A_61 = tpu.memref_slice %arg10[%dma_wait3A_59, %dma_wait3A_60] : memref<128x128xf32, #tpu.memory_space<vmem>> -> memref<128x128xf32, #tpu.memory_space<vmem>>
        tpu.wait_dma2 semaphore(%run_scoped3A : memref<!tpu.dma_semaphore, #tpu.memory_space<semaphore_mem>>) src(%dma_wait3A_61 : memref<128x128xf32, #tpu.memory_space<vmem>>) dst(%dma_wait3A_58 : memref<128x128xf32, #tpu.memory_space<vmem_shared>>)
        tpu.yield
      }) : () -> ()
      "tpu.region"() ({
        %run_scoped3A = tpu.sem_alloc : memref<!tpu.dma_semaphore, #tpu.memory_space<semaphore_mem>>
        %dma_start3A = arith.constant 0 : i32
        %dma_start3A_39 = arith.constant 0 : i32
        %dma_start3A_40 = tpu.memref_slice %arg10[%dma_start3A, %dma_start3A_39] : memref<128x128xf32, #tpu.memory_space<vmem>> -> memref<128x128xf32, #tpu.memory_space<vmem>>
        %dma_start3A_41 = arith.constant 9872 : i32
        %dma_start3A_42 = arith.constant 0 : i32
        %dma_start3A_43 = tpu.memref_slice %arg12[%dma_start3A_41, %dma_start3A_42] : memref<10016x128xf32, #tpu.memory_space<vmem_shared>> -> memref<128x128xf32, #tpu.memory_space<vmem_shared>>
        %dma_start3A_44 = arith.constant 9872 : i32
        %dma_start3A_45 = arith.constant 0 : i32
        %dma_start3A_46 = tpu.memref_slice %arg12[%dma_start3A_44, %dma_start3A_45] : memref<10016x128xf32, #tpu.memory_space<vmem_shared>> -> memref<128x128xf32, #tpu.memory_space<vmem_shared>>
        %dma_start3A_47 = arith.constant 0 : i32
        %dma_start3A_48 = arith.constant 0 : i32
        %dma_start3A_49 = tpu.memref_slice %arg10[%dma_start3A_47, %dma_start3A_48] : memref<128x128xf32, #tpu.memory_space<vmem>> -> memref<128x128xf32, #tpu.memory_space<vmem>>
        tpu.enqueue_dma source(%dma_start3A_49 : memref<128x128xf32, #tpu.memory_space<vmem>>) target(%dma_start3A_46 : memref<128x128xf32, #tpu.memory_space<vmem_shared>>) target_semaphore(%run_scoped3A : memref<!tpu.dma_semaphore, #tpu.memory_space<semaphore_mem>>)
        %dma_wait3A_50 = arith.constant 0 : i32
        %dma_wait3A_51 = arith.constant 0 : i32
        %dma_wait3A_52 = tpu.memref_slice %arg10[%dma_wait3A_50, %dma_wait3A_51] : memref<128x128xf32, #tpu.memory_space<vmem>> -> memref<128x128xf32, #tpu.memory_space<vmem>>
        %dma_wait3A_53 = arith.constant 9872 : i32
        %dma_wait3A_54 = arith.constant 0 : i32
        %dma_wait3A_55 = tpu.memref_slice %arg12[%dma_wait3A_53, %dma_wait3A_54] : memref<10016x128xf32, #tpu.memory_space<vmem_shared>> -> memref<128x128xf32, #tpu.memory_space<vmem_shared>>
        %dma_wait3A_56 = arith.constant 9872 : i32
        %dma_wait3A_57 = arith.constant 0 : i32
        %dma_wait3A_58 = tpu.memref_slice %arg12[%dma_wait3A_56, %dma_wait3A_57] : memref<10016x128xf32, #tpu.memory_space<vmem_shared>> -> memref<128x128xf32, #tpu.memory_space<vmem_shared>>
        %dma_wait3A_59 = arith.constant 0 : i32
        %dma_wait3A_60 = arith.constant 0 : i32
        %dma_wait3A_61 = tpu.memref_slice %arg10[%dma_wait3A_59, %dma_wait3A_60] : memref<128x128xf32, #tpu.memory_space<vmem>> -> memref<128x128xf32, #tpu.memory_space<vmem>>
        tpu.wait_dma2 semaphore(%run_scoped3A : memref<!tpu.dma_semaphore, #tpu.memory_space<semaphore_mem>>) src(%dma_wait3A_61 : memref<128x128xf32, #tpu.memory_space<vmem>>) dst(%dma_wait3A_58 : memref<128x128xf32, #tpu.memory_space<vmem_shared>>)
        tpu.yield
      }) : () -> ()
      "tpu.region"() ({
        %run_scoped3A = tpu.sem_alloc : memref<!tpu.dma_semaphore, #tpu.memory_space<semaphore_mem>>
        %dma_start3A = arith.constant 0 : i32
        %dma_start3A_39 = arith.constant 0 : i32
        %dma_start3A_40 = tpu.memref_slice %arg10[%dma_start3A, %dma_start3A_39] : memref<128x128xf32, #tpu.memory_space<vmem>> -> memref<16x128xf32, #tpu.memory_space<vmem>>
        %dma_start3A_41 = arith.constant 10000 : i32
        %dma_start3A_42 = arith.constant 0 : i32
        %dma_start3A_43 = tpu.memref_slice %arg12[%dma_start3A_41, %dma_start3A_42] : memref<10016x128xf32, #tpu.memory_space<vmem_shared>> -> memref<16x128xf32, #tpu.memory_space<vmem_shared>>
        %dma_start3A_44 = arith.constant 10000 : i32
        %dma_start3A_45 = arith.constant 0 : i32
        %dma_start3A_46 = tpu.memref_slice %arg12[%dma_start3A_44, %dma_start3A_45] : memref<10016x128xf32, #tpu.memory_space<vmem_shared>> -> memref<16x128xf32, #tpu.memory_space<vmem_shared>>
        %dma_start3A_47 = arith.constant 0 : i32
        %dma_start3A_48 = arith.constant 0 : i32
        %dma_start3A_49 = tpu.memref_slice %arg10[%dma_start3A_47, %dma_start3A_48] : memref<128x128xf32, #tpu.memory_space<vmem>> -> memref<16x128xf32, #tpu.memory_space<vmem>>
        tpu.enqueue_dma source(%dma_start3A_49 : memref<16x128xf32, #tpu.memory_space<vmem>>) target(%dma_start3A_46 : memref<16x128xf32, #tpu.memory_space<vmem_shared>>) target_semaphore(%run_scoped3A : memref<!tpu.dma_semaphore, #tpu.memory_space<semaphore_mem>>)
        %dma_wait3A_50 = arith.constant 0 : i32
        %dma_wait3A_51 = arith.constant 0 : i32
        %dma_wait3A_52 = tpu.memref_slice %arg10[%dma_wait3A_50, %dma_wait3A_51] : memref<128x128xf32, #tpu.memory_space<vmem>> -> memref<16x128xf32, #tpu.memory_space<vmem>>
        %dma_wait3A_53 = arith.constant 10000 : i32
        %dma_wait3A_54 = arith.constant 0 : i32
        %dma_wait3A_55 = tpu.memref_slice %arg12[%dma_wait3A_53, %dma_wait3A_54] : memref<10016x128xf32, #tpu.memory_space<vmem_shared>> -> memref<16x128xf32, #tpu.memory_space<vmem_shared>>
        %dma_wait3A_56 = arith.constant 10000 : i32
        %dma_wait3A_57 = arith.constant 0 : i32
        %dma_wait3A_58 = tpu.memref_slice %arg12[%dma_wait3A_56, %dma_wait3A_57] : memref<10016x128xf32, #tpu.memory_space<vmem_shared>> -> memref<16x128xf32, #tpu.memory_space<vmem_shared>>
        %dma_wait3A_59 = arith.constant 0 : i32
        %dma_wait3A_60 = arith.constant 0 : i32
        %dma_wait3A_61 = tpu.memref_slice %arg10[%dma_wait3A_59, %dma_wait3A_60] : memref<128x128xf32, #tpu.memory_space<vmem>> -> memref<16x128xf32, #tpu.memory_space<vmem>>
        tpu.wait_dma2 semaphore(%run_scoped3A : memref<!tpu.dma_semaphore, #tpu.memory_space<semaphore_mem>>) src(%dma_wait3A_61 : memref<16x128xf32, #tpu.memory_space<vmem>>) dst(%dma_wait3A_58 : memref<16x128xf32, #tpu.memory_space<vmem_shared>>)
        tpu.yield
      }) : () -> ()
    } else {
    }
    %barrier3A = arith.constant 0 : index
    tpu.barrier barrier_id(%barrier3A)
    %scan3A_17 = arith.constant 0 : i32
    %scan3A_18 = arith.constant 0 : i32
    %scan3A_19 = arith.constant 79 : i32
    %scan3A_20 = arith.addi %scan3A_18, %scan3A_19 : i32
    %scan3A_21 = arith.constant 1 : i32
    scf.for %scan3A_39 = %scan3A_18 to %scan3A_20 step %scan3A_21  : i32 {
      %mul3A_40 = arith.constant 2 : i32
      %mul3A_41 = arith.muli %scan3A_39, %mul3A_40 : i32
      %add3A_42 = arith.constant 0 : i32
      %add3A_43 = arith.addi %mul3A_41, %add3A_42 : i32
      %ge3A = arith.constant 2 : i32
      %ge3A_44 = arith.cmpi sge, %add3A_43, %ge3A : i32
      %convert_element_type3A_45 = arith.extui %ge3A_44 : i1 to i32
      %cond3A_46 = arith.constant 0 : i32
      %cond3A_47 = arith.cmpi ne, %convert_element_type3A_45, %cond3A_46 : i32
      scf.if %cond3A_47 {
        %dma_wait3A_86 = arith.constant 0 : i32
        %dma_wait3A_87 = arith.constant 0 : i32
        %dma_wait3A_88 = tpu.memref_slice %arg12[%dma_wait3A_86, %dma_wait3A_87] : memref<10016x128xf32, #tpu.memory_space<vmem_shared>> -> memref<10016x128xf32, #tpu.memory_space<vmem_shared>>
        tpu.wait_indirect_dma semaphore(%arg15 : memref<!tpu.dma_semaphore, #tpu.memory_space<semaphore_mem>>) src(%arg10 : memref<128x128xf32, #tpu.memory_space<vmem>>) dst(%dma_wait3A_88 : memref<10016x128xf32, #tpu.memory_space<vmem_shared>>)
      } else {
      }
      %mul3A_48 = arith.constant 128 : i32
      %mul3A_49 = arith.muli %add3A_43, %mul3A_48 : i32
      %add3A_50 = arith.addi %add3A, %mul3A_49 : i32
      "tpu.region"() ({
        %run_scoped3A = tpu.sem_alloc : memref<!tpu.dma_semaphore, #tpu.memory_space<semaphore_mem>>
        %dma_start3A_86 = tpu.memref_slice %arg3[%add3A_50] : memref<647168xi32, #tpu.memory_space<hbm>> -> memref<128xi32, #tpu.memory_space<hbm>>
        %dma_start3A_87 = tpu.memref_slice %arg3[%add3A_50] : memref<647168xi32, #tpu.memory_space<hbm>> -> memref<128xi32, #tpu.memory_space<hbm>>
        tpu.enqueue_dma source(%dma_start3A_87 : memref<128xi32, #tpu.memory_space<hbm>>) target(%arg6 : memref<128xi32, #tpu.memory_space<vmem>>) target_semaphore(%run_scoped3A : memref<!tpu.dma_semaphore, #tpu.memory_space<semaphore_mem>>)
        %dma_wait3A_88 = tpu.memref_slice %arg3[%add3A_50] : memref<647168xi32, #tpu.memory_space<hbm>> -> memref<128xi32, #tpu.memory_space<hbm>>
        %dma_wait3A_89 = tpu.memref_slice %arg3[%add3A_50] : memref<647168xi32, #tpu.memory_space<hbm>> -> memref<128xi32, #tpu.memory_space<hbm>>
        tpu.wait_dma2 semaphore(%run_scoped3A : memref<!tpu.dma_semaphore, #tpu.memory_space<semaphore_mem>>) src(%dma_wait3A_89 : memref<128xi32, #tpu.memory_space<hbm>>) dst(%arg6 : memref<128xi32, #tpu.memory_space<vmem>>)
        tpu.yield
      }) : () -> ()
      %mul3A_51 = arith.constant 128 : i32
      %mul3A_52 = arith.muli %add3A_43, %mul3A_51 : i32
      %add3A_53 = arith.addi %mul3A_4, %mul3A_52 : i32
      "tpu.region"() ({
        %run_scoped3A = tpu.sem_alloc : memref<!tpu.dma_semaphore, #tpu.memory_space<semaphore_mem>>
        %dma_start3A_86 = tpu.memref_slice %arg4[%add3A_53] : memref<323584xi32, #tpu.memory_space<hbm>> -> memref<128xi32, #tpu.memory_space<hbm>>
        %dma_start3A_87 = tpu.memref_slice %arg4[%add3A_53] : memref<323584xi32, #tpu.memory_space<hbm>> -> memref<128xi32, #tpu.memory_space<hbm>>
        tpu.enqueue_dma source(%dma_start3A_87 : memref<128xi32, #tpu.memory_space<hbm>>) target(%arg8 : memref<128xi32, #tpu.memory_space<vmem>>) target_semaphore(%run_scoped3A : memref<!tpu.dma_semaphore, #tpu.memory_space<semaphore_mem>>)
        %dma_wait3A_88 = tpu.memref_slice %arg4[%add3A_53] : memref<323584xi32, #tpu.memory_space<hbm>> -> memref<128xi32, #tpu.memory_space<hbm>>
        %dma_wait3A_89 = tpu.memref_slice %arg4[%add3A_53] : memref<323584xi32, #tpu.memory_space<hbm>> -> memref<128xi32, #tpu.memory_space<hbm>>
        tpu.wait_dma2 semaphore(%run_scoped3A : memref<!tpu.dma_semaphore, #tpu.memory_space<semaphore_mem>>) src(%dma_wait3A_89 : memref<128xi32, #tpu.memory_space<hbm>>) dst(%arg8 : memref<128xi32, #tpu.memory_space<vmem>>)
        tpu.yield
      }) : () -> ()
      %dma_start3A = arith.constant 0 : i32
      %dma_start3A_54 = arith.constant 0 : i32
      %dma_start3A_55 = tpu.memref_slice %arg2[%dma_start3A, %dma_start3A_54] : memref<20000x128xf32, #tpu.memory_space<hbm>> -> memref<20000x128xf32, #tpu.memory_space<hbm>>
      tpu.enqueue_indirect_dma source(%dma_start3A_55 : memref<20000x128xf32, #tpu.memory_space<hbm>>) target(%arg10 : memref<128x128xf32, #tpu.memory_space<vmem>>) offsets(%arg6 : memref<128xi32, #tpu.memory_space<vmem>>) semaphore(%arg13 : memref<!tpu.dma_semaphore, #tpu.memory_space<semaphore_mem>>)
      %dma_wait3A_56 = arith.constant 0 : i32
      %dma_wait3A_57 = arith.constant 0 : i32
      %dma_wait3A_58 = tpu.memref_slice %arg2[%dma_wait3A_56, %dma_wait3A_57] : memref<20000x128xf32, #tpu.memory_space<hbm>> -> memref<20000x128xf32, #tpu.memory_space<hbm>>
      tpu.wait_indirect_dma semaphore(%arg13 : memref<!tpu.dma_semaphore, #tpu.memory_space<semaphore_mem>>) src(%dma_wait3A_58 : memref<20000x128xf32, #tpu.memory_space<hbm>>) dst(%arg10 : memref<128x128xf32, #tpu.memory_space<vmem>>)
      %dma_start3A_59 = arith.constant 0 : i32
      %dma_start3A_60 = arith.constant 0 : i32
      %dma_start3A_61 = tpu.memref_slice %arg12[%dma_start3A_59, %dma_start3A_60] : memref<10016x128xf32, #tpu.memory_space<vmem_shared>> -> memref<10016x128xf32, #tpu.memory_space<vmem_shared>>
      tpu.enqueue_indirect_dma source(%arg10 : memref<128x128xf32, #tpu.memory_space<vmem>>) target(%dma_start3A_61 : memref<10016x128xf32, #tpu.memory_space<vmem_shared>>) offsets(%arg8 : memref<128xi32, #tpu.memory_space<vmem>>) semaphore(%arg15 : memref<!tpu.dma_semaphore, #tpu.memory_space<semaphore_mem>>) {add = true}
      %mul3A_62 = arith.constant 2 : i32
      %mul3A_63 = arith.muli %scan3A_39, %mul3A_62 : i32
      %add3A_64 = arith.constant 1 : i32
      %add3A_65 = arith.addi %mul3A_63, %add3A_64 : i32
      %ge3A_66 = arith.constant 2 : i32
      %ge3A_67 = arith.cmpi sge, %add3A_65, %ge3A_66 : i32
      %convert_element_type3A_68 = arith.extui %ge3A_67 : i1 to i32
      %cond3A_69 = arith.constant 0 : i32
      %cond3A_70 = arith.cmpi ne, %convert_element_type3A_68, %cond3A_69 : i32
      scf.if %cond3A_70 {
        %dma_wait3A_86 = arith.constant 0 : i32
        %dma_wait3A_87 = arith.constant 0 : i32
        %dma_wait3A_88 = tpu.memref_slice %arg12[%dma_wait3A_86, %dma_wait3A_87] : memref<10016x128xf32, #tpu.memory_space<vmem_shared>> -> memref<10016x128xf32, #tpu.memory_space<vmem_shared>>
        tpu.wait_indirect_dma semaphore(%arg16 : memref<!tpu.dma_semaphore, #tpu.memory_space<semaphore_mem>>) src(%arg11 : memref<128x128xf32, #tpu.memory_space<vmem>>) dst(%dma_wait3A_88 : memref<10016x128xf32, #tpu.memory_space<vmem_shared>>)
      } else {
      }
      %mul3A_71 = arith.constant 128 : i32
      %mul3A_72 = arith.muli %add3A_65, %mul3A_71 : i32
      %add3A_73 = arith.addi %add3A, %mul3A_72 : i32
      "tpu.region"() ({
        %run_scoped3A = tpu.sem_alloc : memref<!tpu.dma_semaphore, #tpu.memory_space<semaphore_mem>>
        %dma_start3A_86 = tpu.memref_slice %arg3[%add3A_73] : memref<647168xi32, #tpu.memory_space<hbm>> -> memref<128xi32, #tpu.memory_space<hbm>>
        %dma_start3A_87 = tpu.memref_slice %arg3[%add3A_73] : memref<647168xi32, #tpu.memory_space<hbm>> -> memref<128xi32, #tpu.memory_space<hbm>>
        tpu.enqueue_dma source(%dma_start3A_87 : memref<128xi32, #tpu.memory_space<hbm>>) target(%arg7 : memref<128xi32, #tpu.memory_space<vmem>>) target_semaphore(%run_scoped3A : memref<!tpu.dma_semaphore, #tpu.memory_space<semaphore_mem>>)
        %dma_wait3A_88 = tpu.memref_slice %arg3[%add3A_73] : memref<647168xi32, #tpu.memory_space<hbm>> -> memref<128xi32, #tpu.memory_space<hbm>>
        %dma_wait3A_89 = tpu.memref_slice %arg3[%add3A_73] : memref<647168xi32, #tpu.memory_space<hbm>> -> memref<128xi32, #tpu.memory_space<hbm>>
        tpu.wait_dma2 semaphore(%run_scoped3A : memref<!tpu.dma_semaphore, #tpu.memory_space<semaphore_mem>>) src(%dma_wait3A_89 : memref<128xi32, #tpu.memory_space<hbm>>) dst(%arg7 : memref<128xi32, #tpu.memory_space<vmem>>)
        tpu.yield
      }) : () -> ()
      %mul3A_74 = arith.constant 128 : i32
      %mul3A_75 = arith.muli %add3A_65, %mul3A_74 : i32
      %add3A_76 = arith.addi %mul3A_4, %mul3A_75 : i32
      "tpu.region"() ({
        %run_scoped3A = tpu.sem_alloc : memref<!tpu.dma_semaphore, #tpu.memory_space<semaphore_mem>>
        %dma_start3A_86 = tpu.memref_slice %arg4[%add3A_76] : memref<323584xi32, #tpu.memory_space<hbm>> -> memref<128xi32, #tpu.memory_space<hbm>>
        %dma_start3A_87 = tpu.memref_slice %arg4[%add3A_76] : memref<323584xi32, #tpu.memory_space<hbm>> -> memref<128xi32, #tpu.memory_space<hbm>>
        tpu.enqueue_dma source(%dma_start3A_87 : memref<128xi32, #tpu.memory_space<hbm>>) target(%arg9 : memref<128xi32, #tpu.memory_space<vmem>>) target_semaphore(%run_scoped3A : memref<!tpu.dma_semaphore, #tpu.memory_space<semaphore_mem>>)
        %dma_wait3A_88 = tpu.memref_slice %arg4[%add3A_76] : memref<323584xi32, #tpu.memory_space<hbm>> -> memref<128xi32, #tpu.memory_space<hbm>>
        %dma_wait3A_89 = tpu.memref_slice %arg4[%add3A_76] : memref<323584xi32, #tpu.memory_space<hbm>> -> memref<128xi32, #tpu.memory_space<hbm>>
        tpu.wait_dma2 semaphore(%run_scoped3A : memref<!tpu.dma_semaphore, #tpu.memory_space<semaphore_mem>>) src(%dma_wait3A_89 : memref<128xi32, #tpu.memory_space<hbm>>) dst(%arg9 : memref<128xi32, #tpu.memory_space<vmem>>)
        tpu.yield
      }) : () -> ()
      %dma_start3A_77 = arith.constant 0 : i32
      %dma_start3A_78 = arith.constant 0 : i32
      %dma_start3A_79 = tpu.memref_slice %arg2[%dma_start3A_77, %dma_start3A_78] : memref<20000x128xf32, #tpu.memory_space<hbm>> -> memref<20000x128xf32, #tpu.memory_space<hbm>>
      tpu.enqueue_indirect_dma source(%dma_start3A_79 : memref<20000x128xf32, #tpu.memory_space<hbm>>) target(%arg11 : memref<128x128xf32, #tpu.memory_space<vmem>>) offsets(%arg7 : memref<128xi32, #tpu.memory_space<vmem>>) semaphore(%arg14 : memref<!tpu.dma_semaphore, #tpu.memory_space<semaphore_mem>>)
      %dma_wait3A_80 = arith.constant 0 : i32
      %dma_wait3A_81 = arith.constant 0 : i32
      %dma_wait3A_82 = tpu.memref_slice %arg2[%dma_wait3A_80, %dma_wait3A_81] : memref<20000x128xf32, #tpu.memory_space<hbm>> -> memref<20000x128xf32, #tpu.memory_space<hbm>>
      tpu.wait_indirect_dma semaphore(%arg14 : memref<!tpu.dma_semaphore, #tpu.memory_space<semaphore_mem>>) src(%dma_wait3A_82 : memref<20000x128xf32, #tpu.memory_space<hbm>>) dst(%arg11 : memref<128x128xf32, #tpu.memory_space<vmem>>)
      %dma_start3A_83 = arith.constant 0 : i32
      %dma_start3A_84 = arith.constant 0 : i32
      %dma_start3A_85 = tpu.memref_slice %arg12[%dma_start3A_83, %dma_start3A_84] : memref<10016x128xf32, #tpu.memory_space<vmem_shared>> -> memref<10016x128xf32, #tpu.memory_space<vmem_shared>>
      tpu.enqueue_indirect_dma source(%arg11 : memref<128x128xf32, #tpu.memory_space<vmem>>) target(%dma_start3A_85 : memref<10016x128xf32, #tpu.memory_space<vmem_shared>>) offsets(%arg9 : memref<128xi32, #tpu.memory_space<vmem>>) semaphore(%arg16 : memref<!tpu.dma_semaphore, #tpu.memory_space<semaphore_mem>>) {add = true}
    }
    %scan3A_22 = arith.constant 79 : i32
    %dma_wait3A = arith.constant 0 : i32
    %dma_wait3A_23 = arith.constant 0 : i32
    %dma_wait3A_24 = tpu.memref_slice %arg12[%dma_wait3A, %dma_wait3A_23] : memref<10016x128xf32, #tpu.memory_space<vmem_shared>> -> memref<10016x128xf32, #tpu.memory_space<vmem_shared>>
    tpu.wait_indirect_dma semaphore(%arg15 : memref<!tpu.dma_semaphore, #tpu.memory_space<semaphore_mem>>) src(%arg10 : memref<128x128xf32, #tpu.memory_space<vmem>>) dst(%dma_wait3A_24 : memref<10016x128xf32, #tpu.memory_space<vmem_shared>>)
    %dma_wait3A_25 = arith.constant 0 : i32
    %dma_wait3A_26 = arith.constant 0 : i32
    %dma_wait3A_27 = tpu.memref_slice %arg12[%dma_wait3A_25, %dma_wait3A_26] : memref<10016x128xf32, #tpu.memory_space<vmem_shared>> -> memref<10016x128xf32, #tpu.memory_space<vmem_shared>>
    tpu.wait_indirect_dma semaphore(%arg16 : memref<!tpu.dma_semaphore, #tpu.memory_space<semaphore_mem>>) src(%arg11 : memref<128x128xf32, #tpu.memory_space<vmem>>) dst(%dma_wait3A_27 : memref<10016x128xf32, #tpu.memory_space<vmem_shared>>)
    %barrier3A_28 = arith.constant 0 : index
    tpu.barrier barrier_id(%barrier3A_28)
    %lt3A_29 = arith.constant 15 : i32
    %lt3A_30 = arith.cmpi slt, %arg1, %lt3A_29 : i32
    %convert_element_type3A_31 = arith.extui %lt3A_30 : i1 to i32
    %cond3A_32 = arith.constant 0 : i32
    %cond3A_33 = arith.cmpi ne, %convert_element_type3A_31, %cond3A_32 : i32
    scf.if %cond3A_33 {
      %mul3A_39 = arith.constant 624 : i32
      %mul3A_40 = arith.muli %arg1, %mul3A_39 : i32
      %mul3A_41 = arith.constant 624 : i32
      %mul3A_42 = arith.muli %arg1, %mul3A_41 : i32
      "tpu.region"() ({
        %run_scoped3A = tpu.sem_alloc : memref<!tpu.dma_semaphore, #tpu.memory_space<semaphore_mem>>
        %dma_start3A = arith.constant 0 : i32
        %dma_start3A_43 = tpu.memref_slice %arg5[%arg0, %mul3A_42, %dma_start3A] : memref<2x10000x128xf32, #tpu.memory_space<hbm>> -> memref<1x624x128xf32, #tpu.memory_space<hbm>>
        %dma_start3A_44 = tpu.memref_squeeze %dma_start3A_43 : memref<1x624x128xf32, #tpu.memory_space<hbm>> -> memref<624x128xf32, #tpu.memory_space<hbm>>
        %dma_start3A_45 = arith.constant 0 : i32
        %dma_start3A_46 = tpu.memref_slice %arg12[%mul3A_40, %dma_start3A_45] : memref<10016x128xf32, #tpu.memory_space<vmem_shared>> -> memref<624x128xf32, #tpu.memory_space<vmem_shared>>
        tpu.enqueue_dma source(%dma_start3A_46 : memref<624x128xf32, #tpu.memory_space<vmem_shared>>) target(%dma_start3A_44 : memref<624x128xf32, #tpu.memory_space<hbm>>) target_semaphore(%run_scoped3A : memref<!tpu.dma_semaphore, #tpu.memory_space<semaphore_mem>>)
        %dma_wait3A_47 = arith.constant 0 : i32
        %dma_wait3A_48 = tpu.memref_slice %arg5[%arg0, %mul3A_42, %dma_wait3A_47] : memref<2x10000x128xf32, #tpu.memory_space<hbm>> -> memref<1x624x128xf32, #tpu.memory_space<hbm>>
        %dma_wait3A_49 = tpu.memref_squeeze %dma_wait3A_48 : memref<1x624x128xf32, #tpu.memory_space<hbm>> -> memref<624x128xf32, #tpu.memory_space<hbm>>
        %dma_wait3A_50 = arith.constant 0 : i32
        %dma_wait3A_51 = tpu.memref_slice %arg12[%mul3A_40, %dma_wait3A_50] : memref<10016x128xf32, #tpu.memory_space<vmem_shared>> -> memref<624x128xf32, #tpu.memory_space<vmem_shared>>
        tpu.wait_dma2 semaphore(%run_scoped3A : memref<!tpu.dma_semaphore, #tpu.memory_space<semaphore_mem>>) src(%dma_wait3A_51 : memref<624x128xf32, #tpu.memory_space<vmem_shared>>) dst(%dma_wait3A_49 : memref<624x128xf32, #tpu.memory_space<hbm>>)
        tpu.yield
      }) : () -> ()
    } else {
    }
    %eq3A_34 = arith.constant 15 : i32
    %eq3A_35 = arith.cmpi eq, %arg1, %eq3A_34 : i32
    %convert_element_type3A_36 = arith.extui %eq3A_35 : i1 to i32
    %cond3A_37 = arith.constant 0 : i32
    %cond3A_38 = arith.cmpi ne, %convert_element_type3A_36, %cond3A_37 : i32
    scf.if %cond3A_38 {
      "tpu.region"() ({
        %run_scoped3A = tpu.sem_alloc : memref<!tpu.dma_semaphore, #tpu.memory_space<semaphore_mem>>
        %dma_start3A = arith.constant 9360 : i32
        %dma_start3A_39 = arith.constant 0 : i32
        %dma_start3A_40 = tpu.memref_slice %arg5[%arg0, %dma_start3A, %dma_start3A_39] : memref<2x10000x128xf32, #tpu.memory_space<hbm>> -> memref<1x640x128xf32, #tpu.memory_space<hbm>>
        %dma_start3A_41 = tpu.memref_squeeze %dma_start3A_40 : memref<1x640x128xf32, #tpu.memory_space<hbm>> -> memref<640x128xf32, #tpu.memory_space<hbm>>
        %dma_start3A_42 = arith.constant 9360 : i32
        %dma_start3A_43 = arith.constant 0 : i32
        %dma_start3A_44 = tpu.memref_slice %arg12[%dma_start3A_42, %dma_start3A_43] : memref<10016x128xf32, #tpu.memory_space<vmem_shared>> -> memref<640x128xf32, #tpu.memory_space<vmem_shared>>
        tpu.enqueue_dma source(%dma_start3A_44 : memref<640x128xf32, #tpu.memory_space<vmem_shared>>) target(%dma_start3A_41 : memref<640x128xf32, #tpu.memory_space<hbm>>) target_semaphore(%run_scoped3A : memref<!tpu.dma_semaphore, #tpu.memory_space<semaphore_mem>>)
        %dma_wait3A_45 = arith.constant 9360 : i32
        %dma_wait3A_46 = arith.constant 0 : i32
        %dma_wait3A_47 = tpu.memref_slice %arg5[%arg0, %dma_wait3A_45, %dma_wait3A_46] : memref<2x10000x128xf32, #tpu.memory_space<hbm>> -> memref<1x640x128xf32, #tpu.memory_space<hbm>>
        %dma_wait3A_48 = tpu.memref_squeeze %dma_wait3A_47 : memref<1x640x128xf32, #tpu.memory_space<hbm>> -> memref<640x128xf32, #tpu.memory_space<hbm>>
        %dma_wait3A_49 = arith.constant 9360 : i32
        %dma_wait3A_50 = arith.constant 0 : i32
        %dma_wait3A_51 = tpu.memref_slice %arg12[%dma_wait3A_49, %dma_wait3A_50] : memref<10016x128xf32, #tpu.memory_space<vmem_shared>> -> memref<640x128xf32, #tpu.memory_space<vmem_shared>>
        tpu.wait_dma2 semaphore(%run_scoped3A : memref<!tpu.dma_semaphore, #tpu.memory_space<semaphore_mem>>) src(%dma_wait3A_51 : memref<640x128xf32, #tpu.memory_space<vmem_shared>>) dst(%dma_wait3A_48 : memref<640x128xf32, #tpu.memory_space<hbm>>)
        tpu.yield
      }) : () -> ()
    } else {
    }
    return
  }
}

#map = affine_map<(d0, d1) -> (0)>
#map1 = affine_map<(d0, d1) -> (0, 0, 0)>
module attributes {stable_mosaic.version = 14 : i64} {
  func.func @deg_kernel(%arg0: i32, %arg1: i32, %arg2: memref<647168xi32, #tpu.memory_space<hbm>>, %arg3: memref<2x10000x128xf32, #tpu.memory_space<hbm>>, %arg4: memref<128xi32, #tpu.memory_space<vmem>>, %arg5: memref<128x128xf32, #tpu.memory_space<vmem>>, %arg6: memref<10016x128xf32, #tpu.memory_space<vmem_shared>>) attributes {dimension_semantics = [#tpu.dimension_semantics<core_parallel>, #tpu.dimension_semantics<subcore_parallel>], iteration_bounds = array<i64: 2, 16>, scalar_prefetch = 0 : i64, scratch_operands = 3 : i64, tpu.core_type = #tpu.core_type<sc_vector_subcore>, window_params = [{transform_indices = #map}, {transform_indices = #map1}]} {
    %mul3A = arith.constant 323584 : i32
    %mul3A_0 = arith.muli %arg0, %mul3A : i32
    %mul3A_1 = arith.constant 20224 : i32
    %mul3A_2 = arith.muli %arg1, %mul3A_1 : i32
    %add3A = arith.addi %mul3A_0, %mul3A_2 : i32
    %broadcast_in_dim3A = arith.constant 0.000000e+00 : f32
    %broadcast_in_dim3A_3 = vector.broadcast %broadcast_in_dim3A : f32 to vector<16xf32>
    %scan3A = arith.constant 0 : i32
    %scan3A_4 = arith.constant 0 : i32
    %scan3A_5 = arith.constant 128 : i32
    %scan3A_6 = arith.addi %scan3A_4, %scan3A_5 : i32
    %scan3A_7 = arith.constant 1 : i32
    scf.for %scan3A_40 = %scan3A_4 to %scan3A_6 step %scan3A_7  : i32 {
      %swap3A = arith.index_cast %scan3A_40 : i32 to index
      %swap3A_41 = arith.constant 0 : index
      %swap3A_42 = tpu.vector_load %arg5[%swap3A, %swap3A_41] {strides = array<i32>} : memref<128x128xf32, #tpu.memory_space<vmem>>, vector<1x16xf32>,
      %swap3A_43 = vector.shape_cast %swap3A_42 : vector<1x16xf32> to vector<16xf32>
      %swap3A_44 = vector.shape_cast %broadcast_in_dim3A_3 : vector<16xf32> to vector<1x16xf32>
      tpu.vector_store %arg5[%swap3A, %swap3A_41], %swap3A_44 {strides = array<i32>} : memref<128x128xf32, #tpu.memory_space<vmem>>, vector<1x16xf32>,
      %swap3A_45 = arith.index_cast %scan3A_40 : i32 to index
      %swap3A_46 = arith.constant 16 : index
      %swap3A_47 = tpu.vector_load %arg5[%swap3A_45, %swap3A_46] {strides = array<i32>} : memref<128x128xf32, #tpu.memory_space<vmem>>, vector<1x16xf32>,
      %swap3A_48 = vector.shape_cast %swap3A_47 : vector<1x16xf32> to vector<16xf32>
      %swap3A_49 = vector.shape_cast %broadcast_in_dim3A_3 : vector<16xf32> to vector<1x16xf32>
      tpu.vector_store %arg5[%swap3A_45, %swap3A_46], %swap3A_49 {strides = array<i32>} : memref<128x128xf32, #tpu.memory_space<vmem>>, vector<1x16xf32>,
      %swap3A_50 = arith.index_cast %scan3A_40 : i32 to index
      %swap3A_51 = arith.constant 32 : index
      %swap3A_52 = tpu.vector_load %arg5[%swap3A_50, %swap3A_51] {strides = array<i32>} : memref<128x128xf32, #tpu.memory_space<vmem>>, vector<1x16xf32>,
      %swap3A_53 = vector.shape_cast %swap3A_52 : vector<1x16xf32> to vector<16xf32>
      %swap3A_54 = vector.shape_cast %broadcast_in_dim3A_3 : vector<16xf32> to vector<1x16xf32>
      tpu.vector_store %arg5[%swap3A_50, %swap3A_51], %swap3A_54 {strides = array<i32>} : memref<128x128xf32, #tpu.memory_space<vmem>>, vector<1x16xf32>,
      %swap3A_55 = arith.index_cast %scan3A_40 : i32 to index
      %swap3A_56 = arith.constant 48 : index
      %swap3A_57 = tpu.vector_load %arg5[%swap3A_55, %swap3A_56] {strides = array<i32>} : memref<128x128xf32, #tpu.memory_space<vmem>>, vector<1x16xf32>,
      %swap3A_58 = vector.shape_cast %swap3A_57 : vector<1x16xf32> to vector<16xf32>
      %swap3A_59 = vector.shape_cast %broadcast_in_dim3A_3 : vector<16xf32> to vector<1x16xf32>
      tpu.vector_store %arg5[%swap3A_55, %swap3A_56], %swap3A_59 {strides = array<i32>} : memref<128x128xf32, #tpu.memory_space<vmem>>, vector<1x16xf32>,
      %swap3A_60 = arith.index_cast %scan3A_40 : i32 to index
      %swap3A_61 = arith.constant 64 : index
      %swap3A_62 = tpu.vector_load %arg5[%swap3A_60, %swap3A_61] {strides = array<i32>} : memref<128x128xf32, #tpu.memory_space<vmem>>, vector<1x16xf32>,
      %swap3A_63 = vector.shape_cast %swap3A_62 : vector<1x16xf32> to vector<16xf32>
      %swap3A_64 = vector.shape_cast %broadcast_in_dim3A_3 : vector<16xf32> to vector<1x16xf32>
      tpu.vector_store %arg5[%swap3A_60, %swap3A_61], %swap3A_64 {strides = array<i32>} : memref<128x128xf32, #tpu.memory_space<vmem>>, vector<1x16xf32>,
      %swap3A_65 = arith.index_cast %scan3A_40 : i32 to index
      %swap3A_66 = arith.constant 80 : index
      %swap3A_67 = tpu.vector_load %arg5[%swap3A_65, %swap3A_66] {strides = array<i32>} : memref<128x128xf32, #tpu.memory_space<vmem>>, vector<1x16xf32>,
      %swap3A_68 = vector.shape_cast %swap3A_67 : vector<1x16xf32> to vector<16xf32>
      %swap3A_69 = vector.shape_cast %broadcast_in_dim3A_3 : vector<16xf32> to vector<1x16xf32>
      tpu.vector_store %arg5[%swap3A_65, %swap3A_66], %swap3A_69 {strides = array<i32>} : memref<128x128xf32, #tpu.memory_space<vmem>>, vector<1x16xf32>,
      %swap3A_70 = arith.index_cast %scan3A_40 : i32 to index
      %swap3A_71 = arith.constant 96 : index
      %swap3A_72 = tpu.vector_load %arg5[%swap3A_70, %swap3A_71] {strides = array<i32>} : memref<128x128xf32, #tpu.memory_space<vmem>>, vector<1x16xf32>,
      %swap3A_73 = vector.shape_cast %swap3A_72 : vector<1x16xf32> to vector<16xf32>
      %swap3A_74 = vector.shape_cast %broadcast_in_dim3A_3 : vector<16xf32> to vector<1x16xf32>
      tpu.vector_store %arg5[%swap3A_70, %swap3A_71], %swap3A_74 {strides = array<i32>} : memref<128x128xf32, #tpu.memory_space<vmem>>, vector<1x16xf32>,
      %swap3A_75 = arith.index_cast %scan3A_40 : i32 to index
      %swap3A_76 = arith.constant 112 : index
      %swap3A_77 = tpu.vector_load %arg5[%swap3A_75, %swap3A_76] {strides = array<i32>} : memref<128x128xf32, #tpu.memory_space<vmem>>, vector<1x16xf32>,
      %swap3A_78 = vector.shape_cast %swap3A_77 : vector<1x16xf32> to vector<16xf32>
      %swap3A_79 = vector.shape_cast %broadcast_in_dim3A_3 : vector<16xf32> to vector<1x16xf32>
      tpu.vector_store %arg5[%swap3A_75, %swap3A_76], %swap3A_79 {strides = array<i32>} : memref<128x128xf32, #tpu.memory_space<vmem>>, vector<1x16xf32>,
    }
    %scan3A_8 = arith.constant 128 : i32
    %lt3A = arith.constant 15 : i32
    %lt3A_9 = arith.cmpi slt, %arg1, %lt3A : i32
    %convert_element_type3A = arith.extui %lt3A_9 : i1 to i32
    %cond3A = arith.constant 0 : i32
    %cond3A_10 = arith.cmpi ne, %convert_element_type3A, %cond3A : i32
    scf.if %cond3A_10 {
      %mul3A_40 = arith.constant 624 : i32
      %mul3A_41 = arith.muli %arg1, %mul3A_40 : i32
      %add3A_42 = arith.constant 0 : i32
      %add3A_43 = arith.addi %mul3A_41, %add3A_42 : i32
      "tpu.region"() ({
        %run_scoped3A = tpu.sem_alloc : memref<!tpu.dma_semaphore, #tpu.memory_space<semaphore_mem>>
        %dma_start3A = arith.constant 0 : i32
        %dma_start3A_52 = arith.constant 0 : i32
        %dma_start3A_53 = tpu.memref_slice %arg5[%dma_start3A, %dma_start3A_52] : memref<128x128xf32, #tpu.memory_space<vmem>> -> memref<128x128xf32, #tpu.memory_space<vmem>>
        %dma_start3A_54 = arith.constant 0 : i32
        %dma_start3A_55 = tpu.memref_slice %arg6[%add3A_43, %dma_start3A_54] : memref<10016x128xf32, #tpu.memory_space<vmem_shared>> -> memref<128x128xf32, #tpu.memory_space<vmem_shared>>
        %dma_start3A_56 = arith.constant 0 : i32
        %dma_start3A_57 = tpu.memref_slice %arg6[%add3A_43, %dma_start3A_56] : memref<10016x128xf32, #tpu.memory_space<vmem_shared>> -> memref<128x128xf32, #tpu.memory_space<vmem_shared>>
        %dma_start3A_58 = arith.constant 0 : i32
        %dma_start3A_59 = arith.constant 0 : i32
        %dma_start3A_60 = tpu.memref_slice %arg5[%dma_start3A_58, %dma_start3A_59] : memref<128x128xf32, #tpu.memory_space<vmem>> -> memref<128x128xf32, #tpu.memory_space<vmem>>
        tpu.enqueue_dma source(%dma_start3A_60 : memref<128x128xf32, #tpu.memory_space<vmem>>) target(%dma_start3A_57 : memref<128x128xf32, #tpu.memory_space<vmem_shared>>) target_semaphore(%run_scoped3A : memref<!tpu.dma_semaphore, #tpu.memory_space<semaphore_mem>>)
        %dma_wait3A = arith.constant 0 : i32
        %dma_wait3A_61 = arith.constant 0 : i32
        %dma_wait3A_62 = tpu.memref_slice %arg5[%dma_wait3A, %dma_wait3A_61] : memref<128x128xf32, #tpu.memory_space<vmem>> -> memref<128x128xf32, #tpu.memory_space<vmem>>
        %dma_wait3A_63 = arith.constant 0 : i32
        %dma_wait3A_64 = tpu.memref_slice %arg6[%add3A_43, %dma_wait3A_63] : memref<10016x128xf32, #tpu.memory_space<vmem_shared>> -> memref<128x128xf32, #tpu.memory_space<vmem_shared>>
        %dma_wait3A_65 = arith.constant 0 : i32
        %dma_wait3A_66 = tpu.memref_slice %arg6[%add3A_43, %dma_wait3A_65] : memref<10016x128xf32, #tpu.memory_space<vmem_shared>> -> memref<128x128xf32, #tpu.memory_space<vmem_shared>>
        %dma_wait3A_67 = arith.constant 0 : i32
        %dma_wait3A_68 = arith.constant 0 : i32
        %dma_wait3A_69 = tpu.memref_slice %arg5[%dma_wait3A_67, %dma_wait3A_68] : memref<128x128xf32, #tpu.memory_space<vmem>> -> memref<128x128xf32, #tpu.memory_space<vmem>>
        tpu.wait_dma2 semaphore(%run_scoped3A : memref<!tpu.dma_semaphore, #tpu.memory_space<semaphore_mem>>) src(%dma_wait3A_69 : memref<128x128xf32, #tpu.memory_space<vmem>>) dst(%dma_wait3A_66 : memref<128x128xf32, #tpu.memory_space<vmem_shared>>)
        tpu.yield
      }) : () -> ()
      %add3A_44 = arith.constant 128 : i32
      %add3A_45 = arith.addi %mul3A_41, %add3A_44 : i32
      "tpu.region"() ({
        %run_scoped3A = tpu.sem_alloc : memref<!tpu.dma_semaphore, #tpu.memory_space<semaphore_mem>>
        %dma_start3A = arith.constant 0 : i32
        %dma_start3A_52 = arith.constant 0 : i32
        %dma_start3A_53 = tpu.memref_slice %arg5[%dma_start3A, %dma_start3A_52] : memref<128x128xf32, #tpu.memory_space<vmem>> -> memref<128x128xf32, #tpu.memory_space<vmem>>
        %dma_start3A_54 = arith.constant 0 : i32
        %dma_start3A_55 = tpu.memref_slice %arg6[%add3A_45, %dma_start3A_54] : memref<10016x128xf32, #tpu.memory_space<vmem_shared>> -> memref<128x128xf32, #tpu.memory_space<vmem_shared>>
        %dma_start3A_56 = arith.constant 0 : i32
        %dma_start3A_57 = tpu.memref_slice %arg6[%add3A_45, %dma_start3A_56] : memref<10016x128xf32, #tpu.memory_space<vmem_shared>> -> memref<128x128xf32, #tpu.memory_space<vmem_shared>>
        %dma_start3A_58 = arith.constant 0 : i32
        %dma_start3A_59 = arith.constant 0 : i32
        %dma_start3A_60 = tpu.memref_slice %arg5[%dma_start3A_58, %dma_start3A_59] : memref<128x128xf32, #tpu.memory_space<vmem>> -> memref<128x128xf32, #tpu.memory_space<vmem>>
        tpu.enqueue_dma source(%dma_start3A_60 : memref<128x128xf32, #tpu.memory_space<vmem>>) target(%dma_start3A_57 : memref<128x128xf32, #tpu.memory_space<vmem_shared>>) target_semaphore(%run_scoped3A : memref<!tpu.dma_semaphore, #tpu.memory_space<semaphore_mem>>)
        %dma_wait3A = arith.constant 0 : i32
        %dma_wait3A_61 = arith.constant 0 : i32
        %dma_wait3A_62 = tpu.memref_slice %arg5[%dma_wait3A, %dma_wait3A_61] : memref<128x128xf32, #tpu.memory_space<vmem>> -> memref<128x128xf32, #tpu.memory_space<vmem>>
        %dma_wait3A_63 = arith.constant 0 : i32
        %dma_wait3A_64 = tpu.memref_slice %arg6[%add3A_45, %dma_wait3A_63] : memref<10016x128xf32, #tpu.memory_space<vmem_shared>> -> memref<128x128xf32, #tpu.memory_space<vmem_shared>>
        %dma_wait3A_65 = arith.constant 0 : i32
        %dma_wait3A_66 = tpu.memref_slice %arg6[%add3A_45, %dma_wait3A_65] : memref<10016x128xf32, #tpu.memory_space<vmem_shared>> -> memref<128x128xf32, #tpu.memory_space<vmem_shared>>
        %dma_wait3A_67 = arith.constant 0 : i32
        %dma_wait3A_68 = arith.constant 0 : i32
        %dma_wait3A_69 = tpu.memref_slice %arg5[%dma_wait3A_67, %dma_wait3A_68] : memref<128x128xf32, #tpu.memory_space<vmem>> -> memref<128x128xf32, #tpu.memory_space<vmem>>
        tpu.wait_dma2 semaphore(%run_scoped3A : memref<!tpu.dma_semaphore, #tpu.memory_space<semaphore_mem>>) src(%dma_wait3A_69 : memref<128x128xf32, #tpu.memory_space<vmem>>) dst(%dma_wait3A_66 : memref<128x128xf32, #tpu.memory_space<vmem_shared>>)
        tpu.yield
      }) : () -> ()
      %add3A_46 = arith.constant 256 : i32
      %add3A_47 = arith.addi %mul3A_41, %add3A_46 : i32
      "tpu.region"() ({
        %run_scoped3A = tpu.sem_alloc : memref<!tpu.dma_semaphore, #tpu.memory_space<semaphore_mem>>
        %dma_start3A = arith.constant 0 : i32
        %dma_start3A_52 = arith.constant 0 : i32
        %dma_start3A_53 = tpu.memref_slice %arg5[%dma_start3A, %dma_start3A_52] : memref<128x128xf32, #tpu.memory_space<vmem>> -> memref<128x128xf32, #tpu.memory_space<vmem>>
        %dma_start3A_54 = arith.constant 0 : i32
        %dma_start3A_55 = tpu.memref_slice %arg6[%add3A_47, %dma_start3A_54] : memref<10016x128xf32, #tpu.memory_space<vmem_shared>> -> memref<128x128xf32, #tpu.memory_space<vmem_shared>>
        %dma_start3A_56 = arith.constant 0 : i32
        %dma_start3A_57 = tpu.memref_slice %arg6[%add3A_47, %dma_start3A_56] : memref<10016x128xf32, #tpu.memory_space<vmem_shared>> -> memref<128x128xf32, #tpu.memory_space<vmem_shared>>
        %dma_start3A_58 = arith.constant 0 : i32
        %dma_start3A_59 = arith.constant 0 : i32
        %dma_start3A_60 = tpu.memref_slice %arg5[%dma_start3A_58, %dma_start3A_59] : memref<128x128xf32, #tpu.memory_space<vmem>> -> memref<128x128xf32, #tpu.memory_space<vmem>>
        tpu.enqueue_dma source(%dma_start3A_60 : memref<128x128xf32, #tpu.memory_space<vmem>>) target(%dma_start3A_57 : memref<128x128xf32, #tpu.memory_space<vmem_shared>>) target_semaphore(%run_scoped3A : memref<!tpu.dma_semaphore, #tpu.memory_space<semaphore_mem>>)
        %dma_wait3A = arith.constant 0 : i32
        %dma_wait3A_61 = arith.constant 0 : i32
        %dma_wait3A_62 = tpu.memref_slice %arg5[%dma_wait3A, %dma_wait3A_61] : memref<128x128xf32, #tpu.memory_space<vmem>> -> memref<128x128xf32, #tpu.memory_space<vmem>>
        %dma_wait3A_63 = arith.constant 0 : i32
        %dma_wait3A_64 = tpu.memref_slice %arg6[%add3A_47, %dma_wait3A_63] : memref<10016x128xf32, #tpu.memory_space<vmem_shared>> -> memref<128x128xf32, #tpu.memory_space<vmem_shared>>
        %dma_wait3A_65 = arith.constant 0 : i32
        %dma_wait3A_66 = tpu.memref_slice %arg6[%add3A_47, %dma_wait3A_65] : memref<10016x128xf32, #tpu.memory_space<vmem_shared>> -> memref<128x128xf32, #tpu.memory_space<vmem_shared>>
        %dma_wait3A_67 = arith.constant 0 : i32
        %dma_wait3A_68 = arith.constant 0 : i32
        %dma_wait3A_69 = tpu.memref_slice %arg5[%dma_wait3A_67, %dma_wait3A_68] : memref<128x128xf32, #tpu.memory_space<vmem>> -> memref<128x128xf32, #tpu.memory_space<vmem>>
        tpu.wait_dma2 semaphore(%run_scoped3A : memref<!tpu.dma_semaphore, #tpu.memory_space<semaphore_mem>>) src(%dma_wait3A_69 : memref<128x128xf32, #tpu.memory_space<vmem>>) dst(%dma_wait3A_66 : memref<128x128xf32, #tpu.memory_space<vmem_shared>>)
        tpu.yield
      }) : () -> ()
      %add3A_48 = arith.constant 384 : i32
      %add3A_49 = arith.addi %mul3A_41, %add3A_48 : i32
      "tpu.region"() ({
        %run_scoped3A = tpu.sem_alloc : memref<!tpu.dma_semaphore, #tpu.memory_space<semaphore_mem>>
        %dma_start3A = arith.constant 0 : i32
        %dma_start3A_52 = arith.constant 0 : i32
        %dma_start3A_53 = tpu.memref_slice %arg5[%dma_start3A, %dma_start3A_52] : memref<128x128xf32, #tpu.memory_space<vmem>> -> memref<128x128xf32, #tpu.memory_space<vmem>>
        %dma_start3A_54 = arith.constant 0 : i32
        %dma_start3A_55 = tpu.memref_slice %arg6[%add3A_49, %dma_start3A_54] : memref<10016x128xf32, #tpu.memory_space<vmem_shared>> -> memref<128x128xf32, #tpu.memory_space<vmem_shared>>
        %dma_start3A_56 = arith.constant 0 : i32
        %dma_start3A_57 = tpu.memref_slice %arg6[%add3A_49, %dma_start3A_56] : memref<10016x128xf32, #tpu.memory_space<vmem_shared>> -> memref<128x128xf32, #tpu.memory_space<vmem_shared>>
        %dma_start3A_58 = arith.constant 0 : i32
        %dma_start3A_59 = arith.constant 0 : i32
        %dma_start3A_60 = tpu.memref_slice %arg5[%dma_start3A_58, %dma_start3A_59] : memref<128x128xf32, #tpu.memory_space<vmem>> -> memref<128x128xf32, #tpu.memory_space<vmem>>
        tpu.enqueue_dma source(%dma_start3A_60 : memref<128x128xf32, #tpu.memory_space<vmem>>) target(%dma_start3A_57 : memref<128x128xf32, #tpu.memory_space<vmem_shared>>) target_semaphore(%run_scoped3A : memref<!tpu.dma_semaphore, #tpu.memory_space<semaphore_mem>>)
        %dma_wait3A = arith.constant 0 : i32
        %dma_wait3A_61 = arith.constant 0 : i32
        %dma_wait3A_62 = tpu.memref_slice %arg5[%dma_wait3A, %dma_wait3A_61] : memref<128x128xf32, #tpu.memory_space<vmem>> -> memref<128x128xf32, #tpu.memory_space<vmem>>
        %dma_wait3A_63 = arith.constant 0 : i32
        %dma_wait3A_64 = tpu.memref_slice %arg6[%add3A_49, %dma_wait3A_63] : memref<10016x128xf32, #tpu.memory_space<vmem_shared>> -> memref<128x128xf32, #tpu.memory_space<vmem_shared>>
        %dma_wait3A_65 = arith.constant 0 : i32
        %dma_wait3A_66 = tpu.memref_slice %arg6[%add3A_49, %dma_wait3A_65] : memref<10016x128xf32, #tpu.memory_space<vmem_shared>> -> memref<128x128xf32, #tpu.memory_space<vmem_shared>>
        %dma_wait3A_67 = arith.constant 0 : i32
        %dma_wait3A_68 = arith.constant 0 : i32
        %dma_wait3A_69 = tpu.memref_slice %arg5[%dma_wait3A_67, %dma_wait3A_68] : memref<128x128xf32, #tpu.memory_space<vmem>> -> memref<128x128xf32, #tpu.memory_space<vmem>>
        tpu.wait_dma2 semaphore(%run_scoped3A : memref<!tpu.dma_semaphore, #tpu.memory_space<semaphore_mem>>) src(%dma_wait3A_69 : memref<128x128xf32, #tpu.memory_space<vmem>>) dst(%dma_wait3A_66 : memref<128x128xf32, #tpu.memory_space<vmem_shared>>)
        tpu.yield
      }) : () -> ()
      %add3A_50 = arith.constant 512 : i32
      %add3A_51 = arith.addi %mul3A_41, %add3A_50 : i32
      "tpu.region"() ({
        %run_scoped3A = tpu.sem_alloc : memref<!tpu.dma_semaphore, #tpu.memory_space<semaphore_mem>>
        %dma_start3A = arith.constant 0 : i32
        %dma_start3A_52 = arith.constant 0 : i32
        %dma_start3A_53 = tpu.memref_slice %arg5[%dma_start3A, %dma_start3A_52] : memref<128x128xf32, #tpu.memory_space<vmem>> -> memref<112x128xf32, #tpu.memory_space<vmem>>
        %dma_start3A_54 = arith.constant 0 : i32
        %dma_start3A_55 = tpu.memref_slice %arg6[%add3A_51, %dma_start3A_54] : memref<10016x128xf32, #tpu.memory_space<vmem_shared>> -> memref<112x128xf32, #tpu.memory_space<vmem_shared>>
        %dma_start3A_56 = arith.constant 0 : i32
        %dma_start3A_57 = tpu.memref_slice %arg6[%add3A_51, %dma_start3A_56] : memref<10016x128xf32, #tpu.memory_space<vmem_shared>> -> memref<112x128xf32, #tpu.memory_space<vmem_shared>>
        %dma_start3A_58 = arith.constant 0 : i32
        %dma_start3A_59 = arith.constant 0 : i32
        %dma_start3A_60 = tpu.memref_slice %arg5[%dma_start3A_58, %dma_start3A_59] : memref<128x128xf32, #tpu.memory_space<vmem>> -> memref<112x128xf32, #tpu.memory_space<vmem>>
        tpu.enqueue_dma source(%dma_start3A_60 : memref<112x128xf32, #tpu.memory_space<vmem>>) target(%dma_start3A_57 : memref<112x128xf32, #tpu.memory_space<vmem_shared>>) target_semaphore(%run_scoped3A : memref<!tpu.dma_semaphore, #tpu.memory_space<semaphore_mem>>)
        %dma_wait3A = arith.constant 0 : i32
        %dma_wait3A_61 = arith.constant 0 : i32
        %dma_wait3A_62 = tpu.memref_slice %arg5[%dma_wait3A, %dma_wait3A_61] : memref<128x128xf32, #tpu.memory_space<vmem>> -> memref<112x128xf32, #tpu.memory_space<vmem>>
        %dma_wait3A_63 = arith.constant 0 : i32
        %dma_wait3A_64 = tpu.memref_slice %arg6[%add3A_51, %dma_wait3A_63] : memref<10016x128xf32, #tpu.memory_space<vmem_shared>> -> memref<112x128xf32, #tpu.memory_space<vmem_shared>>
        %dma_wait3A_65 = arith.constant 0 : i32
        %dma_wait3A_66 = tpu.memref_slice %arg6[%add3A_51, %dma_wait3A_65] : memref<10016x128xf32, #tpu.memory_space<vmem_shared>> -> memref<112x128xf32, #tpu.memory_space<vmem_shared>>
        %dma_wait3A_67 = arith.constant 0 : i32
        %dma_wait3A_68 = arith.constant 0 : i32
        %dma_wait3A_69 = tpu.memref_slice %arg5[%dma_wait3A_67, %dma_wait3A_68] : memref<128x128xf32, #tpu.memory_space<vmem>> -> memref<112x128xf32, #tpu.memory_space<vmem>>
        tpu.wait_dma2 semaphore(%run_scoped3A : memref<!tpu.dma_semaphore, #tpu.memory_space<semaphore_mem>>) src(%dma_wait3A_69 : memref<112x128xf32, #tpu.memory_space<vmem>>) dst(%dma_wait3A_66 : memref<112x128xf32, #tpu.memory_space<vmem_shared>>)
        tpu.yield
      }) : () -> ()
    } else {
    }
    %eq3A = arith.constant 15 : i32
    %eq3A_11 = arith.cmpi eq, %arg1, %eq3A : i32
    %convert_element_type3A_12 = arith.extui %eq3A_11 : i1 to i32
    %cond3A_13 = arith.constant 0 : i32
    %cond3A_14 = arith.cmpi ne, %convert_element_type3A_12, %cond3A_13 : i32
    scf.if %cond3A_14 {
      "tpu.region"() ({
        %run_scoped3A = tpu.sem_alloc : memref<!tpu.dma_semaphore, #tpu.memory_space<semaphore_mem>>
        %dma_start3A = arith.constant 0 : i32
        %dma_start3A_40 = arith.constant 0 : i32
        %dma_start3A_41 = tpu.memref_slice %arg5[%dma_start3A, %dma_start3A_40] : memref<128x128xf32, #tpu.memory_space<vmem>> -> memref<128x128xf32, #tpu.memory_space<vmem>>
        %dma_start3A_42 = arith.constant 9360 : i32
        %dma_start3A_43 = arith.constant 0 : i32
        %dma_start3A_44 = tpu.memref_slice %arg6[%dma_start3A_42, %dma_start3A_43] : memref<10016x128xf32, #tpu.memory_space<vmem_shared>> -> memref<128x128xf32, #tpu.memory_space<vmem_shared>>
        %dma_start3A_45 = arith.constant 9360 : i32
        %dma_start3A_46 = arith.constant 0 : i32
        %dma_start3A_47 = tpu.memref_slice %arg6[%dma_start3A_45, %dma_start3A_46] : memref<10016x128xf32, #tpu.memory_space<vmem_shared>> -> memref<128x128xf32, #tpu.memory_space<vmem_shared>>
        %dma_start3A_48 = arith.constant 0 : i32
        %dma_start3A_49 = arith.constant 0 : i32
        %dma_start3A_50 = tpu.memref_slice %arg5[%dma_start3A_48, %dma_start3A_49] : memref<128x128xf32, #tpu.memory_space<vmem>> -> memref<128x128xf32, #tpu.memory_space<vmem>>
        tpu.enqueue_dma source(%dma_start3A_50 : memref<128x128xf32, #tpu.memory_space<vmem>>) target(%dma_start3A_47 : memref<128x128xf32, #tpu.memory_space<vmem_shared>>) target_semaphore(%run_scoped3A : memref<!tpu.dma_semaphore, #tpu.memory_space<semaphore_mem>>)
        %dma_wait3A = arith.constant 0 : i32
        %dma_wait3A_51 = arith.constant 0 : i32
        %dma_wait3A_52 = tpu.memref_slice %arg5[%dma_wait3A, %dma_wait3A_51] : memref<128x128xf32, #tpu.memory_space<vmem>> -> memref<128x128xf32, #tpu.memory_space<vmem>>
        %dma_wait3A_53 = arith.constant 9360 : i32
        %dma_wait3A_54 = arith.constant 0 : i32
        %dma_wait3A_55 = tpu.memref_slice %arg6[%dma_wait3A_53, %dma_wait3A_54] : memref<10016x128xf32, #tpu.memory_space<vmem_shared>> -> memref<128x128xf32, #tpu.memory_space<vmem_shared>>
        %dma_wait3A_56 = arith.constant 9360 : i32
        %dma_wait3A_57 = arith.constant 0 : i32
        %dma_wait3A_58 = tpu.memref_slice %arg6[%dma_wait3A_56, %dma_wait3A_57] : memref<10016x128xf32, #tpu.memory_space<vmem_shared>> -> memref<128x128xf32, #tpu.memory_space<vmem_shared>>
        %dma_wait3A_59 = arith.constant 0 : i32
        %dma_wait3A_60 = arith.constant 0 : i32
        %dma_wait3A_61 = tpu.memref_slice %arg5[%dma_wait3A_59, %dma_wait3A_60] : memref<128x128xf32, #tpu.memory_space<vmem>> -> memref<128x128xf32, #tpu.memory_space<vmem>>
        tpu.wait_dma2 semaphore(%run_scoped3A : memref<!tpu.dma_semaphore, #tpu.memory_space<semaphore_mem>>) src(%dma_wait3A_61 : memref<128x128xf32, #tpu.memory_space<vmem>>) dst(%dma_wait3A_58 : memref<128x128xf32, #tpu.memory_space<vmem_shared>>)
        tpu.yield
      }) : () -> ()
      "tpu.region"() ({
        %run_scoped3A = tpu.sem_alloc : memref<!tpu.dma_semaphore, #tpu.memory_space<semaphore_mem>>
        %dma_start3A = arith.constant 0 : i32
        %dma_start3A_40 = arith.constant 0 : i32
        %dma_start3A_41 = tpu.memref_slice %arg5[%dma_start3A, %dma_start3A_40] : memref<128x128xf32, #tpu.memory_space<vmem>> -> memref<128x128xf32, #tpu.memory_space<vmem>>
        %dma_start3A_42 = arith.constant 9488 : i32
        %dma_start3A_43 = arith.constant 0 : i32
        %dma_start3A_44 = tpu.memref_slice %arg6[%dma_start3A_42, %dma_start3A_43] : memref<10016x128xf32, #tpu.memory_space<vmem_shared>> -> memref<128x128xf32, #tpu.memory_space<vmem_shared>>
        %dma_start3A_45 = arith.constant 9488 : i32
        %dma_start3A_46 = arith.constant 0 : i32
        %dma_start3A_47 = tpu.memref_slice %arg6[%dma_start3A_45, %dma_start3A_46] : memref<10016x128xf32, #tpu.memory_space<vmem_shared>> -> memref<128x128xf32, #tpu.memory_space<vmem_shared>>
        %dma_start3A_48 = arith.constant 0 : i32
        %dma_start3A_49 = arith.constant 0 : i32
        %dma_start3A_50 = tpu.memref_slice %arg5[%dma_start3A_48, %dma_start3A_49] : memref<128x128xf32, #tpu.memory_space<vmem>> -> memref<128x128xf32, #tpu.memory_space<vmem>>
        tpu.enqueue_dma source(%dma_start3A_50 : memref<128x128xf32, #tpu.memory_space<vmem>>) target(%dma_start3A_47 : memref<128x128xf32, #tpu.memory_space<vmem_shared>>) target_semaphore(%run_scoped3A : memref<!tpu.dma_semaphore, #tpu.memory_space<semaphore_mem>>)
        %dma_wait3A = arith.constant 0 : i32
        %dma_wait3A_51 = arith.constant 0 : i32
        %dma_wait3A_52 = tpu.memref_slice %arg5[%dma_wait3A, %dma_wait3A_51] : memref<128x128xf32, #tpu.memory_space<vmem>> -> memref<128x128xf32, #tpu.memory_space<vmem>>
        %dma_wait3A_53 = arith.constant 9488 : i32
        %dma_wait3A_54 = arith.constant 0 : i32
        %dma_wait3A_55 = tpu.memref_slice %arg6[%dma_wait3A_53, %dma_wait3A_54] : memref<10016x128xf32, #tpu.memory_space<vmem_shared>> -> memref<128x128xf32, #tpu.memory_space<vmem_shared>>
        %dma_wait3A_56 = arith.constant 9488 : i32
        %dma_wait3A_57 = arith.constant 0 : i32
        %dma_wait3A_58 = tpu.memref_slice %arg6[%dma_wait3A_56, %dma_wait3A_57] : memref<10016x128xf32, #tpu.memory_space<vmem_shared>> -> memref<128x128xf32, #tpu.memory_space<vmem_shared>>
        %dma_wait3A_59 = arith.constant 0 : i32
        %dma_wait3A_60 = arith.constant 0 : i32
        %dma_wait3A_61 = tpu.memref_slice %arg5[%dma_wait3A_59, %dma_wait3A_60] : memref<128x128xf32, #tpu.memory_space<vmem>> -> memref<128x128xf32, #tpu.memory_space<vmem>>
        tpu.wait_dma2 semaphore(%run_scoped3A : memref<!tpu.dma_semaphore, #tpu.memory_space<semaphore_mem>>) src(%dma_wait3A_61 : memref<128x128xf32, #tpu.memory_space<vmem>>) dst(%dma_wait3A_58 : memref<128x128xf32, #tpu.memory_space<vmem_shared>>)
        tpu.yield
      }) : () -> ()
      "tpu.region"() ({
        %run_scoped3A = tpu.sem_alloc : memref<!tpu.dma_semaphore, #tpu.memory_space<semaphore_mem>>
        %dma_start3A = arith.constant 0 : i32
        %dma_start3A_40 = arith.constant 0 : i32
        %dma_start3A_41 = tpu.memref_slice %arg5[%dma_start3A, %dma_start3A_40] : memref<128x128xf32, #tpu.memory_space<vmem>> -> memref<128x128xf32, #tpu.memory_space<vmem>>
        %dma_start3A_42 = arith.constant 9616 : i32
        %dma_start3A_43 = arith.constant 0 : i32
        %dma_start3A_44 = tpu.memref_slice %arg6[%dma_start3A_42, %dma_start3A_43] : memref<10016x128xf32, #tpu.memory_space<vmem_shared>> -> memref<128x128xf32, #tpu.memory_space<vmem_shared>>
        %dma_start3A_45 = arith.constant 9616 : i32
        %dma_start3A_46 = arith.constant 0 : i32
        %dma_start3A_47 = tpu.memref_slice %arg6[%dma_start3A_45, %dma_start3A_46] : memref<10016x128xf32, #tpu.memory_space<vmem_shared>> -> memref<128x128xf32, #tpu.memory_space<vmem_shared>>
        %dma_start3A_48 = arith.constant 0 : i32
        %dma_start3A_49 = arith.constant 0 : i32
        %dma_start3A_50 = tpu.memref_slice %arg5[%dma_start3A_48, %dma_start3A_49] : memref<128x128xf32, #tpu.memory_space<vmem>> -> memref<128x128xf32, #tpu.memory_space<vmem>>
        tpu.enqueue_dma source(%dma_start3A_50 : memref<128x128xf32, #tpu.memory_space<vmem>>) target(%dma_start3A_47 : memref<128x128xf32, #tpu.memory_space<vmem_shared>>) target_semaphore(%run_scoped3A : memref<!tpu.dma_semaphore, #tpu.memory_space<semaphore_mem>>)
        %dma_wait3A = arith.constant 0 : i32
        %dma_wait3A_51 = arith.constant 0 : i32
        %dma_wait3A_52 = tpu.memref_slice %arg5[%dma_wait3A, %dma_wait3A_51] : memref<128x128xf32, #tpu.memory_space<vmem>> -> memref<128x128xf32, #tpu.memory_space<vmem>>
        %dma_wait3A_53 = arith.constant 9616 : i32
        %dma_wait3A_54 = arith.constant 0 : i32
        %dma_wait3A_55 = tpu.memref_slice %arg6[%dma_wait3A_53, %dma_wait3A_54] : memref<10016x128xf32, #tpu.memory_space<vmem_shared>> -> memref<128x128xf32, #tpu.memory_space<vmem_shared>>
        %dma_wait3A_56 = arith.constant 9616 : i32
        %dma_wait3A_57 = arith.constant 0 : i32
        %dma_wait3A_58 = tpu.memref_slice %arg6[%dma_wait3A_56, %dma_wait3A_57] : memref<10016x128xf32, #tpu.memory_space<vmem_shared>> -> memref<128x128xf32, #tpu.memory_space<vmem_shared>>
        %dma_wait3A_59 = arith.constant 0 : i32
        %dma_wait3A_60 = arith.constant 0 : i32
        %dma_wait3A_61 = tpu.memref_slice %arg5[%dma_wait3A_59, %dma_wait3A_60] : memref<128x128xf32, #tpu.memory_space<vmem>> -> memref<128x128xf32, #tpu.memory_space<vmem>>
        tpu.wait_dma2 semaphore(%run_scoped3A : memref<!tpu.dma_semaphore, #tpu.memory_space<semaphore_mem>>) src(%dma_wait3A_61 : memref<128x128xf32, #tpu.memory_space<vmem>>) dst(%dma_wait3A_58 : memref<128x128xf32, #tpu.memory_space<vmem_shared>>)
        tpu.yield
      }) : () -> ()
      "tpu.region"() ({
        %run_scoped3A = tpu.sem_alloc : memref<!tpu.dma_semaphore, #tpu.memory_space<semaphore_mem>>
        %dma_start3A = arith.constant 0 : i32
        %dma_start3A_40 = arith.constant 0 : i32
        %dma_start3A_41 = tpu.memref_slice %arg5[%dma_start3A, %dma_start3A_40] : memref<128x128xf32, #tpu.memory_space<vmem>> -> memref<128x128xf32, #tpu.memory_space<vmem>>
        %dma_start3A_42 = arith.constant 9744 : i32
        %dma_start3A_43 = arith.constant 0 : i32
        %dma_start3A_44 = tpu.memref_slice %arg6[%dma_start3A_42, %dma_start3A_43] : memref<10016x128xf32, #tpu.memory_space<vmem_shared>> -> memref<128x128xf32, #tpu.memory_space<vmem_shared>>
        %dma_start3A_45 = arith.constant 9744 : i32
        %dma_start3A_46 = arith.constant 0 : i32
        %dma_start3A_47 = tpu.memref_slice %arg6[%dma_start3A_45, %dma_start3A_46] : memref<10016x128xf32, #tpu.memory_space<vmem_shared>> -> memref<128x128xf32, #tpu.memory_space<vmem_shared>>
        %dma_start3A_48 = arith.constant 0 : i32
        %dma_start3A_49 = arith.constant 0 : i32
        %dma_start3A_50 = tpu.memref_slice %arg5[%dma_start3A_48, %dma_start3A_49] : memref<128x128xf32, #tpu.memory_space<vmem>> -> memref<128x128xf32, #tpu.memory_space<vmem>>
        tpu.enqueue_dma source(%dma_start3A_50 : memref<128x128xf32, #tpu.memory_space<vmem>>) target(%dma_start3A_47 : memref<128x128xf32, #tpu.memory_space<vmem_shared>>) target_semaphore(%run_scoped3A : memref<!tpu.dma_semaphore, #tpu.memory_space<semaphore_mem>>)
        %dma_wait3A = arith.constant 0 : i32
        %dma_wait3A_51 = arith.constant 0 : i32
        %dma_wait3A_52 = tpu.memref_slice %arg5[%dma_wait3A, %dma_wait3A_51] : memref<128x128xf32, #tpu.memory_space<vmem>> -> memref<128x128xf32, #tpu.memory_space<vmem>>
        %dma_wait3A_53 = arith.constant 9744 : i32
        %dma_wait3A_54 = arith.constant 0 : i32
        %dma_wait3A_55 = tpu.memref_slice %arg6[%dma_wait3A_53, %dma_wait3A_54] : memref<10016x128xf32, #tpu.memory_space<vmem_shared>> -> memref<128x128xf32, #tpu.memory_space<vmem_shared>>
        %dma_wait3A_56 = arith.constant 9744 : i32
        %dma_wait3A_57 = arith.constant 0 : i32
        %dma_wait3A_58 = tpu.memref_slice %arg6[%dma_wait3A_56, %dma_wait3A_57] : memref<10016x128xf32, #tpu.memory_space<vmem_shared>> -> memref<128x128xf32, #tpu.memory_space<vmem_shared>>
        %dma_wait3A_59 = arith.constant 0 : i32
        %dma_wait3A_60 = arith.constant 0 : i32
        %dma_wait3A_61 = tpu.memref_slice %arg5[%dma_wait3A_59, %dma_wait3A_60] : memref<128x128xf32, #tpu.memory_space<vmem>> -> memref<128x128xf32, #tpu.memory_space<vmem>>
        tpu.wait_dma2 semaphore(%run_scoped3A : memref<!tpu.dma_semaphore, #tpu.memory_space<semaphore_mem>>) src(%dma_wait3A_61 : memref<128x128xf32, #tpu.memory_space<vmem>>) dst(%dma_wait3A_58 : memref<128x128xf32, #tpu.memory_space<vmem_shared>>)
        tpu.yield
      }) : () -> ()
      "tpu.region"() ({
        %run_scoped3A = tpu.sem_alloc : memref<!tpu.dma_semaphore, #tpu.memory_space<semaphore_mem>>
        %dma_start3A = arith.constant 0 : i32
        %dma_start3A_40 = arith.constant 0 : i32
        %dma_start3A_41 = tpu.memref_slice %arg5[%dma_start3A, %dma_start3A_40] : memref<128x128xf32, #tpu.memory_space<vmem>> -> memref<128x128xf32, #tpu.memory_space<vmem>>
        %dma_start3A_42 = arith.constant 9872 : i32
        %dma_start3A_43 = arith.constant 0 : i32
        %dma_start3A_44 = tpu.memref_slice %arg6[%dma_start3A_42, %dma_start3A_43] : memref<10016x128xf32, #tpu.memory_space<vmem_shared>> -> memref<128x128xf32, #tpu.memory_space<vmem_shared>>
        %dma_start3A_45 = arith.constant 9872 : i32
        %dma_start3A_46 = arith.constant 0 : i32
        %dma_start3A_47 = tpu.memref_slice %arg6[%dma_start3A_45, %dma_start3A_46] : memref<10016x128xf32, #tpu.memory_space<vmem_shared>> -> memref<128x128xf32, #tpu.memory_space<vmem_shared>>
        %dma_start3A_48 = arith.constant 0 : i32
        %dma_start3A_49 = arith.constant 0 : i32
        %dma_start3A_50 = tpu.memref_slice %arg5[%dma_start3A_48, %dma_start3A_49] : memref<128x128xf32, #tpu.memory_space<vmem>> -> memref<128x128xf32, #tpu.memory_space<vmem>>
        tpu.enqueue_dma source(%dma_start3A_50 : memref<128x128xf32, #tpu.memory_space<vmem>>) target(%dma_start3A_47 : memref<128x128xf32, #tpu.memory_space<vmem_shared>>) target_semaphore(%run_scoped3A : memref<!tpu.dma_semaphore, #tpu.memory_space<semaphore_mem>>)
        %dma_wait3A = arith.constant 0 : i32
        %dma_wait3A_51 = arith.constant 0 : i32
        %dma_wait3A_52 = tpu.memref_slice %arg5[%dma_wait3A, %dma_wait3A_51] : memref<128x128xf32, #tpu.memory_space<vmem>> -> memref<128x128xf32, #tpu.memory_space<vmem>>
        %dma_wait3A_53 = arith.constant 9872 : i32
        %dma_wait3A_54 = arith.constant 0 : i32
        %dma_wait3A_55 = tpu.memref_slice %arg6[%dma_wait3A_53, %dma_wait3A_54] : memref<10016x128xf32, #tpu.memory_space<vmem_shared>> -> memref<128x128xf32, #tpu.memory_space<vmem_shared>>
        %dma_wait3A_56 = arith.constant 9872 : i32
        %dma_wait3A_57 = arith.constant 0 : i32
        %dma_wait3A_58 = tpu.memref_slice %arg6[%dma_wait3A_56, %dma_wait3A_57] : memref<10016x128xf32, #tpu.memory_space<vmem_shared>> -> memref<128x128xf32, #tpu.memory_space<vmem_shared>>
        %dma_wait3A_59 = arith.constant 0 : i32
        %dma_wait3A_60 = arith.constant 0 : i32
        %dma_wait3A_61 = tpu.memref_slice %arg5[%dma_wait3A_59, %dma_wait3A_60] : memref<128x128xf32, #tpu.memory_space<vmem>> -> memref<128x128xf32, #tpu.memory_space<vmem>>
        tpu.wait_dma2 semaphore(%run_scoped3A : memref<!tpu.dma_semaphore, #tpu.memory_space<semaphore_mem>>) src(%dma_wait3A_61 : memref<128x128xf32, #tpu.memory_space<vmem>>) dst(%dma_wait3A_58 : memref<128x128xf32, #tpu.memory_space<vmem_shared>>)
        tpu.yield
      }) : () -> ()
      "tpu.region"() ({
        %run_scoped3A = tpu.sem_alloc : memref<!tpu.dma_semaphore, #tpu.memory_space<semaphore_mem>>
        %dma_start3A = arith.constant 0 : i32
        %dma_start3A_40 = arith.constant 0 : i32
        %dma_start3A_41 = tpu.memref_slice %arg5[%dma_start3A, %dma_start3A_40] : memref<128x128xf32, #tpu.memory_space<vmem>> -> memref<16x128xf32, #tpu.memory_space<vmem>>
        %dma_start3A_42 = arith.constant 10000 : i32
        %dma_start3A_43 = arith.constant 0 : i32
        %dma_start3A_44 = tpu.memref_slice %arg6[%dma_start3A_42, %dma_start3A_43] : memref<10016x128xf32, #tpu.memory_space<vmem_shared>> -> memref<16x128xf32, #tpu.memory_space<vmem_shared>>
        %dma_start3A_45 = arith.constant 10000 : i32
        %dma_start3A_46 = arith.constant 0 : i32
        %dma_start3A_47 = tpu.memref_slice %arg6[%dma_start3A_45, %dma_start3A_46] : memref<10016x128xf32, #tpu.memory_space<vmem_shared>> -> memref<16x128xf32, #tpu.memory_space<vmem_shared>>
        %dma_start3A_48 = arith.constant 0 : i32
        %dma_start3A_49 = arith.constant 0 : i32
        %dma_start3A_50 = tpu.memref_slice %arg5[%dma_start3A_48, %dma_start3A_49] : memref<128x128xf32, #tpu.memory_space<vmem>> -> memref<16x128xf32, #tpu.memory_space<vmem>>
        tpu.enqueue_dma source(%dma_start3A_50 : memref<16x128xf32, #tpu.memory_space<vmem>>) target(%dma_start3A_47 : memref<16x128xf32, #tpu.memory_space<vmem_shared>>) target_semaphore(%run_scoped3A : memref<!tpu.dma_semaphore, #tpu.memory_space<semaphore_mem>>)
        %dma_wait3A = arith.constant 0 : i32
        %dma_wait3A_51 = arith.constant 0 : i32
        %dma_wait3A_52 = tpu.memref_slice %arg5[%dma_wait3A, %dma_wait3A_51] : memref<128x128xf32, #tpu.memory_space<vmem>> -> memref<16x128xf32, #tpu.memory_space<vmem>>
        %dma_wait3A_53 = arith.constant 10000 : i32
        %dma_wait3A_54 = arith.constant 0 : i32
        %dma_wait3A_55 = tpu.memref_slice %arg6[%dma_wait3A_53, %dma_wait3A_54] : memref<10016x128xf32, #tpu.memory_space<vmem_shared>> -> memref<16x128xf32, #tpu.memory_space<vmem_shared>>
        %dma_wait3A_56 = arith.constant 10000 : i32
        %dma_wait3A_57 = arith.constant 0 : i32
        %dma_wait3A_58 = tpu.memref_slice %arg6[%dma_wait3A_56, %dma_wait3A_57] : memref<10016x128xf32, #tpu.memory_space<vmem_shared>> -> memref<16x128xf32, #tpu.memory_space<vmem_shared>>
        %dma_wait3A_59 = arith.constant 0 : i32
        %dma_wait3A_60 = arith.constant 0 : i32
        %dma_wait3A_61 = tpu.memref_slice %arg5[%dma_wait3A_59, %dma_wait3A_60] : memref<128x128xf32, #tpu.memory_space<vmem>> -> memref<16x128xf32, #tpu.memory_space<vmem>>
        tpu.wait_dma2 semaphore(%run_scoped3A : memref<!tpu.dma_semaphore, #tpu.memory_space<semaphore_mem>>) src(%dma_wait3A_61 : memref<16x128xf32, #tpu.memory_space<vmem>>) dst(%dma_wait3A_58 : memref<16x128xf32, #tpu.memory_space<vmem_shared>>)
        tpu.yield
      }) : () -> ()
    } else {
    }
    %broadcast_in_dim3A_15 = arith.constant 1.000000e+00 : f32
    %broadcast_in_dim3A_16 = vector.broadcast %broadcast_in_dim3A_15 : f32 to vector<16xf32>
    %scan3A_17 = arith.constant 0 : i32
    %scan3A_18 = arith.constant 0 : i32
    %scan3A_19 = arith.constant 128 : i32
    %scan3A_20 = arith.addi %scan3A_18, %scan3A_19 : i32
    %scan3A_21 = arith.constant 1 : i32
    scf.for %scan3A_40 = %scan3A_18 to %scan3A_20 step %scan3A_21  : i32 {
      %swap3A = arith.index_cast %scan3A_40 : i32 to index
      %swap3A_41 = arith.constant 0 : index
      %swap3A_42 = tpu.vector_load %arg5[%swap3A, %swap3A_41] {strides = array<i32>} : memref<128x128xf32, #tpu.memory_space<vmem>>, vector<1x16xf32>,
      %swap3A_43 = vector.shape_cast %swap3A_42 : vector<1x16xf32> to vector<16xf32>
      %swap3A_44 = vector.shape_cast %broadcast_in_dim3A_16 : vector<16xf32> to vector<1x16xf32>
      tpu.vector_store %arg5[%swap3A, %swap3A_41], %swap3A_44 {strides = array<i32>} : memref<128x128xf32, #tpu.memory_space<vmem>>, vector<1x16xf32>,
      %swap3A_45 = arith.index_cast %scan3A_40 : i32 to index
      %swap3A_46 = arith.constant 16 : index
      %swap3A_47 = tpu.vector_load %arg5[%swap3A_45, %swap3A_46] {strides = array<i32>} : memref<128x128xf32, #tpu.memory_space<vmem>>, vector<1x16xf32>,
      %swap3A_48 = vector.shape_cast %swap3A_47 : vector<1x16xf32> to vector<16xf32>
      %swap3A_49 = vector.shape_cast %broadcast_in_dim3A_16 : vector<16xf32> to vector<1x16xf32>
      tpu.vector_store %arg5[%swap3A_45, %swap3A_46], %swap3A_49 {strides = array<i32>} : memref<128x128xf32, #tpu.memory_space<vmem>>, vector<1x16xf32>,
      %swap3A_50 = arith.index_cast %scan3A_40 : i32 to index
      %swap3A_51 = arith.constant 32 : index
      %swap3A_52 = tpu.vector_load %arg5[%swap3A_50, %swap3A_51] {strides = array<i32>} : memref<128x128xf32, #tpu.memory_space<vmem>>, vector<1x16xf32>,
      %swap3A_53 = vector.shape_cast %swap3A_52 : vector<1x16xf32> to vector<16xf32>
      %swap3A_54 = vector.shape_cast %broadcast_in_dim3A_16 : vector<16xf32> to vector<1x16xf32>
      tpu.vector_store %arg5[%swap3A_50, %swap3A_51], %swap3A_54 {strides = array<i32>} : memref<128x128xf32, #tpu.memory_space<vmem>>, vector<1x16xf32>,
      %swap3A_55 = arith.index_cast %scan3A_40 : i32 to index
      %swap3A_56 = arith.constant 48 : index
      %swap3A_57 = tpu.vector_load %arg5[%swap3A_55, %swap3A_56] {strides = array<i32>} : memref<128x128xf32, #tpu.memory_space<vmem>>, vector<1x16xf32>,
      %swap3A_58 = vector.shape_cast %swap3A_57 : vector<1x16xf32> to vector<16xf32>
      %swap3A_59 = vector.shape_cast %broadcast_in_dim3A_16 : vector<16xf32> to vector<1x16xf32>
      tpu.vector_store %arg5[%swap3A_55, %swap3A_56], %swap3A_59 {strides = array<i32>} : memref<128x128xf32, #tpu.memory_space<vmem>>, vector<1x16xf32>,
      %swap3A_60 = arith.index_cast %scan3A_40 : i32 to index
      %swap3A_61 = arith.constant 64 : index
      %swap3A_62 = tpu.vector_load %arg5[%swap3A_60, %swap3A_61] {strides = array<i32>} : memref<128x128xf32, #tpu.memory_space<vmem>>, vector<1x16xf32>,
      %swap3A_63 = vector.shape_cast %swap3A_62 : vector<1x16xf32> to vector<16xf32>
      %swap3A_64 = vector.shape_cast %broadcast_in_dim3A_16 : vector<16xf32> to vector<1x16xf32>
      tpu.vector_store %arg5[%swap3A_60, %swap3A_61], %swap3A_64 {strides = array<i32>} : memref<128x128xf32, #tpu.memory_space<vmem>>, vector<1x16xf32>,
      %swap3A_65 = arith.index_cast %scan3A_40 : i32 to index
      %swap3A_66 = arith.constant 80 : index
      %swap3A_67 = tpu.vector_load %arg5[%swap3A_65, %swap3A_66] {strides = array<i32>} : memref<128x128xf32, #tpu.memory_space<vmem>>, vector<1x16xf32>,
      %swap3A_68 = vector.shape_cast %swap3A_67 : vector<1x16xf32> to vector<16xf32>
      %swap3A_69 = vector.shape_cast %broadcast_in_dim3A_16 : vector<16xf32> to vector<1x16xf32>
      tpu.vector_store %arg5[%swap3A_65, %swap3A_66], %swap3A_69 {strides = array<i32>} : memref<128x128xf32, #tpu.memory_space<vmem>>, vector<1x16xf32>,
      %swap3A_70 = arith.index_cast %scan3A_40 : i32 to index
      %swap3A_71 = arith.constant 96 : index
      %swap3A_72 = tpu.vector_load %arg5[%swap3A_70, %swap3A_71] {strides = array<i32>} : memref<128x128xf32, #tpu.memory_space<vmem>>, vector<1x16xf32>,
      %swap3A_73 = vector.shape_cast %swap3A_72 : vector<1x16xf32> to vector<16xf32>
      %swap3A_74 = vector.shape_cast %broadcast_in_dim3A_16 : vector<16xf32> to vector<1x16xf32>
      tpu.vector_store %arg5[%swap3A_70, %swap3A_71], %swap3A_74 {strides = array<i32>} : memref<128x128xf32, #tpu.memory_space<vmem>>, vector<1x16xf32>,
      %swap3A_75 = arith.index_cast %scan3A_40 : i32 to index
      %swap3A_76 = arith.constant 112 : index
      %swap3A_77 = tpu.vector_load %arg5[%swap3A_75, %swap3A_76] {strides = array<i32>} : memref<128x128xf32, #tpu.memory_space<vmem>>, vector<1x16xf32>,
      %swap3A_78 = vector.shape_cast %swap3A_77 : vector<1x16xf32> to vector<16xf32>
      %swap3A_79 = vector.shape_cast %broadcast_in_dim3A_16 : vector<16xf32> to vector<1x16xf32>
      tpu.vector_store %arg5[%swap3A_75, %swap3A_76], %swap3A_79 {strides = array<i32>} : memref<128x128xf32, #tpu.memory_space<vmem>>, vector<1x16xf32>,
    }
    %scan3A_22 = arith.constant 128 : i32
    %barrier3A = arith.constant 0 : index
    tpu.barrier barrier_id(%barrier3A)
    %scan3A_23 = arith.constant 0 : i32
    %scan3A_24 = arith.constant 0 : i32
    %scan3A_25 = arith.constant 158 : i32
    %scan3A_26 = arith.addi %scan3A_24, %scan3A_25 : i32
    %scan3A_27 = arith.constant 1 : i32
    scf.for %scan3A_40 = %scan3A_24 to %scan3A_26 step %scan3A_27  : i32 {
      %mul3A_41 = arith.constant 128 : i32
      %mul3A_42 = arith.muli %scan3A_40, %mul3A_41 : i32
      %add3A_43 = arith.addi %add3A, %mul3A_42 : i32
      "tpu.region"() ({
        %run_scoped3A = tpu.sem_alloc : memref<!tpu.dma_semaphore, #tpu.memory_space<semaphore_mem>>
        %dma_start3A = tpu.memref_slice %arg2[%add3A_43] : memref<647168xi32, #tpu.memory_space<hbm>> -> memref<128xi32, #tpu.memory_space<hbm>>
        %dma_start3A_44 = tpu.memref_slice %arg2[%add3A_43] : memref<647168xi32, #tpu.memory_space<hbm>> -> memref<128xi32, #tpu.memory_space<hbm>>
        tpu.enqueue_dma source(%dma_start3A_44 : memref<128xi32, #tpu.memory_space<hbm>>) target(%arg4 : memref<128xi32, #tpu.memory_space<vmem>>) target_semaphore(%run_scoped3A : memref<!tpu.dma_semaphore, #tpu.memory_space<semaphore_mem>>)
        %dma_wait3A = tpu.memref_slice %arg2[%add3A_43] : memref<647168xi32, #tpu.memory_space<hbm>> -> memref<128xi32, #tpu.memory_space<hbm>>
        %dma_wait3A_45 = tpu.memref_slice %arg2[%add3A_43] : memref<647168xi32, #tpu.memory_space<hbm>> -> memref<128xi32, #tpu.memory_space<hbm>>
        tpu.wait_dma2 semaphore(%run_scoped3A : memref<!tpu.dma_semaphore, #tpu.memory_space<semaphore_mem>>) src(%dma_wait3A_45 : memref<128xi32, #tpu.memory_space<hbm>>) dst(%arg4 : memref<128xi32, #tpu.memory_space<vmem>>)
        tpu.yield
      }) : () -> ()
      "tpu.region"() ({
        %run_scoped3A = tpu.sem_alloc : memref<!tpu.dma_semaphore, #tpu.memory_space<semaphore_mem>>
        %dma_start3A = arith.constant 0 : i32
        %dma_start3A_44 = arith.constant 0 : i32
        %dma_start3A_45 = tpu.memref_slice %arg6[%dma_start3A, %dma_start3A_44] : memref<10016x128xf32, #tpu.memory_space<vmem_shared>> -> memref<10016x128xf32, #tpu.memory_space<vmem_shared>>
        tpu.enqueue_indirect_dma source(%arg5 : memref<128x128xf32, #tpu.memory_space<vmem>>) target(%dma_start3A_45 : memref<10016x128xf32, #tpu.memory_space<vmem_shared>>) offsets(%arg4 : memref<128xi32, #tpu.memory_space<vmem>>) semaphore(%run_scoped3A : memref<!tpu.dma_semaphore, #tpu.memory_space<semaphore_mem>>) {add = true}
        %dma_wait3A = arith.constant 0 : i32
        %dma_wait3A_46 = arith.constant 0 : i32
        %dma_wait3A_47 = tpu.memref_slice %arg6[%dma_wait3A, %dma_wait3A_46] : memref<10016x128xf32, #tpu.memory_space<vmem_shared>> -> memref<10016x128xf32, #tpu.memory_space<vmem_shared>>
        tpu.wait_indirect_dma semaphore(%run_scoped3A : memref<!tpu.dma_semaphore, #tpu.memory_space<semaphore_mem>>) src(%arg5 : memref<128x128xf32, #tpu.memory_space<vmem>>) dst(%dma_wait3A_47 : memref<10016x128xf32, #tpu.memory_space<vmem_shared>>)
        tpu.yield
      }) : () -> ()
    }
    %scan3A_28 = arith.constant 158 : i32
    %barrier3A_29 = arith.constant 0 : index
    tpu.barrier barrier_id(%barrier3A_29)
    %lt3A_30 = arith.constant 15 : i32
    %lt3A_31 = arith.cmpi slt, %arg1, %lt3A_30 : i32
    %convert_element_type3A_32 = arith.extui %lt3A_31 : i1 to i32
    %cond3A_33 = arith.constant 0 : i32
    %cond3A_34 = arith.cmpi ne, %convert_element_type3A_32, %cond3A_33 : i32
    scf.if %cond3A_34 {
      %mul3A_40 = arith.constant 624 : i32
      %mul3A_41 = arith.muli %arg1, %mul3A_40 : i32
      %mul3A_42 = arith.constant 624 : i32
      %mul3A_43 = arith.muli %arg1, %mul3A_42 : i32
      "tpu.region"() ({
        %run_scoped3A = tpu.sem_alloc : memref<!tpu.dma_semaphore, #tpu.memory_space<semaphore_mem>>
        %dma_start3A = arith.constant 0 : i32
        %dma_start3A_44 = tpu.memref_slice %arg3[%arg0, %mul3A_43, %dma_start3A] : memref<2x10000x128xf32, #tpu.memory_space<hbm>> -> memref<1x624x128xf32, #tpu.memory_space<hbm>>
        %dma_start3A_45 = tpu.memref_squeeze %dma_start3A_44 : memref<1x624x128xf32, #tpu.memory_space<hbm>> -> memref<624x128xf32, #tpu.memory_space<hbm>>
        %dma_start3A_46 = arith.constant 0 : i32
        %dma_start3A_47 = tpu.memref_slice %arg6[%mul3A_41, %dma_start3A_46] : memref<10016x128xf32, #tpu.memory_space<vmem_shared>> -> memref<624x128xf32, #tpu.memory_space<vmem_shared>>
        tpu.enqueue_dma source(%dma_start3A_47 : memref<624x128xf32, #tpu.memory_space<vmem_shared>>) target(%dma_start3A_45 : memref<624x128xf32, #tpu.memory_space<hbm>>) target_semaphore(%run_scoped3A : memref<!tpu.dma_semaphore, #tpu.memory_space<semaphore_mem>>)
        %dma_wait3A = arith.constant 0 : i32
        %dma_wait3A_48 = tpu.memref_slice %arg3[%arg0, %mul3A_43, %dma_wait3A] : memref<2x10000x128xf32, #tpu.memory_space<hbm>> -> memref<1x624x128xf32, #tpu.memory_space<hbm>>
        %dma_wait3A_49 = tpu.memref_squeeze %dma_wait3A_48 : memref<1x624x128xf32, #tpu.memory_space<hbm>> -> memref<624x128xf32, #tpu.memory_space<hbm>>
        %dma_wait3A_50 = arith.constant 0 : i32
        %dma_wait3A_51 = tpu.memref_slice %arg6[%mul3A_41, %dma_wait3A_50] : memref<10016x128xf32, #tpu.memory_space<vmem_shared>> -> memref<624x128xf32, #tpu.memory_space<vmem_shared>>
        tpu.wait_dma2 semaphore(%run_scoped3A : memref<!tpu.dma_semaphore, #tpu.memory_space<semaphore_mem>>) src(%dma_wait3A_51 : memref<624x128xf32, #tpu.memory_space<vmem_shared>>) dst(%dma_wait3A_49 : memref<624x128xf32, #tpu.memory_space<hbm>>)
        tpu.yield
      }) : () -> ()
    } else {
    }
    %eq3A_35 = arith.constant 15 : i32
    %eq3A_36 = arith.cmpi eq, %arg1, %eq3A_35 : i32
    %convert_element_type3A_37 = arith.extui %eq3A_36 : i1 to i32
    %cond3A_38 = arith.constant 0 : i32
    %cond3A_39 = arith.cmpi ne, %convert_element_type3A_37, %cond3A_38 : i32
    scf.if %cond3A_39 {
      "tpu.region"() ({
        %run_scoped3A = tpu.sem_alloc : memref<!tpu.dma_semaphore, #tpu.memory_space<semaphore_mem>>
        %dma_start3A = arith.constant 9360 : i32
        %dma_start3A_40 = arith.constant 0 : i32
        %dma_start3A_41 = tpu.memref_slice %arg3[%arg0, %dma_start3A, %dma_start3A_40] : memref<2x10000x128xf32, #tpu.memory_space<hbm>> -> memref<1x640x128xf32, #tpu.memory_space<hbm>>
        %dma_start3A_42 = tpu.memref_squeeze %dma_start3A_41 : memref<1x640x128xf32, #tpu.memory_space<hbm>> -> memref<640x128xf32, #tpu.memory_space<hbm>>
        %dma_start3A_43 = arith.constant 9360 : i32
        %dma_start3A_44 = arith.constant 0 : i32
        %dma_start3A_45 = tpu.memref_slice %arg6[%dma_start3A_43, %dma_start3A_44] : memref<10016x128xf32, #tpu.memory_space<vmem_shared>> -> memref<640x128xf32, #tpu.memory_space<vmem_shared>>
        tpu.enqueue_dma source(%dma_start3A_45 : memref<640x128xf32, #tpu.memory_space<vmem_shared>>) target(%dma_start3A_42 : memref<640x128xf32, #tpu.memory_space<hbm>>) target_semaphore(%run_scoped3A : memref<!tpu.dma_semaphore, #tpu.memory_space<semaphore_mem>>)
        %dma_wait3A = arith.constant 9360 : i32
        %dma_wait3A_46 = arith.constant 0 : i32
        %dma_wait3A_47 = tpu.memref_slice %arg3[%arg0, %dma_wait3A, %dma_wait3A_46] : memref<2x10000x128xf32, #tpu.memory_space<hbm>> -> memref<1x640x128xf32, #tpu.memory_space<hbm>>
        %dma_wait3A_48 = tpu.memref_squeeze %dma_wait3A_47 : memref<1x640x128xf32, #tpu.memory_space<hbm>> -> memref<640x128xf32, #tpu.memory_space<hbm>>
        %dma_wait3A_49 = arith.constant 9360 : i32
        %dma_wait3A_50 = arith.constant 0 : i32
        %dma_wait3A_51 = tpu.memref_slice %arg6[%dma_wait3A_49, %dma_wait3A_50] : memref<10016x128xf32, #tpu.memory_space<vmem_shared>> -> memref<640x128xf32, #tpu.memory_space<vmem_shared>>
        tpu.wait_dma2 semaphore(%run_scoped3A : memref<!tpu.dma_semaphore, #tpu.memory_space<semaphore_mem>>) src(%dma_wait3A_51 : memref<640x128xf32, #tpu.memory_space<vmem_shared>>) dst(%dma_wait3A_48 : memref<640x128xf32, #tpu.memory_space<hbm>>)
        tpu.yield
      }) : () -> ()
    } else {
    }
    return
  }
}

#map = affine_map<(d0, d1) -> (0, 0)>
#map1 = affine_map<(d0, d1) -> (0)>
#map2 = affine_map<(d0, d1) -> (0, 0, 0)>
module attributes {stable_mosaic.version = 14 : i64} {
  func.func @edge_kernel(%arg0: i32, %arg1: i32, %arg2: memref<20000x128xf32, #tpu.memory_space<hbm>>, %arg3: memref<647168xi32, #tpu.memory_space<hbm>>, %arg4: memref<323584xi32, #tpu.memory_space<hbm>>, %arg5: memref<2x10000x128xf32, #tpu.memory_space<hbm>>, %arg6: memref<128xi32, #tpu.memory_space<vmem>>, %arg7: memref<128xi32, #tpu.memory_space<vmem>>, %arg8: memref<128xi32, #tpu.memory_space<vmem>>, %arg9: memref<128xi32, #tpu.memory_space<vmem>>, %arg10: memref<128x128xf32, #tpu.memory_space<vmem>>, %arg11: memref<128x128xf32, #tpu.memory_space<vmem>>, %arg12: memref<10016x128xf32, #tpu.memory_space<vmem_shared>>, %arg13: memref<!tpu.dma_semaphore, #tpu.memory_space<semaphore_mem>>, %arg14: memref<!tpu.dma_semaphore, #tpu.memory_space<semaphore_mem>>, %arg15: memref<!tpu.dma_semaphore, #tpu.memory_space<semaphore_mem>>, %arg16: memref<!tpu.dma_semaphore, #tpu.memory_space<semaphore_mem>>) attributes {dimension_semantics = [#tpu.dimension_semantics<core_parallel>, #tpu.dimension_semantics<subcore_parallel>], iteration_bounds = array<i64: 2, 16>, scalar_prefetch = 0 : i64, scratch_operands = 11 : i64, tpu.core_type = #tpu.core_type<sc_vector_subcore>, window_params = [{transform_indices = #map}, {transform_indices = #map1}, {transform_indices = #map1}, {transform_indices = #map2}]} {
    %mul3A = arith.constant 323584 : i32
    %mul3A_0 = arith.muli %arg0, %mul3A : i32
    %mul3A_1 = arith.constant 20224 : i32
    %mul3A_2 = arith.muli %arg1, %mul3A_1 : i32
    %add3A = arith.addi %mul3A_0, %mul3A_2 : i32
    %mul3A_3 = arith.constant 20224 : i32
    %mul3A_4 = arith.muli %arg1, %mul3A_3 : i32
    %broadcast_in_dim3A = arith.constant 0.000000e+00 : f32
    %broadcast_in_dim3A_5 = vector.broadcast %broadcast_in_dim3A : f32 to vector<16xf32>
    %scan3A = arith.constant 0 : i32
    %scan3A_6 = arith.constant 0 : i32
    %scan3A_7 = arith.constant 128 : i32
    %scan3A_8 = arith.addi %scan3A_6, %scan3A_7 : i32
    %scan3A_9 = arith.constant 1 : i32
    scf.for %scan3A_39 = %scan3A_6 to %scan3A_8 step %scan3A_9  : i32 {
      %swap3A = arith.index_cast %scan3A_39 : i32 to index
      %swap3A_40 = arith.constant 0 : index
      %swap3A_41 = tpu.vector_load %arg10[%swap3A, %swap3A_40] {strides = array<i32>} : memref<128x128xf32, #tpu.memory_space<vmem>>, vector<1x16xf32>,
      %swap3A_42 = vector.shape_cast %swap3A_41 : vector<1x16xf32> to vector<16xf32>
      %swap3A_43 = vector.shape_cast %broadcast_in_dim3A_5 : vector<16xf32> to vector<1x16xf32>
      tpu.vector_store %arg10[%swap3A, %swap3A_40], %swap3A_43 {strides = array<i32>} : memref<128x128xf32, #tpu.memory_space<vmem>>, vector<1x16xf32>,
      %swap3A_44 = arith.index_cast %scan3A_39 : i32 to index
      %swap3A_45 = arith.constant 16 : index
      %swap3A_46 = tpu.vector_load %arg10[%swap3A_44, %swap3A_45] {strides = array<i32>} : memref<128x128xf32, #tpu.memory_space<vmem>>, vector<1x16xf32>,
      %swap3A_47 = vector.shape_cast %swap3A_46 : vector<1x16xf32> to vector<16xf32>
      %swap3A_48 = vector.shape_cast %broadcast_in_dim3A_5 : vector<16xf32> to vector<1x16xf32>
      tpu.vector_store %arg10[%swap3A_44, %swap3A_45], %swap3A_48 {strides = array<i32>} : memref<128x128xf32, #tpu.memory_space<vmem>>, vector<1x16xf32>,
      %swap3A_49 = arith.index_cast %scan3A_39 : i32 to index
      %swap3A_50 = arith.constant 32 : index
      %swap3A_51 = tpu.vector_load %arg10[%swap3A_49, %swap3A_50] {strides = array<i32>} : memref<128x128xf32, #tpu.memory_space<vmem>>, vector<1x16xf32>,
      %swap3A_52 = vector.shape_cast %swap3A_51 : vector<1x16xf32> to vector<16xf32>
      %swap3A_53 = vector.shape_cast %broadcast_in_dim3A_5 : vector<16xf32> to vector<1x16xf32>
      tpu.vector_store %arg10[%swap3A_49, %swap3A_50], %swap3A_53 {strides = array<i32>} : memref<128x128xf32, #tpu.memory_space<vmem>>, vector<1x16xf32>,
      %swap3A_54 = arith.index_cast %scan3A_39 : i32 to index
      %swap3A_55 = arith.constant 48 : index
      %swap3A_56 = tpu.vector_load %arg10[%swap3A_54, %swap3A_55] {strides = array<i32>} : memref<128x128xf32, #tpu.memory_space<vmem>>, vector<1x16xf32>,
      %swap3A_57 = vector.shape_cast %swap3A_56 : vector<1x16xf32> to vector<16xf32>
      %swap3A_58 = vector.shape_cast %broadcast_in_dim3A_5 : vector<16xf32> to vector<1x16xf32>
      tpu.vector_store %arg10[%swap3A_54, %swap3A_55], %swap3A_58 {strides = array<i32>} : memref<128x128xf32, #tpu.memory_space<vmem>>, vector<1x16xf32>,
      %swap3A_59 = arith.index_cast %scan3A_39 : i32 to index
      %swap3A_60 = arith.constant 64 : index
      %swap3A_61 = tpu.vector_load %arg10[%swap3A_59, %swap3A_60] {strides = array<i32>} : memref<128x128xf32, #tpu.memory_space<vmem>>, vector<1x16xf32>,
      %swap3A_62 = vector.shape_cast %swap3A_61 : vector<1x16xf32> to vector<16xf32>
      %swap3A_63 = vector.shape_cast %broadcast_in_dim3A_5 : vector<16xf32> to vector<1x16xf32>
      tpu.vector_store %arg10[%swap3A_59, %swap3A_60], %swap3A_63 {strides = array<i32>} : memref<128x128xf32, #tpu.memory_space<vmem>>, vector<1x16xf32>,
      %swap3A_64 = arith.index_cast %scan3A_39 : i32 to index
      %swap3A_65 = arith.constant 80 : index
      %swap3A_66 = tpu.vector_load %arg10[%swap3A_64, %swap3A_65] {strides = array<i32>} : memref<128x128xf32, #tpu.memory_space<vmem>>, vector<1x16xf32>,
      %swap3A_67 = vector.shape_cast %swap3A_66 : vector<1x16xf32> to vector<16xf32>
      %swap3A_68 = vector.shape_cast %broadcast_in_dim3A_5 : vector<16xf32> to vector<1x16xf32>
      tpu.vector_store %arg10[%swap3A_64, %swap3A_65], %swap3A_68 {strides = array<i32>} : memref<128x128xf32, #tpu.memory_space<vmem>>, vector<1x16xf32>,
      %swap3A_69 = arith.index_cast %scan3A_39 : i32 to index
      %swap3A_70 = arith.constant 96 : index
      %swap3A_71 = tpu.vector_load %arg10[%swap3A_69, %swap3A_70] {strides = array<i32>} : memref<128x128xf32, #tpu.memory_space<vmem>>, vector<1x16xf32>,
      %swap3A_72 = vector.shape_cast %swap3A_71 : vector<1x16xf32> to vector<16xf32>
      %swap3A_73 = vector.shape_cast %broadcast_in_dim3A_5 : vector<16xf32> to vector<1x16xf32>
      tpu.vector_store %arg10[%swap3A_69, %swap3A_70], %swap3A_73 {strides = array<i32>} : memref<128x128xf32, #tpu.memory_space<vmem>>, vector<1x16xf32>,
      %swap3A_74 = arith.index_cast %scan3A_39 : i32 to index
      %swap3A_75 = arith.constant 112 : index
      %swap3A_76 = tpu.vector_load %arg10[%swap3A_74, %swap3A_75] {strides = array<i32>} : memref<128x128xf32, #tpu.memory_space<vmem>>, vector<1x16xf32>,
      %swap3A_77 = vector.shape_cast %swap3A_76 : vector<1x16xf32> to vector<16xf32>
      %swap3A_78 = vector.shape_cast %broadcast_in_dim3A_5 : vector<16xf32> to vector<1x16xf32>
      tpu.vector_store %arg10[%swap3A_74, %swap3A_75], %swap3A_78 {strides = array<i32>} : memref<128x128xf32, #tpu.memory_space<vmem>>, vector<1x16xf32>,
    }
    %scan3A_10 = arith.constant 128 : i32
    %lt3A = arith.constant 15 : i32
    %lt3A_11 = arith.cmpi slt, %arg1, %lt3A : i32
    %convert_element_type3A = arith.extui %lt3A_11 : i1 to i32
    %cond3A = arith.constant 0 : i32
    %cond3A_12 = arith.cmpi ne, %convert_element_type3A, %cond3A : i32
    scf.if %cond3A_12 {
      %mul3A_39 = arith.constant 624 : i32
      %mul3A_40 = arith.muli %arg1, %mul3A_39 : i32
      %add3A_41 = arith.constant 0 : i32
      %add3A_42 = arith.addi %mul3A_40, %add3A_41 : i32
      "tpu.region"() ({
        %run_scoped3A = tpu.sem_alloc : memref<!tpu.dma_semaphore, #tpu.memory_space<semaphore_mem>>
        %dma_start3A = arith.constant 0 : i32
        %dma_start3A_51 = arith.constant 0 : i32
        %dma_start3A_52 = tpu.memref_slice %arg10[%dma_start3A, %dma_start3A_51] : memref<128x128xf32, #tpu.memory_space<vmem>> -> memref<128x128xf32, #tpu.memory_space<vmem>>
        %dma_start3A_53 = arith.constant 0 : i32
        %dma_start3A_54 = tpu.memref_slice %arg12[%add3A_42, %dma_start3A_53] : memref<10016x128xf32, #tpu.memory_space<vmem_shared>> -> memref<128x128xf32, #tpu.memory_space<vmem_shared>>
        %dma_start3A_55 = arith.constant 0 : i32
        %dma_start3A_56 = tpu.memref_slice %arg12[%add3A_42, %dma_start3A_55] : memref<10016x128xf32, #tpu.memory_space<vmem_shared>> -> memref<128x128xf32, #tpu.memory_space<vmem_shared>>
        %dma_start3A_57 = arith.constant 0 : i32
        %dma_start3A_58 = arith.constant 0 : i32
        %dma_start3A_59 = tpu.memref_slice %arg10[%dma_start3A_57, %dma_start3A_58] : memref<128x128xf32, #tpu.memory_space<vmem>> -> memref<128x128xf32, #tpu.memory_space<vmem>>
        tpu.enqueue_dma source(%dma_start3A_59 : memref<128x128xf32, #tpu.memory_space<vmem>>) target(%dma_start3A_56 : memref<128x128xf32, #tpu.memory_space<vmem_shared>>) target_semaphore(%run_scoped3A : memref<!tpu.dma_semaphore, #tpu.memory_space<semaphore_mem>>)
        %dma_wait3A_60 = arith.constant 0 : i32
        %dma_wait3A_61 = arith.constant 0 : i32
        %dma_wait3A_62 = tpu.memref_slice %arg10[%dma_wait3A_60, %dma_wait3A_61] : memref<128x128xf32, #tpu.memory_space<vmem>> -> memref<128x128xf32, #tpu.memory_space<vmem>>
        %dma_wait3A_63 = arith.constant 0 : i32
        %dma_wait3A_64 = tpu.memref_slice %arg12[%add3A_42, %dma_wait3A_63] : memref<10016x128xf32, #tpu.memory_space<vmem_shared>> -> memref<128x128xf32, #tpu.memory_space<vmem_shared>>
        %dma_wait3A_65 = arith.constant 0 : i32
        %dma_wait3A_66 = tpu.memref_slice %arg12[%add3A_42, %dma_wait3A_65] : memref<10016x128xf32, #tpu.memory_space<vmem_shared>> -> memref<128x128xf32, #tpu.memory_space<vmem_shared>>
        %dma_wait3A_67 = arith.constant 0 : i32
        %dma_wait3A_68 = arith.constant 0 : i32
        %dma_wait3A_69 = tpu.memref_slice %arg10[%dma_wait3A_67, %dma_wait3A_68] : memref<128x128xf32, #tpu.memory_space<vmem>> -> memref<128x128xf32, #tpu.memory_space<vmem>>
        tpu.wait_dma2 semaphore(%run_scoped3A : memref<!tpu.dma_semaphore, #tpu.memory_space<semaphore_mem>>) src(%dma_wait3A_69 : memref<128x128xf32, #tpu.memory_space<vmem>>) dst(%dma_wait3A_66 : memref<128x128xf32, #tpu.memory_space<vmem_shared>>)
        tpu.yield
      }) : () -> ()
      %add3A_43 = arith.constant 128 : i32
      %add3A_44 = arith.addi %mul3A_40, %add3A_43 : i32
      "tpu.region"() ({
        %run_scoped3A = tpu.sem_alloc : memref<!tpu.dma_semaphore, #tpu.memory_space<semaphore_mem>>
        %dma_start3A = arith.constant 0 : i32
        %dma_start3A_51 = arith.constant 0 : i32
        %dma_start3A_52 = tpu.memref_slice %arg10[%dma_start3A, %dma_start3A_51] : memref<128x128xf32, #tpu.memory_space<vmem>> -> memref<128x128xf32, #tpu.memory_space<vmem>>
        %dma_start3A_53 = arith.constant 0 : i32
        %dma_start3A_54 = tpu.memref_slice %arg12[%add3A_44, %dma_start3A_53] : memref<10016x128xf32, #tpu.memory_space<vmem_shared>> -> memref<128x128xf32, #tpu.memory_space<vmem_shared>>
        %dma_start3A_55 = arith.constant 0 : i32
        %dma_start3A_56 = tpu.memref_slice %arg12[%add3A_44, %dma_start3A_55] : memref<10016x128xf32, #tpu.memory_space<vmem_shared>> -> memref<128x128xf32, #tpu.memory_space<vmem_shared>>
        %dma_start3A_57 = arith.constant 0 : i32
        %dma_start3A_58 = arith.constant 0 : i32
        %dma_start3A_59 = tpu.memref_slice %arg10[%dma_start3A_57, %dma_start3A_58] : memref<128x128xf32, #tpu.memory_space<vmem>> -> memref<128x128xf32, #tpu.memory_space<vmem>>
        tpu.enqueue_dma source(%dma_start3A_59 : memref<128x128xf32, #tpu.memory_space<vmem>>) target(%dma_start3A_56 : memref<128x128xf32, #tpu.memory_space<vmem_shared>>) target_semaphore(%run_scoped3A : memref<!tpu.dma_semaphore, #tpu.memory_space<semaphore_mem>>)
        %dma_wait3A_60 = arith.constant 0 : i32
        %dma_wait3A_61 = arith.constant 0 : i32
        %dma_wait3A_62 = tpu.memref_slice %arg10[%dma_wait3A_60, %dma_wait3A_61] : memref<128x128xf32, #tpu.memory_space<vmem>> -> memref<128x128xf32, #tpu.memory_space<vmem>>
        %dma_wait3A_63 = arith.constant 0 : i32
        %dma_wait3A_64 = tpu.memref_slice %arg12[%add3A_44, %dma_wait3A_63] : memref<10016x128xf32, #tpu.memory_space<vmem_shared>> -> memref<128x128xf32, #tpu.memory_space<vmem_shared>>
        %dma_wait3A_65 = arith.constant 0 : i32
        %dma_wait3A_66 = tpu.memref_slice %arg12[%add3A_44, %dma_wait3A_65] : memref<10016x128xf32, #tpu.memory_space<vmem_shared>> -> memref<128x128xf32, #tpu.memory_space<vmem_shared>>
        %dma_wait3A_67 = arith.constant 0 : i32
        %dma_wait3A_68 = arith.constant 0 : i32
        %dma_wait3A_69 = tpu.memref_slice %arg10[%dma_wait3A_67, %dma_wait3A_68] : memref<128x128xf32, #tpu.memory_space<vmem>> -> memref<128x128xf32, #tpu.memory_space<vmem>>
        tpu.wait_dma2 semaphore(%run_scoped3A : memref<!tpu.dma_semaphore, #tpu.memory_space<semaphore_mem>>) src(%dma_wait3A_69 : memref<128x128xf32, #tpu.memory_space<vmem>>) dst(%dma_wait3A_66 : memref<128x128xf32, #tpu.memory_space<vmem_shared>>)
        tpu.yield
      }) : () -> ()
      %add3A_45 = arith.constant 256 : i32
      %add3A_46 = arith.addi %mul3A_40, %add3A_45 : i32
      "tpu.region"() ({
        %run_scoped3A = tpu.sem_alloc : memref<!tpu.dma_semaphore, #tpu.memory_space<semaphore_mem>>
        %dma_start3A = arith.constant 0 : i32
        %dma_start3A_51 = arith.constant 0 : i32
        %dma_start3A_52 = tpu.memref_slice %arg10[%dma_start3A, %dma_start3A_51] : memref<128x128xf32, #tpu.memory_space<vmem>> -> memref<128x128xf32, #tpu.memory_space<vmem>>
        %dma_start3A_53 = arith.constant 0 : i32
        %dma_start3A_54 = tpu.memref_slice %arg12[%add3A_46, %dma_start3A_53] : memref<10016x128xf32, #tpu.memory_space<vmem_shared>> -> memref<128x128xf32, #tpu.memory_space<vmem_shared>>
        %dma_start3A_55 = arith.constant 0 : i32
        %dma_start3A_56 = tpu.memref_slice %arg12[%add3A_46, %dma_start3A_55] : memref<10016x128xf32, #tpu.memory_space<vmem_shared>> -> memref<128x128xf32, #tpu.memory_space<vmem_shared>>
        %dma_start3A_57 = arith.constant 0 : i32
        %dma_start3A_58 = arith.constant 0 : i32
        %dma_start3A_59 = tpu.memref_slice %arg10[%dma_start3A_57, %dma_start3A_58] : memref<128x128xf32, #tpu.memory_space<vmem>> -> memref<128x128xf32, #tpu.memory_space<vmem>>
        tpu.enqueue_dma source(%dma_start3A_59 : memref<128x128xf32, #tpu.memory_space<vmem>>) target(%dma_start3A_56 : memref<128x128xf32, #tpu.memory_space<vmem_shared>>) target_semaphore(%run_scoped3A : memref<!tpu.dma_semaphore, #tpu.memory_space<semaphore_mem>>)
        %dma_wait3A_60 = arith.constant 0 : i32
        %dma_wait3A_61 = arith.constant 0 : i32
        %dma_wait3A_62 = tpu.memref_slice %arg10[%dma_wait3A_60, %dma_wait3A_61] : memref<128x128xf32, #tpu.memory_space<vmem>> -> memref<128x128xf32, #tpu.memory_space<vmem>>
        %dma_wait3A_63 = arith.constant 0 : i32
        %dma_wait3A_64 = tpu.memref_slice %arg12[%add3A_46, %dma_wait3A_63] : memref<10016x128xf32, #tpu.memory_space<vmem_shared>> -> memref<128x128xf32, #tpu.memory_space<vmem_shared>>
        %dma_wait3A_65 = arith.constant 0 : i32
        %dma_wait3A_66 = tpu.memref_slice %arg12[%add3A_46, %dma_wait3A_65] : memref<10016x128xf32, #tpu.memory_space<vmem_shared>> -> memref<128x128xf32, #tpu.memory_space<vmem_shared>>
        %dma_wait3A_67 = arith.constant 0 : i32
        %dma_wait3A_68 = arith.constant 0 : i32
        %dma_wait3A_69 = tpu.memref_slice %arg10[%dma_wait3A_67, %dma_wait3A_68] : memref<128x128xf32, #tpu.memory_space<vmem>> -> memref<128x128xf32, #tpu.memory_space<vmem>>
        tpu.wait_dma2 semaphore(%run_scoped3A : memref<!tpu.dma_semaphore, #tpu.memory_space<semaphore_mem>>) src(%dma_wait3A_69 : memref<128x128xf32, #tpu.memory_space<vmem>>) dst(%dma_wait3A_66 : memref<128x128xf32, #tpu.memory_space<vmem_shared>>)
        tpu.yield
      }) : () -> ()
      %add3A_47 = arith.constant 384 : i32
      %add3A_48 = arith.addi %mul3A_40, %add3A_47 : i32
      "tpu.region"() ({
        %run_scoped3A = tpu.sem_alloc : memref<!tpu.dma_semaphore, #tpu.memory_space<semaphore_mem>>
        %dma_start3A = arith.constant 0 : i32
        %dma_start3A_51 = arith.constant 0 : i32
        %dma_start3A_52 = tpu.memref_slice %arg10[%dma_start3A, %dma_start3A_51] : memref<128x128xf32, #tpu.memory_space<vmem>> -> memref<128x128xf32, #tpu.memory_space<vmem>>
        %dma_start3A_53 = arith.constant 0 : i32
        %dma_start3A_54 = tpu.memref_slice %arg12[%add3A_48, %dma_start3A_53] : memref<10016x128xf32, #tpu.memory_space<vmem_shared>> -> memref<128x128xf32, #tpu.memory_space<vmem_shared>>
        %dma_start3A_55 = arith.constant 0 : i32
        %dma_start3A_56 = tpu.memref_slice %arg12[%add3A_48, %dma_start3A_55] : memref<10016x128xf32, #tpu.memory_space<vmem_shared>> -> memref<128x128xf32, #tpu.memory_space<vmem_shared>>
        %dma_start3A_57 = arith.constant 0 : i32
        %dma_start3A_58 = arith.constant 0 : i32
        %dma_start3A_59 = tpu.memref_slice %arg10[%dma_start3A_57, %dma_start3A_58] : memref<128x128xf32, #tpu.memory_space<vmem>> -> memref<128x128xf32, #tpu.memory_space<vmem>>
        tpu.enqueue_dma source(%dma_start3A_59 : memref<128x128xf32, #tpu.memory_space<vmem>>) target(%dma_start3A_56 : memref<128x128xf32, #tpu.memory_space<vmem_shared>>) target_semaphore(%run_scoped3A : memref<!tpu.dma_semaphore, #tpu.memory_space<semaphore_mem>>)
        %dma_wait3A_60 = arith.constant 0 : i32
        %dma_wait3A_61 = arith.constant 0 : i32
        %dma_wait3A_62 = tpu.memref_slice %arg10[%dma_wait3A_60, %dma_wait3A_61] : memref<128x128xf32, #tpu.memory_space<vmem>> -> memref<128x128xf32, #tpu.memory_space<vmem>>
        %dma_wait3A_63 = arith.constant 0 : i32
        %dma_wait3A_64 = tpu.memref_slice %arg12[%add3A_48, %dma_wait3A_63] : memref<10016x128xf32, #tpu.memory_space<vmem_shared>> -> memref<128x128xf32, #tpu.memory_space<vmem_shared>>
        %dma_wait3A_65 = arith.constant 0 : i32
        %dma_wait3A_66 = tpu.memref_slice %arg12[%add3A_48, %dma_wait3A_65] : memref<10016x128xf32, #tpu.memory_space<vmem_shared>> -> memref<128x128xf32, #tpu.memory_space<vmem_shared>>
        %dma_wait3A_67 = arith.constant 0 : i32
        %dma_wait3A_68 = arith.constant 0 : i32
        %dma_wait3A_69 = tpu.memref_slice %arg10[%dma_wait3A_67, %dma_wait3A_68] : memref<128x128xf32, #tpu.memory_space<vmem>> -> memref<128x128xf32, #tpu.memory_space<vmem>>
        tpu.wait_dma2 semaphore(%run_scoped3A : memref<!tpu.dma_semaphore, #tpu.memory_space<semaphore_mem>>) src(%dma_wait3A_69 : memref<128x128xf32, #tpu.memory_space<vmem>>) dst(%dma_wait3A_66 : memref<128x128xf32, #tpu.memory_space<vmem_shared>>)
        tpu.yield
      }) : () -> ()
      %add3A_49 = arith.constant 512 : i32
      %add3A_50 = arith.addi %mul3A_40, %add3A_49 : i32
      "tpu.region"() ({
        %run_scoped3A = tpu.sem_alloc : memref<!tpu.dma_semaphore, #tpu.memory_space<semaphore_mem>>
        %dma_start3A = arith.constant 0 : i32
        %dma_start3A_51 = arith.constant 0 : i32
        %dma_start3A_52 = tpu.memref_slice %arg10[%dma_start3A, %dma_start3A_51] : memref<128x128xf32, #tpu.memory_space<vmem>> -> memref<112x128xf32, #tpu.memory_space<vmem>>
        %dma_start3A_53 = arith.constant 0 : i32
        %dma_start3A_54 = tpu.memref_slice %arg12[%add3A_50, %dma_start3A_53] : memref<10016x128xf32, #tpu.memory_space<vmem_shared>> -> memref<112x128xf32, #tpu.memory_space<vmem_shared>>
        %dma_start3A_55 = arith.constant 0 : i32
        %dma_start3A_56 = tpu.memref_slice %arg12[%add3A_50, %dma_start3A_55] : memref<10016x128xf32, #tpu.memory_space<vmem_shared>> -> memref<112x128xf32, #tpu.memory_space<vmem_shared>>
        %dma_start3A_57 = arith.constant 0 : i32
        %dma_start3A_58 = arith.constant 0 : i32
        %dma_start3A_59 = tpu.memref_slice %arg10[%dma_start3A_57, %dma_start3A_58] : memref<128x128xf32, #tpu.memory_space<vmem>> -> memref<112x128xf32, #tpu.memory_space<vmem>>
        tpu.enqueue_dma source(%dma_start3A_59 : memref<112x128xf32, #tpu.memory_space<vmem>>) target(%dma_start3A_56 : memref<112x128xf32, #tpu.memory_space<vmem_shared>>) target_semaphore(%run_scoped3A : memref<!tpu.dma_semaphore, #tpu.memory_space<semaphore_mem>>)
        %dma_wait3A_60 = arith.constant 0 : i32
        %dma_wait3A_61 = arith.constant 0 : i32
        %dma_wait3A_62 = tpu.memref_slice %arg10[%dma_wait3A_60, %dma_wait3A_61] : memref<128x128xf32, #tpu.memory_space<vmem>> -> memref<112x128xf32, #tpu.memory_space<vmem>>
        %dma_wait3A_63 = arith.constant 0 : i32
        %dma_wait3A_64 = tpu.memref_slice %arg12[%add3A_50, %dma_wait3A_63] : memref<10016x128xf32, #tpu.memory_space<vmem_shared>> -> memref<112x128xf32, #tpu.memory_space<vmem_shared>>
        %dma_wait3A_65 = arith.constant 0 : i32
        %dma_wait3A_66 = tpu.memref_slice %arg12[%add3A_50, %dma_wait3A_65] : memref<10016x128xf32, #tpu.memory_space<vmem_shared>> -> memref<112x128xf32, #tpu.memory_space<vmem_shared>>
        %dma_wait3A_67 = arith.constant 0 : i32
        %dma_wait3A_68 = arith.constant 0 : i32
        %dma_wait3A_69 = tpu.memref_slice %arg10[%dma_wait3A_67, %dma_wait3A_68] : memref<128x128xf32, #tpu.memory_space<vmem>> -> memref<112x128xf32, #tpu.memory_space<vmem>>
        tpu.wait_dma2 semaphore(%run_scoped3A : memref<!tpu.dma_semaphore, #tpu.memory_space<semaphore_mem>>) src(%dma_wait3A_69 : memref<112x128xf32, #tpu.memory_space<vmem>>) dst(%dma_wait3A_66 : memref<112x128xf32, #tpu.memory_space<vmem_shared>>)
        tpu.yield
      }) : () -> ()
    } else {
    }
    %eq3A = arith.constant 15 : i32
    %eq3A_13 = arith.cmpi eq, %arg1, %eq3A : i32
    %convert_element_type3A_14 = arith.extui %eq3A_13 : i1 to i32
    %cond3A_15 = arith.constant 0 : i32
    %cond3A_16 = arith.cmpi ne, %convert_element_type3A_14, %cond3A_15 : i32
    scf.if %cond3A_16 {
      "tpu.region"() ({
        %run_scoped3A = tpu.sem_alloc : memref<!tpu.dma_semaphore, #tpu.memory_space<semaphore_mem>>
        %dma_start3A = arith.constant 0 : i32
        %dma_start3A_39 = arith.constant 0 : i32
        %dma_start3A_40 = tpu.memref_slice %arg10[%dma_start3A, %dma_start3A_39] : memref<128x128xf32, #tpu.memory_space<vmem>> -> memref<128x128xf32, #tpu.memory_space<vmem>>
        %dma_start3A_41 = arith.constant 9360 : i32
        %dma_start3A_42 = arith.constant 0 : i32
        %dma_start3A_43 = tpu.memref_slice %arg12[%dma_start3A_41, %dma_start3A_42] : memref<10016x128xf32, #tpu.memory_space<vmem_shared>> -> memref<128x128xf32, #tpu.memory_space<vmem_shared>>
        %dma_start3A_44 = arith.constant 9360 : i32
        %dma_start3A_45 = arith.constant 0 : i32
        %dma_start3A_46 = tpu.memref_slice %arg12[%dma_start3A_44, %dma_start3A_45] : memref<10016x128xf32, #tpu.memory_space<vmem_shared>> -> memref<128x128xf32, #tpu.memory_space<vmem_shared>>
        %dma_start3A_47 = arith.constant 0 : i32
        %dma_start3A_48 = arith.constant 0 : i32
        %dma_start3A_49 = tpu.memref_slice %arg10[%dma_start3A_47, %dma_start3A_48] : memref<128x128xf32, #tpu.memory_space<vmem>> -> memref<128x128xf32, #tpu.memory_space<vmem>>
        tpu.enqueue_dma source(%dma_start3A_49 : memref<128x128xf32, #tpu.memory_space<vmem>>) target(%dma_start3A_46 : memref<128x128xf32, #tpu.memory_space<vmem_shared>>) target_semaphore(%run_scoped3A : memref<!tpu.dma_semaphore, #tpu.memory_space<semaphore_mem>>)
        %dma_wait3A_50 = arith.constant 0 : i32
        %dma_wait3A_51 = arith.constant 0 : i32
        %dma_wait3A_52 = tpu.memref_slice %arg10[%dma_wait3A_50, %dma_wait3A_51] : memref<128x128xf32, #tpu.memory_space<vmem>> -> memref<128x128xf32, #tpu.memory_space<vmem>>
        %dma_wait3A_53 = arith.constant 9360 : i32
        %dma_wait3A_54 = arith.constant 0 : i32
        %dma_wait3A_55 = tpu.memref_slice %arg12[%dma_wait3A_53, %dma_wait3A_54] : memref<10016x128xf32, #tpu.memory_space<vmem_shared>> -> memref<128x128xf32, #tpu.memory_space<vmem_shared>>
        %dma_wait3A_56 = arith.constant 9360 : i32
        %dma_wait3A_57 = arith.constant 0 : i32
        %dma_wait3A_58 = tpu.memref_slice %arg12[%dma_wait3A_56, %dma_wait3A_57] : memref<10016x128xf32, #tpu.memory_space<vmem_shared>> -> memref<128x128xf32, #tpu.memory_space<vmem_shared>>
        %dma_wait3A_59 = arith.constant 0 : i32
        %dma_wait3A_60 = arith.constant 0 : i32
        %dma_wait3A_61 = tpu.memref_slice %arg10[%dma_wait3A_59, %dma_wait3A_60] : memref<128x128xf32, #tpu.memory_space<vmem>> -> memref<128x128xf32, #tpu.memory_space<vmem>>
        tpu.wait_dma2 semaphore(%run_scoped3A : memref<!tpu.dma_semaphore, #tpu.memory_space<semaphore_mem>>) src(%dma_wait3A_61 : memref<128x128xf32, #tpu.memory_space<vmem>>) dst(%dma_wait3A_58 : memref<128x128xf32, #tpu.memory_space<vmem_shared>>)
        tpu.yield
      }) : () -> ()
      "tpu.region"() ({
        %run_scoped3A = tpu.sem_alloc : memref<!tpu.dma_semaphore, #tpu.memory_space<semaphore_mem>>
        %dma_start3A = arith.constant 0 : i32
        %dma_start3A_39 = arith.constant 0 : i32
        %dma_start3A_40 = tpu.memref_slice %arg10[%dma_start3A, %dma_start3A_39] : memref<128x128xf32, #tpu.memory_space<vmem>> -> memref<128x128xf32, #tpu.memory_space<vmem>>
        %dma_start3A_41 = arith.constant 9488 : i32
        %dma_start3A_42 = arith.constant 0 : i32
        %dma_start3A_43 = tpu.memref_slice %arg12[%dma_start3A_41, %dma_start3A_42] : memref<10016x128xf32, #tpu.memory_space<vmem_shared>> -> memref<128x128xf32, #tpu.memory_space<vmem_shared>>
        %dma_start3A_44 = arith.constant 9488 : i32
        %dma_start3A_45 = arith.constant 0 : i32
        %dma_start3A_46 = tpu.memref_slice %arg12[%dma_start3A_44, %dma_start3A_45] : memref<10016x128xf32, #tpu.memory_space<vmem_shared>> -> memref<128x128xf32, #tpu.memory_space<vmem_shared>>
        %dma_start3A_47 = arith.constant 0 : i32
        %dma_start3A_48 = arith.constant 0 : i32
        %dma_start3A_49 = tpu.memref_slice %arg10[%dma_start3A_47, %dma_start3A_48] : memref<128x128xf32, #tpu.memory_space<vmem>> -> memref<128x128xf32, #tpu.memory_space<vmem>>
        tpu.enqueue_dma source(%dma_start3A_49 : memref<128x128xf32, #tpu.memory_space<vmem>>) target(%dma_start3A_46 : memref<128x128xf32, #tpu.memory_space<vmem_shared>>) target_semaphore(%run_scoped3A : memref<!tpu.dma_semaphore, #tpu.memory_space<semaphore_mem>>)
        %dma_wait3A_50 = arith.constant 0 : i32
        %dma_wait3A_51 = arith.constant 0 : i32
        %dma_wait3A_52 = tpu.memref_slice %arg10[%dma_wait3A_50, %dma_wait3A_51] : memref<128x128xf32, #tpu.memory_space<vmem>> -> memref<128x128xf32, #tpu.memory_space<vmem>>
        %dma_wait3A_53 = arith.constant 9488 : i32
        %dma_wait3A_54 = arith.constant 0 : i32
        %dma_wait3A_55 = tpu.memref_slice %arg12[%dma_wait3A_53, %dma_wait3A_54] : memref<10016x128xf32, #tpu.memory_space<vmem_shared>> -> memref<128x128xf32, #tpu.memory_space<vmem_shared>>
        %dma_wait3A_56 = arith.constant 9488 : i32
        %dma_wait3A_57 = arith.constant 0 : i32
        %dma_wait3A_58 = tpu.memref_slice %arg12[%dma_wait3A_56, %dma_wait3A_57] : memref<10016x128xf32, #tpu.memory_space<vmem_shared>> -> memref<128x128xf32, #tpu.memory_space<vmem_shared>>
        %dma_wait3A_59 = arith.constant 0 : i32
        %dma_wait3A_60 = arith.constant 0 : i32
        %dma_wait3A_61 = tpu.memref_slice %arg10[%dma_wait3A_59, %dma_wait3A_60] : memref<128x128xf32, #tpu.memory_space<vmem>> -> memref<128x128xf32, #tpu.memory_space<vmem>>
        tpu.wait_dma2 semaphore(%run_scoped3A : memref<!tpu.dma_semaphore, #tpu.memory_space<semaphore_mem>>) src(%dma_wait3A_61 : memref<128x128xf32, #tpu.memory_space<vmem>>) dst(%dma_wait3A_58 : memref<128x128xf32, #tpu.memory_space<vmem_shared>>)
        tpu.yield
      }) : () -> ()
      "tpu.region"() ({
        %run_scoped3A = tpu.sem_alloc : memref<!tpu.dma_semaphore, #tpu.memory_space<semaphore_mem>>
        %dma_start3A = arith.constant 0 : i32
        %dma_start3A_39 = arith.constant 0 : i32
        %dma_start3A_40 = tpu.memref_slice %arg10[%dma_start3A, %dma_start3A_39] : memref<128x128xf32, #tpu.memory_space<vmem>> -> memref<128x128xf32, #tpu.memory_space<vmem>>
        %dma_start3A_41 = arith.constant 9616 : i32
        %dma_start3A_42 = arith.constant 0 : i32
        %dma_start3A_43 = tpu.memref_slice %arg12[%dma_start3A_41, %dma_start3A_42] : memref<10016x128xf32, #tpu.memory_space<vmem_shared>> -> memref<128x128xf32, #tpu.memory_space<vmem_shared>>
        %dma_start3A_44 = arith.constant 9616 : i32
        %dma_start3A_45 = arith.constant 0 : i32
        %dma_start3A_46 = tpu.memref_slice %arg12[%dma_start3A_44, %dma_start3A_45] : memref<10016x128xf32, #tpu.memory_space<vmem_shared>> -> memref<128x128xf32, #tpu.memory_space<vmem_shared>>
        %dma_start3A_47 = arith.constant 0 : i32
        %dma_start3A_48 = arith.constant 0 : i32
        %dma_start3A_49 = tpu.memref_slice %arg10[%dma_start3A_47, %dma_start3A_48] : memref<128x128xf32, #tpu.memory_space<vmem>> -> memref<128x128xf32, #tpu.memory_space<vmem>>
        tpu.enqueue_dma source(%dma_start3A_49 : memref<128x128xf32, #tpu.memory_space<vmem>>) target(%dma_start3A_46 : memref<128x128xf32, #tpu.memory_space<vmem_shared>>) target_semaphore(%run_scoped3A : memref<!tpu.dma_semaphore, #tpu.memory_space<semaphore_mem>>)
        %dma_wait3A_50 = arith.constant 0 : i32
        %dma_wait3A_51 = arith.constant 0 : i32
        %dma_wait3A_52 = tpu.memref_slice %arg10[%dma_wait3A_50, %dma_wait3A_51] : memref<128x128xf32, #tpu.memory_space<vmem>> -> memref<128x128xf32, #tpu.memory_space<vmem>>
        %dma_wait3A_53 = arith.constant 9616 : i32
        %dma_wait3A_54 = arith.constant 0 : i32
        %dma_wait3A_55 = tpu.memref_slice %arg12[%dma_wait3A_53, %dma_wait3A_54] : memref<10016x128xf32, #tpu.memory_space<vmem_shared>> -> memref<128x128xf32, #tpu.memory_space<vmem_shared>>
        %dma_wait3A_56 = arith.constant 9616 : i32
        %dma_wait3A_57 = arith.constant 0 : i32
        %dma_wait3A_58 = tpu.memref_slice %arg12[%dma_wait3A_56, %dma_wait3A_57] : memref<10016x128xf32, #tpu.memory_space<vmem_shared>> -> memref<128x128xf32, #tpu.memory_space<vmem_shared>>
        %dma_wait3A_59 = arith.constant 0 : i32
        %dma_wait3A_60 = arith.constant 0 : i32
        %dma_wait3A_61 = tpu.memref_slice %arg10[%dma_wait3A_59, %dma_wait3A_60] : memref<128x128xf32, #tpu.memory_space<vmem>> -> memref<128x128xf32, #tpu.memory_space<vmem>>
        tpu.wait_dma2 semaphore(%run_scoped3A : memref<!tpu.dma_semaphore, #tpu.memory_space<semaphore_mem>>) src(%dma_wait3A_61 : memref<128x128xf32, #tpu.memory_space<vmem>>) dst(%dma_wait3A_58 : memref<128x128xf32, #tpu.memory_space<vmem_shared>>)
        tpu.yield
      }) : () -> ()
      "tpu.region"() ({
        %run_scoped3A = tpu.sem_alloc : memref<!tpu.dma_semaphore, #tpu.memory_space<semaphore_mem>>
        %dma_start3A = arith.constant 0 : i32
        %dma_start3A_39 = arith.constant 0 : i32
        %dma_start3A_40 = tpu.memref_slice %arg10[%dma_start3A, %dma_start3A_39] : memref<128x128xf32, #tpu.memory_space<vmem>> -> memref<128x128xf32, #tpu.memory_space<vmem>>
        %dma_start3A_41 = arith.constant 9744 : i32
        %dma_start3A_42 = arith.constant 0 : i32
        %dma_start3A_43 = tpu.memref_slice %arg12[%dma_start3A_41, %dma_start3A_42] : memref<10016x128xf32, #tpu.memory_space<vmem_shared>> -> memref<128x128xf32, #tpu.memory_space<vmem_shared>>
        %dma_start3A_44 = arith.constant 9744 : i32
        %dma_start3A_45 = arith.constant 0 : i32
        %dma_start3A_46 = tpu.memref_slice %arg12[%dma_start3A_44, %dma_start3A_45] : memref<10016x128xf32, #tpu.memory_space<vmem_shared>> -> memref<128x128xf32, #tpu.memory_space<vmem_shared>>
        %dma_start3A_47 = arith.constant 0 : i32
        %dma_start3A_48 = arith.constant 0 : i32
        %dma_start3A_49 = tpu.memref_slice %arg10[%dma_start3A_47, %dma_start3A_48] : memref<128x128xf32, #tpu.memory_space<vmem>> -> memref<128x128xf32, #tpu.memory_space<vmem>>
        tpu.enqueue_dma source(%dma_start3A_49 : memref<128x128xf32, #tpu.memory_space<vmem>>) target(%dma_start3A_46 : memref<128x128xf32, #tpu.memory_space<vmem_shared>>) target_semaphore(%run_scoped3A : memref<!tpu.dma_semaphore, #tpu.memory_space<semaphore_mem>>)
        %dma_wait3A_50 = arith.constant 0 : i32
        %dma_wait3A_51 = arith.constant 0 : i32
        %dma_wait3A_52 = tpu.memref_slice %arg10[%dma_wait3A_50, %dma_wait3A_51] : memref<128x128xf32, #tpu.memory_space<vmem>> -> memref<128x128xf32, #tpu.memory_space<vmem>>
        %dma_wait3A_53 = arith.constant 9744 : i32
        %dma_wait3A_54 = arith.constant 0 : i32
        %dma_wait3A_55 = tpu.memref_slice %arg12[%dma_wait3A_53, %dma_wait3A_54] : memref<10016x128xf32, #tpu.memory_space<vmem_shared>> -> memref<128x128xf32, #tpu.memory_space<vmem_shared>>
        %dma_wait3A_56 = arith.constant 9744 : i32
        %dma_wait3A_57 = arith.constant 0 : i32
        %dma_wait3A_58 = tpu.memref_slice %arg12[%dma_wait3A_56, %dma_wait3A_57] : memref<10016x128xf32, #tpu.memory_space<vmem_shared>> -> memref<128x128xf32, #tpu.memory_space<vmem_shared>>
        %dma_wait3A_59 = arith.constant 0 : i32
        %dma_wait3A_60 = arith.constant 0 : i32
        %dma_wait3A_61 = tpu.memref_slice %arg10[%dma_wait3A_59, %dma_wait3A_60] : memref<128x128xf32, #tpu.memory_space<vmem>> -> memref<128x128xf32, #tpu.memory_space<vmem>>
        tpu.wait_dma2 semaphore(%run_scoped3A : memref<!tpu.dma_semaphore, #tpu.memory_space<semaphore_mem>>) src(%dma_wait3A_61 : memref<128x128xf32, #tpu.memory_space<vmem>>) dst(%dma_wait3A_58 : memref<128x128xf32, #tpu.memory_space<vmem_shared>>)
        tpu.yield
      }) : () -> ()
      "tpu.region"() ({
        %run_scoped3A = tpu.sem_alloc : memref<!tpu.dma_semaphore, #tpu.memory_space<semaphore_mem>>
        %dma_start3A = arith.constant 0 : i32
        %dma_start3A_39 = arith.constant 0 : i32
        %dma_start3A_40 = tpu.memref_slice %arg10[%dma_start3A, %dma_start3A_39] : memref<128x128xf32, #tpu.memory_space<vmem>> -> memref<128x128xf32, #tpu.memory_space<vmem>>
        %dma_start3A_41 = arith.constant 9872 : i32
        %dma_start3A_42 = arith.constant 0 : i32
        %dma_start3A_43 = tpu.memref_slice %arg12[%dma_start3A_41, %dma_start3A_42] : memref<10016x128xf32, #tpu.memory_space<vmem_shared>> -> memref<128x128xf32, #tpu.memory_space<vmem_shared>>
        %dma_start3A_44 = arith.constant 9872 : i32
        %dma_start3A_45 = arith.constant 0 : i32
        %dma_start3A_46 = tpu.memref_slice %arg12[%dma_start3A_44, %dma_start3A_45] : memref<10016x128xf32, #tpu.memory_space<vmem_shared>> -> memref<128x128xf32, #tpu.memory_space<vmem_shared>>
        %dma_start3A_47 = arith.constant 0 : i32
        %dma_start3A_48 = arith.constant 0 : i32
        %dma_start3A_49 = tpu.memref_slice %arg10[%dma_start3A_47, %dma_start3A_48] : memref<128x128xf32, #tpu.memory_space<vmem>> -> memref<128x128xf32, #tpu.memory_space<vmem>>
        tpu.enqueue_dma source(%dma_start3A_49 : memref<128x128xf32, #tpu.memory_space<vmem>>) target(%dma_start3A_46 : memref<128x128xf32, #tpu.memory_space<vmem_shared>>) target_semaphore(%run_scoped3A : memref<!tpu.dma_semaphore, #tpu.memory_space<semaphore_mem>>)
        %dma_wait3A_50 = arith.constant 0 : i32
        %dma_wait3A_51 = arith.constant 0 : i32
        %dma_wait3A_52 = tpu.memref_slice %arg10[%dma_wait3A_50, %dma_wait3A_51] : memref<128x128xf32, #tpu.memory_space<vmem>> -> memref<128x128xf32, #tpu.memory_space<vmem>>
        %dma_wait3A_53 = arith.constant 9872 : i32
        %dma_wait3A_54 = arith.constant 0 : i32
        %dma_wait3A_55 = tpu.memref_slice %arg12[%dma_wait3A_53, %dma_wait3A_54] : memref<10016x128xf32, #tpu.memory_space<vmem_shared>> -> memref<128x128xf32, #tpu.memory_space<vmem_shared>>
        %dma_wait3A_56 = arith.constant 9872 : i32
        %dma_wait3A_57 = arith.constant 0 : i32
        %dma_wait3A_58 = tpu.memref_slice %arg12[%dma_wait3A_56, %dma_wait3A_57] : memref<10016x128xf32, #tpu.memory_space<vmem_shared>> -> memref<128x128xf32, #tpu.memory_space<vmem_shared>>
        %dma_wait3A_59 = arith.constant 0 : i32
        %dma_wait3A_60 = arith.constant 0 : i32
        %dma_wait3A_61 = tpu.memref_slice %arg10[%dma_wait3A_59, %dma_wait3A_60] : memref<128x128xf32, #tpu.memory_space<vmem>> -> memref<128x128xf32, #tpu.memory_space<vmem>>
        tpu.wait_dma2 semaphore(%run_scoped3A : memref<!tpu.dma_semaphore, #tpu.memory_space<semaphore_mem>>) src(%dma_wait3A_61 : memref<128x128xf32, #tpu.memory_space<vmem>>) dst(%dma_wait3A_58 : memref<128x128xf32, #tpu.memory_space<vmem_shared>>)
        tpu.yield
      }) : () -> ()
      "tpu.region"() ({
        %run_scoped3A = tpu.sem_alloc : memref<!tpu.dma_semaphore, #tpu.memory_space<semaphore_mem>>
        %dma_start3A = arith.constant 0 : i32
        %dma_start3A_39 = arith.constant 0 : i32
        %dma_start3A_40 = tpu.memref_slice %arg10[%dma_start3A, %dma_start3A_39] : memref<128x128xf32, #tpu.memory_space<vmem>> -> memref<16x128xf32, #tpu.memory_space<vmem>>
        %dma_start3A_41 = arith.constant 10000 : i32
        %dma_start3A_42 = arith.constant 0 : i32
        %dma_start3A_43 = tpu.memref_slice %arg12[%dma_start3A_41, %dma_start3A_42] : memref<10016x128xf32, #tpu.memory_space<vmem_shared>> -> memref<16x128xf32, #tpu.memory_space<vmem_shared>>
        %dma_start3A_44 = arith.constant 10000 : i32
        %dma_start3A_45 = arith.constant 0 : i32
        %dma_start3A_46 = tpu.memref_slice %arg12[%dma_start3A_44, %dma_start3A_45] : memref<10016x128xf32, #tpu.memory_space<vmem_shared>> -> memref<16x128xf32, #tpu.memory_space<vmem_shared>>
        %dma_start3A_47 = arith.constant 0 : i32
        %dma_start3A_48 = arith.constant 0 : i32
        %dma_start3A_49 = tpu.memref_slice %arg10[%dma_start3A_47, %dma_start3A_48] : memref<128x128xf32, #tpu.memory_space<vmem>> -> memref<16x128xf32, #tpu.memory_space<vmem>>
        tpu.enqueue_dma source(%dma_start3A_49 : memref<16x128xf32, #tpu.memory_space<vmem>>) target(%dma_start3A_46 : memref<16x128xf32, #tpu.memory_space<vmem_shared>>) target_semaphore(%run_scoped3A : memref<!tpu.dma_semaphore, #tpu.memory_space<semaphore_mem>>)
        %dma_wait3A_50 = arith.constant 0 : i32
        %dma_wait3A_51 = arith.constant 0 : i32
        %dma_wait3A_52 = tpu.memref_slice %arg10[%dma_wait3A_50, %dma_wait3A_51] : memref<128x128xf32, #tpu.memory_space<vmem>> -> memref<16x128xf32, #tpu.memory_space<vmem>>
        %dma_wait3A_53 = arith.constant 10000 : i32
        %dma_wait3A_54 = arith.constant 0 : i32
        %dma_wait3A_55 = tpu.memref_slice %arg12[%dma_wait3A_53, %dma_wait3A_54] : memref<10016x128xf32, #tpu.memory_space<vmem_shared>> -> memref<16x128xf32, #tpu.memory_space<vmem_shared>>
        %dma_wait3A_56 = arith.constant 10000 : i32
        %dma_wait3A_57 = arith.constant 0 : i32
        %dma_wait3A_58 = tpu.memref_slice %arg12[%dma_wait3A_56, %dma_wait3A_57] : memref<10016x128xf32, #tpu.memory_space<vmem_shared>> -> memref<16x128xf32, #tpu.memory_space<vmem_shared>>
        %dma_wait3A_59 = arith.constant 0 : i32
        %dma_wait3A_60 = arith.constant 0 : i32
        %dma_wait3A_61 = tpu.memref_slice %arg10[%dma_wait3A_59, %dma_wait3A_60] : memref<128x128xf32, #tpu.memory_space<vmem>> -> memref<16x128xf32, #tpu.memory_space<vmem>>
        tpu.wait_dma2 semaphore(%run_scoped3A : memref<!tpu.dma_semaphore, #tpu.memory_space<semaphore_mem>>) src(%dma_wait3A_61 : memref<16x128xf32, #tpu.memory_space<vmem>>) dst(%dma_wait3A_58 : memref<16x128xf32, #tpu.memory_space<vmem_shared>>)
        tpu.yield
      }) : () -> ()
    } else {
    }
    %barrier3A = arith.constant 0 : index
    tpu.barrier barrier_id(%barrier3A)
    %scan3A_17 = arith.constant 0 : i32
    %scan3A_18 = arith.constant 0 : i32
    %scan3A_19 = arith.constant 79 : i32
    %scan3A_20 = arith.addi %scan3A_18, %scan3A_19 : i32
    %scan3A_21 = arith.constant 1 : i32
    scf.for %scan3A_39 = %scan3A_18 to %scan3A_20 step %scan3A_21  : i32 {
      %mul3A_40 = arith.constant 2 : i32
      %mul3A_41 = arith.muli %scan3A_39, %mul3A_40 : i32
      %add3A_42 = arith.constant 0 : i32
      %add3A_43 = arith.addi %mul3A_41, %add3A_42 : i32
      %ge3A = arith.constant 2 : i32
      %ge3A_44 = arith.cmpi sge, %add3A_43, %ge3A : i32
      %convert_element_type3A_45 = arith.extui %ge3A_44 : i1 to i32
      %cond3A_46 = arith.constant 0 : i32
      %cond3A_47 = arith.cmpi ne, %convert_element_type3A_45, %cond3A_46 : i32
      scf.if %cond3A_47 {
        %dma_wait3A_86 = arith.constant 0 : i32
        %dma_wait3A_87 = arith.constant 0 : i32
        %dma_wait3A_88 = tpu.memref_slice %arg12[%dma_wait3A_86, %dma_wait3A_87] : memref<10016x128xf32, #tpu.memory_space<vmem_shared>> -> memref<10016x128xf32, #tpu.memory_space<vmem_shared>>
        tpu.wait_indirect_dma semaphore(%arg15 : memref<!tpu.dma_semaphore, #tpu.memory_space<semaphore_mem>>) src(%arg10 : memref<128x128xf32, #tpu.memory_space<vmem>>) dst(%dma_wait3A_88 : memref<10016x128xf32, #tpu.memory_space<vmem_shared>>)
      } else {
      }
      %mul3A_48 = arith.constant 128 : i32
      %mul3A_49 = arith.muli %add3A_43, %mul3A_48 : i32
      %add3A_50 = arith.addi %add3A, %mul3A_49 : i32
      "tpu.region"() ({
        %run_scoped3A = tpu.sem_alloc : memref<!tpu.dma_semaphore, #tpu.memory_space<semaphore_mem>>
        %dma_start3A_86 = tpu.memref_slice %arg3[%add3A_50] : memref<647168xi32, #tpu.memory_space<hbm>> -> memref<128xi32, #tpu.memory_space<hbm>>
        %dma_start3A_87 = tpu.memref_slice %arg3[%add3A_50] : memref<647168xi32, #tpu.memory_space<hbm>> -> memref<128xi32, #tpu.memory_space<hbm>>
        tpu.enqueue_dma source(%dma_start3A_87 : memref<128xi32, #tpu.memory_space<hbm>>) target(%arg6 : memref<128xi32, #tpu.memory_space<vmem>>) target_semaphore(%run_scoped3A : memref<!tpu.dma_semaphore, #tpu.memory_space<semaphore_mem>>)
        %dma_wait3A_88 = tpu.memref_slice %arg3[%add3A_50] : memref<647168xi32, #tpu.memory_space<hbm>> -> memref<128xi32, #tpu.memory_space<hbm>>
        %dma_wait3A_89 = tpu.memref_slice %arg3[%add3A_50] : memref<647168xi32, #tpu.memory_space<hbm>> -> memref<128xi32, #tpu.memory_space<hbm>>
        tpu.wait_dma2 semaphore(%run_scoped3A : memref<!tpu.dma_semaphore, #tpu.memory_space<semaphore_mem>>) src(%dma_wait3A_89 : memref<128xi32, #tpu.memory_space<hbm>>) dst(%arg6 : memref<128xi32, #tpu.memory_space<vmem>>)
        tpu.yield
      }) : () -> ()
      %mul3A_51 = arith.constant 128 : i32
      %mul3A_52 = arith.muli %add3A_43, %mul3A_51 : i32
      %add3A_53 = arith.addi %mul3A_4, %mul3A_52 : i32
      "tpu.region"() ({
        %run_scoped3A = tpu.sem_alloc : memref<!tpu.dma_semaphore, #tpu.memory_space<semaphore_mem>>
        %dma_start3A_86 = tpu.memref_slice %arg4[%add3A_53] : memref<323584xi32, #tpu.memory_space<hbm>> -> memref<128xi32, #tpu.memory_space<hbm>>
        %dma_start3A_87 = tpu.memref_slice %arg4[%add3A_53] : memref<323584xi32, #tpu.memory_space<hbm>> -> memref<128xi32, #tpu.memory_space<hbm>>
        tpu.enqueue_dma source(%dma_start3A_87 : memref<128xi32, #tpu.memory_space<hbm>>) target(%arg8 : memref<128xi32, #tpu.memory_space<vmem>>) target_semaphore(%run_scoped3A : memref<!tpu.dma_semaphore, #tpu.memory_space<semaphore_mem>>)
        %dma_wait3A_88 = tpu.memref_slice %arg4[%add3A_53] : memref<323584xi32, #tpu.memory_space<hbm>> -> memref<128xi32, #tpu.memory_space<hbm>>
        %dma_wait3A_89 = tpu.memref_slice %arg4[%add3A_53] : memref<323584xi32, #tpu.memory_space<hbm>> -> memref<128xi32, #tpu.memory_space<hbm>>
        tpu.wait_dma2 semaphore(%run_scoped3A : memref<!tpu.dma_semaphore, #tpu.memory_space<semaphore_mem>>) src(%dma_wait3A_89 : memref<128xi32, #tpu.memory_space<hbm>>) dst(%arg8 : memref<128xi32, #tpu.memory_space<vmem>>)
        tpu.yield
      }) : () -> ()
      %dma_start3A = arith.constant 0 : i32
      %dma_start3A_54 = arith.constant 0 : i32
      %dma_start3A_55 = tpu.memref_slice %arg2[%dma_start3A, %dma_start3A_54] : memref<20000x128xf32, #tpu.memory_space<hbm>> -> memref<20000x128xf32, #tpu.memory_space<hbm>>
      tpu.enqueue_indirect_dma source(%dma_start3A_55 : memref<20000x128xf32, #tpu.memory_space<hbm>>) target(%arg10 : memref<128x128xf32, #tpu.memory_space<vmem>>) offsets(%arg6 : memref<128xi32, #tpu.memory_space<vmem>>) semaphore(%arg13 : memref<!tpu.dma_semaphore, #tpu.memory_space<semaphore_mem>>)
      %dma_wait3A_56 = arith.constant 0 : i32
      %dma_wait3A_57 = arith.constant 0 : i32
      %dma_wait3A_58 = tpu.memref_slice %arg2[%dma_wait3A_56, %dma_wait3A_57] : memref<20000x128xf32, #tpu.memory_space<hbm>> -> memref<20000x128xf32, #tpu.memory_space<hbm>>
      tpu.wait_indirect_dma semaphore(%arg13 : memref<!tpu.dma_semaphore, #tpu.memory_space<semaphore_mem>>) src(%dma_wait3A_58 : memref<20000x128xf32, #tpu.memory_space<hbm>>) dst(%arg10 : memref<128x128xf32, #tpu.memory_space<vmem>>)
      %dma_start3A_59 = arith.constant 0 : i32
      %dma_start3A_60 = arith.constant 0 : i32
      %dma_start3A_61 = tpu.memref_slice %arg12[%dma_start3A_59, %dma_start3A_60] : memref<10016x128xf32, #tpu.memory_space<vmem_shared>> -> memref<10016x128xf32, #tpu.memory_space<vmem_shared>>
      tpu.enqueue_indirect_dma source(%arg10 : memref<128x128xf32, #tpu.memory_space<vmem>>) target(%dma_start3A_61 : memref<10016x128xf32, #tpu.memory_space<vmem_shared>>) offsets(%arg8 : memref<128xi32, #tpu.memory_space<vmem>>) semaphore(%arg15 : memref<!tpu.dma_semaphore, #tpu.memory_space<semaphore_mem>>) {add = true}
      %mul3A_62 = arith.constant 2 : i32
      %mul3A_63 = arith.muli %scan3A_39, %mul3A_62 : i32
      %add3A_64 = arith.constant 1 : i32
      %add3A_65 = arith.addi %mul3A_63, %add3A_64 : i32
      %ge3A_66 = arith.constant 2 : i32
      %ge3A_67 = arith.cmpi sge, %add3A_65, %ge3A_66 : i32
      %convert_element_type3A_68 = arith.extui %ge3A_67 : i1 to i32
      %cond3A_69 = arith.constant 0 : i32
      %cond3A_70 = arith.cmpi ne, %convert_element_type3A_68, %cond3A_69 : i32
      scf.if %cond3A_70 {
        %dma_wait3A_86 = arith.constant 0 : i32
        %dma_wait3A_87 = arith.constant 0 : i32
        %dma_wait3A_88 = tpu.memref_slice %arg12[%dma_wait3A_86, %dma_wait3A_87] : memref<10016x128xf32, #tpu.memory_space<vmem_shared>> -> memref<10016x128xf32, #tpu.memory_space<vmem_shared>>
        tpu.wait_indirect_dma semaphore(%arg16 : memref<!tpu.dma_semaphore, #tpu.memory_space<semaphore_mem>>) src(%arg11 : memref<128x128xf32, #tpu.memory_space<vmem>>) dst(%dma_wait3A_88 : memref<10016x128xf32, #tpu.memory_space<vmem_shared>>)
      } else {
      }
      %mul3A_71 = arith.constant 128 : i32
      %mul3A_72 = arith.muli %add3A_65, %mul3A_71 : i32
      %add3A_73 = arith.addi %add3A, %mul3A_72 : i32
      "tpu.region"() ({
        %run_scoped3A = tpu.sem_alloc : memref<!tpu.dma_semaphore, #tpu.memory_space<semaphore_mem>>
        %dma_start3A_86 = tpu.memref_slice %arg3[%add3A_73] : memref<647168xi32, #tpu.memory_space<hbm>> -> memref<128xi32, #tpu.memory_space<hbm>>
        %dma_start3A_87 = tpu.memref_slice %arg3[%add3A_73] : memref<647168xi32, #tpu.memory_space<hbm>> -> memref<128xi32, #tpu.memory_space<hbm>>
        tpu.enqueue_dma source(%dma_start3A_87 : memref<128xi32, #tpu.memory_space<hbm>>) target(%arg7 : memref<128xi32, #tpu.memory_space<vmem>>) target_semaphore(%run_scoped3A : memref<!tpu.dma_semaphore, #tpu.memory_space<semaphore_mem>>)
        %dma_wait3A_88 = tpu.memref_slice %arg3[%add3A_73] : memref<647168xi32, #tpu.memory_space<hbm>> -> memref<128xi32, #tpu.memory_space<hbm>>
        %dma_wait3A_89 = tpu.memref_slice %arg3[%add3A_73] : memref<647168xi32, #tpu.memory_space<hbm>> -> memref<128xi32, #tpu.memory_space<hbm>>
        tpu.wait_dma2 semaphore(%run_scoped3A : memref<!tpu.dma_semaphore, #tpu.memory_space<semaphore_mem>>) src(%dma_wait3A_89 : memref<128xi32, #tpu.memory_space<hbm>>) dst(%arg7 : memref<128xi32, #tpu.memory_space<vmem>>)
        tpu.yield
      }) : () -> ()
      %mul3A_74 = arith.constant 128 : i32
      %mul3A_75 = arith.muli %add3A_65, %mul3A_74 : i32
      %add3A_76 = arith.addi %mul3A_4, %mul3A_75 : i32
      "tpu.region"() ({
        %run_scoped3A = tpu.sem_alloc : memref<!tpu.dma_semaphore, #tpu.memory_space<semaphore_mem>>
        %dma_start3A_86 = tpu.memref_slice %arg4[%add3A_76] : memref<323584xi32, #tpu.memory_space<hbm>> -> memref<128xi32, #tpu.memory_space<hbm>>
        %dma_start3A_87 = tpu.memref_slice %arg4[%add3A_76] : memref<323584xi32, #tpu.memory_space<hbm>> -> memref<128xi32, #tpu.memory_space<hbm>>
        tpu.enqueue_dma source(%dma_start3A_87 : memref<128xi32, #tpu.memory_space<hbm>>) target(%arg9 : memref<128xi32, #tpu.memory_space<vmem>>) target_semaphore(%run_scoped3A : memref<!tpu.dma_semaphore, #tpu.memory_space<semaphore_mem>>)
        %dma_wait3A_88 = tpu.memref_slice %arg4[%add3A_76] : memref<323584xi32, #tpu.memory_space<hbm>> -> memref<128xi32, #tpu.memory_space<hbm>>
        %dma_wait3A_89 = tpu.memref_slice %arg4[%add3A_76] : memref<323584xi32, #tpu.memory_space<hbm>> -> memref<128xi32, #tpu.memory_space<hbm>>
        tpu.wait_dma2 semaphore(%run_scoped3A : memref<!tpu.dma_semaphore, #tpu.memory_space<semaphore_mem>>) src(%dma_wait3A_89 : memref<128xi32, #tpu.memory_space<hbm>>) dst(%arg9 : memref<128xi32, #tpu.memory_space<vmem>>)
        tpu.yield
      }) : () -> ()
      %dma_start3A_77 = arith.constant 0 : i32
      %dma_start3A_78 = arith.constant 0 : i32
      %dma_start3A_79 = tpu.memref_slice %arg2[%dma_start3A_77, %dma_start3A_78] : memref<20000x128xf32, #tpu.memory_space<hbm>> -> memref<20000x128xf32, #tpu.memory_space<hbm>>
      tpu.enqueue_indirect_dma source(%dma_start3A_79 : memref<20000x128xf32, #tpu.memory_space<hbm>>) target(%arg11 : memref<128x128xf32, #tpu.memory_space<vmem>>) offsets(%arg7 : memref<128xi32, #tpu.memory_space<vmem>>) semaphore(%arg14 : memref<!tpu.dma_semaphore, #tpu.memory_space<semaphore_mem>>)
      %dma_wait3A_80 = arith.constant 0 : i32
      %dma_wait3A_81 = arith.constant 0 : i32
      %dma_wait3A_82 = tpu.memref_slice %arg2[%dma_wait3A_80, %dma_wait3A_81] : memref<20000x128xf32, #tpu.memory_space<hbm>> -> memref<20000x128xf32, #tpu.memory_space<hbm>>
      tpu.wait_indirect_dma semaphore(%arg14 : memref<!tpu.dma_semaphore, #tpu.memory_space<semaphore_mem>>) src(%dma_wait3A_82 : memref<20000x128xf32, #tpu.memory_space<hbm>>) dst(%arg11 : memref<128x128xf32, #tpu.memory_space<vmem>>)
      %dma_start3A_83 = arith.constant 0 : i32
      %dma_start3A_84 = arith.constant 0 : i32
      %dma_start3A_85 = tpu.memref_slice %arg12[%dma_start3A_83, %dma_start3A_84] : memref<10016x128xf32, #tpu.memory_space<vmem_shared>> -> memref<10016x128xf32, #tpu.memory_space<vmem_shared>>
      tpu.enqueue_indirect_dma source(%arg11 : memref<128x128xf32, #tpu.memory_space<vmem>>) target(%dma_start3A_85 : memref<10016x128xf32, #tpu.memory_space<vmem_shared>>) offsets(%arg9 : memref<128xi32, #tpu.memory_space<vmem>>) semaphore(%arg16 : memref<!tpu.dma_semaphore, #tpu.memory_space<semaphore_mem>>) {add = true}
    }
    %scan3A_22 = arith.constant 79 : i32
    %dma_wait3A = arith.constant 0 : i32
    %dma_wait3A_23 = arith.constant 0 : i32
    %dma_wait3A_24 = tpu.memref_slice %arg12[%dma_wait3A, %dma_wait3A_23] : memref<10016x128xf32, #tpu.memory_space<vmem_shared>> -> memref<10016x128xf32, #tpu.memory_space<vmem_shared>>
    tpu.wait_indirect_dma semaphore(%arg15 : memref<!tpu.dma_semaphore, #tpu.memory_space<semaphore_mem>>) src(%arg10 : memref<128x128xf32, #tpu.memory_space<vmem>>) dst(%dma_wait3A_24 : memref<10016x128xf32, #tpu.memory_space<vmem_shared>>)
    %dma_wait3A_25 = arith.constant 0 : i32
    %dma_wait3A_26 = arith.constant 0 : i32
    %dma_wait3A_27 = tpu.memref_slice %arg12[%dma_wait3A_25, %dma_wait3A_26] : memref<10016x128xf32, #tpu.memory_space<vmem_shared>> -> memref<10016x128xf32, #tpu.memory_space<vmem_shared>>
    tpu.wait_indirect_dma semaphore(%arg16 : memref<!tpu.dma_semaphore, #tpu.memory_space<semaphore_mem>>) src(%arg11 : memref<128x128xf32, #tpu.memory_space<vmem>>) dst(%dma_wait3A_27 : memref<10016x128xf32, #tpu.memory_space<vmem_shared>>)
    %barrier3A_28 = arith.constant 0 : index
    tpu.barrier barrier_id(%barrier3A_28)
    %lt3A_29 = arith.constant 15 : i32
    %lt3A_30 = arith.cmpi slt, %arg1, %lt3A_29 : i32
    %convert_element_type3A_31 = arith.extui %lt3A_30 : i1 to i32
    %cond3A_32 = arith.constant 0 : i32
    %cond3A_33 = arith.cmpi ne, %convert_element_type3A_31, %cond3A_32 : i32
    scf.if %cond3A_33 {
      %mul3A_39 = arith.constant 624 : i32
      %mul3A_40 = arith.muli %arg1, %mul3A_39 : i32
      %mul3A_41 = arith.constant 624 : i32
      %mul3A_42 = arith.muli %arg1, %mul3A_41 : i32
      "tpu.region"() ({
        %run_scoped3A = tpu.sem_alloc : memref<!tpu.dma_semaphore, #tpu.memory_space<semaphore_mem>>
        %dma_start3A = arith.constant 0 : i32
        %dma_start3A_43 = tpu.memref_slice %arg5[%arg0, %mul3A_42, %dma_start3A] : memref<2x10000x128xf32, #tpu.memory_space<hbm>> -> memref<1x624x128xf32, #tpu.memory_space<hbm>>
        %dma_start3A_44 = tpu.memref_squeeze %dma_start3A_43 : memref<1x624x128xf32, #tpu.memory_space<hbm>> -> memref<624x128xf32, #tpu.memory_space<hbm>>
        %dma_start3A_45 = arith.constant 0 : i32
        %dma_start3A_46 = tpu.memref_slice %arg12[%mul3A_40, %dma_start3A_45] : memref<10016x128xf32, #tpu.memory_space<vmem_shared>> -> memref<624x128xf32, #tpu.memory_space<vmem_shared>>
        tpu.enqueue_dma source(%dma_start3A_46 : memref<624x128xf32, #tpu.memory_space<vmem_shared>>) target(%dma_start3A_44 : memref<624x128xf32, #tpu.memory_space<hbm>>) target_semaphore(%run_scoped3A : memref<!tpu.dma_semaphore, #tpu.memory_space<semaphore_mem>>)
        %dma_wait3A_47 = arith.constant 0 : i32
        %dma_wait3A_48 = tpu.memref_slice %arg5[%arg0, %mul3A_42, %dma_wait3A_47] : memref<2x10000x128xf32, #tpu.memory_space<hbm>> -> memref<1x624x128xf32, #tpu.memory_space<hbm>>
        %dma_wait3A_49 = tpu.memref_squeeze %dma_wait3A_48 : memref<1x624x128xf32, #tpu.memory_space<hbm>> -> memref<624x128xf32, #tpu.memory_space<hbm>>
        %dma_wait3A_50 = arith.constant 0 : i32
        %dma_wait3A_51 = tpu.memref_slice %arg12[%mul3A_40, %dma_wait3A_50] : memref<10016x128xf32, #tpu.memory_space<vmem_shared>> -> memref<624x128xf32, #tpu.memory_space<vmem_shared>>
        tpu.wait_dma2 semaphore(%run_scoped3A : memref<!tpu.dma_semaphore, #tpu.memory_space<semaphore_mem>>) src(%dma_wait3A_51 : memref<624x128xf32, #tpu.memory_space<vmem_shared>>) dst(%dma_wait3A_49 : memref<624x128xf32, #tpu.memory_space<hbm>>)
        tpu.yield
      }) : () -> ()
    } else {
    }
    %eq3A_34 = arith.constant 15 : i32
    %eq3A_35 = arith.cmpi eq, %arg1, %eq3A_34 : i32
    %convert_element_type3A_36 = arith.extui %eq3A_35 : i1 to i32
    %cond3A_37 = arith.constant 0 : i32
    %cond3A_38 = arith.cmpi ne, %convert_element_type3A_36, %cond3A_37 : i32
    scf.if %cond3A_38 {
      "tpu.region"() ({
        %run_scoped3A = tpu.sem_alloc : memref<!tpu.dma_semaphore, #tpu.memory_space<semaphore_mem>>
        %dma_start3A = arith.constant 9360 : i32
        %dma_start3A_39 = arith.constant 0 : i32
        %dma_start3A_40 = tpu.memref_slice %arg5[%arg0, %dma_start3A, %dma_start3A_39] : memref<2x10000x128xf32, #tpu.memory_space<hbm>> -> memref<1x640x128xf32, #tpu.memory_space<hbm>>
        %dma_start3A_41 = tpu.memref_squeeze %dma_start3A_40 : memref<1x640x128xf32, #tpu.memory_space<hbm>> -> memref<640x128xf32, #tpu.memory_space<hbm>>
        %dma_start3A_42 = arith.constant 9360 : i32
        %dma_start3A_43 = arith.constant 0 : i32
        %dma_start3A_44 = tpu.memref_slice %arg12[%dma_start3A_42, %dma_start3A_43] : memref<10016x128xf32, #tpu.memory_space<vmem_shared>> -> memref<640x128xf32, #tpu.memory_space<vmem_shared>>
        tpu.enqueue_dma source(%dma_start3A_44 : memref<640x128xf32, #tpu.memory_space<vmem_shared>>) target(%dma_start3A_41 : memref<640x128xf32, #tpu.memory_space<hbm>>) target_semaphore(%run_scoped3A : memref<!tpu.dma_semaphore, #tpu.memory_space<semaphore_mem>>)
        %dma_wait3A_45 = arith.constant 9360 : i32
        %dma_wait3A_46 = arith.constant 0 : i32
        %dma_wait3A_47 = tpu.memref_slice %arg5[%arg0, %dma_wait3A_45, %dma_wait3A_46] : memref<2x10000x128xf32, #tpu.memory_space<hbm>> -> memref<1x640x128xf32, #tpu.memory_space<hbm>>
        %dma_wait3A_48 = tpu.memref_squeeze %dma_wait3A_47 : memref<1x640x128xf32, #tpu.memory_space<hbm>> -> memref<640x128xf32, #tpu.memory_space<hbm>>
        %dma_wait3A_49 = arith.constant 9360 : i32
        %dma_wait3A_50 = arith.constant 0 : i32
        %dma_wait3A_51 = tpu.memref_slice %arg12[%dma_wait3A_49, %dma_wait3A_50] : memref<10016x128xf32, #tpu.memory_space<vmem_shared>> -> memref<640x128xf32, #tpu.memory_space<vmem_shared>>
        tpu.wait_dma2 semaphore(%run_scoped3A : memref<!tpu.dma_semaphore, #tpu.memory_space<semaphore_mem>>) src(%dma_wait3A_51 : memref<640x128xf32, #tpu.memory_space<vmem_shared>>) dst(%dma_wait3A_48 : memref<640x128xf32, #tpu.memory_space<hbm>>)
        tpu.yield
      }) : () -> ()
    } else {
    }
    return
  }
}

#map = affine_map<(d0, d1) -> (0, 0)>
#map1 = affine_map<(d0, d1) -> (0)>
#map2 = affine_map<(d0, d1) -> (0, 0, 0)>
module attributes {stable_mosaic.version = 14 : i64} {
  func.func @edge_kernel(%arg0: i32, %arg1: i32, %arg2: memref<20000x128xf32, #tpu.memory_space<hbm>>, %arg3: memref<647168xi32, #tpu.memory_space<hbm>>, %arg4: memref<323584xi32, #tpu.memory_space<hbm>>, %arg5: memref<2x10000x128xf32, #tpu.memory_space<hbm>>, %arg6: memref<128xi32, #tpu.memory_space<vmem>>, %arg7: memref<128xi32, #tpu.memory_space<vmem>>, %arg8: memref<128xi32, #tpu.memory_space<vmem>>, %arg9: memref<128xi32, #tpu.memory_space<vmem>>, %arg10: memref<128x128xf32, #tpu.memory_space<vmem>>, %arg11: memref<128x128xf32, #tpu.memory_space<vmem>>, %arg12: memref<10016x128xf32, #tpu.memory_space<vmem_shared>>, %arg13: memref<!tpu.dma_semaphore, #tpu.memory_space<semaphore_mem>>, %arg14: memref<!tpu.dma_semaphore, #tpu.memory_space<semaphore_mem>>, %arg15: memref<!tpu.dma_semaphore, #tpu.memory_space<semaphore_mem>>, %arg16: memref<!tpu.dma_semaphore, #tpu.memory_space<semaphore_mem>>) attributes {dimension_semantics = [#tpu.dimension_semantics<core_parallel>, #tpu.dimension_semantics<subcore_parallel>], iteration_bounds = array<i64: 2, 16>, scalar_prefetch = 0 : i64, scratch_operands = 11 : i64, tpu.core_type = #tpu.core_type<sc_vector_subcore>, window_params = [{transform_indices = #map}, {transform_indices = #map1}, {transform_indices = #map1}, {transform_indices = #map2}]} {
    %mul3A = arith.constant 323584 : i32
    %mul3A_0 = arith.muli %arg0, %mul3A : i32
    %mul3A_1 = arith.constant 20224 : i32
    %mul3A_2 = arith.muli %arg1, %mul3A_1 : i32
    %add3A = arith.addi %mul3A_0, %mul3A_2 : i32
    %mul3A_3 = arith.constant 20224 : i32
    %mul3A_4 = arith.muli %arg1, %mul3A_3 : i32
    %broadcast_in_dim3A = arith.constant 0.000000e+00 : f32
    %broadcast_in_dim3A_5 = vector.broadcast %broadcast_in_dim3A : f32 to vector<16xf32>
    %scan3A = arith.constant 0 : i32
    %scan3A_6 = arith.constant 0 : i32
    %scan3A_7 = arith.constant 128 : i32
    %scan3A_8 = arith.addi %scan3A_6, %scan3A_7 : i32
    %scan3A_9 = arith.constant 1 : i32
    scf.for %scan3A_39 = %scan3A_6 to %scan3A_8 step %scan3A_9  : i32 {
      %swap3A = arith.index_cast %scan3A_39 : i32 to index
      %swap3A_40 = arith.constant 0 : index
      %swap3A_41 = tpu.vector_load %arg10[%swap3A, %swap3A_40] {strides = array<i32>} : memref<128x128xf32, #tpu.memory_space<vmem>>, vector<1x16xf32>,
      %swap3A_42 = vector.shape_cast %swap3A_41 : vector<1x16xf32> to vector<16xf32>
      %swap3A_43 = vector.shape_cast %broadcast_in_dim3A_5 : vector<16xf32> to vector<1x16xf32>
      tpu.vector_store %arg10[%swap3A, %swap3A_40], %swap3A_43 {strides = array<i32>} : memref<128x128xf32, #tpu.memory_space<vmem>>, vector<1x16xf32>,
      %swap3A_44 = arith.index_cast %scan3A_39 : i32 to index
      %swap3A_45 = arith.constant 16 : index
      %swap3A_46 = tpu.vector_load %arg10[%swap3A_44, %swap3A_45] {strides = array<i32>} : memref<128x128xf32, #tpu.memory_space<vmem>>, vector<1x16xf32>,
      %swap3A_47 = vector.shape_cast %swap3A_46 : vector<1x16xf32> to vector<16xf32>
      %swap3A_48 = vector.shape_cast %broadcast_in_dim3A_5 : vector<16xf32> to vector<1x16xf32>
      tpu.vector_store %arg10[%swap3A_44, %swap3A_45], %swap3A_48 {strides = array<i32>} : memref<128x128xf32, #tpu.memory_space<vmem>>, vector<1x16xf32>,
      %swap3A_49 = arith.index_cast %scan3A_39 : i32 to index
      %swap3A_50 = arith.constant 32 : index
      %swap3A_51 = tpu.vector_load %arg10[%swap3A_49, %swap3A_50] {strides = array<i32>} : memref<128x128xf32, #tpu.memory_space<vmem>>, vector<1x16xf32>,
      %swap3A_52 = vector.shape_cast %swap3A_51 : vector<1x16xf32> to vector<16xf32>
      %swap3A_53 = vector.shape_cast %broadcast_in_dim3A_5 : vector<16xf32> to vector<1x16xf32>
      tpu.vector_store %arg10[%swap3A_49, %swap3A_50], %swap3A_53 {strides = array<i32>} : memref<128x128xf32, #tpu.memory_space<vmem>>, vector<1x16xf32>,
      %swap3A_54 = arith.index_cast %scan3A_39 : i32 to index
      %swap3A_55 = arith.constant 48 : index
      %swap3A_56 = tpu.vector_load %arg10[%swap3A_54, %swap3A_55] {strides = array<i32>} : memref<128x128xf32, #tpu.memory_space<vmem>>, vector<1x16xf32>,
      %swap3A_57 = vector.shape_cast %swap3A_56 : vector<1x16xf32> to vector<16xf32>
      %swap3A_58 = vector.shape_cast %broadcast_in_dim3A_5 : vector<16xf32> to vector<1x16xf32>
      tpu.vector_store %arg10[%swap3A_54, %swap3A_55], %swap3A_58 {strides = array<i32>} : memref<128x128xf32, #tpu.memory_space<vmem>>, vector<1x16xf32>,
      %swap3A_59 = arith.index_cast %scan3A_39 : i32 to index
      %swap3A_60 = arith.constant 64 : index
      %swap3A_61 = tpu.vector_load %arg10[%swap3A_59, %swap3A_60] {strides = array<i32>} : memref<128x128xf32, #tpu.memory_space<vmem>>, vector<1x16xf32>,
      %swap3A_62 = vector.shape_cast %swap3A_61 : vector<1x16xf32> to vector<16xf32>
      %swap3A_63 = vector.shape_cast %broadcast_in_dim3A_5 : vector<16xf32> to vector<1x16xf32>
      tpu.vector_store %arg10[%swap3A_59, %swap3A_60], %swap3A_63 {strides = array<i32>} : memref<128x128xf32, #tpu.memory_space<vmem>>, vector<1x16xf32>,
      %swap3A_64 = arith.index_cast %scan3A_39 : i32 to index
      %swap3A_65 = arith.constant 80 : index
      %swap3A_66 = tpu.vector_load %arg10[%swap3A_64, %swap3A_65] {strides = array<i32>} : memref<128x128xf32, #tpu.memory_space<vmem>>, vector<1x16xf32>,
      %swap3A_67 = vector.shape_cast %swap3A_66 : vector<1x16xf32> to vector<16xf32>
      %swap3A_68 = vector.shape_cast %broadcast_in_dim3A_5 : vector<16xf32> to vector<1x16xf32>
      tpu.vector_store %arg10[%swap3A_64, %swap3A_65], %swap3A_68 {strides = array<i32>} : memref<128x128xf32, #tpu.memory_space<vmem>>, vector<1x16xf32>,
      %swap3A_69 = arith.index_cast %scan3A_39 : i32 to index
      %swap3A_70 = arith.constant 96 : index
      %swap3A_71 = tpu.vector_load %arg10[%swap3A_69, %swap3A_70] {strides = array<i32>} : memref<128x128xf32, #tpu.memory_space<vmem>>, vector<1x16xf32>,
      %swap3A_72 = vector.shape_cast %swap3A_71 : vector<1x16xf32> to vector<16xf32>
      %swap3A_73 = vector.shape_cast %broadcast_in_dim3A_5 : vector<16xf32> to vector<1x16xf32>
      tpu.vector_store %arg10[%swap3A_69, %swap3A_70], %swap3A_73 {strides = array<i32>} : memref<128x128xf32, #tpu.memory_space<vmem>>, vector<1x16xf32>,
      %swap3A_74 = arith.index_cast %scan3A_39 : i32 to index
      %swap3A_75 = arith.constant 112 : index
      %swap3A_76 = tpu.vector_load %arg10[%swap3A_74, %swap3A_75] {strides = array<i32>} : memref<128x128xf32, #tpu.memory_space<vmem>>, vector<1x16xf32>,
      %swap3A_77 = vector.shape_cast %swap3A_76 : vector<1x16xf32> to vector<16xf32>
      %swap3A_78 = vector.shape_cast %broadcast_in_dim3A_5 : vector<16xf32> to vector<1x16xf32>
      tpu.vector_store %arg10[%swap3A_74, %swap3A_75], %swap3A_78 {strides = array<i32>} : memref<128x128xf32, #tpu.memory_space<vmem>>, vector<1x16xf32>,
    }
    %scan3A_10 = arith.constant 128 : i32
    %lt3A = arith.constant 15 : i32
    %lt3A_11 = arith.cmpi slt, %arg1, %lt3A : i32
    %convert_element_type3A = arith.extui %lt3A_11 : i1 to i32
    %cond3A = arith.constant 0 : i32
    %cond3A_12 = arith.cmpi ne, %convert_element_type3A, %cond3A : i32
    scf.if %cond3A_12 {
      %mul3A_39 = arith.constant 624 : i32
      %mul3A_40 = arith.muli %arg1, %mul3A_39 : i32
      %add3A_41 = arith.constant 0 : i32
      %add3A_42 = arith.addi %mul3A_40, %add3A_41 : i32
      "tpu.region"() ({
        %run_scoped3A = tpu.sem_alloc : memref<!tpu.dma_semaphore, #tpu.memory_space<semaphore_mem>>
        %dma_start3A = arith.constant 0 : i32
        %dma_start3A_51 = arith.constant 0 : i32
        %dma_start3A_52 = tpu.memref_slice %arg10[%dma_start3A, %dma_start3A_51] : memref<128x128xf32, #tpu.memory_space<vmem>> -> memref<128x128xf32, #tpu.memory_space<vmem>>
        %dma_start3A_53 = arith.constant 0 : i32
        %dma_start3A_54 = tpu.memref_slice %arg12[%add3A_42, %dma_start3A_53] : memref<10016x128xf32, #tpu.memory_space<vmem_shared>> -> memref<128x128xf32, #tpu.memory_space<vmem_shared>>
        %dma_start3A_55 = arith.constant 0 : i32
        %dma_start3A_56 = tpu.memref_slice %arg12[%add3A_42, %dma_start3A_55] : memref<10016x128xf32, #tpu.memory_space<vmem_shared>> -> memref<128x128xf32, #tpu.memory_space<vmem_shared>>
        %dma_start3A_57 = arith.constant 0 : i32
        %dma_start3A_58 = arith.constant 0 : i32
        %dma_start3A_59 = tpu.memref_slice %arg10[%dma_start3A_57, %dma_start3A_58] : memref<128x128xf32, #tpu.memory_space<vmem>> -> memref<128x128xf32, #tpu.memory_space<vmem>>
        tpu.enqueue_dma source(%dma_start3A_59 : memref<128x128xf32, #tpu.memory_space<vmem>>) target(%dma_start3A_56 : memref<128x128xf32, #tpu.memory_space<vmem_shared>>) target_semaphore(%run_scoped3A : memref<!tpu.dma_semaphore, #tpu.memory_space<semaphore_mem>>)
        %dma_wait3A_60 = arith.constant 0 : i32
        %dma_wait3A_61 = arith.constant 0 : i32
        %dma_wait3A_62 = tpu.memref_slice %arg10[%dma_wait3A_60, %dma_wait3A_61] : memref<128x128xf32, #tpu.memory_space<vmem>> -> memref<128x128xf32, #tpu.memory_space<vmem>>
        %dma_wait3A_63 = arith.constant 0 : i32
        %dma_wait3A_64 = tpu.memref_slice %arg12[%add3A_42, %dma_wait3A_63] : memref<10016x128xf32, #tpu.memory_space<vmem_shared>> -> memref<128x128xf32, #tpu.memory_space<vmem_shared>>
        %dma_wait3A_65 = arith.constant 0 : i32
        %dma_wait3A_66 = tpu.memref_slice %arg12[%add3A_42, %dma_wait3A_65] : memref<10016x128xf32, #tpu.memory_space<vmem_shared>> -> memref<128x128xf32, #tpu.memory_space<vmem_shared>>
        %dma_wait3A_67 = arith.constant 0 : i32
        %dma_wait3A_68 = arith.constant 0 : i32
        %dma_wait3A_69 = tpu.memref_slice %arg10[%dma_wait3A_67, %dma_wait3A_68] : memref<128x128xf32, #tpu.memory_space<vmem>> -> memref<128x128xf32, #tpu.memory_space<vmem>>
        tpu.wait_dma2 semaphore(%run_scoped3A : memref<!tpu.dma_semaphore, #tpu.memory_space<semaphore_mem>>) src(%dma_wait3A_69 : memref<128x128xf32, #tpu.memory_space<vmem>>) dst(%dma_wait3A_66 : memref<128x128xf32, #tpu.memory_space<vmem_shared>>)
        tpu.yield
      }) : () -> ()
      %add3A_43 = arith.constant 128 : i32
      %add3A_44 = arith.addi %mul3A_40, %add3A_43 : i32
      "tpu.region"() ({
        %run_scoped3A = tpu.sem_alloc : memref<!tpu.dma_semaphore, #tpu.memory_space<semaphore_mem>>
        %dma_start3A = arith.constant 0 : i32
        %dma_start3A_51 = arith.constant 0 : i32
        %dma_start3A_52 = tpu.memref_slice %arg10[%dma_start3A, %dma_start3A_51] : memref<128x128xf32, #tpu.memory_space<vmem>> -> memref<128x128xf32, #tpu.memory_space<vmem>>
        %dma_start3A_53 = arith.constant 0 : i32
        %dma_start3A_54 = tpu.memref_slice %arg12[%add3A_44, %dma_start3A_53] : memref<10016x128xf32, #tpu.memory_space<vmem_shared>> -> memref<128x128xf32, #tpu.memory_space<vmem_shared>>
        %dma_start3A_55 = arith.constant 0 : i32
        %dma_start3A_56 = tpu.memref_slice %arg12[%add3A_44, %dma_start3A_55] : memref<10016x128xf32, #tpu.memory_space<vmem_shared>> -> memref<128x128xf32, #tpu.memory_space<vmem_shared>>
        %dma_start3A_57 = arith.constant 0 : i32
        %dma_start3A_58 = arith.constant 0 : i32
        %dma_start3A_59 = tpu.memref_slice %arg10[%dma_start3A_57, %dma_start3A_58] : memref<128x128xf32, #tpu.memory_space<vmem>> -> memref<128x128xf32, #tpu.memory_space<vmem>>
        tpu.enqueue_dma source(%dma_start3A_59 : memref<128x128xf32, #tpu.memory_space<vmem>>) target(%dma_start3A_56 : memref<128x128xf32, #tpu.memory_space<vmem_shared>>) target_semaphore(%run_scoped3A : memref<!tpu.dma_semaphore, #tpu.memory_space<semaphore_mem>>)
        %dma_wait3A_60 = arith.constant 0 : i32
        %dma_wait3A_61 = arith.constant 0 : i32
        %dma_wait3A_62 = tpu.memref_slice %arg10[%dma_wait3A_60, %dma_wait3A_61] : memref<128x128xf32, #tpu.memory_space<vmem>> -> memref<128x128xf32, #tpu.memory_space<vmem>>
        %dma_wait3A_63 = arith.constant 0 : i32
        %dma_wait3A_64 = tpu.memref_slice %arg12[%add3A_44, %dma_wait3A_63] : memref<10016x128xf32, #tpu.memory_space<vmem_shared>> -> memref<128x128xf32, #tpu.memory_space<vmem_shared>>
        %dma_wait3A_65 = arith.constant 0 : i32
        %dma_wait3A_66 = tpu.memref_slice %arg12[%add3A_44, %dma_wait3A_65] : memref<10016x128xf32, #tpu.memory_space<vmem_shared>> -> memref<128x128xf32, #tpu.memory_space<vmem_shared>>
        %dma_wait3A_67 = arith.constant 0 : i32
        %dma_wait3A_68 = arith.constant 0 : i32
        %dma_wait3A_69 = tpu.memref_slice %arg10[%dma_wait3A_67, %dma_wait3A_68] : memref<128x128xf32, #tpu.memory_space<vmem>> -> memref<128x128xf32, #tpu.memory_space<vmem>>
        tpu.wait_dma2 semaphore(%run_scoped3A : memref<!tpu.dma_semaphore, #tpu.memory_space<semaphore_mem>>) src(%dma_wait3A_69 : memref<128x128xf32, #tpu.memory_space<vmem>>) dst(%dma_wait3A_66 : memref<128x128xf32, #tpu.memory_space<vmem_shared>>)
        tpu.yield
      }) : () -> ()
      %add3A_45 = arith.constant 256 : i32
      %add3A_46 = arith.addi %mul3A_40, %add3A_45 : i32
      "tpu.region"() ({
        %run_scoped3A = tpu.sem_alloc : memref<!tpu.dma_semaphore, #tpu.memory_space<semaphore_mem>>
        %dma_start3A = arith.constant 0 : i32
        %dma_start3A_51 = arith.constant 0 : i32
        %dma_start3A_52 = tpu.memref_slice %arg10[%dma_start3A, %dma_start3A_51] : memref<128x128xf32, #tpu.memory_space<vmem>> -> memref<128x128xf32, #tpu.memory_space<vmem>>
        %dma_start3A_53 = arith.constant 0 : i32
        %dma_start3A_54 = tpu.memref_slice %arg12[%add3A_46, %dma_start3A_53] : memref<10016x128xf32, #tpu.memory_space<vmem_shared>> -> memref<128x128xf32, #tpu.memory_space<vmem_shared>>
        %dma_start3A_55 = arith.constant 0 : i32
        %dma_start3A_56 = tpu.memref_slice %arg12[%add3A_46, %dma_start3A_55] : memref<10016x128xf32, #tpu.memory_space<vmem_shared>> -> memref<128x128xf32, #tpu.memory_space<vmem_shared>>
        %dma_start3A_57 = arith.constant 0 : i32
        %dma_start3A_58 = arith.constant 0 : i32
        %dma_start3A_59 = tpu.memref_slice %arg10[%dma_start3A_57, %dma_start3A_58] : memref<128x128xf32, #tpu.memory_space<vmem>> -> memref<128x128xf32, #tpu.memory_space<vmem>>
        tpu.enqueue_dma source(%dma_start3A_59 : memref<128x128xf32, #tpu.memory_space<vmem>>) target(%dma_start3A_56 : memref<128x128xf32, #tpu.memory_space<vmem_shared>>) target_semaphore(%run_scoped3A : memref<!tpu.dma_semaphore, #tpu.memory_space<semaphore_mem>>)
        %dma_wait3A_60 = arith.constant 0 : i32
        %dma_wait3A_61 = arith.constant 0 : i32
        %dma_wait3A_62 = tpu.memref_slice %arg10[%dma_wait3A_60, %dma_wait3A_61] : memref<128x128xf32, #tpu.memory_space<vmem>> -> memref<128x128xf32, #tpu.memory_space<vmem>>
        %dma_wait3A_63 = arith.constant 0 : i32
        %dma_wait3A_64 = tpu.memref_slice %arg12[%add3A_46, %dma_wait3A_63] : memref<10016x128xf32, #tpu.memory_space<vmem_shared>> -> memref<128x128xf32, #tpu.memory_space<vmem_shared>>
        %dma_wait3A_65 = arith.constant 0 : i32
        %dma_wait3A_66 = tpu.memref_slice %arg12[%add3A_46, %dma_wait3A_65] : memref<10016x128xf32, #tpu.memory_space<vmem_shared>> -> memref<128x128xf32, #tpu.memory_space<vmem_shared>>
        %dma_wait3A_67 = arith.constant 0 : i32
        %dma_wait3A_68 = arith.constant 0 : i32
        %dma_wait3A_69 = tpu.memref_slice %arg10[%dma_wait3A_67, %dma_wait3A_68] : memref<128x128xf32, #tpu.memory_space<vmem>> -> memref<128x128xf32, #tpu.memory_space<vmem>>
        tpu.wait_dma2 semaphore(%run_scoped3A : memref<!tpu.dma_semaphore, #tpu.memory_space<semaphore_mem>>) src(%dma_wait3A_69 : memref<128x128xf32, #tpu.memory_space<vmem>>) dst(%dma_wait3A_66 : memref<128x128xf32, #tpu.memory_space<vmem_shared>>)
        tpu.yield
      }) : () -> ()
      %add3A_47 = arith.constant 384 : i32
      %add3A_48 = arith.addi %mul3A_40, %add3A_47 : i32
      "tpu.region"() ({
        %run_scoped3A = tpu.sem_alloc : memref<!tpu.dma_semaphore, #tpu.memory_space<semaphore_mem>>
        %dma_start3A = arith.constant 0 : i32
        %dma_start3A_51 = arith.constant 0 : i32
        %dma_start3A_52 = tpu.memref_slice %arg10[%dma_start3A, %dma_start3A_51] : memref<128x128xf32, #tpu.memory_space<vmem>> -> memref<128x128xf32, #tpu.memory_space<vmem>>
        %dma_start3A_53 = arith.constant 0 : i32
        %dma_start3A_54 = tpu.memref_slice %arg12[%add3A_48, %dma_start3A_53] : memref<10016x128xf32, #tpu.memory_space<vmem_shared>> -> memref<128x128xf32, #tpu.memory_space<vmem_shared>>
        %dma_start3A_55 = arith.constant 0 : i32
        %dma_start3A_56 = tpu.memref_slice %arg12[%add3A_48, %dma_start3A_55] : memref<10016x128xf32, #tpu.memory_space<vmem_shared>> -> memref<128x128xf32, #tpu.memory_space<vmem_shared>>
        %dma_start3A_57 = arith.constant 0 : i32
        %dma_start3A_58 = arith.constant 0 : i32
        %dma_start3A_59 = tpu.memref_slice %arg10[%dma_start3A_57, %dma_start3A_58] : memref<128x128xf32, #tpu.memory_space<vmem>> -> memref<128x128xf32, #tpu.memory_space<vmem>>
        tpu.enqueue_dma source(%dma_start3A_59 : memref<128x128xf32, #tpu.memory_space<vmem>>) target(%dma_start3A_56 : memref<128x128xf32, #tpu.memory_space<vmem_shared>>) target_semaphore(%run_scoped3A : memref<!tpu.dma_semaphore, #tpu.memory_space<semaphore_mem>>)
        %dma_wait3A_60 = arith.constant 0 : i32
        %dma_wait3A_61 = arith.constant 0 : i32
        %dma_wait3A_62 = tpu.memref_slice %arg10[%dma_wait3A_60, %dma_wait3A_61] : memref<128x128xf32, #tpu.memory_space<vmem>> -> memref<128x128xf32, #tpu.memory_space<vmem>>
        %dma_wait3A_63 = arith.constant 0 : i32
        %dma_wait3A_64 = tpu.memref_slice %arg12[%add3A_48, %dma_wait3A_63] : memref<10016x128xf32, #tpu.memory_space<vmem_shared>> -> memref<128x128xf32, #tpu.memory_space<vmem_shared>>
        %dma_wait3A_65 = arith.constant 0 : i32
        %dma_wait3A_66 = tpu.memref_slice %arg12[%add3A_48, %dma_wait3A_65] : memref<10016x128xf32, #tpu.memory_space<vmem_shared>> -> memref<128x128xf32, #tpu.memory_space<vmem_shared>>
        %dma_wait3A_67 = arith.constant 0 : i32
        %dma_wait3A_68 = arith.constant 0 : i32
        %dma_wait3A_69 = tpu.memref_slice %arg10[%dma_wait3A_67, %dma_wait3A_68] : memref<128x128xf32, #tpu.memory_space<vmem>> -> memref<128x128xf32, #tpu.memory_space<vmem>>
        tpu.wait_dma2 semaphore(%run_scoped3A : memref<!tpu.dma_semaphore, #tpu.memory_space<semaphore_mem>>) src(%dma_wait3A_69 : memref<128x128xf32, #tpu.memory_space<vmem>>) dst(%dma_wait3A_66 : memref<128x128xf32, #tpu.memory_space<vmem_shared>>)
        tpu.yield
      }) : () -> ()
      %add3A_49 = arith.constant 512 : i32
      %add3A_50 = arith.addi %mul3A_40, %add3A_49 : i32
      "tpu.region"() ({
        %run_scoped3A = tpu.sem_alloc : memref<!tpu.dma_semaphore, #tpu.memory_space<semaphore_mem>>
        %dma_start3A = arith.constant 0 : i32
        %dma_start3A_51 = arith.constant 0 : i32
        %dma_start3A_52 = tpu.memref_slice %arg10[%dma_start3A, %dma_start3A_51] : memref<128x128xf32, #tpu.memory_space<vmem>> -> memref<112x128xf32, #tpu.memory_space<vmem>>
        %dma_start3A_53 = arith.constant 0 : i32
        %dma_start3A_54 = tpu.memref_slice %arg12[%add3A_50, %dma_start3A_53] : memref<10016x128xf32, #tpu.memory_space<vmem_shared>> -> memref<112x128xf32, #tpu.memory_space<vmem_shared>>
        %dma_start3A_55 = arith.constant 0 : i32
        %dma_start3A_56 = tpu.memref_slice %arg12[%add3A_50, %dma_start3A_55] : memref<10016x128xf32, #tpu.memory_space<vmem_shared>> -> memref<112x128xf32, #tpu.memory_space<vmem_shared>>
        %dma_start3A_57 = arith.constant 0 : i32
        %dma_start3A_58 = arith.constant 0 : i32
        %dma_start3A_59 = tpu.memref_slice %arg10[%dma_start3A_57, %dma_start3A_58] : memref<128x128xf32, #tpu.memory_space<vmem>> -> memref<112x128xf32, #tpu.memory_space<vmem>>
        tpu.enqueue_dma source(%dma_start3A_59 : memref<112x128xf32, #tpu.memory_space<vmem>>) target(%dma_start3A_56 : memref<112x128xf32, #tpu.memory_space<vmem_shared>>) target_semaphore(%run_scoped3A : memref<!tpu.dma_semaphore, #tpu.memory_space<semaphore_mem>>)
        %dma_wait3A_60 = arith.constant 0 : i32
        %dma_wait3A_61 = arith.constant 0 : i32
        %dma_wait3A_62 = tpu.memref_slice %arg10[%dma_wait3A_60, %dma_wait3A_61] : memref<128x128xf32, #tpu.memory_space<vmem>> -> memref<112x128xf32, #tpu.memory_space<vmem>>
        %dma_wait3A_63 = arith.constant 0 : i32
        %dma_wait3A_64 = tpu.memref_slice %arg12[%add3A_50, %dma_wait3A_63] : memref<10016x128xf32, #tpu.memory_space<vmem_shared>> -> memref<112x128xf32, #tpu.memory_space<vmem_shared>>
        %dma_wait3A_65 = arith.constant 0 : i32
        %dma_wait3A_66 = tpu.memref_slice %arg12[%add3A_50, %dma_wait3A_65] : memref<10016x128xf32, #tpu.memory_space<vmem_shared>> -> memref<112x128xf32, #tpu.memory_space<vmem_shared>>
        %dma_wait3A_67 = arith.constant 0 : i32
        %dma_wait3A_68 = arith.constant 0 : i32
        %dma_wait3A_69 = tpu.memref_slice %arg10[%dma_wait3A_67, %dma_wait3A_68] : memref<128x128xf32, #tpu.memory_space<vmem>> -> memref<112x128xf32, #tpu.memory_space<vmem>>
        tpu.wait_dma2 semaphore(%run_scoped3A : memref<!tpu.dma_semaphore, #tpu.memory_space<semaphore_mem>>) src(%dma_wait3A_69 : memref<112x128xf32, #tpu.memory_space<vmem>>) dst(%dma_wait3A_66 : memref<112x128xf32, #tpu.memory_space<vmem_shared>>)
        tpu.yield
      }) : () -> ()
    } else {
    }
    %eq3A = arith.constant 15 : i32
    %eq3A_13 = arith.cmpi eq, %arg1, %eq3A : i32
    %convert_element_type3A_14 = arith.extui %eq3A_13 : i1 to i32
    %cond3A_15 = arith.constant 0 : i32
    %cond3A_16 = arith.cmpi ne, %convert_element_type3A_14, %cond3A_15 : i32
    scf.if %cond3A_16 {
      "tpu.region"() ({
        %run_scoped3A = tpu.sem_alloc : memref<!tpu.dma_semaphore, #tpu.memory_space<semaphore_mem>>
        %dma_start3A = arith.constant 0 : i32
        %dma_start3A_39 = arith.constant 0 : i32
        %dma_start3A_40 = tpu.memref_slice %arg10[%dma_start3A, %dma_start3A_39] : memref<128x128xf32, #tpu.memory_space<vmem>> -> memref<128x128xf32, #tpu.memory_space<vmem>>
        %dma_start3A_41 = arith.constant 9360 : i32
        %dma_start3A_42 = arith.constant 0 : i32
        %dma_start3A_43 = tpu.memref_slice %arg12[%dma_start3A_41, %dma_start3A_42] : memref<10016x128xf32, #tpu.memory_space<vmem_shared>> -> memref<128x128xf32, #tpu.memory_space<vmem_shared>>
        %dma_start3A_44 = arith.constant 9360 : i32
        %dma_start3A_45 = arith.constant 0 : i32
        %dma_start3A_46 = tpu.memref_slice %arg12[%dma_start3A_44, %dma_start3A_45] : memref<10016x128xf32, #tpu.memory_space<vmem_shared>> -> memref<128x128xf32, #tpu.memory_space<vmem_shared>>
        %dma_start3A_47 = arith.constant 0 : i32
        %dma_start3A_48 = arith.constant 0 : i32
        %dma_start3A_49 = tpu.memref_slice %arg10[%dma_start3A_47, %dma_start3A_48] : memref<128x128xf32, #tpu.memory_space<vmem>> -> memref<128x128xf32, #tpu.memory_space<vmem>>
        tpu.enqueue_dma source(%dma_start3A_49 : memref<128x128xf32, #tpu.memory_space<vmem>>) target(%dma_start3A_46 : memref<128x128xf32, #tpu.memory_space<vmem_shared>>) target_semaphore(%run_scoped3A : memref<!tpu.dma_semaphore, #tpu.memory_space<semaphore_mem>>)
        %dma_wait3A_50 = arith.constant 0 : i32
        %dma_wait3A_51 = arith.constant 0 : i32
        %dma_wait3A_52 = tpu.memref_slice %arg10[%dma_wait3A_50, %dma_wait3A_51] : memref<128x128xf32, #tpu.memory_space<vmem>> -> memref<128x128xf32, #tpu.memory_space<vmem>>
        %dma_wait3A_53 = arith.constant 9360 : i32
        %dma_wait3A_54 = arith.constant 0 : i32
        %dma_wait3A_55 = tpu.memref_slice %arg12[%dma_wait3A_53, %dma_wait3A_54] : memref<10016x128xf32, #tpu.memory_space<vmem_shared>> -> memref<128x128xf32, #tpu.memory_space<vmem_shared>>
        %dma_wait3A_56 = arith.constant 9360 : i32
        %dma_wait3A_57 = arith.constant 0 : i32
        %dma_wait3A_58 = tpu.memref_slice %arg12[%dma_wait3A_56, %dma_wait3A_57] : memref<10016x128xf32, #tpu.memory_space<vmem_shared>> -> memref<128x128xf32, #tpu.memory_space<vmem_shared>>
        %dma_wait3A_59 = arith.constant 0 : i32
        %dma_wait3A_60 = arith.constant 0 : i32
        %dma_wait3A_61 = tpu.memref_slice %arg10[%dma_wait3A_59, %dma_wait3A_60] : memref<128x128xf32, #tpu.memory_space<vmem>> -> memref<128x128xf32, #tpu.memory_space<vmem>>
        tpu.wait_dma2 semaphore(%run_scoped3A : memref<!tpu.dma_semaphore, #tpu.memory_space<semaphore_mem>>) src(%dma_wait3A_61 : memref<128x128xf32, #tpu.memory_space<vmem>>) dst(%dma_wait3A_58 : memref<128x128xf32, #tpu.memory_space<vmem_shared>>)
        tpu.yield
      }) : () -> ()
      "tpu.region"() ({
        %run_scoped3A = tpu.sem_alloc : memref<!tpu.dma_semaphore, #tpu.memory_space<semaphore_mem>>
        %dma_start3A = arith.constant 0 : i32
        %dma_start3A_39 = arith.constant 0 : i32
        %dma_start3A_40 = tpu.memref_slice %arg10[%dma_start3A, %dma_start3A_39] : memref<128x128xf32, #tpu.memory_space<vmem>> -> memref<128x128xf32, #tpu.memory_space<vmem>>
        %dma_start3A_41 = arith.constant 9488 : i32
        %dma_start3A_42 = arith.constant 0 : i32
        %dma_start3A_43 = tpu.memref_slice %arg12[%dma_start3A_41, %dma_start3A_42] : memref<10016x128xf32, #tpu.memory_space<vmem_shared>> -> memref<128x128xf32, #tpu.memory_space<vmem_shared>>
        %dma_start3A_44 = arith.constant 9488 : i32
        %dma_start3A_45 = arith.constant 0 : i32
        %dma_start3A_46 = tpu.memref_slice %arg12[%dma_start3A_44, %dma_start3A_45] : memref<10016x128xf32, #tpu.memory_space<vmem_shared>> -> memref<128x128xf32, #tpu.memory_space<vmem_shared>>
        %dma_start3A_47 = arith.constant 0 : i32
        %dma_start3A_48 = arith.constant 0 : i32
        %dma_start3A_49 = tpu.memref_slice %arg10[%dma_start3A_47, %dma_start3A_48] : memref<128x128xf32, #tpu.memory_space<vmem>> -> memref<128x128xf32, #tpu.memory_space<vmem>>
        tpu.enqueue_dma source(%dma_start3A_49 : memref<128x128xf32, #tpu.memory_space<vmem>>) target(%dma_start3A_46 : memref<128x128xf32, #tpu.memory_space<vmem_shared>>) target_semaphore(%run_scoped3A : memref<!tpu.dma_semaphore, #tpu.memory_space<semaphore_mem>>)
        %dma_wait3A_50 = arith.constant 0 : i32
        %dma_wait3A_51 = arith.constant 0 : i32
        %dma_wait3A_52 = tpu.memref_slice %arg10[%dma_wait3A_50, %dma_wait3A_51] : memref<128x128xf32, #tpu.memory_space<vmem>> -> memref<128x128xf32, #tpu.memory_space<vmem>>
        %dma_wait3A_53 = arith.constant 9488 : i32
        %dma_wait3A_54 = arith.constant 0 : i32
        %dma_wait3A_55 = tpu.memref_slice %arg12[%dma_wait3A_53, %dma_wait3A_54] : memref<10016x128xf32, #tpu.memory_space<vmem_shared>> -> memref<128x128xf32, #tpu.memory_space<vmem_shared>>
        %dma_wait3A_56 = arith.constant 9488 : i32
        %dma_wait3A_57 = arith.constant 0 : i32
        %dma_wait3A_58 = tpu.memref_slice %arg12[%dma_wait3A_56, %dma_wait3A_57] : memref<10016x128xf32, #tpu.memory_space<vmem_shared>> -> memref<128x128xf32, #tpu.memory_space<vmem_shared>>
        %dma_wait3A_59 = arith.constant 0 : i32
        %dma_wait3A_60 = arith.constant 0 : i32
        %dma_wait3A_61 = tpu.memref_slice %arg10[%dma_wait3A_59, %dma_wait3A_60] : memref<128x128xf32, #tpu.memory_space<vmem>> -> memref<128x128xf32, #tpu.memory_space<vmem>>
        tpu.wait_dma2 semaphore(%run_scoped3A : memref<!tpu.dma_semaphore, #tpu.memory_space<semaphore_mem>>) src(%dma_wait3A_61 : memref<128x128xf32, #tpu.memory_space<vmem>>) dst(%dma_wait3A_58 : memref<128x128xf32, #tpu.memory_space<vmem_shared>>)
        tpu.yield
      }) : () -> ()
      "tpu.region"() ({
        %run_scoped3A = tpu.sem_alloc : memref<!tpu.dma_semaphore, #tpu.memory_space<semaphore_mem>>
        %dma_start3A = arith.constant 0 : i32
        %dma_start3A_39 = arith.constant 0 : i32
        %dma_start3A_40 = tpu.memref_slice %arg10[%dma_start3A, %dma_start3A_39] : memref<128x128xf32, #tpu.memory_space<vmem>> -> memref<128x128xf32, #tpu.memory_space<vmem>>
        %dma_start3A_41 = arith.constant 9616 : i32
        %dma_start3A_42 = arith.constant 0 : i32
        %dma_start3A_43 = tpu.memref_slice %arg12[%dma_start3A_41, %dma_start3A_42] : memref<10016x128xf32, #tpu.memory_space<vmem_shared>> -> memref<128x128xf32, #tpu.memory_space<vmem_shared>>
        %dma_start3A_44 = arith.constant 9616 : i32
        %dma_start3A_45 = arith.constant 0 : i32
        %dma_start3A_46 = tpu.memref_slice %arg12[%dma_start3A_44, %dma_start3A_45] : memref<10016x128xf32, #tpu.memory_space<vmem_shared>> -> memref<128x128xf32, #tpu.memory_space<vmem_shared>>
        %dma_start3A_47 = arith.constant 0 : i32
        %dma_start3A_48 = arith.constant 0 : i32
        %dma_start3A_49 = tpu.memref_slice %arg10[%dma_start3A_47, %dma_start3A_48] : memref<128x128xf32, #tpu.memory_space<vmem>> -> memref<128x128xf32, #tpu.memory_space<vmem>>
        tpu.enqueue_dma source(%dma_start3A_49 : memref<128x128xf32, #tpu.memory_space<vmem>>) target(%dma_start3A_46 : memref<128x128xf32, #tpu.memory_space<vmem_shared>>) target_semaphore(%run_scoped3A : memref<!tpu.dma_semaphore, #tpu.memory_space<semaphore_mem>>)
        %dma_wait3A_50 = arith.constant 0 : i32
        %dma_wait3A_51 = arith.constant 0 : i32
        %dma_wait3A_52 = tpu.memref_slice %arg10[%dma_wait3A_50, %dma_wait3A_51] : memref<128x128xf32, #tpu.memory_space<vmem>> -> memref<128x128xf32, #tpu.memory_space<vmem>>
        %dma_wait3A_53 = arith.constant 9616 : i32
        %dma_wait3A_54 = arith.constant 0 : i32
        %dma_wait3A_55 = tpu.memref_slice %arg12[%dma_wait3A_53, %dma_wait3A_54] : memref<10016x128xf32, #tpu.memory_space<vmem_shared>> -> memref<128x128xf32, #tpu.memory_space<vmem_shared>>
        %dma_wait3A_56 = arith.constant 9616 : i32
        %dma_wait3A_57 = arith.constant 0 : i32
        %dma_wait3A_58 = tpu.memref_slice %arg12[%dma_wait3A_56, %dma_wait3A_57] : memref<10016x128xf32, #tpu.memory_space<vmem_shared>> -> memref<128x128xf32, #tpu.memory_space<vmem_shared>>
        %dma_wait3A_59 = arith.constant 0 : i32
        %dma_wait3A_60 = arith.constant 0 : i32
        %dma_wait3A_61 = tpu.memref_slice %arg10[%dma_wait3A_59, %dma_wait3A_60] : memref<128x128xf32, #tpu.memory_space<vmem>> -> memref<128x128xf32, #tpu.memory_space<vmem>>
        tpu.wait_dma2 semaphore(%run_scoped3A : memref<!tpu.dma_semaphore, #tpu.memory_space<semaphore_mem>>) src(%dma_wait3A_61 : memref<128x128xf32, #tpu.memory_space<vmem>>) dst(%dma_wait3A_58 : memref<128x128xf32, #tpu.memory_space<vmem_shared>>)
        tpu.yield
      }) : () -> ()
      "tpu.region"() ({
        %run_scoped3A = tpu.sem_alloc : memref<!tpu.dma_semaphore, #tpu.memory_space<semaphore_mem>>
        %dma_start3A = arith.constant 0 : i32
        %dma_start3A_39 = arith.constant 0 : i32
        %dma_start3A_40 = tpu.memref_slice %arg10[%dma_start3A, %dma_start3A_39] : memref<128x128xf32, #tpu.memory_space<vmem>> -> memref<128x128xf32, #tpu.memory_space<vmem>>
        %dma_start3A_41 = arith.constant 9744 : i32
        %dma_start3A_42 = arith.constant 0 : i32
        %dma_start3A_43 = tpu.memref_slice %arg12[%dma_start3A_41, %dma_start3A_42] : memref<10016x128xf32, #tpu.memory_space<vmem_shared>> -> memref<128x128xf32, #tpu.memory_space<vmem_shared>>
        %dma_start3A_44 = arith.constant 9744 : i32
        %dma_start3A_45 = arith.constant 0 : i32
        %dma_start3A_46 = tpu.memref_slice %arg12[%dma_start3A_44, %dma_start3A_45] : memref<10016x128xf32, #tpu.memory_space<vmem_shared>> -> memref<128x128xf32, #tpu.memory_space<vmem_shared>>
        %dma_start3A_47 = arith.constant 0 : i32
        %dma_start3A_48 = arith.constant 0 : i32
        %dma_start3A_49 = tpu.memref_slice %arg10[%dma_start3A_47, %dma_start3A_48] : memref<128x128xf32, #tpu.memory_space<vmem>> -> memref<128x128xf32, #tpu.memory_space<vmem>>
        tpu.enqueue_dma source(%dma_start3A_49 : memref<128x128xf32, #tpu.memory_space<vmem>>) target(%dma_start3A_46 : memref<128x128xf32, #tpu.memory_space<vmem_shared>>) target_semaphore(%run_scoped3A : memref<!tpu.dma_semaphore, #tpu.memory_space<semaphore_mem>>)
        %dma_wait3A_50 = arith.constant 0 : i32
        %dma_wait3A_51 = arith.constant 0 : i32
        %dma_wait3A_52 = tpu.memref_slice %arg10[%dma_wait3A_50, %dma_wait3A_51] : memref<128x128xf32, #tpu.memory_space<vmem>> -> memref<128x128xf32, #tpu.memory_space<vmem>>
        %dma_wait3A_53 = arith.constant 9744 : i32
        %dma_wait3A_54 = arith.constant 0 : i32
        %dma_wait3A_55 = tpu.memref_slice %arg12[%dma_wait3A_53, %dma_wait3A_54] : memref<10016x128xf32, #tpu.memory_space<vmem_shared>> -> memref<128x128xf32, #tpu.memory_space<vmem_shared>>
        %dma_wait3A_56 = arith.constant 9744 : i32
        %dma_wait3A_57 = arith.constant 0 : i32
        %dma_wait3A_58 = tpu.memref_slice %arg12[%dma_wait3A_56, %dma_wait3A_57] : memref<10016x128xf32, #tpu.memory_space<vmem_shared>> -> memref<128x128xf32, #tpu.memory_space<vmem_shared>>
        %dma_wait3A_59 = arith.constant 0 : i32
        %dma_wait3A_60 = arith.constant 0 : i32
        %dma_wait3A_61 = tpu.memref_slice %arg10[%dma_wait3A_59, %dma_wait3A_60] : memref<128x128xf32, #tpu.memory_space<vmem>> -> memref<128x128xf32, #tpu.memory_space<vmem>>
        tpu.wait_dma2 semaphore(%run_scoped3A : memref<!tpu.dma_semaphore, #tpu.memory_space<semaphore_mem>>) src(%dma_wait3A_61 : memref<128x128xf32, #tpu.memory_space<vmem>>) dst(%dma_wait3A_58 : memref<128x128xf32, #tpu.memory_space<vmem_shared>>)
        tpu.yield
      }) : () -> ()
      "tpu.region"() ({
        %run_scoped3A = tpu.sem_alloc : memref<!tpu.dma_semaphore, #tpu.memory_space<semaphore_mem>>
        %dma_start3A = arith.constant 0 : i32
        %dma_start3A_39 = arith.constant 0 : i32
        %dma_start3A_40 = tpu.memref_slice %arg10[%dma_start3A, %dma_start3A_39] : memref<128x128xf32, #tpu.memory_space<vmem>> -> memref<128x128xf32, #tpu.memory_space<vmem>>
        %dma_start3A_41 = arith.constant 9872 : i32
        %dma_start3A_42 = arith.constant 0 : i32
        %dma_start3A_43 = tpu.memref_slice %arg12[%dma_start3A_41, %dma_start3A_42] : memref<10016x128xf32, #tpu.memory_space<vmem_shared>> -> memref<128x128xf32, #tpu.memory_space<vmem_shared>>
        %dma_start3A_44 = arith.constant 9872 : i32
        %dma_start3A_45 = arith.constant 0 : i32
        %dma_start3A_46 = tpu.memref_slice %arg12[%dma_start3A_44, %dma_start3A_45] : memref<10016x128xf32, #tpu.memory_space<vmem_shared>> -> memref<128x128xf32, #tpu.memory_space<vmem_shared>>
        %dma_start3A_47 = arith.constant 0 : i32
        %dma_start3A_48 = arith.constant 0 : i32
        %dma_start3A_49 = tpu.memref_slice %arg10[%dma_start3A_47, %dma_start3A_48] : memref<128x128xf32, #tpu.memory_space<vmem>> -> memref<128x128xf32, #tpu.memory_space<vmem>>
        tpu.enqueue_dma source(%dma_start3A_49 : memref<128x128xf32, #tpu.memory_space<vmem>>) target(%dma_start3A_46 : memref<128x128xf32, #tpu.memory_space<vmem_shared>>) target_semaphore(%run_scoped3A : memref<!tpu.dma_semaphore, #tpu.memory_space<semaphore_mem>>)
        %dma_wait3A_50 = arith.constant 0 : i32
        %dma_wait3A_51 = arith.constant 0 : i32
        %dma_wait3A_52 = tpu.memref_slice %arg10[%dma_wait3A_50, %dma_wait3A_51] : memref<128x128xf32, #tpu.memory_space<vmem>> -> memref<128x128xf32, #tpu.memory_space<vmem>>
        %dma_wait3A_53 = arith.constant 9872 : i32
        %dma_wait3A_54 = arith.constant 0 : i32
        %dma_wait3A_55 = tpu.memref_slice %arg12[%dma_wait3A_53, %dma_wait3A_54] : memref<10016x128xf32, #tpu.memory_space<vmem_shared>> -> memref<128x128xf32, #tpu.memory_space<vmem_shared>>
        %dma_wait3A_56 = arith.constant 9872 : i32
        %dma_wait3A_57 = arith.constant 0 : i32
        %dma_wait3A_58 = tpu.memref_slice %arg12[%dma_wait3A_56, %dma_wait3A_57] : memref<10016x128xf32, #tpu.memory_space<vmem_shared>> -> memref<128x128xf32, #tpu.memory_space<vmem_shared>>
        %dma_wait3A_59 = arith.constant 0 : i32
        %dma_wait3A_60 = arith.constant 0 : i32
        %dma_wait3A_61 = tpu.memref_slice %arg10[%dma_wait3A_59, %dma_wait3A_60] : memref<128x128xf32, #tpu.memory_space<vmem>> -> memref<128x128xf32, #tpu.memory_space<vmem>>
        tpu.wait_dma2 semaphore(%run_scoped3A : memref<!tpu.dma_semaphore, #tpu.memory_space<semaphore_mem>>) src(%dma_wait3A_61 : memref<128x128xf32, #tpu.memory_space<vmem>>) dst(%dma_wait3A_58 : memref<128x128xf32, #tpu.memory_space<vmem_shared>>)
        tpu.yield
      }) : () -> ()
      "tpu.region"() ({
        %run_scoped3A = tpu.sem_alloc : memref<!tpu.dma_semaphore, #tpu.memory_space<semaphore_mem>>
        %dma_start3A = arith.constant 0 : i32
        %dma_start3A_39 = arith.constant 0 : i32
        %dma_start3A_40 = tpu.memref_slice %arg10[%dma_start3A, %dma_start3A_39] : memref<128x128xf32, #tpu.memory_space<vmem>> -> memref<16x128xf32, #tpu.memory_space<vmem>>
        %dma_start3A_41 = arith.constant 10000 : i32
        %dma_start3A_42 = arith.constant 0 : i32
        %dma_start3A_43 = tpu.memref_slice %arg12[%dma_start3A_41, %dma_start3A_42] : memref<10016x128xf32, #tpu.memory_space<vmem_shared>> -> memref<16x128xf32, #tpu.memory_space<vmem_shared>>
        %dma_start3A_44 = arith.constant 10000 : i32
        %dma_start3A_45 = arith.constant 0 : i32
        %dma_start3A_46 = tpu.memref_slice %arg12[%dma_start3A_44, %dma_start3A_45] : memref<10016x128xf32, #tpu.memory_space<vmem_shared>> -> memref<16x128xf32, #tpu.memory_space<vmem_shared>>
        %dma_start3A_47 = arith.constant 0 : i32
        %dma_start3A_48 = arith.constant 0 : i32
        %dma_start3A_49 = tpu.memref_slice %arg10[%dma_start3A_47, %dma_start3A_48] : memref<128x128xf32, #tpu.memory_space<vmem>> -> memref<16x128xf32, #tpu.memory_space<vmem>>
        tpu.enqueue_dma source(%dma_start3A_49 : memref<16x128xf32, #tpu.memory_space<vmem>>) target(%dma_start3A_46 : memref<16x128xf32, #tpu.memory_space<vmem_shared>>) target_semaphore(%run_scoped3A : memref<!tpu.dma_semaphore, #tpu.memory_space<semaphore_mem>>)
        %dma_wait3A_50 = arith.constant 0 : i32
        %dma_wait3A_51 = arith.constant 0 : i32
        %dma_wait3A_52 = tpu.memref_slice %arg10[%dma_wait3A_50, %dma_wait3A_51] : memref<128x128xf32, #tpu.memory_space<vmem>> -> memref<16x128xf32, #tpu.memory_space<vmem>>
        %dma_wait3A_53 = arith.constant 10000 : i32
        %dma_wait3A_54 = arith.constant 0 : i32
        %dma_wait3A_55 = tpu.memref_slice %arg12[%dma_wait3A_53, %dma_wait3A_54] : memref<10016x128xf32, #tpu.memory_space<vmem_shared>> -> memref<16x128xf32, #tpu.memory_space<vmem_shared>>
        %dma_wait3A_56 = arith.constant 10000 : i32
        %dma_wait3A_57 = arith.constant 0 : i32
        %dma_wait3A_58 = tpu.memref_slice %arg12[%dma_wait3A_56, %dma_wait3A_57] : memref<10016x128xf32, #tpu.memory_space<vmem_shared>> -> memref<16x128xf32, #tpu.memory_space<vmem_shared>>
        %dma_wait3A_59 = arith.constant 0 : i32
        %dma_wait3A_60 = arith.constant 0 : i32
        %dma_wait3A_61 = tpu.memref_slice %arg10[%dma_wait3A_59, %dma_wait3A_60] : memref<128x128xf32, #tpu.memory_space<vmem>> -> memref<16x128xf32, #tpu.memory_space<vmem>>
        tpu.wait_dma2 semaphore(%run_scoped3A : memref<!tpu.dma_semaphore, #tpu.memory_space<semaphore_mem>>) src(%dma_wait3A_61 : memref<16x128xf32, #tpu.memory_space<vmem>>) dst(%dma_wait3A_58 : memref<16x128xf32, #tpu.memory_space<vmem_shared>>)
        tpu.yield
      }) : () -> ()
    } else {
    }
    %barrier3A = arith.constant 0 : index
    tpu.barrier barrier_id(%barrier3A)
    %scan3A_17 = arith.constant 0 : i32
    %scan3A_18 = arith.constant 0 : i32
    %scan3A_19 = arith.constant 79 : i32
    %scan3A_20 = arith.addi %scan3A_18, %scan3A_19 : i32
    %scan3A_21 = arith.constant 1 : i32
    scf.for %scan3A_39 = %scan3A_18 to %scan3A_20 step %scan3A_21  : i32 {
      %mul3A_40 = arith.constant 2 : i32
      %mul3A_41 = arith.muli %scan3A_39, %mul3A_40 : i32
      %add3A_42 = arith.constant 0 : i32
      %add3A_43 = arith.addi %mul3A_41, %add3A_42 : i32
      %ge3A = arith.constant 2 : i32
      %ge3A_44 = arith.cmpi sge, %add3A_43, %ge3A : i32
      %convert_element_type3A_45 = arith.extui %ge3A_44 : i1 to i32
      %cond3A_46 = arith.constant 0 : i32
      %cond3A_47 = arith.cmpi ne, %convert_element_type3A_45, %cond3A_46 : i32
      scf.if %cond3A_47 {
        %dma_wait3A_86 = arith.constant 0 : i32
        %dma_wait3A_87 = arith.constant 0 : i32
        %dma_wait3A_88 = tpu.memref_slice %arg12[%dma_wait3A_86, %dma_wait3A_87] : memref<10016x128xf32, #tpu.memory_space<vmem_shared>> -> memref<10016x128xf32, #tpu.memory_space<vmem_shared>>
        tpu.wait_indirect_dma semaphore(%arg15 : memref<!tpu.dma_semaphore, #tpu.memory_space<semaphore_mem>>) src(%arg10 : memref<128x128xf32, #tpu.memory_space<vmem>>) dst(%dma_wait3A_88 : memref<10016x128xf32, #tpu.memory_space<vmem_shared>>)
      } else {
      }
      %mul3A_48 = arith.constant 128 : i32
      %mul3A_49 = arith.muli %add3A_43, %mul3A_48 : i32
      %add3A_50 = arith.addi %add3A, %mul3A_49 : i32
      "tpu.region"() ({
        %run_scoped3A = tpu.sem_alloc : memref<!tpu.dma_semaphore, #tpu.memory_space<semaphore_mem>>
        %dma_start3A_86 = tpu.memref_slice %arg3[%add3A_50] : memref<647168xi32, #tpu.memory_space<hbm>> -> memref<128xi32, #tpu.memory_space<hbm>>
        %dma_start3A_87 = tpu.memref_slice %arg3[%add3A_50] : memref<647168xi32, #tpu.memory_space<hbm>> -> memref<128xi32, #tpu.memory_space<hbm>>
        tpu.enqueue_dma source(%dma_start3A_87 : memref<128xi32, #tpu.memory_space<hbm>>) target(%arg6 : memref<128xi32, #tpu.memory_space<vmem>>) target_semaphore(%run_scoped3A : memref<!tpu.dma_semaphore, #tpu.memory_space<semaphore_mem>>)
        %dma_wait3A_88 = tpu.memref_slice %arg3[%add3A_50] : memref<647168xi32, #tpu.memory_space<hbm>> -> memref<128xi32, #tpu.memory_space<hbm>>
        %dma_wait3A_89 = tpu.memref_slice %arg3[%add3A_50] : memref<647168xi32, #tpu.memory_space<hbm>> -> memref<128xi32, #tpu.memory_space<hbm>>
        tpu.wait_dma2 semaphore(%run_scoped3A : memref<!tpu.dma_semaphore, #tpu.memory_space<semaphore_mem>>) src(%dma_wait3A_89 : memref<128xi32, #tpu.memory_space<hbm>>) dst(%arg6 : memref<128xi32, #tpu.memory_space<vmem>>)
        tpu.yield
      }) : () -> ()
      %mul3A_51 = arith.constant 128 : i32
      %mul3A_52 = arith.muli %add3A_43, %mul3A_51 : i32
      %add3A_53 = arith.addi %mul3A_4, %mul3A_52 : i32
      "tpu.region"() ({
        %run_scoped3A = tpu.sem_alloc : memref<!tpu.dma_semaphore, #tpu.memory_space<semaphore_mem>>
        %dma_start3A_86 = tpu.memref_slice %arg4[%add3A_53] : memref<323584xi32, #tpu.memory_space<hbm>> -> memref<128xi32, #tpu.memory_space<hbm>>
        %dma_start3A_87 = tpu.memref_slice %arg4[%add3A_53] : memref<323584xi32, #tpu.memory_space<hbm>> -> memref<128xi32, #tpu.memory_space<hbm>>
        tpu.enqueue_dma source(%dma_start3A_87 : memref<128xi32, #tpu.memory_space<hbm>>) target(%arg8 : memref<128xi32, #tpu.memory_space<vmem>>) target_semaphore(%run_scoped3A : memref<!tpu.dma_semaphore, #tpu.memory_space<semaphore_mem>>)
        %dma_wait3A_88 = tpu.memref_slice %arg4[%add3A_53] : memref<323584xi32, #tpu.memory_space<hbm>> -> memref<128xi32, #tpu.memory_space<hbm>>
        %dma_wait3A_89 = tpu.memref_slice %arg4[%add3A_53] : memref<323584xi32, #tpu.memory_space<hbm>> -> memref<128xi32, #tpu.memory_space<hbm>>
        tpu.wait_dma2 semaphore(%run_scoped3A : memref<!tpu.dma_semaphore, #tpu.memory_space<semaphore_mem>>) src(%dma_wait3A_89 : memref<128xi32, #tpu.memory_space<hbm>>) dst(%arg8 : memref<128xi32, #tpu.memory_space<vmem>>)
        tpu.yield
      }) : () -> ()
      %dma_start3A = arith.constant 0 : i32
      %dma_start3A_54 = arith.constant 0 : i32
      %dma_start3A_55 = tpu.memref_slice %arg2[%dma_start3A, %dma_start3A_54] : memref<20000x128xf32, #tpu.memory_space<hbm>> -> memref<20000x128xf32, #tpu.memory_space<hbm>>
      tpu.enqueue_indirect_dma source(%dma_start3A_55 : memref<20000x128xf32, #tpu.memory_space<hbm>>) target(%arg10 : memref<128x128xf32, #tpu.memory_space<vmem>>) offsets(%arg6 : memref<128xi32, #tpu.memory_space<vmem>>) semaphore(%arg13 : memref<!tpu.dma_semaphore, #tpu.memory_space<semaphore_mem>>)
      %dma_wait3A_56 = arith.constant 0 : i32
      %dma_wait3A_57 = arith.constant 0 : i32
      %dma_wait3A_58 = tpu.memref_slice %arg2[%dma_wait3A_56, %dma_wait3A_57] : memref<20000x128xf32, #tpu.memory_space<hbm>> -> memref<20000x128xf32, #tpu.memory_space<hbm>>
      tpu.wait_indirect_dma semaphore(%arg13 : memref<!tpu.dma_semaphore, #tpu.memory_space<semaphore_mem>>) src(%dma_wait3A_58 : memref<20000x128xf32, #tpu.memory_space<hbm>>) dst(%arg10 : memref<128x128xf32, #tpu.memory_space<vmem>>)
      %dma_start3A_59 = arith.constant 0 : i32
      %dma_start3A_60 = arith.constant 0 : i32
      %dma_start3A_61 = tpu.memref_slice %arg12[%dma_start3A_59, %dma_start3A_60] : memref<10016x128xf32, #tpu.memory_space<vmem_shared>> -> memref<10016x128xf32, #tpu.memory_space<vmem_shared>>
      tpu.enqueue_indirect_dma source(%arg10 : memref<128x128xf32, #tpu.memory_space<vmem>>) target(%dma_start3A_61 : memref<10016x128xf32, #tpu.memory_space<vmem_shared>>) offsets(%arg8 : memref<128xi32, #tpu.memory_space<vmem>>) semaphore(%arg15 : memref<!tpu.dma_semaphore, #tpu.memory_space<semaphore_mem>>) {add = true}
      %mul3A_62 = arith.constant 2 : i32
      %mul3A_63 = arith.muli %scan3A_39, %mul3A_62 : i32
      %add3A_64 = arith.constant 1 : i32
      %add3A_65 = arith.addi %mul3A_63, %add3A_64 : i32
      %ge3A_66 = arith.constant 2 : i32
      %ge3A_67 = arith.cmpi sge, %add3A_65, %ge3A_66 : i32
      %convert_element_type3A_68 = arith.extui %ge3A_67 : i1 to i32
      %cond3A_69 = arith.constant 0 : i32
      %cond3A_70 = arith.cmpi ne, %convert_element_type3A_68, %cond3A_69 : i32
      scf.if %cond3A_70 {
        %dma_wait3A_86 = arith.constant 0 : i32
        %dma_wait3A_87 = arith.constant 0 : i32
        %dma_wait3A_88 = tpu.memref_slice %arg12[%dma_wait3A_86, %dma_wait3A_87] : memref<10016x128xf32, #tpu.memory_space<vmem_shared>> -> memref<10016x128xf32, #tpu.memory_space<vmem_shared>>
        tpu.wait_indirect_dma semaphore(%arg16 : memref<!tpu.dma_semaphore, #tpu.memory_space<semaphore_mem>>) src(%arg11 : memref<128x128xf32, #tpu.memory_space<vmem>>) dst(%dma_wait3A_88 : memref<10016x128xf32, #tpu.memory_space<vmem_shared>>)
      } else {
      }
      %mul3A_71 = arith.constant 128 : i32
      %mul3A_72 = arith.muli %add3A_65, %mul3A_71 : i32
      %add3A_73 = arith.addi %add3A, %mul3A_72 : i32
      "tpu.region"() ({
        %run_scoped3A = tpu.sem_alloc : memref<!tpu.dma_semaphore, #tpu.memory_space<semaphore_mem>>
        %dma_start3A_86 = tpu.memref_slice %arg3[%add3A_73] : memref<647168xi32, #tpu.memory_space<hbm>> -> memref<128xi32, #tpu.memory_space<hbm>>
        %dma_start3A_87 = tpu.memref_slice %arg3[%add3A_73] : memref<647168xi32, #tpu.memory_space<hbm>> -> memref<128xi32, #tpu.memory_space<hbm>>
        tpu.enqueue_dma source(%dma_start3A_87 : memref<128xi32, #tpu.memory_space<hbm>>) target(%arg7 : memref<128xi32, #tpu.memory_space<vmem>>) target_semaphore(%run_scoped3A : memref<!tpu.dma_semaphore, #tpu.memory_space<semaphore_mem>>)
        %dma_wait3A_88 = tpu.memref_slice %arg3[%add3A_73] : memref<647168xi32, #tpu.memory_space<hbm>> -> memref<128xi32, #tpu.memory_space<hbm>>
        %dma_wait3A_89 = tpu.memref_slice %arg3[%add3A_73] : memref<647168xi32, #tpu.memory_space<hbm>> -> memref<128xi32, #tpu.memory_space<hbm>>
        tpu.wait_dma2 semaphore(%run_scoped3A : memref<!tpu.dma_semaphore, #tpu.memory_space<semaphore_mem>>) src(%dma_wait3A_89 : memref<128xi32, #tpu.memory_space<hbm>>) dst(%arg7 : memref<128xi32, #tpu.memory_space<vmem>>)
        tpu.yield
      }) : () -> ()
      %mul3A_74 = arith.constant 128 : i32
      %mul3A_75 = arith.muli %add3A_65, %mul3A_74 : i32
      %add3A_76 = arith.addi %mul3A_4, %mul3A_75 : i32
      "tpu.region"() ({
        %run_scoped3A = tpu.sem_alloc : memref<!tpu.dma_semaphore, #tpu.memory_space<semaphore_mem>>
        %dma_start3A_86 = tpu.memref_slice %arg4[%add3A_76] : memref<323584xi32, #tpu.memory_space<hbm>> -> memref<128xi32, #tpu.memory_space<hbm>>
        %dma_start3A_87 = tpu.memref_slice %arg4[%add3A_76] : memref<323584xi32, #tpu.memory_space<hbm>> -> memref<128xi32, #tpu.memory_space<hbm>>
        tpu.enqueue_dma source(%dma_start3A_87 : memref<128xi32, #tpu.memory_space<hbm>>) target(%arg9 : memref<128xi32, #tpu.memory_space<vmem>>) target_semaphore(%run_scoped3A : memref<!tpu.dma_semaphore, #tpu.memory_space<semaphore_mem>>)
        %dma_wait3A_88 = tpu.memref_slice %arg4[%add3A_76] : memref<323584xi32, #tpu.memory_space<hbm>> -> memref<128xi32, #tpu.memory_space<hbm>>
        %dma_wait3A_89 = tpu.memref_slice %arg4[%add3A_76] : memref<323584xi32, #tpu.memory_space<hbm>> -> memref<128xi32, #tpu.memory_space<hbm>>
        tpu.wait_dma2 semaphore(%run_scoped3A : memref<!tpu.dma_semaphore, #tpu.memory_space<semaphore_mem>>) src(%dma_wait3A_89 : memref<128xi32, #tpu.memory_space<hbm>>) dst(%arg9 : memref<128xi32, #tpu.memory_space<vmem>>)
        tpu.yield
      }) : () -> ()
      %dma_start3A_77 = arith.constant 0 : i32
      %dma_start3A_78 = arith.constant 0 : i32
      %dma_start3A_79 = tpu.memref_slice %arg2[%dma_start3A_77, %dma_start3A_78] : memref<20000x128xf32, #tpu.memory_space<hbm>> -> memref<20000x128xf32, #tpu.memory_space<hbm>>
      tpu.enqueue_indirect_dma source(%dma_start3A_79 : memref<20000x128xf32, #tpu.memory_space<hbm>>) target(%arg11 : memref<128x128xf32, #tpu.memory_space<vmem>>) offsets(%arg7 : memref<128xi32, #tpu.memory_space<vmem>>) semaphore(%arg14 : memref<!tpu.dma_semaphore, #tpu.memory_space<semaphore_mem>>)
      %dma_wait3A_80 = arith.constant 0 : i32
      %dma_wait3A_81 = arith.constant 0 : i32
      %dma_wait3A_82 = tpu.memref_slice %arg2[%dma_wait3A_80, %dma_wait3A_81] : memref<20000x128xf32, #tpu.memory_space<hbm>> -> memref<20000x128xf32, #tpu.memory_space<hbm>>
      tpu.wait_indirect_dma semaphore(%arg14 : memref<!tpu.dma_semaphore, #tpu.memory_space<semaphore_mem>>) src(%dma_wait3A_82 : memref<20000x128xf32, #tpu.memory_space<hbm>>) dst(%arg11 : memref<128x128xf32, #tpu.memory_space<vmem>>)
      %dma_start3A_83 = arith.constant 0 : i32
      %dma_start3A_84 = arith.constant 0 : i32
      %dma_start3A_85 = tpu.memref_slice %arg12[%dma_start3A_83, %dma_start3A_84] : memref<10016x128xf32, #tpu.memory_space<vmem_shared>> -> memref<10016x128xf32, #tpu.memory_space<vmem_shared>>
      tpu.enqueue_indirect_dma source(%arg11 : memref<128x128xf32, #tpu.memory_space<vmem>>) target(%dma_start3A_85 : memref<10016x128xf32, #tpu.memory_space<vmem_shared>>) offsets(%arg9 : memref<128xi32, #tpu.memory_space<vmem>>) semaphore(%arg16 : memref<!tpu.dma_semaphore, #tpu.memory_space<semaphore_mem>>) {add = true}
    }
    %scan3A_22 = arith.constant 79 : i32
    %dma_wait3A = arith.constant 0 : i32
    %dma_wait3A_23 = arith.constant 0 : i32
    %dma_wait3A_24 = tpu.memref_slice %arg12[%dma_wait3A, %dma_wait3A_23] : memref<10016x128xf32, #tpu.memory_space<vmem_shared>> -> memref<10016x128xf32, #tpu.memory_space<vmem_shared>>
    tpu.wait_indirect_dma semaphore(%arg15 : memref<!tpu.dma_semaphore, #tpu.memory_space<semaphore_mem>>) src(%arg10 : memref<128x128xf32, #tpu.memory_space<vmem>>) dst(%dma_wait3A_24 : memref<10016x128xf32, #tpu.memory_space<vmem_shared>>)
    %dma_wait3A_25 = arith.constant 0 : i32
    %dma_wait3A_26 = arith.constant 0 : i32
    %dma_wait3A_27 = tpu.memref_slice %arg12[%dma_wait3A_25, %dma_wait3A_26] : memref<10016x128xf32, #tpu.memory_space<vmem_shared>> -> memref<10016x128xf32, #tpu.memory_space<vmem_shared>>
    tpu.wait_indirect_dma semaphore(%arg16 : memref<!tpu.dma_semaphore, #tpu.memory_space<semaphore_mem>>) src(%arg11 : memref<128x128xf32, #tpu.memory_space<vmem>>) dst(%dma_wait3A_27 : memref<10016x128xf32, #tpu.memory_space<vmem_shared>>)
    %barrier3A_28 = arith.constant 0 : index
    tpu.barrier barrier_id(%barrier3A_28)
    %lt3A_29 = arith.constant 15 : i32
    %lt3A_30 = arith.cmpi slt, %arg1, %lt3A_29 : i32
    %convert_element_type3A_31 = arith.extui %lt3A_30 : i1 to i32
    %cond3A_32 = arith.constant 0 : i32
    %cond3A_33 = arith.cmpi ne, %convert_element_type3A_31, %cond3A_32 : i32
    scf.if %cond3A_33 {
      %mul3A_39 = arith.constant 624 : i32
      %mul3A_40 = arith.muli %arg1, %mul3A_39 : i32
      %mul3A_41 = arith.constant 624 : i32
      %mul3A_42 = arith.muli %arg1, %mul3A_41 : i32
      "tpu.region"() ({
        %run_scoped3A = tpu.sem_alloc : memref<!tpu.dma_semaphore, #tpu.memory_space<semaphore_mem>>
        %dma_start3A = arith.constant 0 : i32
        %dma_start3A_43 = tpu.memref_slice %arg5[%arg0, %mul3A_42, %dma_start3A] : memref<2x10000x128xf32, #tpu.memory_space<hbm>> -> memref<1x624x128xf32, #tpu.memory_space<hbm>>
        %dma_start3A_44 = tpu.memref_squeeze %dma_start3A_43 : memref<1x624x128xf32, #tpu.memory_space<hbm>> -> memref<624x128xf32, #tpu.memory_space<hbm>>
        %dma_start3A_45 = arith.constant 0 : i32
        %dma_start3A_46 = tpu.memref_slice %arg12[%mul3A_40, %dma_start3A_45] : memref<10016x128xf32, #tpu.memory_space<vmem_shared>> -> memref<624x128xf32, #tpu.memory_space<vmem_shared>>
        tpu.enqueue_dma source(%dma_start3A_46 : memref<624x128xf32, #tpu.memory_space<vmem_shared>>) target(%dma_start3A_44 : memref<624x128xf32, #tpu.memory_space<hbm>>) target_semaphore(%run_scoped3A : memref<!tpu.dma_semaphore, #tpu.memory_space<semaphore_mem>>)
        %dma_wait3A_47 = arith.constant 0 : i32
        %dma_wait3A_48 = tpu.memref_slice %arg5[%arg0, %mul3A_42, %dma_wait3A_47] : memref<2x10000x128xf32, #tpu.memory_space<hbm>> -> memref<1x624x128xf32, #tpu.memory_space<hbm>>
        %dma_wait3A_49 = tpu.memref_squeeze %dma_wait3A_48 : memref<1x624x128xf32, #tpu.memory_space<hbm>> -> memref<624x128xf32, #tpu.memory_space<hbm>>
        %dma_wait3A_50 = arith.constant 0 : i32
        %dma_wait3A_51 = tpu.memref_slice %arg12[%mul3A_40, %dma_wait3A_50] : memref<10016x128xf32, #tpu.memory_space<vmem_shared>> -> memref<624x128xf32, #tpu.memory_space<vmem_shared>>
        tpu.wait_dma2 semaphore(%run_scoped3A : memref<!tpu.dma_semaphore, #tpu.memory_space<semaphore_mem>>) src(%dma_wait3A_51 : memref<624x128xf32, #tpu.memory_space<vmem_shared>>) dst(%dma_wait3A_49 : memref<624x128xf32, #tpu.memory_space<hbm>>)
        tpu.yield
      }) : () -> ()
    } else {
    }
    %eq3A_34 = arith.constant 15 : i32
    %eq3A_35 = arith.cmpi eq, %arg1, %eq3A_34 : i32
    %convert_element_type3A_36 = arith.extui %eq3A_35 : i1 to i32
    %cond3A_37 = arith.constant 0 : i32
    %cond3A_38 = arith.cmpi ne, %convert_element_type3A_36, %cond3A_37 : i32
    scf.if %cond3A_38 {
      "tpu.region"() ({
        %run_scoped3A = tpu.sem_alloc : memref<!tpu.dma_semaphore, #tpu.memory_space<semaphore_mem>>
        %dma_start3A = arith.constant 9360 : i32
        %dma_start3A_39 = arith.constant 0 : i32
        %dma_start3A_40 = tpu.memref_slice %arg5[%arg0, %dma_start3A, %dma_start3A_39] : memref<2x10000x128xf32, #tpu.memory_space<hbm>> -> memref<1x640x128xf32, #tpu.memory_space<hbm>>
        %dma_start3A_41 = tpu.memref_squeeze %dma_start3A_40 : memref<1x640x128xf32, #tpu.memory_space<hbm>> -> memref<640x128xf32, #tpu.memory_space<hbm>>
        %dma_start3A_42 = arith.constant 9360 : i32
        %dma_start3A_43 = arith.constant 0 : i32
        %dma_start3A_44 = tpu.memref_slice %arg12[%dma_start3A_42, %dma_start3A_43] : memref<10016x128xf32, #tpu.memory_space<vmem_shared>> -> memref<640x128xf32, #tpu.memory_space<vmem_shared>>
        tpu.enqueue_dma source(%dma_start3A_44 : memref<640x128xf32, #tpu.memory_space<vmem_shared>>) target(%dma_start3A_41 : memref<640x128xf32, #tpu.memory_space<hbm>>) target_semaphore(%run_scoped3A : memref<!tpu.dma_semaphore, #tpu.memory_space<semaphore_mem>>)
        %dma_wait3A_45 = arith.constant 9360 : i32
        %dma_wait3A_46 = arith.constant 0 : i32
        %dma_wait3A_47 = tpu.memref_slice %arg5[%arg0, %dma_wait3A_45, %dma_wait3A_46] : memref<2x10000x128xf32, #tpu.memory_space<hbm>> -> memref<1x640x128xf32, #tpu.memory_space<hbm>>
        %dma_wait3A_48 = tpu.memref_squeeze %dma_wait3A_47 : memref<1x640x128xf32, #tpu.memory_space<hbm>> -> memref<640x128xf32, #tpu.memory_space<hbm>>
        %dma_wait3A_49 = arith.constant 9360 : i32
        %dma_wait3A_50 = arith.constant 0 : i32
        %dma_wait3A_51 = tpu.memref_slice %arg12[%dma_wait3A_49, %dma_wait3A_50] : memref<10016x128xf32, #tpu.memory_space<vmem_shared>> -> memref<640x128xf32, #tpu.memory_space<vmem_shared>>
        tpu.wait_dma2 semaphore(%run_scoped3A : memref<!tpu.dma_semaphore, #tpu.memory_space<semaphore_mem>>) src(%dma_wait3A_51 : memref<640x128xf32, #tpu.memory_space<vmem_shared>>) dst(%dma_wait3A_48 : memref<640x128xf32, #tpu.memory_space<hbm>>)
        tpu.yield
      }) : () -> ()
    } else {
    }
    return
  }
}

module attributes {stable_mosaic.version = 14 : i64} {
  func.func @body(%arg0: i32, %arg1: memref<1x1xf32, #tpu.memory_space<vmem>>, %arg2: memref<1x128xf32, #tpu.memory_space<vmem>>, %arg3: memref<2000x128xf32, #tpu.memory_space<vmem>>, %arg4: memref<128x256xf32, #tpu.memory_space<vmem>>, %arg5: memref<1x256xf32, #tpu.memory_space<vmem>>, %arg6: memref<256x256xf32, #tpu.memory_space<vmem>>, %arg7: memref<2x2000x128xf32, #tpu.memory_space<vmem>>, %arg8: memref<2000x256xf32, #tpu.memory_space<vmem>>, %arg9: memref<2x2000x128xf32, #tpu.memory_space<vmem>>) attributes {dimension_semantics = [#tpu.dimension_semantics<arbitrary>], iteration_bounds = array<i64: 5>, scalar_prefetch = 0 : i64, scratch_operands = 0 : i64, tpu.core_type = #tpu.core_type<tc>, window_params = [{pipeline_mode = #tpu.pipeline_mode<synchronous>, transform_indices = @transform_0, window_bounds = array<i64: 1, 1>}, {pipeline_mode = #tpu.pipeline_mode<synchronous>, transform_indices = @transform_1, window_bounds = array<i64: 1, 128>}, {transform_indices = @transform_2, window_bounds = array<i64: 2000, 128>}, {pipeline_mode = #tpu.pipeline_mode<synchronous>, transform_indices = @transform_3, window_bounds = array<i64: 128, 256>}, {pipeline_mode = #tpu.pipeline_mode<synchronous>, transform_indices = @transform_4, window_bounds = array<i64: 1, 256>}, {pipeline_mode = #tpu.pipeline_mode<synchronous>, transform_indices = @transform_5, window_bounds = array<i64: 256, 256>}, {transform_indices = @transform_6, window_bounds = array<i64: 2, 2000, 128>}, {transform_indices = @transform_7, window_bounds = array<i64: 2000, 256>}, {transform_indices = @transform_8, window_bounds = array<i64: 2, 2000, 128>}]} {
    %get3A = arith.constant 0 : index
    %get3A_0 = arith.constant 0 : index
    %get3A_1 = vector.load %arg2[%get3A, %get3A_0] : memref<1x128xf32, #tpu.memory_space<vmem>>, vector<1x128xf32>
    %get3A_2 = arith.constant 0 : index
    %get3A_3 = arith.constant 0 : index
    %get3A_4 = vector.load %arg1[%get3A_2, %get3A_3] : memref<1x1xf32, #tpu.memory_space<vmem>>, vector<1x1xf32>
    %get3A_5 = vector.extract %get3A_4[0, 0] : f32 from vector<1x1xf32>
    %ge3A = vector.broadcast %get3A_5 : f32 to vector<1x128xf32>
    %ge3A_6 = arith.cmpf oge, %get3A_1, %ge3A : vector<1x128xf32>
    %convert_element_type3A = arith.extui %ge3A_6 : vector<1x128xi1> to vector<1x128xi32>
    %convert_element_type3A_7 = arith.sitofp %convert_element_type3A : vector<1x128xi32> to vector<1x128xf32>
    %get3A_8 = arith.constant 0 : index
    %get3A_9 = arith.constant 0 : index
    %get3A_10 = vector.load %arg3[%get3A_8, %get3A_9] : memref<2000x128xf32, #tpu.memory_space<vmem>>, vector<2000x128xf32>
    %mul3A = vector.broadcast %convert_element_type3A_7 : vector<1x128xf32> to vector<2000x128xf32>
    %mul3A_11 = arith.mulf %get3A_10, %mul3A : vector<2000x128xf32>
    %get3A_12 = arith.constant 0 : index
    %get3A_13 = arith.constant 0 : index
    %get3A_14 = vector.load %arg4[%get3A_12, %get3A_13] : memref<128x256xf32, #tpu.memory_space<vmem>>, vector<128x256xf32>
    %dot_general3A = arith.constant dense<0.000000e+00> : vector<2000x256xf32>
    %dot_general3A_15 = tpu.matmul %mul3A_11, %get3A_14, %dot_general3A {dimension_numbers = #tpu.dot_dimension_numbers<[1], [0], [0], [1], [0, 0, 1, 1], [], []>, transpose_lhs_hint = false} : vector<2000x128xf32>, vector<128x256xf32>, vector<2000x256xf32> -> vector<2000x256xf32>
    %get3A_16 = arith.constant 0 : index
    %get3A_17 = arith.constant 0 : index
    %get3A_18 = vector.load %arg5[%get3A_16, %get3A_17] : memref<1x256xf32, #tpu.memory_space<vmem>>, vector<1x256xf32>
    %add3A = vector.broadcast %get3A_18 : vector<1x256xf32> to vector<2000x256xf32>
    %add3A_19 = arith.addf %dot_general3A_15, %add3A : vector<2000x256xf32>
    %get3A_20 = arith.constant 0 : index
    %get3A_21 = arith.constant 0 : index
    %get3A_22 = arith.constant 0 : index
    %get3A_23 = vector.load %arg7[%get3A_20, %get3A_21, %get3A_22] : memref<2x2000x128xf32, #tpu.memory_space<vmem>>, vector<1x2000x1xf32>
    %get3A_24 = vector.shape_cast %get3A_23 : vector<1x2000x1xf32> to vector<2000x1xf32>
    %max3A = arith.constant 1.000000e+00 : f32
    %max3A_25 = vector.broadcast %max3A : f32 to vector<2000x1xf32>
    %max3A_26 = arith.maximumf %get3A_24, %max3A_25 : vector<2000x1xf32>
    %rsqrt3A = math.rsqrt %max3A_26 : vector<2000x1xf32>
    %get3A_27 = arith.constant 0 : index
    %get3A_28 = arith.constant 0 : index
    %get3A_29 = vector.load %arg6[%get3A_27, %get3A_28] : memref<256x256xf32, #tpu.memory_space<vmem>>, vector<256x256xf32>
    %dot_general3A_30 = arith.constant dense<0.000000e+00> : vector<2000x256xf32>
    %dot_general3A_31 = tpu.matmul %add3A_19, %get3A_29, %dot_general3A_30 {dimension_numbers = #tpu.dot_dimension_numbers<[1], [0], [0], [1], [0, 0, 1, 1], [], []>, transpose_lhs_hint = false} : vector<2000x256xf32>, vector<256x256xf32>, vector<2000x256xf32> -> vector<2000x256xf32>
    %mul3A_32 = vector.broadcast %rsqrt3A : vector<2000x1xf32> to vector<2000x256xf32>
    %mul3A_33 = arith.mulf %dot_general3A_31, %mul3A_32 : vector<2000x256xf32>
    %swap3A = arith.constant 0 : index
    %swap3A_34 = arith.constant 0 : index
    %swap3A_35 = vector.load %arg8[%swap3A, %swap3A_34] : memref<2000x256xf32, #tpu.memory_space<vmem>>, vector<2000x256xf32>
    tpu.vector_store %arg8[%swap3A, %swap3A_34], %add3A_19 {strides = array<i32>} : memref<2000x256xf32, #tpu.memory_space<vmem>>, vector<2000x256xf32>,
    %slice3A = vector.extract_strided_slice %mul3A_33 {offsets = [0, 0], sizes = [2000, 128], strides = [1, 1]} : vector<2000x256xf32> to vector<2000x128xf32>
    %swap3A_36 = arith.constant 0 : index
    %swap3A_37 = arith.constant 0 : index
    %swap3A_38 = arith.constant 0 : index
    %swap3A_39 = vector.load %arg9[%swap3A_36, %swap3A_37, %swap3A_38] : memref<2x2000x128xf32, #tpu.memory_space<vmem>>, vector<1x2000x128xf32>
    %swap3A_40 = vector.shape_cast %swap3A_39 : vector<1x2000x128xf32> to vector<2000x128xf32>
    %swap3A_41 = vector.shape_cast %slice3A : vector<2000x128xf32> to vector<1x2000x128xf32>
    tpu.vector_store %arg9[%swap3A_36, %swap3A_37, %swap3A_38], %swap3A_41 {strides = array<i32>} : memref<2x2000x128xf32, #tpu.memory_space<vmem>>, vector<1x2000x128xf32>,
    %slice3A_42 = vector.extract_strided_slice %mul3A_33 {offsets = [0, 128], sizes = [2000, 128], strides = [1, 1]} : vector<2000x256xf32> to vector<2000x128xf32>
    %swap3A_43 = arith.constant 1 : index
    %swap3A_44 = arith.constant 0 : index
    %swap3A_45 = arith.constant 0 : index
    %swap3A_46 = vector.load %arg9[%swap3A_43, %swap3A_44, %swap3A_45] : memref<2x2000x128xf32, #tpu.memory_space<vmem>>, vector<1x2000x128xf32>
    %swap3A_47 = vector.shape_cast %swap3A_46 : vector<1x2000x128xf32> to vector<2000x128xf32>
    %swap3A_48 = vector.shape_cast %slice3A_42 : vector<2000x128xf32> to vector<1x2000x128xf32>
    tpu.vector_store %arg9[%swap3A_43, %swap3A_44, %swap3A_45], %swap3A_48 {strides = array<i32>} : memref<2x2000x128xf32, #tpu.memory_space<vmem>>, vector<1x2000x128xf32>,
    return
  }
  func.func @transform_0(%arg0: i32) -> (i32, i32) {
    %c0_i32 = arith.constant 0 : i32
    %c0_i32_0 = arith.constant 0 : i32
    %c0_i32_1 = arith.constant 0 : i32
    return %c0_i32, %c0_i32_0 : i32, i32
  }
  func.func @transform_1(%arg0: i32) -> (i32, i32) {
    %c0_i32 = arith.constant 0 : i32
    %c0_i32_0 = arith.constant 0 : i32
    %c0_i32_1 = arith.constant 0 : i32
    return %c0_i32, %c0_i32_0 : i32, i32
  }
  func.func @transform_2(%arg0: i32) -> (i32, i32) {
    %c0_i32 = arith.constant 0 : i32
    %c0_i32_0 = arith.constant 0 : i32
    return %arg0, %c0_i32 : i32, i32
  }
  func.func @transform_3(%arg0: i32) -> (i32, i32) {
    %c0_i32 = arith.constant 0 : i32
    %c0_i32_0 = arith.constant 0 : i32
    %c0_i32_1 = arith.constant 0 : i32
    return %c0_i32, %c0_i32_0 : i32, i32
  }
  func.func @transform_4(%arg0: i32) -> (i32, i32) {
    %c0_i32 = arith.constant 0 : i32
    %c0_i32_0 = arith.constant 0 : i32
    %c0_i32_1 = arith.constant 0 : i32
    return %c0_i32, %c0_i32_0 : i32, i32
  }
  func.func @transform_5(%arg0: i32) -> (i32, i32) {
    %c0_i32 = arith.constant 0 : i32
    %c0_i32_0 = arith.constant 0 : i32
    %c0_i32_1 = arith.constant 0 : i32
    return %c0_i32, %c0_i32_0 : i32, i32
  }
  func.func @transform_6(%arg0: i32) -> (i32, i32, i32) {
    %c0_i32 = arith.constant 0 : i32
    %c0_i32_0 = arith.constant 0 : i32
    %c0_i32_1 = arith.constant 0 : i32
    return %c0_i32, %arg0, %c0_i32_0 : i32, i32, i32
  }
  func.func @transform_7(%arg0: i32) -> (i32, i32) {
    %c0_i32 = arith.constant 0 : i32
    %c0_i32_0 = arith.constant 0 : i32
    return %arg0, %c0_i32 : i32, i32
  }
  func.func @transform_8(%arg0: i32) -> (i32, i32, i32) {
    %c0_i32 = arith.constant 0 : i32
    %c0_i32_0 = arith.constant 0 : i32
    %c0_i32_1 = arith.constant 0 : i32
    return %c0_i32, %arg0, %c0_i32_0 : i32, i32, i32
  }
}

module attributes {stable_mosaic.version = 14 : i64} {
  func.func @body(%arg0: i32, %arg1: memref<2000x256xf32, #tpu.memory_space<vmem>>, %arg2: memref<2x2000x128xf32, #tpu.memory_space<vmem>>, %arg3: memref<2x2000x128xf32, #tpu.memory_space<vmem>>, %arg4: memref<256x256xf32, #tpu.memory_space<vmem>>, %arg5: memref<1x256xf32, #tpu.memory_space<vmem>>, %arg6: memref<1x256xf32, #tpu.memory_space<vmem>>, %arg7: memref<1x256xf32, #tpu.memory_space<vmem>>, %arg8: memref<256x256xf32, #tpu.memory_space<vmem>>, %arg9: memref<2000x256xf32, #tpu.memory_space<vmem>>, %arg10: memref<2x2000x128xf32, #tpu.memory_space<vmem>>) attributes {dimension_semantics = [#tpu.dimension_semantics<arbitrary>], iteration_bounds = array<i64: 5>, scalar_prefetch = 0 : i64, scratch_operands = 0 : i64, tpu.core_type = #tpu.core_type<tc>, window_params = [{transform_indices = @transform_0, window_bounds = array<i64: 2000, 256>}, {transform_indices = @transform_1, window_bounds = array<i64: 2, 2000, 128>}, {transform_indices = @transform_2, window_bounds = array<i64: 2, 2000, 128>}, {pipeline_mode = #tpu.pipeline_mode<synchronous>, transform_indices = @transform_3, window_bounds = array<i64: 256, 256>}, {pipeline_mode = #tpu.pipeline_mode<synchronous>, transform_indices = @transform_4, window_bounds = array<i64: 1, 256>}, {pipeline_mode = #tpu.pipeline_mode<synchronous>, transform_indices = @transform_5, window_bounds = array<i64: 1, 256>}, {pipeline_mode = #tpu.pipeline_mode<synchronous>, transform_indices = @transform_6, window_bounds = array<i64: 1, 256>}, {pipeline_mode = #tpu.pipeline_mode<synchronous>, transform_indices = @transform_7, window_bounds = array<i64: 256, 256>}, {transform_indices = @transform_8, window_bounds = array<i64: 2000, 256>}, {transform_indices = @transform_9, window_bounds = array<i64: 2, 2000, 128>}]} {
    %get3A = arith.constant 1 : index
    %get3A_0 = arith.constant 0 : index
    %get3A_1 = arith.constant 0 : index
    %get3A_2 = vector.load %arg3[%get3A, %get3A_0, %get3A_1] : memref<2x2000x128xf32, #tpu.memory_space<vmem>>, vector<1x2000x1xf32>
    %get3A_3 = vector.shape_cast %get3A_2 : vector<1x2000x1xf32> to vector<2000x1xf32>
    %max3A = arith.constant 1.000000e+00 : f32
    %max3A_4 = vector.broadcast %max3A : f32 to vector<2000x1xf32>
    %max3A_5 = arith.maximumf %get3A_3, %max3A_4 : vector<2000x1xf32>
    %rsqrt3A = math.rsqrt %max3A_5 : vector<2000x1xf32>
    %get3A_6 = arith.constant 0 : index
    %get3A_7 = arith.constant 0 : index
    %get3A_8 = vector.load %arg1[%get3A_6, %get3A_7] : memref<2000x256xf32, #tpu.memory_space<vmem>>, vector<2000x256xf32>
    %get3A_9 = arith.constant 0 : index
    %get3A_10 = arith.constant 0 : index
    %get3A_11 = arith.constant 0 : index
    %get3A_12 = vector.load %arg2[%get3A_9, %get3A_10, %get3A_11] : memref<2x2000x128xf32, #tpu.memory_space<vmem>>, vector<1x2000x128xf32>
    %get3A_13 = vector.shape_cast %get3A_12 : vector<1x2000x128xf32> to vector<2000x128xf32>
    %get3A_14 = arith.constant 1 : index
    %get3A_15 = arith.constant 0 : index
    %get3A_16 = arith.constant 0 : index
    %get3A_17 = vector.load %arg2[%get3A_14, %get3A_15, %get3A_16] : memref<2x2000x128xf32, #tpu.memory_space<vmem>>, vector<1x2000x128xf32>
    %get3A_18 = vector.shape_cast %get3A_17 : vector<1x2000x128xf32> to vector<2000x128xf32>
    %get3A_19 = arith.constant 0 : index
    %get3A_20 = arith.constant 0 : index
    %get3A_21 = vector.load %arg4[%get3A_19, %get3A_20] : memref<256x256xf32, #tpu.memory_space<vmem>>, vector<256x256xf32>
    %get3A_22 = arith.constant 0 : index
    %get3A_23 = arith.constant 0 : index
    %get3A_24 = vector.load %arg5[%get3A_22, %get3A_23] : memref<1x256xf32, #tpu.memory_space<vmem>>, vector<1x256xf32>
    %get3A_25 = arith.constant 0 : index
    %get3A_26 = arith.constant 0 : index
    %get3A_27 = vector.load %arg6[%get3A_25, %get3A_26] : memref<1x256xf32, #tpu.memory_space<vmem>>, vector<1x256xf32>
    %get3A_28 = arith.constant 0 : index
    %get3A_29 = arith.constant 0 : index
    %get3A_30 = vector.load %arg7[%get3A_28, %get3A_29] : memref<1x256xf32, #tpu.memory_space<vmem>>, vector<1x256xf32>
    %concatenate3A = tpu.concatenate %get3A_13, %get3A_18 in 1 : vector<2000x128xf32>, vector<2000x128xf32> -> vector<2000x256xf32>
    %mul3A = vector.broadcast %rsqrt3A : vector<2000x1xf32> to vector<2000x256xf32>
    %mul3A_31 = arith.mulf %concatenate3A, %mul3A : vector<2000x256xf32>
    %dot_general3A = arith.constant dense<0.000000e+00> : vector<2000x256xf32>
    %dot_general3A_32 = tpu.matmul %get3A_8, %get3A_21, %dot_general3A {dimension_numbers = #tpu.dot_dimension_numbers<[1], [0], [0], [1], [0, 0, 1, 1], [], []>, transpose_lhs_hint = false} : vector<2000x256xf32>, vector<256x256xf32>, vector<2000x256xf32> -> vector<2000x256xf32>
    %add3A = arith.addf %mul3A_31, %dot_general3A_32 : vector<2000x256xf32>
    %add3A_33 = vector.broadcast %get3A_24 : vector<1x256xf32> to vector<2000x256xf32>
    %add3A_34 = arith.addf %add3A, %add3A_33 : vector<2000x256xf32>
    %reduce_sum3A = arith.constant dense<0.000000e+00> : vector<2000xf32>
    %reduce_sum3A_35 = vector.multi_reduction <add>, %add3A_34, %reduce_sum3A [1] : vector<2000x256xf32> to vector<2000xf32>
    %broadcast_in_dim3A = vector.shape_cast %reduce_sum3A_35 : vector<2000xf32> to vector<2000x1xf32>
    %div3A = arith.constant 2.560000e+02 : f32
    %div3A_36 = vector.broadcast %div3A : f32 to vector<2000x1xf32>
    %div3A_37 = arith.divf %broadcast_in_dim3A, %div3A_36 : vector<2000x1xf32>
    %sub3A = vector.broadcast %div3A_37 : vector<2000x1xf32> to vector<2000x256xf32>
    %sub3A_38 = arith.subf %add3A_34, %sub3A : vector<2000x256xf32>
    %mul3A_39 = arith.mulf %sub3A_38, %sub3A_38 : vector<2000x256xf32>
    %reduce_sum3A_40 = arith.constant dense<0.000000e+00> : vector<2000xf32>
    %reduce_sum3A_41 = vector.multi_reduction <add>, %mul3A_39, %reduce_sum3A_40 [1] : vector<2000x256xf32> to vector<2000xf32>
    %broadcast_in_dim3A_42 = vector.shape_cast %reduce_sum3A_41 : vector<2000xf32> to vector<2000x1xf32>
    %div3A_43 = arith.constant 2.560000e+02 : f32
    %div3A_44 = vector.broadcast %div3A_43 : f32 to vector<2000x1xf32>
    %div3A_45 = arith.divf %broadcast_in_dim3A_42, %div3A_44 : vector<2000x1xf32>
    %add3A_46 = arith.constant 9.99999974E-6 : f32
    %add3A_47 = vector.broadcast %add3A_46 : f32 to vector<2000x1xf32>
    %add3A_48 = arith.addf %div3A_45, %add3A_47 : vector<2000x1xf32>
    %rsqrt3A_49 = math.rsqrt %add3A_48 : vector<2000x1xf32>
    %mul3A_50 = vector.broadcast %rsqrt3A_49 : vector<2000x1xf32> to vector<2000x256xf32>
    %mul3A_51 = arith.mulf %sub3A_38, %mul3A_50 : vector<2000x256xf32>
    %mul3A_52 = vector.broadcast %get3A_27 : vector<1x256xf32> to vector<2000x256xf32>
    %mul3A_53 = arith.mulf %mul3A_51, %mul3A_52 : vector<2000x256xf32>
    %add3A_54 = vector.broadcast %get3A_30 : vector<1x256xf32> to vector<2000x256xf32>
    %add3A_55 = arith.addf %mul3A_53, %add3A_54 : vector<2000x256xf32>
    %max3A_56 = arith.constant 0.000000e+00 : f32
    %max3A_57 = vector.broadcast %max3A_56 : f32 to vector<2000x256xf32>
    %max3A_58 = arith.maximumf %add3A_55, %max3A_57 : vector<2000x256xf32>
    %add3A_59 = arith.addf %max3A_58, %get3A_8 : vector<2000x256xf32>
    %swap3A = arith.constant 0 : index
    %swap3A_60 = arith.constant 0 : index
    %swap3A_61 = vector.load %arg9[%swap3A, %swap3A_60] : memref<2000x256xf32, #tpu.memory_space<vmem>>, vector<2000x256xf32>
    tpu.vector_store %arg9[%swap3A, %swap3A_60], %add3A_59 {strides = array<i32>} : memref<2000x256xf32, #tpu.memory_space<vmem>>, vector<2000x256xf32>,
    %get3A_62 = arith.constant 0 : index
    %get3A_63 = arith.constant 0 : index
    %get3A_64 = arith.constant 0 : index
    %get3A_65 = vector.load %arg3[%get3A_62, %get3A_63, %get3A_64] : memref<2x2000x128xf32, #tpu.memory_space<vmem>>, vector<1x2000x1xf32>
    %get3A_66 = vector.shape_cast %get3A_65 : vector<1x2000x1xf32> to vector<2000x1xf32>
    %max3A_67 = arith.constant 1.000000e+00 : f32
    %max3A_68 = vector.broadcast %max3A_67 : f32 to vector<2000x1xf32>
    %max3A_69 = arith.maximumf %get3A_66, %max3A_68 : vector<2000x1xf32>
    %rsqrt3A_70 = math.rsqrt %max3A_69 : vector<2000x1xf32>
    %get3A_71 = arith.constant 0 : index
    %get3A_72 = arith.constant 0 : index
    %get3A_73 = vector.load %arg8[%get3A_71, %get3A_72] : memref<256x256xf32, #tpu.memory_space<vmem>>, vector<256x256xf32>
    %dot_general3A_74 = arith.constant dense<0.000000e+00> : vector<2000x256xf32>
    %dot_general3A_75 = tpu.matmul %add3A_59, %get3A_73, %dot_general3A_74 {dimension_numbers = #tpu.dot_dimension_numbers<[1], [0], [0], [1], [0, 0, 1, 1], [], []>, transpose_lhs_hint = false} : vector<2000x256xf32>, vector<256x256xf32>, vector<2000x256xf32> -> vector<2000x256xf32>
    %mul3A_76 = vector.broadcast %rsqrt3A_70 : vector<2000x1xf32> to vector<2000x256xf32>
    %mul3A_77 = arith.mulf %dot_general3A_75, %mul3A_76 : vector<2000x256xf32>
    %slice3A = vector.extract_strided_slice %mul3A_77 {offsets = [0, 0], sizes = [2000, 128], strides = [1, 1]} : vector<2000x256xf32> to vector<2000x128xf32>
    %swap3A_78 = arith.constant 0 : index
    %swap3A_79 = arith.constant 0 : index
    %swap3A_80 = arith.constant 0 : index
    %swap3A_81 = vector.load %arg10[%swap3A_78, %swap3A_79, %swap3A_80] : memref<2x2000x128xf32, #tpu.memory_space<vmem>>, vector<1x2000x128xf32>
    %swap3A_82 = vector.shape_cast %swap3A_81 : vector<1x2000x128xf32> to vector<2000x128xf32>
    %swap3A_83 = vector.shape_cast %slice3A : vector<2000x128xf32> to vector<1x2000x128xf32>
    tpu.vector_store %arg10[%swap3A_78, %swap3A_79, %swap3A_80], %swap3A_83 {strides = array<i32>} : memref<2x2000x128xf32, #tpu.memory_space<vmem>>, vector<1x2000x128xf32>,
    %slice3A_84 = vector.extract_strided_slice %mul3A_77 {offsets = [0, 128], sizes = [2000, 128], strides = [1, 1]} : vector<2000x256xf32> to vector<2000x128xf32>
    %swap3A_85 = arith.constant 1 : index
    %swap3A_86 = arith.constant 0 : index
    %swap3A_87 = arith.constant 0 : index
    %swap3A_88 = vector.load %arg10[%swap3A_85, %swap3A_86, %swap3A_87] : memref<2x2000x128xf32, #tpu.memory_space<vmem>>, vector<1x2000x128xf32>
    %swap3A_89 = vector.shape_cast %swap3A_88 : vector<1x2000x128xf32> to vector<2000x128xf32>
    %swap3A_90 = vector.shape_cast %slice3A_84 : vector<2000x128xf32> to vector<1x2000x128xf32>
    tpu.vector_store %arg10[%swap3A_85, %swap3A_86, %swap3A_87], %swap3A_90 {strides = array<i32>} : memref<2x2000x128xf32, #tpu.memory_space<vmem>>, vector<1x2000x128xf32>,
    return
  }
  func.func @transform_0(%arg0: i32) -> (i32, i32) {
    %c0_i32 = arith.constant 0 : i32
    %c0_i32_0 = arith.constant 0 : i32
    return %arg0, %c0_i32 : i32, i32
  }
  func.func @transform_1(%arg0: i32) -> (i32, i32, i32) {
    %c0_i32 = arith.constant 0 : i32
    %c0_i32_0 = arith.constant 0 : i32
    %c0_i32_1 = arith.constant 0 : i32
    return %c0_i32, %arg0, %c0_i32_0 : i32, i32, i32
  }
  func.func @transform_2(%arg0: i32) -> (i32, i32, i32) {
    %c0_i32 = arith.constant 0 : i32
    %c0_i32_0 = arith.constant 0 : i32
    %c0_i32_1 = arith.constant 0 : i32
    return %c0_i32, %arg0, %c0_i32_0 : i32, i32, i32
  }
  func.func @transform_3(%arg0: i32) -> (i32, i32) {
    %c0_i32 = arith.constant 0 : i32
    %c0_i32_0 = arith.constant 0 : i32
    %c0_i32_1 = arith.constant 0 : i32
    return %c0_i32, %c0_i32_0 : i32, i32
  }
  func.func @transform_4(%arg0: i32) -> (i32, i32) {
    %c0_i32 = arith.constant 0 : i32
    %c0_i32_0 = arith.constant 0 : i32
    %c0_i32_1 = arith.constant 0 : i32
    return %c0_i32, %c0_i32_0 : i32, i32
  }
  func.func @transform_5(%arg0: i32) -> (i32, i32) {
    %c0_i32 = arith.constant 0 : i32
    %c0_i32_0 = arith.constant 0 : i32
    %c0_i32_1 = arith.constant 0 : i32
    return %c0_i32, %c0_i32_0 : i32, i32
  }
  func.func @transform_6(%arg0: i32) -> (i32, i32) {
    %c0_i32 = arith.constant 0 : i32
    %c0_i32_0 = arith.constant 0 : i32
    %c0_i32_1 = arith.constant 0 : i32
    return %c0_i32, %c0_i32_0 : i32, i32
  }
  func.func @transform_7(%arg0: i32) -> (i32, i32) {
    %c0_i32 = arith.constant 0 : i32
    %c0_i32_0 = arith.constant 0 : i32
    %c0_i32_1 = arith.constant 0 : i32
    return %c0_i32, %c0_i32_0 : i32, i32
  }
  func.func @transform_8(%arg0: i32) -> (i32, i32) {
    %c0_i32 = arith.constant 0 : i32
    %c0_i32_0 = arith.constant 0 : i32
    return %arg0, %c0_i32 : i32, i32
  }
  func.func @transform_9(%arg0: i32) -> (i32, i32, i32) {
    %c0_i32 = arith.constant 0 : i32
    %c0_i32_0 = arith.constant 0 : i32
    %c0_i32_1 = arith.constant 0 : i32
    return %c0_i32, %arg0, %c0_i32_0 : i32, i32, i32
  }
}

module attributes {stable_mosaic.version = 14 : i64} {
  func.func @body(%arg0: i32, %arg1: memref<2000x256xf32, #tpu.memory_space<vmem>>, %arg2: memref<2x2000x128xf32, #tpu.memory_space<vmem>>, %arg3: memref<2x2000x128xf32, #tpu.memory_space<vmem>>, %arg4: memref<256x256xf32, #tpu.memory_space<vmem>>, %arg5: memref<1x256xf32, #tpu.memory_space<vmem>>, %arg6: memref<1x256xf32, #tpu.memory_space<vmem>>, %arg7: memref<1x256xf32, #tpu.memory_space<vmem>>, %arg8: memref<256x32xf32, #tpu.memory_space<vmem>>, %arg9: memref<1x32xf32, #tpu.memory_space<vmem>>, %arg10: memref<2000x32xf32, #tpu.memory_space<vmem>>) attributes {dimension_semantics = [#tpu.dimension_semantics<arbitrary>], iteration_bounds = array<i64: 5>, scalar_prefetch = 0 : i64, scratch_operands = 0 : i64, tpu.core_type = #tpu.core_type<tc>, window_params = [{transform_indices = @transform_0, window_bounds = array<i64: 2000, 256>}, {transform_indices = @transform_1, window_bounds = array<i64: 2, 2000, 128>}, {transform_indices = @transform_2, window_bounds = array<i64: 2, 2000, 128>}, {pipeline_mode = #tpu.pipeline_mode<synchronous>, transform_indices = @transform_3, window_bounds = array<i64: 256, 256>}, {pipeline_mode = #tpu.pipeline_mode<synchronous>, transform_indices = @transform_4, window_bounds = array<i64: 1, 256>}, {pipeline_mode = #tpu.pipeline_mode<synchronous>, transform_indices = @transform_5, window_bounds = array<i64: 1, 256>}, {pipeline_mode = #tpu.pipeline_mode<synchronous>, transform_indices = @transform_6, window_bounds = array<i64: 1, 256>}, {pipeline_mode = #tpu.pipeline_mode<synchronous>, transform_indices = @transform_7, window_bounds = array<i64: 256, 32>}, {pipeline_mode = #tpu.pipeline_mode<synchronous>, transform_indices = @transform_8, window_bounds = array<i64: 1, 32>}, {transform_indices = @transform_9, window_bounds = array<i64: 2000, 32>}]} {
    %get3A = arith.constant 1 : index
    %get3A_0 = arith.constant 0 : index
    %get3A_1 = arith.constant 0 : index
    %get3A_2 = vector.load %arg3[%get3A, %get3A_0, %get3A_1] : memref<2x2000x128xf32, #tpu.memory_space<vmem>>, vector<1x2000x1xf32>
    %get3A_3 = vector.shape_cast %get3A_2 : vector<1x2000x1xf32> to vector<2000x1xf32>
    %max3A = arith.constant 1.000000e+00 : f32
    %max3A_4 = vector.broadcast %max3A : f32 to vector<2000x1xf32>
    %max3A_5 = arith.maximumf %get3A_3, %max3A_4 : vector<2000x1xf32>
    %rsqrt3A = math.rsqrt %max3A_5 : vector<2000x1xf32>
    %get3A_6 = arith.constant 0 : index
    %get3A_7 = arith.constant 0 : index
    %get3A_8 = vector.load %arg1[%get3A_6, %get3A_7] : memref<2000x256xf32, #tpu.memory_space<vmem>>, vector<2000x256xf32>
    %get3A_9 = arith.constant 0 : index
    %get3A_10 = arith.constant 0 : index
    %get3A_11 = arith.constant 0 : index
    %get3A_12 = vector.load %arg2[%get3A_9, %get3A_10, %get3A_11] : memref<2x2000x128xf32, #tpu.memory_space<vmem>>, vector<1x2000x128xf32>
    %get3A_13 = vector.shape_cast %get3A_12 : vector<1x2000x128xf32> to vector<2000x128xf32>
    %get3A_14 = arith.constant 1 : index
    %get3A_15 = arith.constant 0 : index
    %get3A_16 = arith.constant 0 : index
    %get3A_17 = vector.load %arg2[%get3A_14, %get3A_15, %get3A_16] : memref<2x2000x128xf32, #tpu.memory_space<vmem>>, vector<1x2000x128xf32>
    %get3A_18 = vector.shape_cast %get3A_17 : vector<1x2000x128xf32> to vector<2000x128xf32>
    %get3A_19 = arith.constant 0 : index
    %get3A_20 = arith.constant 0 : index
    %get3A_21 = vector.load %arg4[%get3A_19, %get3A_20] : memref<256x256xf32, #tpu.memory_space<vmem>>, vector<256x256xf32>
    %get3A_22 = arith.constant 0 : index
    %get3A_23 = arith.constant 0 : index
    %get3A_24 = vector.load %arg5[%get3A_22, %get3A_23] : memref<1x256xf32, #tpu.memory_space<vmem>>, vector<1x256xf32>
    %get3A_25 = arith.constant 0 : index
    %get3A_26 = arith.constant 0 : index
    %get3A_27 = vector.load %arg6[%get3A_25, %get3A_26] : memref<1x256xf32, #tpu.memory_space<vmem>>, vector<1x256xf32>
    %get3A_28 = arith.constant 0 : index
    %get3A_29 = arith.constant 0 : index
    %get3A_30 = vector.load %arg7[%get3A_28, %get3A_29] : memref<1x256xf32, #tpu.memory_space<vmem>>, vector<1x256xf32>
    %concatenate3A = tpu.concatenate %get3A_13, %get3A_18 in 1 : vector<2000x128xf32>, vector<2000x128xf32> -> vector<2000x256xf32>
    %mul3A = vector.broadcast %rsqrt3A : vector<2000x1xf32> to vector<2000x256xf32>
    %mul3A_31 = arith.mulf %concatenate3A, %mul3A : vector<2000x256xf32>
    %dot_general3A = arith.constant dense<0.000000e+00> : vector<2000x256xf32>
    %dot_general3A_32 = tpu.matmul %get3A_8, %get3A_21, %dot_general3A {dimension_numbers = #tpu.dot_dimension_numbers<[1], [0], [0], [1], [0, 0, 1, 1], [], []>, transpose_lhs_hint = false} : vector<2000x256xf32>, vector<256x256xf32>, vector<2000x256xf32> -> vector<2000x256xf32>
    %add3A = arith.addf %mul3A_31, %dot_general3A_32 : vector<2000x256xf32>
    %add3A_33 = vector.broadcast %get3A_24 : vector<1x256xf32> to vector<2000x256xf32>
    %add3A_34 = arith.addf %add3A, %add3A_33 : vector<2000x256xf32>
    %reduce_sum3A = arith.constant dense<0.000000e+00> : vector<2000xf32>
    %reduce_sum3A_35 = vector.multi_reduction <add>, %add3A_34, %reduce_sum3A [1] : vector<2000x256xf32> to vector<2000xf32>
    %broadcast_in_dim3A = vector.shape_cast %reduce_sum3A_35 : vector<2000xf32> to vector<2000x1xf32>
    %div3A = arith.constant 2.560000e+02 : f32
    %div3A_36 = vector.broadcast %div3A : f32 to vector<2000x1xf32>
    %div3A_37 = arith.divf %broadcast_in_dim3A, %div3A_36 : vector<2000x1xf32>
    %sub3A = vector.broadcast %div3A_37 : vector<2000x1xf32> to vector<2000x256xf32>
    %sub3A_38 = arith.subf %add3A_34, %sub3A : vector<2000x256xf32>
    %mul3A_39 = arith.mulf %sub3A_38, %sub3A_38 : vector<2000x256xf32>
    %reduce_sum3A_40 = arith.constant dense<0.000000e+00> : vector<2000xf32>
    %reduce_sum3A_41 = vector.multi_reduction <add>, %mul3A_39, %reduce_sum3A_40 [1] : vector<2000x256xf32> to vector<2000xf32>
    %broadcast_in_dim3A_42 = vector.shape_cast %reduce_sum3A_41 : vector<2000xf32> to vector<2000x1xf32>
    %div3A_43 = arith.constant 2.560000e+02 : f32
    %div3A_44 = vector.broadcast %div3A_43 : f32 to vector<2000x1xf32>
    %div3A_45 = arith.divf %broadcast_in_dim3A_42, %div3A_44 : vector<2000x1xf32>
    %add3A_46 = arith.constant 9.99999974E-6 : f32
    %add3A_47 = vector.broadcast %add3A_46 : f32 to vector<2000x1xf32>
    %add3A_48 = arith.addf %div3A_45, %add3A_47 : vector<2000x1xf32>
    %rsqrt3A_49 = math.rsqrt %add3A_48 : vector<2000x1xf32>
    %mul3A_50 = vector.broadcast %rsqrt3A_49 : vector<2000x1xf32> to vector<2000x256xf32>
    %mul3A_51 = arith.mulf %sub3A_38, %mul3A_50 : vector<2000x256xf32>
    %mul3A_52 = vector.broadcast %get3A_27 : vector<1x256xf32> to vector<2000x256xf32>
    %mul3A_53 = arith.mulf %mul3A_51, %mul3A_52 : vector<2000x256xf32>
    %add3A_54 = vector.broadcast %get3A_30 : vector<1x256xf32> to vector<2000x256xf32>
    %add3A_55 = arith.addf %mul3A_53, %add3A_54 : vector<2000x256xf32>
    %max3A_56 = arith.constant 0.000000e+00 : f32
    %max3A_57 = vector.broadcast %max3A_56 : f32 to vector<2000x256xf32>
    %max3A_58 = arith.maximumf %add3A_55, %max3A_57 : vector<2000x256xf32>
    %add3A_59 = arith.addf %max3A_58, %get3A_8 : vector<2000x256xf32>
    %get3A_60 = arith.constant 0 : index
    %get3A_61 = arith.constant 0 : index
    %get3A_62 = vector.load %arg8[%get3A_60, %get3A_61] : memref<256x32xf32, #tpu.memory_space<vmem>>, vector<256x32xf32>
    %dot_general3A_63 = arith.constant dense<0.000000e+00> : vector<2000x32xf32>
    %dot_general3A_64 = tpu.matmul %add3A_59, %get3A_62, %dot_general3A_63 {dimension_numbers = #tpu.dot_dimension_numbers<[1], [0], [0], [1], [0, 0, 1, 1], [], []>, transpose_lhs_hint = false} : vector<2000x256xf32>, vector<256x32xf32>, vector<2000x32xf32> -> vector<2000x32xf32>
    %get3A_65 = arith.constant 0 : index
    %get3A_66 = arith.constant 0 : index
    %get3A_67 = vector.load %arg9[%get3A_65, %get3A_66] : memref<1x32xf32, #tpu.memory_space<vmem>>, vector<1x32xf32>
    %add3A_68 = vector.broadcast %get3A_67 : vector<1x32xf32> to vector<2000x32xf32>
    %add3A_69 = arith.addf %dot_general3A_64, %add3A_68 : vector<2000x32xf32>
    %swap3A = arith.constant 0 : index
    %swap3A_70 = arith.constant 0 : index
    %swap3A_71 = vector.load %arg10[%swap3A, %swap3A_70] : memref<2000x32xf32, #tpu.memory_space<vmem>>, vector<2000x32xf32>
    tpu.vector_store %arg10[%swap3A, %swap3A_70], %add3A_69 {strides = array<i32>} : memref<2000x32xf32, #tpu.memory_space<vmem>>, vector<2000x32xf32>,
    return
  }
  func.func @transform_0(%arg0: i32) -> (i32, i32) {
    %c0_i32 = arith.constant 0 : i32
    %c0_i32_0 = arith.constant 0 : i32
    return %arg0, %c0_i32 : i32, i32
  }
  func.func @transform_1(%arg0: i32) -> (i32, i32, i32) {
    %c0_i32 = arith.constant 0 : i32
    %c0_i32_0 = arith.constant 0 : i32
    %c0_i32_1 = arith.constant 0 : i32
    return %c0_i32, %arg0, %c0_i32_0 : i32, i32, i32
  }
  func.func @transform_2(%arg0: i32) -> (i32, i32, i32) {
    %c0_i32 = arith.constant 0 : i32
    %c0_i32_0 = arith.constant 0 : i32
    %c0_i32_1 = arith.constant 0 : i32
    return %c0_i32, %arg0, %c0_i32_0 : i32, i32, i32
  }
  func.func @transform_3(%arg0: i32) -> (i32, i32) {
    %c0_i32 = arith.constant 0 : i32
    %c0_i32_0 = arith.constant 0 : i32
    %c0_i32_1 = arith.constant 0 : i32
    return %c0_i32, %c0_i32_0 : i32, i32
  }
  func.func @transform_4(%arg0: i32) -> (i32, i32) {
    %c0_i32 = arith.constant 0 : i32
    %c0_i32_0 = arith.constant 0 : i32
    %c0_i32_1 = arith.constant 0 : i32
    return %c0_i32, %c0_i32_0 : i32, i32
  }
  func.func @transform_5(%arg0: i32) -> (i32, i32) {
    %c0_i32 = arith.constant 0 : i32
    %c0_i32_0 = arith.constant 0 : i32
    %c0_i32_1 = arith.constant 0 : i32
    return %c0_i32, %c0_i32_0 : i32, i32
  }
  func.func @transform_6(%arg0: i32) -> (i32, i32) {
    %c0_i32 = arith.constant 0 : i32
    %c0_i32_0 = arith.constant 0 : i32
    %c0_i32_1 = arith.constant 0 : i32
    return %c0_i32, %c0_i32_0 : i32, i32
  }
  func.func @transform_7(%arg0: i32) -> (i32, i32) {
    %c0_i32 = arith.constant 0 : i32
    %c0_i32_0 = arith.constant 0 : i32
    %c0_i32_1 = arith.constant 0 : i32
    return %c0_i32, %c0_i32_0 : i32, i32
  }
  func.func @transform_8(%arg0: i32) -> (i32, i32) {
    %c0_i32 = arith.constant 0 : i32
    %c0_i32_0 = arith.constant 0 : i32
    %c0_i32_1 = arith.constant 0 : i32
    return %c0_i32, %c0_i32_0 : i32, i32
  }
  func.func @transform_9(%arg0: i32) -> (i32, i32) {
    %c0_i32 = arith.constant 0 : i32
    %c0_i32_0 = arith.constant 0 : i32
    return %arg0, %c0_i32 : i32, i32
  }
}

</mosaic_0001>

<sc_bundles>
// kernel: kernel.10.cloned.1.call-start
scs
__scs_entry_jumppad:
0x0: {  	(pc) =	sbr.rel $0x88, $3  }
0x1: {  	(tag) =	ssettag $0x0;
	lr =	simm.s32 $0x1  }
0x2: {  	[smem:$0x3F95] =	sst lr;
	_ =	strace $0xD0000000  }
0x3: {  	_ = 	snop  }
0x4: {  	_ = 	snop  }
0x5: {  	_ = 	snop  }
0x6: {  	_ = 	snop  }
0x7: {  	_ = 	snop  }
__scs_overlays_trampoline_lowered:
0x8: {  	[smem:$0x3FA4] =	sst s0  }
0x9: {  	[smem:$0x3FA5] =	sst s1  }
0xa: {  	[smem:$0x3FA6] =	sst s2  }
0xb: {  	[smem:$0x3FA7] =	sst s3  }
0xc: {  	[smem:$0x3FA8] =	sst s4  }
0xd: {  	[smem:$0x3FA9] =	sst s5  }
0xe: {  	[smem:$0x3FAA] =	sst s6  }
0xf: {  	[smem:$0x3FAB] =	sst s7  }
0x10: {  	[smem:$0x3FAC] =	sst s8  }
0x11: {  	[smem:$0x3FAD] =	sst s9;
	s0 =	simm.s32 @!p0 $0x0  }
0x12: {  	s1 =	sld [smem:$0x3F93];
	s0 =	simm.s32 @p0 $0x1  }
0x13: {  	[smem:$0x3FAE] =	sst s0;
	s0 =	simm.s32 @!p1 $0x0  }
0x14: {  	s2 =	sld [smem:$0x3F92];
	s0 =	simm.s32 @p1 $0x1  }
0x15: {  	[smem:$0x3FAF] =	sst s0;
	s0 =	simm.s32 @!p2 $0x0  }
0x16: {  	s3 =	sld [smem:$0x3FDB];
	s0 =	simm.s32 @p2 $0x1  }
0x17: {  	s4 =	simm.s32 $0x1BF5;
	[smem:$0x3FB1] =	sst s0  }
0x18: {  	s0 =	sld [smem:$0x3F94];
	_ =	swait.ge [sflag:s4], $0x0  }
0x19: {  	s7 =	sld [smem:$0x3F95]  }
0x1a: {  	s8 =	sadd.s32 $0xFFFFE003, lr  }
0x1b: {  	s9 =	sadd.s32 $0xFFFFFEF7, lr;
	s5 =	simm.s32 $0xFFFFFFFF;
	p2 =	slt.u32 s8, $0xFFFFF086  }
0x1c: {  	p1 =	slt.u32 s9, $0xF7A;
	s5 =	simm.s32 @!p2 $0x0  }
0x1d: {  	s5 =	simm.s32 @p1 $0x1;
	p0 =	seq.s32 s7, s2  }
0x1e: {  	s7 =	smul.u32 @!p0 $0xF7A, s2;
	p2 =	seq.s32 @!p0 s5, $0x0  }
0x1f: {  	s9 =	smul.u32 $0xF7A, s1;
	s8 =	simm.s32 @!p0 $0x1BF5;
	p2 =	por !p2, p0  }
0x20: {  	[sflag:s8] =	ssyncset.s32 @!p0 $0xFFFFF086;
	s6 =	sadd.s32 @!p0 s3, s7;
	s7 =	simm.s32 @!p0 $0x108  }
0x21: {  	s3 =	sadd.s32 s3, s9;
	s6 =	sadd.s32 @!p0 $0x88, s6;
	s7 =	simm.s32 @p2 $0x1082  }
0x22: {  	[simem:s7], [sflag:s8] =	dma.local @!p0 [hbm:s6], $0xF7A  }
0x23: {  	s9 =	sor.u32 $0xD0000000, s2;
	s6 =	simm.s32 $0x108;
	_ =	swait.ge @!p0 [sflag:s8], $0x0  }
0x24: {  	s3 =	sadd.s32 $0x88, s3;
	s6 =	simm.s32 @!p1 $0x1082;
	[sflag:s4] =	ssyncset.s32 $0xFFFFF086  }
0x25: {  	[simem:s6], [sflag:s4] =	dma.local [hbm:s3], $0xF7A  }
0x26: {  	[smem:$0x3F95] =	sst s1;
	(tag) =	ssettag s2;
	_ =	strace s9  }
0x27: {  	s1 =	sld [smem:$0x3FA5]  }
0x28: {  	s2 =	sld [smem:$0x3FA6]  }
0x29: {  	s4 =	sld [smem:$0x3FA8]  }
0x2a: {  	p0 =	seq.s32 s5, $0x0;
	s5 =	sld [smem:$0x3FA9]  }
0x2b: {  	s6 =	sld [smem:$0x3FAA]  }
0x2c: {  	s7 =	sld [smem:$0x3FAB]  }
0x2d: {  	s3 =	simm.s32 $0x108;
	s8 =	sld [smem:$0x3FAC]  }
0x2e: {  	s3 =	simm.s32 @!p0 $0x1082;
	s9 =	sld [smem:$0x3FAD]  }
0x2f: {  	lr =	sadd.s32 s0, s3;
	s0 =	sld [smem:$0x3FA4]  }
0x30: {  	s3 =	sld [smem:$0x3FA7]  }
0x31: {  	[smem:$0x3FB0] =	sst s10  }
0x32: {  	s10 =	sld [smem:$0x3FAE];
	_ =	sdelay $0x3  }
0x33: {  	p0 =	seq.s32 s10, $0x1;
	s10 =	sld [smem:$0x3FB0];
	_ =	sdelay $0x3  }
0x34: {  	[smem:$0x3FB0] =	sst s10  }
0x35: {  	s10 =	sld [smem:$0x3FAF];
	_ =	sdelay $0x3  }
0x36: {  	p1 =	seq.s32 s10, $0x1;
	s10 =	sld [smem:$0x3FB0];
	_ =	sdelay $0x3  }
0x37: {  	[smem:$0x3FB0] =	sst s10  }
0x38: {  	s10 =	sld [smem:$0x3FB1]  }
0x39: {  	_ = 	snop;
	(pc) =	sbr.ind lr, $3  }
0x3a: {  	_ = 	snop  }
0x3b: {  	_ = 	snop  }
0x3c: {  	p2 =	seq.s32 s10, $0x1;
	s10 =	sld [smem:$0x3FB0]  }
0x3d: {  	_ =	shalt  }
0x3e: {  	_ =	shalt  }
0x3f: {  	_ =	shalt  }
0x40: {  	_ =	shalt  }
0x41: {  	_ =	shalt  }
0x42: {  	_ =	shalt  }
0x43: {  	_ =	shalt  }
0x44: {  	_ =	shalt  }
0x45: {  	_ =	shalt  }
0x46: {  	_ =	shalt  }
0x47: {  	_ =	shalt  }
0x48: {  	_ =	shalt  }
0x49: {  	_ =	shalt  }
0x4a: {  	_ =	shalt  }
0x4b: {  	_ =	shalt  }
0x4c: {  	_ =	shalt  }
0x4d: {  	_ =	shalt  }
0x4e: {  	_ =	shalt  }
0x4f: {  	_ =	shalt  }
0x50: {  	_ =	shalt  }
0x51: {  	_ =	shalt  }
0x52: {  	_ =	shalt  }
0x53: {  	_ =	shalt  }
0x54: {  	_ =	shalt  }
0x55: {  	_ =	shalt  }
0x56: {  	_ =	shalt  }
0x57: {  	_ =	shalt  }
0x58: {  	_ =	shalt  }
0x59: {  	_ =	shalt  }
0x5a: {  	_ =	shalt  }
0x5b: {  	_ =	shalt  }
0x5c: {  	_ =	shalt  }
0x5d: {  	_ =	shalt  }
0x5e: {  	_ =	shalt  }
0x5f: {  	_ =	shalt  }
0x60: {  	_ =	shalt  }
0x61: {  	_ =	shalt  }
0x62: {  	_ =	shalt  }
0x63: {  	_ =	shalt  }
0x64: {  	_ =	shalt  }
0x65: {  	_ =	shalt  }
0x66: {  	_ =	shalt  }
0x67: {  	_ =	shalt  }
0x68: {  	_ =	shalt  }
0x69: {  	_ =	shalt  }
0x6a: {  	_ =	shalt  }
0x6b: {  	_ =	shalt  }
0x6c: {  	_ =	shalt  }
0x6d: {  	_ =	shalt  }
0x6e: {  	_ =	shalt  }
0x6f: {  	_ =	shalt  }
0x70: {  	_ =	shalt  }
0x71: {  	_ =	shalt  }
0x72: {  	_ =	shalt  }
0x73: {  	_ =	shalt  }
0x74: {  	_ =	shalt  }
0x75: {  	_ =	shalt  }
0x76: {  	_ =	shalt  }
0x77: {  	_ =	shalt  }
0x78: {  	_ =	shalt  }
0x79: {  	_ =	shalt  }
0x7a: {  	_ =	shalt  }
0x7b: {  	_ =	shalt  }
0x7c: {  	_ =	shalt  }
0x7d: {  	_ =	shalt  }
0x7e: {  	_ =	shalt  }
0x7f: {  	_ =	shalt  }
0x80: {  	_ =	shalt  }
0x81: {  	_ =	shalt  }
0x82: {  	_ =	shalt  }
0x83: {  	_ =	shalt  }
0x84: {  	_ =	shalt  }
0x85: {  	_ =	shalt  }
0x86: {  	_ =	shalt  }
0x87: {  	_ =	shalt  }
.Lfunc_end0:
.L_simem_size_0:
called_computation_lowered:
.L_overlay_start_0:
0x88: {  	s2 =	sld [smem:$0x3FD9]  }
0x89: {  	s3 =	sld [smem:$0x3FFE];
	_ =	sdelay $0x1  }
0x8a: {  	s1 =	srdreg.scid  }
0x8b: {  	s0 =	sand.u32 $0x1, s1  }
0x8c: {  	s16 =	sshll.u32 s0, $0xA;
	s2 =	sadd.s32 s3, s2  }
0x8d: {  	s2 =	sadd.s32 s2, s16  }
0x8e: {  	[smem:$0x3FBC] =	sst s2  }
0x8f: {  	_ = 	snop  }
0x90: {  	(tm) =	ssettm $0x1  }
0x91: {  	s17 =	sld [smem:$0x3FFB];
	_ =	sdelay $0x3  }
0x92: {  	_ =	strace s17  }
0x93: {  	s2 =	sld [smem:$0x3FFC];
	_ =	sdelay $0x3  }
0x94: {  	_ =	strace s2  }
0x95: {  	s2 =	sld [smem:$0x3FFD];
	_ =	sdelay $0x3  }
0x96: {  	_ =	strace s2  }
0x97: {  	_ =	strace $0x8FFFFFFF  }
0x98: {  	s18 =	sld [smem:$0x3FDB];
	_ =	sdelay $0x1  }
0x99: {  	s19 =	simm.s32 $_scs_section_size  }
0x9a: {  	s4 =	simm.s32 $_size__tile_overlayer_lowered;
	s5 =	simm.s32 $_tile_overlayer_lowered  }
0x9b: {  	s22 =	simm.s32 $0x1BFF;
	s21 =	sshll.u32 s5, $0x1;
	s2 =	sadd.s32 s19, s18  }
0x9c: {  	s6 =	simm.s32 $0x0;
	s20 =	sshll.u32 s4, $0x1;
	s4 =	sadd.s32 s21, s2  }
0x9d: {  	[timem:s6], [sflag:s22] =	dma.local [hbm:s4], s20  }
0x9e: {  	_ =	swait.ge [sflag:s22], s20  }
0x9f: {  	s3 =	ssub.s32 $0x0, s20;
	[sflag:s22] =	ssyncset.done $0x0  }
0xa0: {  	[sflag:s22] =	ssyncadd.s32 s3;
	_ =	sdelay $0x1  }
0xa1: {  	s23 =	simm.s32 $0x1B8B  }
0xa2: {  	_ =	swait.ge [sflag:s23], $0x1  }
0xa3: {  	[sflag:s23] =	ssyncset.done $0x0  }
0xa4: {  	s25 =	simm.s32 $0x1B8E;
	s24 =	sld [smem:$0x3FFE];
	[sflag:s23] =	ssyncadd.s32 $0xFFFFFFFF  }
0xa5: {  	s26 =	simm.s32 $execute0_lowered;
	[smem:$0x3FD2] =	sst s25  }
0xa6: {  	s4 =	sshll.u32 s26, $0x1;
	_ =	strace $0x80000046;
	[dreg:$0x1] =	wrdreg $0xFFFFFFFF  }
0xa7: {  	s28 =	simm.s32 $_size_execute0_lowered;
	s2 =	sadd.s32 s2, s4;
	[dreg:$0x0] =	wrdreg $0x0  }
0xa8: {  	s4 =	sshll.u32 s28, $0x1;
	[dreg:$0x2] =	wrdreg s2  }
0xa9: {  	[dreg:$0x3] =	wrdreg s4  }
0xaa: {  	[dreg:$0x4] =	wrdreg $0xC0  }
0xab: {  	_ =	task [dreg:s6], $0x5FFFF  }
0xac: {  	[dreg:$0x1] =	wrdreg $0xFFFFFFFF  }
0xad: {  	[dreg:$0x0] =	wrdreg $0x60  }
0xae: {  	[dreg:$0x2] =	wrdreg s24  }
0xaf: {  	[dreg:$0x3] =	wrdreg $0x40800  }
0xb0: {  	[dreg:$0x4] =	wrdreg $0x9  }
0xb1: {  	_ =	task.clear_ibuf [dreg:s6], $0x5FFFF;
	_ =	strace $0x90000046  }
0xb2: {  	s29 =	simm.s32 $0x9;
	_ =	strace $0x80000048  }
0xb3: {  	_ =	swait.ge [sflag:s29], $0x1  }
0xb4: {  	[sflag:s29] =	ssyncadd.s32 $0xFFFFFFFF  }
0xb5: {  	_ =	strace $0x90000048  }
0xb6: {  	_ =	sfence  }
0xb7: {  	s30 =	sld [smem:$0x0];
	_ =	sdelay $0x2  }
0xb8: {  	s31 =	sshll.u32 s1, $0xD;
	s1 =	sshrl.u32 s1, $0x2  }
0xb9: {  	s3 =	sand.u32 $0x4000, s31;
	s1 =	sadd.s32 s1, s30  }
0xba: {  	s0 =	sor.u32 s3, s0;
	s1 =	sshll.u32 s1, $0x11  }
0xbb: {  	s0 =	sor.u32 s1, s0  }
0xbc: {  	s0 =	sadd.s32 $0x8F2B, s0  }
0xbd: {  	[sflag:s0] =	ssyncadd.remote.s32 $0x1  }
0xbe: {  	_ =	sfence.sel $0xFFFF  }
0xbf: {  	[dreg:$0x0] =	wrdreg $0xFFFFFFFF;
	(pc) =	sbr.abs _section_cstart, $3  }
0xc0: {  	[dreg:$0x1] =	wrdreg $0xFFFFFFFF  }
0xc1: {  	_ =	task.clear_ibuf [dreg:s6], $0x2FFFF;
	_ =	strace $0x9FFFFFFF  }
0xc2: {  	(tm) =	ssettm $0x7FFFFFFF  }
0xc3: {  	_ =	shalt  }
tec
execute0_lowered:
.L_overlay_start_1:
0x0: {  	(tag) =	ssettag $0x1  }
0x1: {  	s5 =	rddreg [dreg:$0x0]  }
0x2: {  	s0 =	srdreg.scid;
	s2 =	rddreg [dreg:$0x1]  }
0x3: {  	s1 =	rddreg [dreg:$0x2];
	s3 =	simm.s32 $0x0;
	s8 =	sand.u32 $0x1, s0  }
0x4: {  	s20 =	simm.s32 $0x80;
	s0 =	stileid.u32;
	s4 =	smul.u32 $0x4F000, s8  }
0x5: {  	[smem:$0x7FF] =	sst s3;
	s9 =	sadd.s32 $0x124800, s2;
	s6 =	smul.u32 $0x4F00, s0  }
0x6: {  	s15 =	sadd.s32 $0x15400, s5;
	s12 =	sadd.s32 $0x130800, s2;
	s7 =	smul.u32 $0x4E000, s0  }
0x7: {  	s21 =	simm.s32 $0x0;
	_ =	strace $0x80000047;
	s13 =	smul.u32 $0x138800, s8  }
0x8: {  	s10 =	ssub.s32 $0x2, s8;
	s14 =	smul.u32 $0x13800, s0;
	p0 =	seq.s32 s0, $0xF  }
0x9: {  	s11 =	sshrl.u32 s10, $0x1;
	s4 =	sadd.s32 s6, s4;
	s31 =	sshrl.u32 s7, $0x2  }
0xa: {  	s17 =	ssub.s32 s10, s11;
	s10 =	sadd.s32 $0x128800, s2;
	s11 =	sadd.s32 $0x12C800, s2  }
0xb: {  	s14 =	sadd.s32 s14, s13;
	s16 =	sshrl.u32 s13, $0x3;
	s13 =	sadd.s32 $0x134800, s2  }
0xc: {  	s4 =	sshrl.u32 s4, $0x3;
	s19 =	sshrl.u32 s14, $0x3;
	s16 =	sadd.s32 s15, s16  }
0xd: {  	s14 =	sadd.s32 $0x138800, s2;
	s17 =	smax.u32 s17, $0x1;
	s18 =	sadd.s32 s4, s5  }
0xe: {  	s4 =	sadd.s32 s31, s2;
	s15 =	sadd.s32 s15, s19;
	s16 =	sadd.s32 $0x24900, s16  }
0xf: {  	s19 =	simm.s32 $0x1;
	s5 =	sadd.s32 $0x4000, s4;
	s6 =	sadd.s32 $0x8000, s4  }
0x10: {  	v0 =	vimm.f32 $0.0e+00;
	v1 =	vimm.f32 $1.000000000e+00;
	s7 =	sadd.s32 $0xC000, s4;
	s8 =	sadd.s32 $0x10000, s4;
	s18 =	sadd.s32 $0x1800, s18  }
.LBB2_1:
0x11: {  	s22 =	simm.s32 $0x0;
	s23 =	simm.s32 $0x200  }
.LBB2_2:
0x12: {  	p1 =	sne.s32 s23, $0xFE00;
	[tilespmem:s22+$0xF0] =	vst v0  }
0x13: {  	[tilespmem:s22+$0x80] =	vst v0  }
0x14: {  	[tilespmem:s22+$0x90] =	vst v0  }
.Ltmp0:
0x15: {  	[tilespmem:s22+$0xA0] =	vst v0;
	(pc) =	sbr.rel @p1 .LBB2_2-.Ltmp0, $4  }
0x16: {  	[tilespmem:s22+$0xB0] =	vst v0  }
0x17: {  	[tilespmem:s22+$0xC0] =	vst v0  }
0x18: {  	[tilespmem:s22+$0xD0] =	vst v0  }
0x19: {  	[tilespmem:s22+$0xE0] =	vst v0;
	s22 =	sshra.s32 s23, $0x2;
	s23 =	sadd.s32 $0x200, s23  }
0x1a: {  	[tilespmem:s22+$0xF0] =	vst v0  }
0x1b: {  	[tilespmem:s22+$0x80] =	vst v0  }
0x1c: {  	[tilespmem:s22+$0x90] =	vst v0  }
0x1d: {  	[tilespmem:s22+$0xA0] =	vst v0  }
0x1e: {  	[tilespmem:s22+$0xB0] =	vst v0  }
0x1f: {  	[tilespmem:s22+$0xC0] =	vst v0  }
0x20: {  	[tilespmem:s22+$0xD0] =	vst v0  }
0x21: {  	[tilespmem:s22+$0xE0] =	vst v0;
	s22 =	simm.s32 @p0 $0x80;
	s23 =	simm.s32 @p0 $0x1  }
0x22: {  	[spmem:s9] =	stream.linear.scatter @p0 [tilespmem:s22], [sflag:$0x1], $0x4000, $0x38;
	[tilespmem:$0x17980] =	vst v63  }
0x23: {  	_ =	swait.ge @p0 [sflag:s23], $0x4000  }
0x24: {  	[sflag:s23] =	ssyncset.done @p0 $0x0  }
0x25: {  	[sflag:s23] =	ssyncadd.s32 @p0 $0xFFFFC000  }
0x26: {  	[spmem:s10] =	stream.linear.scatter @p0 [tilespmem:s22], [sflag:$0x1], $0x4000, $0x38;
	[tilespmem:$0x17980] =	vst v63  }
0x27: {  	_ =	swait.ge @p0 [sflag:s23], $0x4000  }
0x28: {  	[sflag:s23] =	ssyncset.done @p0 $0x0  }
0x29: {  	[sflag:s23] =	ssyncadd.s32 @p0 $0xFFFFC000  }
0x2a: {  	[spmem:s11] =	stream.linear.scatter @p0 [tilespmem:s22], [sflag:$0x1], $0x4000, $0x38;
	[tilespmem:$0x17980] =	vst v63  }
0x2b: {  	_ =	swait.ge @p0 [sflag:s23], $0x4000  }
0x2c: {  	[sflag:s23] =	ssyncset.done @p0 $0x0  }
0x2d: {  	[sflag:s23] =	ssyncadd.s32 @p0 $0xFFFFC000  }
0x2e: {  	[spmem:s12] =	stream.linear.scatter @p0 [tilespmem:s22], [sflag:$0x1], $0x4000, $0x38;
	[tilespmem:$0x17980] =	vst v63  }
0x2f: {  	_ =	swait.ge @p0 [sflag:s23], $0x4000  }
0x30: {  	[sflag:s23] =	ssyncset.done @p0 $0x0  }
0x31: {  	[sflag:s23] =	ssyncadd.s32 @p0 $0xFFFFC000  }
0x32: {  	[spmem:s13] =	stream.linear.scatter @p0 [tilespmem:s22], [sflag:$0x1], $0x4000, $0x38;
	[tilespmem:$0x17980] =	vst v63  }
0x33: {  	_ =	swait.ge @p0 [sflag:s23], $0x4000  }
0x34: {  	[sflag:s23] =	ssyncset.done @p0 $0x0  }
0x35: {  	[sflag:s23] =	ssyncadd.s32 @p0 $0xFFFFC000  }
0x36: {  	[spmem:s14] =	stream.linear.scatter @p0 [tilespmem:s22], [sflag:$0x1], $0x800, $0x38;
	[tilespmem:$0x17980] =	vst v63  }
0x37: {  	_ =	swait.ge @p0 [sflag:s23], $0x800  }
0x38: {  	[sflag:s23] =	ssyncset.done @p0 $0x0  }
0x39: {  	s22 =	simm.s32 @!p0 $0x80;
	[sflag:s23] =	ssyncadd.s32 @p0 $0xFFFFF800;
	s23 =	simm.s32 @!p0 $0x1  }
0x3a: {  	[spmem:s4] =	stream.linear.scatter @!p0 [tilespmem:s22], [sflag:$0x1], $0x4000, $0x38;
	[tilespmem:$0x17980] =	vst v63  }
0x3b: {  	_ =	swait.ge @!p0 [sflag:s23], $0x4000  }
0x3c: {  	[sflag:s23] =	ssyncset.done @!p0 $0x0  }
0x3d: {  	[sflag:s23] =	ssyncadd.s32 @!p0 $0xFFFFC000  }
0x3e: {  	[spmem:s5] =	stream.linear.scatter @!p0 [tilespmem:s22], [sflag:$0x1], $0x4000, $0x38;
	[tilespmem:$0x17980] =	vst v63  }
0x3f: {  	_ =	swait.ge @!p0 [sflag:s23], $0x4000  }
0x40: {  	[sflag:s23] =	ssyncset.done @!p0 $0x0  }
0x41: {  	[sflag:s23] =	ssyncadd.s32 @!p0 $0xFFFFC000  }
0x42: {  	[spmem:s6] =	stream.linear.scatter @!p0 [tilespmem:s22], [sflag:$0x1], $0x4000, $0x38;
	[tilespmem:$0x17980] =	vst v63  }
0x43: {  	_ =	swait.ge @!p0 [sflag:s23], $0x4000  }
0x44: {  	[sflag:s23] =	ssyncset.done @!p0 $0x0  }
0x45: {  	[sflag:s23] =	ssyncadd.s32 @!p0 $0xFFFFC000  }
0x46: {  	[spmem:s7] =	stream.linear.scatter @!p0 [tilespmem:s22], [sflag:$0x1], $0x4000, $0x38;
	[tilespmem:$0x17980] =	vst v63  }
0x47: {  	_ =	swait.ge @!p0 [sflag:s23], $0x4000  }
0x48: {  	[sflag:s23] =	ssyncset.done @!p0 $0x0  }
0x49: {  	[sflag:s23] =	ssyncadd.s32 @!p0 $0xFFFFC000  }
0x4a: {  	[spmem:s8] =	stream.linear.scatter @!p0 [tilespmem:s22], [sflag:$0x1], $0x3800, $0x38;
	[tilespmem:$0x17980] =	vst v63  }
0x4b: {  	_ =	swait.ge @!p0 [sflag:s23], $0x3800  }
0x4c: {  	[sflag:s23] =	ssyncset.done @!p0 $0x0  }
0x4d: {  	s22 =	simm.s32 $0x0;
	[sflag:s23] =	ssyncadd.s32 @!p0 $0xFFFFC800;
	s23 =	simm.s32 $0x200  }
.LBB2_4:
0x4e: {  	p1 =	sne.s32 s23, $0xFE00;
	[tilespmem:s22+$0xF0] =	vst v1  }
0x4f: {  	[tilespmem:s22+$0x80] =	vst v1  }
0x50: {  	[tilespmem:s22+$0x90] =	vst v1  }
.Ltmp1:
0x51: {  	[tilespmem:s22+$0xA0] =	vst v1;
	(pc) =	sbr.rel @p1 .LBB2_4-.Ltmp1, $4  }
0x52: {  	[tilespmem:s22+$0xB0] =	vst v1  }
0x53: {  	[tilespmem:s22+$0xC0] =	vst v1  }
0x54: {  	[tilespmem:s22+$0xD0] =	vst v1  }
0x55: {  	[tilespmem:s22+$0xE0] =	vst v1;
	s22 =	sshra.s32 s23, $0x2;
	s23 =	sadd.s32 $0x200, s23  }
0x56: {  	[tilespmem:s22+$0xF0] =	vst v1  }
0x57: {  	[tilespmem:s22+$0x80] =	vst v1  }
0x58: {  	[tilespmem:s22+$0x90] =	vst v1  }
0x59: {  	[tilespmem:s22+$0xA0] =	vst v1  }
0x5a: {  	[tilespmem:s22+$0xB0] =	vst v1  }
0x5b: {  	[tilespmem:s22+$0xC0] =	vst v1  }
0x5c: {  	[tilespmem:s22+$0xD0] =	vst v1  }
0x5d: {  	[tilespmem:s22+$0xE0] =	vst v1  }
0x5e: {  	s31 =	sadd.s32 $0x0, s18;
	[bflag:$0x0] =	sbarrier.arrive $0xFFFF  }
0x5f: {  	[tilespmem:s3], [sflag:$0x1] =	stream.linear.gather [hbm4b:s31+s3], $0x80, $0x38;
	[tilespmem:$0x17980] =	vst v63  }
0x60: {  	_ =	swait.ge [sflag:s19], $0x80  }
0x61: {  	[sflag:s19] =	ssyncset.done $0x0  }
0x62: {  	[sflag:s19] =	ssyncadd.s32 $0xFFFFFF80  }
0x63: {  	[spmem:s2] =	stream.indirect.scatter.add.f32 [tilespmem:s20], [sflag:$0x1], $0x80, s3, s20, $0xb8;
	[tilespmem:$0x17980] =	vst v63  }
0x64: {  	_ =	swait.ge [sflag:s19], $0x4000  }
0x65: {  	s22 =	simm.s32 $0x10;
	s23 =	simm.s32 $0x20;
	[sflag:s19] =	ssyncset.done $0x0  }
.LBB2_6:
0x66: {  	s24 =	sadd.s32 s22, s18  }
0x67: {  	[sflag:s19] =	ssyncadd.s32 $0xFFFFC000;
	s22 =	smov.u32 s23;
	s25 =	sadd.s32 $0x10, s23  }
0x68: {  	[tilespmem:s3], [sflag:$0x1] =	stream.linear.gather [hbm4b:s24+s3], $0x80, $0x38;
	[tilespmem:$0x17980] =	vst v63  }
0x69: {  	p1 =	sne.s32 s23, $0x9D0;
	_ =	swait.ge [sflag:s19], $0x80  }
.Ltmp2:
0x6a: {  	[sflag:s19] =	ssyncset.done $0x0;
	(pc) =	sbr.rel @p1 .LBB2_6-.Ltmp2, $4  }
0x6b: {  	[sflag:s19] =	ssyncadd.s32 $0xFFFFFF80  }
0x6c: {  	[spmem:s2] =	stream.indirect.scatter.add.f32 [tilespmem:s20], [sflag:$0x1], $0x80, s3, s20, $0xb8;
	[tilespmem:$0x17980] =	vst v63  }
0x6d: {  	_ =	swait.ge [sflag:s19], $0x4000  }
0x6e: {  	s23 =	smov.u32 s25;
	[sflag:s19] =	ssyncset.done $0x0  }
0x6f: {  	s22 =	sadd.s32 s22, s18;
	[sflag:s19] =	ssyncadd.s32 $0xFFFFC000  }
0x70: {  	[tilespmem:s3], [sflag:$0x1] =	stream.linear.gather [hbm4b:s22+s3], $0x80, $0x38;
	[tilespmem:$0x17980] =	vst v63  }
0x71: {  	_ =	swait.ge [sflag:s19], $0x80  }
0x72: {  	[sflag:s19] =	ssyncset.done $0x0  }
0x73: {  	[sflag:s19] =	ssyncadd.s32 $0xFFFFFF80  }
0x74: {  	[spmem:s2] =	stream.indirect.scatter.add.f32 [tilespmem:s20], [sflag:$0x1], $0x80, s3, s20, $0xb8;
	[tilespmem:$0x17980] =	vst v63  }
0x75: {  	_ =	swait.ge [sflag:s19], $0x4000  }
0x76: {  	[sflag:s19] =	ssyncset.done $0x0  }
0x77: {  	[sflag:s19] =	ssyncadd.s32 $0xFFFFC000  }
0x78: {  	s23 =	simm.s32 @p0 $0x1FC1;
	s22 =	sshrl.u32 @p0 s9, $0x3;
	[bflag:$0x0] =	sbarrier.arrive $0xFFFF  }
0x79: {  	[hbm:s16], [sflag:s23] =	dma.local @p0 [spmem:s22], $0x2800  }
0x7a: {  	s22 =	simm.s32 @p0 $0x1  }
0x7b: {  	s21 =	sadd.s32 $0x1, s21;
	_ =	swait.ge @p0 [sflag:s22], $0x2800  }
0x7c: {  	p1 =	sne.s32 s21, s17;
	s23 =	sshll.u32 @!p0 s0, $0x6;
	[sflag:s22] =	ssyncset.done @p0 $0x0  }
0x7d: {  	[sflag:s22] =	ssyncadd.s32 @p0 $0xFFFFD800;
	s22 =	sor.u32 @!p0 $0x1C01, s23;
	s23 =	sshrl.u32 @!p0 s4, $0x3  }
0x7e: {  	[hbm:s15], [sflag:s22] =	dma.local @!p0 [spmem:s23], $0x2700  }
.Ltmp3:
0x7f: {  	_ = 	snop;
	(pc) =	sbr.rel @p1 .LBB2_1-.Ltmp3, $4  }
0x80: {  	s22 =	simm.s32 @!p0 $0x1  }
0x81: {  	_ =	swait.ge @!p0 [sflag:s22], $0x2700  }
0x82: {  	[sflag:s22] =	ssyncset.done @!p0 $0x0  }
0x83: {  	[sflag:s22] =	ssyncadd.s32 @!p0 $0xFFFFD900  }
0x84: {  	_ =	sfence.sel $0x180000  }
0x85: {  	[bflag:$0x0] =	sbarrier.arrive $0xFFFF  }
0x86: {  	p0 =	sne.s32 s0, $0x0;
	_ =	strace $0x90000047  }
0x87: {  	s0 =	sadd.s32 @!p0 $0x100000, s1;
	[bflag:$0x2] =	sbarrier.arrive $0xFFFF  }
0x88: {  	[sflag:s0] =	ssyncadd.tile.s32 @!p0 $0x1;
	_ =	shalt  }
.Lfunc_end2:
_tile_overlayer_lowered:
.L_overlay_start_2:
0x89: {  	(tag) =	ssettag $0x2  }
0x8a: {  	s0 =	rddreg [dreg:$0x0];
	s2 =	stileid.u32  }
0x8b: {  	s1 =	rddreg [dreg:$0x1];
	p0 =	sne.s32 s2, $0x0  }
0x8c: {  	s3 =	rddreg [dreg:$0x2];
	[bflag:$0x3] =	sbarrier.arrive $0xFFFF;
	s2 =	simm.s32 @!p0 $0x1C01  }
0x8d: {  	[timem:s3], [sflag:s2] =	dma.local @!p0 [hbm:s0], s1  }
0x8e: {  	s0 =	simm.s32 @!p0 $0x1  }
0x8f: {  	_ =	swait.ge @!p0 [sflag:s0], s1  }
0x90: {  	s1 =	ssub.s32 @!p0 $0x0, s1;
	[sflag:s0] =	ssyncset.done @!p0 $0x0  }
0x91: {  	[sflag:s0] =	ssyncadd.s32 @!p0 s1  }
0x92: {  	[bflag:$0x3] =	sbarrier.arrive $0xFFFF  }
0x93: {  	_ =	shalt  }

// kernel: kernel.13.cloned.1.call-start
scs
__scs_entry_jumppad:
0x0: {  	(pc) =	sbr.rel $0x88, $3  }
0x1: {  	(tag) =	ssettag $0x0;
	lr =	simm.s32 $0x1  }
0x2: {  	[smem:$0x3F95] =	sst lr;
	_ =	strace $0xD0000000  }
0x3: {  	_ = 	snop  }
0x4: {  	_ = 	snop  }
0x5: {  	_ = 	snop  }
0x6: {  	_ = 	snop  }
0x7: {  	_ = 	snop  }
__scs_overlays_trampoline_lowered:
0x8: {  	[smem:$0x3FA4] =	sst s0  }
0x9: {  	[smem:$0x3FA5] =	sst s1  }
0xa: {  	[smem:$0x3FA6] =	sst s2  }
0xb: {  	[smem:$0x3FA7] =	sst s3  }
0xc: {  	[smem:$0x3FA8] =	sst s4  }
0xd: {  	[smem:$0x3FA9] =	sst s5  }
0xe: {  	[smem:$0x3FAA] =	sst s6  }
0xf: {  	[smem:$0x3FAB] =	sst s7  }
0x10: {  	[smem:$0x3FAC] =	sst s8  }
0x11: {  	[smem:$0x3FAD] =	sst s9;
	s0 =	simm.s32 @!p0 $0x0  }
0x12: {  	s1 =	sld [smem:$0x3F93];
	s0 =	simm.s32 @p0 $0x1  }
0x13: {  	[smem:$0x3FAE] =	sst s0;
	s0 =	simm.s32 @!p1 $0x0  }
0x14: {  	s2 =	sld [smem:$0x3F92];
	s0 =	simm.s32 @p1 $0x1  }
0x15: {  	[smem:$0x3FAF] =	sst s0;
	s0 =	simm.s32 @!p2 $0x0  }
0x16: {  	s3 =	sld [smem:$0x3FDB];
	s0 =	simm.s32 @p2 $0x1  }
0x17: {  	s4 =	simm.s32 $0x1BF5;
	[smem:$0x3FB1] =	sst s0  }
0x18: {  	s0 =	sld [smem:$0x3F94];
	_ =	swait.ge [sflag:s4], $0x0  }
0x19: {  	s7 =	sld [smem:$0x3F95]  }
0x1a: {  	s8 =	sadd.s32 $0xFFFFE003, lr  }
0x1b: {  	s9 =	sadd.s32 $0xFFFFFEF7, lr;
	s5 =	simm.s32 $0xFFFFFFFF;
	p2 =	slt.u32 s8, $0xFFFFF086  }
0x1c: {  	p1 =	slt.u32 s9, $0xF7A;
	s5 =	simm.s32 @!p2 $0x0  }
0x1d: {  	s5 =	simm.s32 @p1 $0x1;
	p0 =	seq.s32 s7, s2  }
0x1e: {  	s7 =	smul.u32 @!p0 $0xF7A, s2;
	p2 =	seq.s32 @!p0 s5, $0x0  }
0x1f: {  	s9 =	smul.u32 $0xF7A, s1;
	s8 =	simm.s32 @!p0 $0x1BF5;
	p2 =	por !p2, p0  }
0x20: {  	[sflag:s8] =	ssyncset.s32 @!p0 $0xFFFFF086;
	s6 =	sadd.s32 @!p0 s3, s7;
	s7 =	simm.s32 @!p0 $0x108  }
0x21: {  	s3 =	sadd.s32 s3, s9;
	s6 =	sadd.s32 @!p0 $0x88, s6;
	s7 =	simm.s32 @p2 $0x1082  }
0x22: {  	[simem:s7], [sflag:s8] =	dma.local @!p0 [hbm:s6], $0xF7A  }
0x23: {  	s9 =	sor.u32 $0xD0000000, s2;
	s6 =	simm.s32 $0x108;
	_ =	swait.ge @!p0 [sflag:s8], $0x0  }
0x24: {  	s3 =	sadd.s32 $0x88, s3;
	s6 =	simm.s32 @!p1 $0x1082;
	[sflag:s4] =	ssyncset.s32 $0xFFFFF086  }
0x25: {  	[simem:s6], [sflag:s4] =	dma.local [hbm:s3], $0xF7A  }
0x26: {  	[smem:$0x3F95] =	sst s1;
	(tag) =	ssettag s2;
	_ =	strace s9  }
0x27: {  	s1 =	sld [smem:$0x3FA5]  }
0x28: {  	s2 =	sld [smem:$0x3FA6]  }
0x29: {  	s4 =	sld [smem:$0x3FA8]  }
0x2a: {  	p0 =	seq.s32 s5, $0x0;
	s5 =	sld [smem:$0x3FA9]  }
0x2b: {  	s6 =	sld [smem:$0x3FAA]  }
0x2c: {  	s7 =	sld [smem:$0x3FAB]  }
0x2d: {  	s3 =	simm.s32 $0x108;
	s8 =	sld [smem:$0x3FAC]  }
0x2e: {  	s3 =	simm.s32 @!p0 $0x1082;
	s9 =	sld [smem:$0x3FAD]  }
0x2f: {  	lr =	sadd.s32 s0, s3;
	s0 =	sld [smem:$0x3FA4]  }
0x30: {  	s3 =	sld [smem:$0x3FA7]  }
0x31: {  	[smem:$0x3FB0] =	sst s10  }
0x32: {  	s10 =	sld [smem:$0x3FAE];
	_ =	sdelay $0x3  }
0x33: {  	p0 =	seq.s32 s10, $0x1;
	s10 =	sld [smem:$0x3FB0];
	_ =	sdelay $0x3  }
0x34: {  	[smem:$0x3FB0] =	sst s10  }
0x35: {  	s10 =	sld [smem:$0x3FAF];
	_ =	sdelay $0x3  }
0x36: {  	p1 =	seq.s32 s10, $0x1;
	s10 =	sld [smem:$0x3FB0];
	_ =	sdelay $0x3  }
0x37: {  	[smem:$0x3FB0] =	sst s10  }
0x38: {  	s10 =	sld [smem:$0x3FB1]  }
0x39: {  	_ = 	snop;
	(pc) =	sbr.ind lr, $3  }
0x3a: {  	_ = 	snop  }
0x3b: {  	_ = 	snop  }
0x3c: {  	p2 =	seq.s32 s10, $0x1;
	s10 =	sld [smem:$0x3FB0]  }
0x3d: {  	_ =	shalt  }
0x3e: {  	_ =	shalt  }
0x3f: {  	_ =	shalt  }
0x40: {  	_ =	shalt  }
0x41: {  	_ =	shalt  }
0x42: {  	_ =	shalt  }
0x43: {  	_ =	shalt  }
0x44: {  	_ =	shalt  }
0x45: {  	_ =	shalt  }
0x46: {  	_ =	shalt  }
0x47: {  	_ =	shalt  }
0x48: {  	_ =	shalt  }
0x49: {  	_ =	shalt  }
0x4a: {  	_ =	shalt  }
0x4b: {  	_ =	shalt  }
0x4c: {  	_ =	shalt  }
0x4d: {  	_ =	shalt  }
0x4e: {  	_ =	shalt  }
0x4f: {  	_ =	shalt  }
0x50: {  	_ =	shalt  }
0x51: {  	_ =	shalt  }
0x52: {  	_ =	shalt  }
0x53: {  	_ =	shalt  }
0x54: {  	_ =	shalt  }
0x55: {  	_ =	shalt  }
0x56: {  	_ =	shalt  }
0x57: {  	_ =	shalt  }
0x58: {  	_ =	shalt  }
0x59: {  	_ =	shalt  }
0x5a: {  	_ =	shalt  }
0x5b: {  	_ =	shalt  }
0x5c: {  	_ =	shalt  }
0x5d: {  	_ =	shalt  }
0x5e: {  	_ =	shalt  }
0x5f: {  	_ =	shalt  }
0x60: {  	_ =	shalt  }
0x61: {  	_ =	shalt  }
0x62: {  	_ =	shalt  }
0x63: {  	_ =	shalt  }
0x64: {  	_ =	shalt  }
0x65: {  	_ =	shalt  }
0x66: {  	_ =	shalt  }
0x67: {  	_ =	shalt  }
0x68: {  	_ =	shalt  }
0x69: {  	_ =	shalt  }
0x6a: {  	_ =	shalt  }
0x6b: {  	_ =	shalt  }
0x6c: {  	_ =	shalt  }
0x6d: {  	_ =	shalt  }
0x6e: {  	_ =	shalt  }
0x6f: {  	_ =	shalt  }
0x70: {  	_ =	shalt  }
0x71: {  	_ =	shalt  }
0x72: {  	_ =	shalt  }
0x73: {  	_ =	shalt  }
0x74: {  	_ =	shalt  }
0x75: {  	_ =	shalt  }
0x76: {  	_ =	shalt  }
0x77: {  	_ =	shalt  }
0x78: {  	_ =	shalt  }
0x79: {  	_ =	shalt  }
0x7a: {  	_ =	shalt  }
0x7b: {  	_ =	shalt  }
0x7c: {  	_ =	shalt  }
0x7d: {  	_ =	shalt  }
0x7e: {  	_ =	shalt  }
0x7f: {  	_ =	shalt  }
0x80: {  	_ =	shalt  }
0x81: {  	_ =	shalt  }
0x82: {  	_ =	shalt  }
0x83: {  	_ =	shalt  }
0x84: {  	_ =	shalt  }
0x85: {  	_ =	shalt  }
0x86: {  	_ =	shalt  }
0x87: {  	_ =	shalt  }
.Lfunc_end0:
.L_simem_size_0:
called_computation.1_lowered:
.L_overlay_start_0:
0x88: {  	s2 =	sld [smem:$0x3FD9]  }
0x89: {  	s3 =	sld [smem:$0x3FFE];
	_ =	sdelay $0x1  }
0x8a: {  	s1 =	srdreg.scid  }
0x8b: {  	s0 =	sand.u32 $0x1, s1  }
0x8c: {  	s17 =	sshll.u32 s0, $0xA;
	s2 =	sadd.s32 s3, s2  }
0x8d: {  	s2 =	sadd.s32 s2, s17  }
0x8e: {  	[smem:$0x3FBC] =	sst s2  }
0x8f: {  	_ = 	snop  }
0x90: {  	s2 =	sld [smem:$0x3FD0];
	(tm) =	ssettm $0x1  }
0x91: {  	s18 =	sld [smem:$0x3FFB];
	_ =	sdelay $0x3  }
0x92: {  	_ =	strace s18  }
0x93: {  	s3 =	sld [smem:$0x3FFC];
	_ =	sdelay $0x3  }
0x94: {  	_ =	strace s3  }
0x95: {  	s3 =	sld [smem:$0x3FFD];
	_ =	sdelay $0x3  }
0x96: {  	_ =	strace s3  }
0x97: {  	_ =	strace $0x8FFFFFFF  }
0x98: {  	s19 =	sld [smem:$0x3FDB];
	_ =	sdelay $0x1  }
0x99: {  	s4 =	simm.s32 $_scs_section_size  }
0x9a: {  	s5 =	simm.s32 $_size__tile_overlayer_lowered;
	s6 =	simm.s32 $_tile_overlayer_lowered  }
0x9b: {  	s22 =	simm.s32 $0x1BFF;
	s21 =	sshll.u32 s6, $0x1;
	s3 =	sadd.s32 s4, s19  }
0x9c: {  	s7 =	simm.s32 $0x0;
	s20 =	sshll.u32 s5, $0x1;
	s5 =	sadd.s32 s21, s3  }
0x9d: {  	[timem:s7], [sflag:s22] =	dma.local [hbm:s5], s20  }
0x9e: {  	_ =	swait.ge [sflag:s22], s20  }
0x9f: {  	s4 =	ssub.s32 $0x0, s20;
	[sflag:s22] =	ssyncset.done $0x0  }
0xa0: {  	[sflag:s22] =	ssyncadd.s32 s4;
	_ =	sdelay $0x1  }
0xa1: {  	s23 =	simm.s32 $0x1B8B  }
0xa2: {  	_ =	swait.ge [sflag:s23], $0x1  }
0xa3: {  	[sflag:s23] =	ssyncset.done $0x0  }
0xa4: {  	s25 =	simm.s32 $0x1B8E;
	s24 =	sld [smem:$0x3FFE];
	[sflag:s23] =	ssyncadd.s32 $0xFFFFFFFF  }
0xa5: {  	s26 =	simm.s32 $execute0_lowered;
	[smem:$0x3FD2] =	sst s25  }
0xa6: {  	s5 =	sshll.u32 s26, $0x1;
	_ =	strace $0x80000049;
	[dreg:$0x1] =	wrdreg $0xFFFFFFFF  }
0xa7: {  	s28 =	simm.s32 $_size_execute0_lowered;
	s3 =	sadd.s32 s3, s5;
	[dreg:$0x0] =	wrdreg $0x0  }
0xa8: {  	s5 =	sshll.u32 s28, $0x1;
	[dreg:$0x2] =	wrdreg s3  }
0xa9: {  	[dreg:$0x3] =	wrdreg s5  }
0xaa: {  	[dreg:$0x4] =	wrdreg $0xC0  }
0xab: {  	_ =	task [dreg:s7], $0x5FFFF  }
0xac: {  	[dreg:$0x1] =	wrdreg $0xFFFFFFFF  }
0xad: {  	[dreg:$0x0] =	wrdreg $0x60  }
0xae: {  	[dreg:$0x2] =	wrdreg s24  }
0xaf: {  	[dreg:$0x3] =	wrdreg s2  }
0xb0: {  	[dreg:$0x4] =	wrdreg $0x82000  }
0xb1: {  	[dreg:$0x5] =	wrdreg $0x9  }
0xb2: {  	_ =	task.clear_ibuf [dreg:s7], $0x6FFFF;
	_ =	strace $0x90000049  }
0xb3: {  	s29 =	simm.s32 $0x9;
	_ =	strace $0x8000004B  }
0xb4: {  	_ =	swait.ge [sflag:s29], $0x1  }
0xb5: {  	[sflag:s29] =	ssyncadd.s32 $0xFFFFFFFF  }
0xb6: {  	_ =	strace $0x9000004B  }
0xb7: {  	_ =	sfence  }
0xb8: {  	s30 =	sld [smem:$0x0];
	_ =	sdelay $0x2  }
0xb9: {  	s31 =	sshll.u32 s1, $0xD;
	s1 =	sshrl.u32 s1, $0x2  }
0xba: {  	s3 =	sand.u32 $0x4000, s31;
	s1 =	sadd.s32 s1, s30  }
0xbb: {  	s0 =	sor.u32 s3, s0;
	s1 =	sshll.u32 s1, $0x11  }
0xbc: {  	s0 =	sor.u32 s1, s0  }
0xbd: {  	s0 =	sadd.s32 $0x8F2B, s0  }
0xbe: {  	[sflag:s0] =	ssyncadd.remote.s32 $0x1  }
0xbf: {  	_ =	sfence.sel $0xFFFF  }
0xc0: {  	[dreg:$0x0] =	wrdreg $0xFFFFFFFF;
	(pc) =	sbr.abs _section_cstart, $3  }
0xc1: {  	[dreg:$0x1] =	wrdreg $0xFFFFFFFF  }
0xc2: {  	_ =	task.clear_ibuf [dreg:s7], $0x2FFFF;
	_ =	strace $0x9FFFFFFF  }
0xc3: {  	(tm) =	ssettm $0x7FFFFFFF  }
tec
execute0_lowered:
.L_overlay_start_1:
0x0: {  	(tag) =	ssettag $0x1  }
0x1: {  	s0 =	rddreg [dreg:$0x0]  }
0x2: {  	s2 =	rddreg [dreg:$0x1]  }
0x3: {  	s1 =	rddreg [dreg:$0x2];
	s3 =	simm.s32 $0x0;
	s13 =	stileid.u32  }
0x4: {  	s6 =	srdreg.scid;
	s28 =	simm.s32 $0x5;
	s29 =	simm.s32 $0x100  }
0x5: {  	s30 =	simm.s32 $0x80;
	s31 =	simm.s32 $0x200;
	s4 =	sadd.s32 $0x77400, s0  }
0x6: {  	s7 =	smul.u32 $0x4E000, s13;
	s5 =	sadd.s32 $0x63800, s0;
	s0 =	sadd.s32 $0x113800, s0  }
0x7: {  	[smem:$0x7FF] =	sst s3;
	s12 =	smul.u32 $0x4F00, s13;
	s18 =	sadd.s32 $0x128800, s1  }
0x8: {  	s8 =	sand.u32 $0x1, s6;
	s19 =	smul.u32 $0x13800, s13;
	s20 =	sadd.s32 $0x130800, s1  }
0x9: {  	s21 =	sadd.s32 $0x134800, s1;
	_ =	strace $0x8000004A;
	[dreg:$0x8] =	wrdreg s18  }
0xa: {  	s22 =	sadd.s32 $0x138800, s1;
	s25 =	smul.u32 $0x9E0, s13;
	[dreg:$0xa] =	wrdreg s20  }
0xb: {  	p0 =	seq.s32 s13, $0xF;
	s11 =	smul.u32 $0x4F000, s8;
	[dreg:$0xb] =	wrdreg s21  }
0xc: {  	s9 =	ssub.s32 $0x2, s8;
	s8 =	smul.u32 $0x138800, s8;
	[dreg:$0xc] =	wrdreg s22  }
0xd: {  	s10 =	sshrl.u32 s7, $0x2;
	s14 =	sshrl.u32 s9, $0x1;
	s24 =	sshrl.u32 s12, $0x3  }
0xe: {  	s22 =	sadd.s32 s25, s2;
	s6 =	sadd.s32 s10, s1;
	s7 =	ssub.s32 s9, s14  }
0xf: {  	s11 =	sadd.s32 s12, s11;
	s14 =	sadd.s32 $0x12C800, s1;
	s9 =	sadd.s32 s19, s8  }
0x10: {  	s8 =	sshrl.u32 s8, $0x3;
	s21 =	sadd.s32 s2, s24;
	s2 =	simm.s32 $0x180  }
0x11: {  	s12 =	simm.s32 $0x0;
	s10 =	sadd.s32 $0x4000, s6;
	s15 =	sadd.s32 $0x8000, s6  }
0x12: {  	s16 =	sadd.s32 $0xC000, s6;
	s17 =	sadd.s32 $0x10000, s6;
	[dreg:$0x9] =	wrdreg s14  }
0x13: {  	s9 =	sshrl.u32 s9, $0x3;
	s8 =	sadd.s32 s0, s8;
	s19 =	smax.u32 s7, $0x1  }
0x14: {  	s23 =	sshrl.u32 s11, $0x3;
	s26 =	sadd.s32 $0x180, s11;
	[dreg:$0x4] =	wrdreg s10  }
0x15: {  	s25 =	sadd.s32 $0x100, s11;
	s7 =	simm.s32 $0x4200;
	[dreg:$0x5] =	wrdreg s15  }
0x16: {  	s11 =	simm.s32 $0x4;
	[dreg:$0x6] =	wrdreg s16;
	s10 =	sadd.s32 $0x124800, s1  }
0x17: {  	[dreg:$0x7] =	wrdreg s17;
	s0 =	sadd.s32 s0, s9;
	s18 =	sadd.s32 $0x24900, s8  }
0x18: {  	s20 =	sadd.s32 s5, s23;
	s8 =	simm.s32 $0x2;
	s9 =	simm.s32 $0x3  }
0x19: {  	[dreg:$0xd] =	wrdreg s0;
	s23 =	sadd.s32 $0x10, s20;
	s0 =	sshrl.u32 s26, $0x3  }
0x1a: {  	v0 =	vimm.f32 $0.0e+00;
	s26 =	sadd.s32 $0x10, s21;
	s24 =	sadd.s32 s0, s5;
	s0 =	simm.s32 $0x1  }
.LBB2_1:
0x1b: {  	s13 =	simm.s32 $0x0;
	s14 =	simm.s32 $0x200  }
.LBB2_2:
0x1c: {  	p1 =	sne.s32 s14, $0xFE00;
	[tilespmem:s13+$0x270] =	vst v0  }
0x1d: {  	[tilespmem:s13+$0x200] =	vst v0  }
0x1e: {  	[tilespmem:s13+$0x210] =	vst v0  }
.Ltmp0:
0x1f: {  	[tilespmem:s13+$0x220] =	vst v0;
	(pc) =	sbr.rel @p1 .LBB2_2-.Ltmp0, $4  }
0x20: {  	[tilespmem:s13+$0x230] =	vst v0  }
0x21: {  	[tilespmem:s13+$0x240] =	vst v0  }
0x22: {  	[tilespmem:s13+$0x250] =	vst v0  }
0x23: {  	[tilespmem:s13+$0x260] =	vst v0;
	s13 =	sshra.s32 s14, $0x2;
	s14 =	sadd.s32 $0x200, s14  }
0x24: {  	[tilespmem:s13+$0x270] =	vst v0  }
0x25: {  	[tilespmem:s13+$0x200] =	vst v0  }
0x26: {  	[tilespmem:s13+$0x210] =	vst v0  }
0x27: {  	[tilespmem:s13+$0x220] =	vst v0  }
0x28: {  	[tilespmem:s13+$0x230] =	vst v0  }
0x29: {  	[tilespmem:s13+$0x240] =	vst v0  }
0x2a: {  	[tilespmem:s13+$0x250] =	vst v0  }
0x2b: {  	[tilespmem:s13+$0x260] =	vst v0;
	s13 =	simm.s32 @p0 $0x200;
	s14 =	simm.s32 @p0 $0x5  }
0x2c: {  	[spmem:s10] =	stream.linear.scatter @p0 [tilespmem:s13], [sflag:$0x5], $0x4000, $0x38;
	[tilespmem:$0x1BB00] =	vst v63  }
0x2d: {  	_ =	swait.ge @p0 [sflag:s14], $0x4000  }
0x2e: {  	[sflag:s14] =	ssyncset.done @p0 $0x0  }
0x2f: {  	s15 =	rddreg [dreg:$0x8];
	[sflag:s14] =	ssyncadd.s32 @p0 $0xFFFFC000  }
0x30: {  	[spmem:s15] =	stream.linear.scatter @p0 [tilespmem:s13], [sflag:$0x5], $0x4000, $0x38;
	[tilespmem:$0x1BB00] =	vst v63  }
0x31: {  	_ =	swait.ge @p0 [sflag:s14], $0x4000  }
0x32: {  	[sflag:s14] =	ssyncset.done @p0 $0x0  }
0x33: {  	s15 =	rddreg [dreg:$0x9];
	[sflag:s14] =	ssyncadd.s32 @p0 $0xFFFFC000  }
0x34: {  	[spmem:s15] =	stream.linear.scatter @p0 [tilespmem:s13], [sflag:$0x5], $0x4000, $0x38;
	[tilespmem:$0x1BB00] =	vst v63  }
0x35: {  	_ =	swait.ge @p0 [sflag:s14], $0x4000  }
0x36: {  	[sflag:s14] =	ssyncset.done @p0 $0x0  }
0x37: {  	s15 =	rddreg [dreg:$0xa];
	[sflag:s14] =	ssyncadd.s32 @p0 $0xFFFFC000  }
0x38: {  	[spmem:s15] =	stream.linear.scatter @p0 [tilespmem:s13], [sflag:$0x5], $0x4000, $0x38;
	[tilespmem:$0x1BB00] =	vst v63  }
0x39: {  	_ =	swait.ge @p0 [sflag:s14], $0x4000  }
0x3a: {  	[sflag:s14] =	ssyncset.done @p0 $0x0  }
0x3b: {  	s15 =	rddreg [dreg:$0xb];
	[sflag:s14] =	ssyncadd.s32 @p0 $0xFFFFC000  }
0x3c: {  	[spmem:s15] =	stream.linear.scatter @p0 [tilespmem:s13], [sflag:$0x5], $0x4000, $0x38;
	[tilespmem:$0x1BB00] =	vst v63  }
0x3d: {  	_ =	swait.ge @p0 [sflag:s14], $0x4000  }
0x3e: {  	[sflag:s14] =	ssyncset.done @p0 $0x0  }
0x3f: {  	s15 =	rddreg [dreg:$0xc];
	[sflag:s14] =	ssyncadd.s32 @p0 $0xFFFFC000  }
0x40: {  	[spmem:s15] =	stream.linear.scatter @p0 [tilespmem:s13], [sflag:$0x5], $0x800, $0x38;
	[tilespmem:$0x1BB00] =	vst v63  }
0x41: {  	_ =	swait.ge @p0 [sflag:s14], $0x800  }
0x42: {  	[sflag:s14] =	ssyncset.done @p0 $0x0  }
0x43: {  	s13 =	simm.s32 @!p0 $0x200;
	[sflag:s14] =	ssyncadd.s32 @p0 $0xFFFFF800;
	s14 =	simm.s32 @!p0 $0x5  }
0x44: {  	[spmem:s6] =	stream.linear.scatter @!p0 [tilespmem:s13], [sflag:$0x5], $0x4000, $0x38;
	[tilespmem:$0x1BB00] =	vst v63  }
0x45: {  	_ =	swait.ge @!p0 [sflag:s14], $0x4000  }
0x46: {  	[sflag:s14] =	ssyncset.done @!p0 $0x0  }
0x47: {  	s15 =	rddreg [dreg:$0x4];
	[sflag:s14] =	ssyncadd.s32 @!p0 $0xFFFFC000  }
0x48: {  	[spmem:s15] =	stream.linear.scatter @!p0 [tilespmem:s13], [sflag:$0x5], $0x4000, $0x38;
	[tilespmem:$0x1BB00] =	vst v63  }
0x49: {  	_ =	swait.ge @!p0 [sflag:s14], $0x4000  }
0x4a: {  	[sflag:s14] =	ssyncset.done @!p0 $0x0  }
0x4b: {  	s15 =	rddreg [dreg:$0x5];
	[sflag:s14] =	ssyncadd.s32 @!p0 $0xFFFFC000  }
0x4c: {  	[spmem:s15] =	stream.linear.scatter @!p0 [tilespmem:s13], [sflag:$0x5], $0x4000, $0x38;
	[tilespmem:$0x1BB00] =	vst v63  }
0x4d: {  	_ =	swait.ge @!p0 [sflag:s14], $0x4000  }
0x4e: {  	[sflag:s14] =	ssyncset.done @!p0 $0x0  }
0x4f: {  	s15 =	rddreg [dreg:$0x6];
	[sflag:s14] =	ssyncadd.s32 @!p0 $0xFFFFC000  }
0x50: {  	[spmem:s15] =	stream.linear.scatter @!p0 [tilespmem:s13], [sflag:$0x5], $0x4000, $0x38;
	[tilespmem:$0x1BB00] =	vst v63  }
0x51: {  	_ =	swait.ge @!p0 [sflag:s14], $0x4000  }
0x52: {  	[sflag:s14] =	ssyncset.done @!p0 $0x0  }
0x53: {  	s15 =	rddreg [dreg:$0x7];
	[sflag:s14] =	ssyncadd.s32 @!p0 $0xFFFFC000  }
0x54: {  	[spmem:s15] =	stream.linear.scatter @!p0 [tilespmem:s13], [sflag:$0x5], $0x3800, $0x38;
	[tilespmem:$0x1BB00] =	vst v63  }
0x55: {  	_ =	swait.ge @!p0 [sflag:s14], $0x3800  }
0x56: {  	[sflag:s14] =	ssyncset.done @!p0 $0x0  }
0x57: {  	[sflag:s14] =	ssyncadd.s32 @!p0 $0xFFFFC800  }
0x58: {  	s17 =	simm.s32 $0x0;
	[bflag:$0x0] =	sbarrier.arrive $0xFFFF  }
0x59: {  	[tilespmem:s17], [sflag:$0x5] =	stream.linear.gather [hbm4b:s20+s17], $0x80, $0x38;
	[tilespmem:$0x1BB00] =	vst v63  }
0x5a: {  	_ =	swait.ge [sflag:s28], $0x80  }
0x5b: {  	[sflag:s28] =	ssyncset.done $0x0  }
0x5c: {  	[sflag:s28] =	ssyncadd.s32 $0xFFFFFF80  }
0x5d: {  	[tilespmem:s29], [sflag:$0x5] =	stream.linear.gather [hbm4b:s21+s17], $0x80, $0x38;
	[tilespmem:$0x1BB00] =	vst v63  }
0x5e: {  	_ =	swait.ge [sflag:s28], $0x80  }
0x5f: {  	[sflag:s28] =	ssyncset.done $0x0  }
0x60: {  	[sflag:s28] =	ssyncadd.s32 $0xFFFFFF80  }
0x61: {  	[tilespmem:s31], [sflag:$0x1] =	stream.indirect.gather [hbm4b:s4+s30], $0x80, s17, s30, $0xb8;
	[tilespmem:$0x1BB00] =	vst v63  }
0x62: {  	_ =	swait.ge [sflag:s0], $0x4000  }
0x63: {  	[sflag:s0] =	ssyncset.done $0x0  }
0x64: {  	[sflag:s0] =	ssyncadd.s32 $0xFFFFC000  }
0x65: {  	[spmem:s1] =	stream.indirect.scatter.add.f32 [tilespmem:s31], [sflag:$0x3], $0x80, s29, s30, $0xb8;
	[tilespmem:$0x1BB00] =	vst v63  }
0x66: {  	_ = 	snop  }
0x67: {  	[tilespmem:s30], [sflag:$0x5] =	stream.linear.gather [hbm4b:s23+s17], $0x80, $0x38;
	[tilespmem:$0x1BB00] =	vst v63  }
0x68: {  	_ =	swait.ge [sflag:s28], $0x80  }
0x69: {  	[sflag:s28] =	ssyncset.done $0x0  }
0x6a: {  	[sflag:s28] =	ssyncadd.s32 $0xFFFFFF80  }
0x6b: {  	[tilespmem:s2], [sflag:$0x5] =	stream.linear.gather [hbm4b:s26+s17], $0x80, $0x38;
	[tilespmem:$0x1BB00] =	vst v63  }
0x6c: {  	_ =	swait.ge [sflag:s28], $0x80  }
0x6d: {  	[sflag:s28] =	ssyncset.done $0x0  }
0x6e: {  	[sflag:s28] =	ssyncadd.s32 $0xFFFFFF80  }
0x6f: {  	[tilespmem:s7], [sflag:$0x2] =	stream.indirect.gather [hbm4b:s4+s30], $0x80, s30, s30, $0xb8;
	[tilespmem:$0x1BB00] =	vst v63  }
0x70: {  	_ =	swait.ge [sflag:s8], $0x4000  }
0x71: {  	[sflag:s8] =	ssyncset.done $0x0  }
0x72: {  	[sflag:s8] =	ssyncadd.s32 $0xFFFFC000  }
0x73: {  	[spmem:s1] =	stream.indirect.scatter.add.f32 [tilespmem:s7], [sflag:$0x4], $0x80, s2, s30, $0xb8;
	[tilespmem:$0x1BB00] =	vst v63  }
0x74: {  	_ =	swait.ge [sflag:s9], $0x4000  }
0x75: {  	s14 =	sshrl.u32 s25, $0x3;
	[sflag:s9] =	ssyncset.done $0x0  }
0x76: {  	s13 =	sadd.s32 s5, s14;
	[sflag:s9] =	ssyncadd.s32 $0xFFFFC000  }
0x77: {  	[tilespmem:s3], [sflag:$0x5] =	stream.linear.gather [hbm4b:s13+s3], $0x80, $0x38;
	[tilespmem:$0x1BB00] =	vst v63  }
0x78: {  	_ =	swait.ge [sflag:s28], $0x80  }
0x79: {  	s15 =	sadd.s32 $0x0, s22;
	[sflag:s28] =	ssyncset.done $0x0  }
0x7a: {  	s16 =	sadd.s32 $0x20, s15;
	[sflag:s28] =	ssyncadd.s32 $0xFFFFFF80  }
0x7b: {  	[tilespmem:s29], [sflag:$0x5] =	stream.linear.gather [hbm4b:s16+s3], $0x80, $0x38;
	[tilespmem:$0x1BB00] =	vst v63  }
0x7c: {  	_ =	swait.ge [sflag:s28], $0x80  }
0x7d: {  	[sflag:s28] =	ssyncset.done $0x0  }
0x7e: {  	[sflag:s28] =	ssyncadd.s32 $0xFFFFFF80  }
0x7f: {  	[tilespmem:s31], [sflag:$0x1] =	stream.indirect.gather [hbm4b:s4+s30], $0x80, s3, s30, $0xb8;
	[tilespmem:$0x1BB00] =	vst v63  }
0x80: {  	_ =	swait.ge [sflag:s0], $0x4000  }
0x81: {  	[sflag:s0] =	ssyncset.done $0x0  }
0x82: {  	[sflag:s0] =	ssyncadd.s32 $0xFFFFC000  }
0x83: {  	[spmem:s1] =	stream.indirect.scatter.add.f32 [tilespmem:s31], [sflag:$0x3], $0x80, s29, s30, $0xb8;
	[tilespmem:$0x1BB00] =	vst v63  }
0x84: {  	_ =	swait.ge [sflag:s11], $0x4000  }
0x85: {  	[sflag:s11] =	ssyncset.done $0x0  }
0x86: {  	s17 =	sadd.s32 $0x0, s24;
	[sflag:s11] =	ssyncadd.s32 $0xFFFFC000  }
0x87: {  	[tilespmem:s30], [sflag:$0x5] =	stream.linear.gather [hbm4b:s17+s3], $0x80, $0x38;
	[tilespmem:$0x1BB00] =	vst v63  }
0x88: {  	_ =	swait.ge [sflag:s28], $0x80  }
0x89: {  	[sflag:s28] =	ssyncset.done $0x0  }
0x8a: {  	s13 =	sadd.s32 $0x30, s15;
	[sflag:s28] =	ssyncadd.s32 $0xFFFFFF80  }
0x8b: {  	[tilespmem:s2], [sflag:$0x5] =	stream.linear.gather [hbm4b:s13+s3], $0x80, $0x38;
	[tilespmem:$0x1BB00] =	vst v63  }
0x8c: {  	_ =	swait.ge [sflag:s28], $0x80  }
0x8d: {  	[sflag:s28] =	ssyncset.done $0x0  }
0x8e: {  	[sflag:s28] =	ssyncadd.s32 $0xFFFFFF80  }
0x8f: {  	[tilespmem:s7], [sflag:$0x2] =	stream.indirect.gather [hbm4b:s4+s30], $0x80, s30, s30, $0xb8;
	[tilespmem:$0x1BB00] =	vst v63  }
0x90: {  	_ =	swait.ge [sflag:s8], $0x4000  }
0x91: {  	[sflag:s8] =	ssyncset.done $0x0  }
0x92: {  	s14 =	sadd.s32 $0x100, s25;
	s13 =	simm.s32 $0x20;
	[sflag:s8] =	ssyncadd.s32 $0xFFFFC000  }
.LBB2_4:
0x93: {  	[spmem:s1] =	stream.indirect.scatter.add.f32 [tilespmem:s7], [sflag:$0x4], $0x80, s2, s30, $0xb8;
	[tilespmem:$0x1BB00] =	vst v63  }
0x94: {  	s15 =	smov.u32 s13  }
0x95: {  	p1 =	sne.s32 s13, $0x9A0;
	s13 =	sadd.s32 $0x20, s13;
	_ =	swait.ge [sflag:s9], $0x4000  }
0x96: {  	s16 =	sshrl.u32 s14, $0x3;
	[sflag:s9] =	ssyncset.done $0x0  }
0x97: {  	s16 =	sadd.s32 s5, s16;
	[sflag:s9] =	ssyncadd.s32 $0xFFFFC000  }
0x98: {  	[tilespmem:s3], [sflag:$0x5] =	stream.linear.gather [hbm4b:s16+s3], $0x80, $0x38;
	[tilespmem:$0x1BB00] =	vst v63  }
0x99: {  	_ =	swait.ge [sflag:s28], $0x80  }
0x9a: {  	s16 =	sadd.s32 s15, s22;
	[sflag:s28] =	ssyncset.done $0x0  }
0x9b: {  	s17 =	sadd.s32 $0x20, s16;
	[sflag:s28] =	ssyncadd.s32 $0xFFFFFF80  }
0x9c: {  	[tilespmem:s29], [sflag:$0x5] =	stream.linear.gather [hbm4b:s17+s3], $0x80, $0x38;
	[tilespmem:$0x1BB00] =	vst v63  }
0x9d: {  	_ =	swait.ge [sflag:s28], $0x80  }
0x9e: {  	[sflag:s28] =	ssyncset.done $0x0  }
0x9f: {  	[sflag:s28] =	ssyncadd.s32 $0xFFFFFF80  }
0xa0: {  	[tilespmem:s31], [sflag:$0x1] =	stream.indirect.gather [hbm4b:s4+s30], $0x80, s3, s30, $0xb8;
	[tilespmem:$0x1BB00] =	vst v63  }
0xa1: {  	_ =	swait.ge [sflag:s0], $0x4000  }
0xa2: {  	[sflag:s0] =	ssyncset.done $0x0  }
0xa3: {  	[sflag:s0] =	ssyncadd.s32 $0xFFFFC000  }
0xa4: {  	[spmem:s1] =	stream.indirect.scatter.add.f32 [tilespmem:s31], [sflag:$0x3], $0x80, s29, s30, $0xb8;
	[tilespmem:$0x1BB00] =	vst v63  }
0xa5: {  	_ =	swait.ge [sflag:s11], $0x4000  }
0xa6: {  	[sflag:s11] =	ssyncset.done $0x0  }
0xa7: {  	s15 =	sadd.s32 s15, s24;
	[sflag:s11] =	ssyncadd.s32 $0xFFFFC000  }
0xa8: {  	[tilespmem:s30], [sflag:$0x5] =	stream.linear.gather [hbm4b:s15+s3], $0x80, $0x38;
	[tilespmem:$0x1BB00] =	vst v63  }
0xa9: {  	_ =	swait.ge [sflag:s28], $0x80  }
0xaa: {  	[sflag:s28] =	ssyncset.done $0x0  }
0xab: {  	s15 =	sadd.s32 $0x30, s16;
	[sflag:s28] =	ssyncadd.s32 $0xFFFFFF80  }
0xac: {  	[tilespmem:s2], [sflag:$0x5] =	stream.linear.gather [hbm4b:s15+s3], $0x80, $0x38;
	[tilespmem:$0x1BB00] =	vst v63  }
0xad: {  	_ =	swait.ge [sflag:s28], $0x80  }
0xae: {  	[sflag:s28] =	ssyncset.done $0x0  }
.Ltmp1:
0xaf: {  	[sflag:s28] =	ssyncadd.s32 $0xFFFFFF80;
	(pc) =	sbr.rel @p1 .LBB2_4-.Ltmp1, $4  }
0xb0: {  	[tilespmem:s7], [sflag:$0x2] =	stream.indirect.gather [hbm4b:s4+s30], $0x80, s30, s30, $0xb8;
	[tilespmem:$0x1BB00] =	vst v63  }
0xb1: {  	_ =	swait.ge [sflag:s8], $0x4000  }
0xb2: {  	[sflag:s8] =	ssyncset.done $0x0  }
0xb3: {  	s14 =	sadd.s32 $0x100, s14;
	[sflag:s8] =	ssyncadd.s32 $0xFFFFC000  }
0xb4: {  	[spmem:s1] =	stream.indirect.scatter.add.f32 [tilespmem:s7], [sflag:$0x4], $0x80, s2, s30, $0xb8;
	[tilespmem:$0x1BB00] =	vst v63  }
0xb5: {  	_ =	swait.ge [sflag:s9], $0x4000  }
0xb6: {  	[sflag:s9] =	ssyncset.done $0x0  }
0xb7: {  	[sflag:s9] =	ssyncadd.s32 $0xFFFFC000  }
0xb8: {  	_ =	swait.ge [sflag:s11], $0x4000  }
0xb9: {  	[sflag:s11] =	ssyncset.done $0x0  }
0xba: {  	[sflag:s11] =	ssyncadd.s32 $0xFFFFC000  }
0xbb: {  	s13 =	sshrl.u32 @p0 s10, $0x3;
	s14 =	simm.s32 @p0 $0x1FC5;
	[bflag:$0x0] =	sbarrier.arrive $0xFFFF  }
0xbc: {  	[hbm:s18], [sflag:s14] =	dma.local @p0 [spmem:s13], $0x2800  }
0xbd: {  	s12 =	sadd.s32 $0x1, s12;
	s13 =	simm.s32 @p0 $0x5  }
0xbe: {  	p1 =	sne.s32 s12, s19;
	s14 =	stileid.u32;
	_ =	swait.ge @p0 [sflag:s13], $0x2800  }
0xbf: {  	s14 =	sshll.u32 @!p0 s14, $0x6;
	[sflag:s13] =	ssyncset.done @p0 $0x0;
	s15 =	rddreg [dreg:$0xd]  }
0xc0: {  	[sflag:s13] =	ssyncadd.s32 @p0 $0xFFFFD800;
	s13 =	sor.u32 @!p0 $0x1C05, s14;
	s14 =	sshrl.u32 @!p0 s6, $0x3  }
0xc1: {  	[hbm:s15], [sflag:s13] =	dma.local @!p0 [spmem:s14], $0x2700  }
.Ltmp2:
0xc2: {  	_ = 	snop;
	(pc) =	sbr.rel @p1 .LBB2_1-.Ltmp2, $4  }
0xc3: {  	s13 =	simm.s32 @!p0 $0x5  }
0xc4: {  	_ =	swait.ge @!p0 [sflag:s13], $0x2700  }
0xc5: {  	[sflag:s13] =	ssyncset.done @!p0 $0x0  }
0xc6: {  	[sflag:s13] =	ssyncadd.s32 @!p0 $0xFFFFD900  }
0xc7: {  	_ =	sfence.sel $0x180000  }
0xc8: {  	[bflag:$0x0] =	sbarrier.arrive $0xFFFF  }
0xc9: {  	_ =	strace $0x9000004A  }
0xca: {  	s0 =	stileid.u32;
	[bflag:$0x2] =	sbarrier.arrive $0xFFFF  }
0xcb: {  	p0 =	sne.s32 s0, $0x0;
	s0 =	rddreg [dreg:$0x3]  }
0xcc: {  	s0 =	sadd.s32 @!p0 $0x100000, s0  }
0xcd: {  	[sflag:s0] =	ssyncadd.tile.s32 @!p0 $0x1;
	_ =	shalt  }
.Lfunc_end2:
_tile_overlayer_lowered:
.L_overlay_start_2:
0xce: {  	(tag) =	ssettag $0x2  }
0xcf: {  	s0 =	rddreg [dreg:$0x0];
	s2 =	stileid.u32  }
0xd0: {  	s1 =	rddreg [dreg:$0x1];
	p0 =	sne.s32 s2, $0x0  }
0xd1: {  	s3 =	rddreg [dreg:$0x2];
	[bflag:$0x3] =	sbarrier.arrive $0xFFFF;
	s2 =	simm.s32 @!p0 $0x1C05  }
0xd2: {  	[timem:s3], [sflag:s2] =	dma.local @!p0 [hbm:s0], s1  }
0xd3: {  	s0 =	simm.s32 @!p0 $0x5  }
0xd4: {  	_ =	swait.ge @!p0 [sflag:s0], s1  }
0xd5: {  	s1 =	ssub.s32 @!p0 $0x0, s1;
	[sflag:s0] =	ssyncset.done @!p0 $0x0  }
0xd6: {  	[sflag:s0] =	ssyncadd.s32 @!p0 s1  }
0xd7: {  	[bflag:$0x3] =	sbarrier.arrive $0xFFFF  }
0xd8: {  	_ =	shalt  }

// kernel: kernel.16.cloned.1.call-start
scs
__scs_entry_jumppad:
0x0: {  	(pc) =	sbr.rel $0x88, $3  }
0x1: {  	(tag) =	ssettag $0x0;
	lr =	simm.s32 $0x1  }
0x2: {  	[smem:$0x3F95] =	sst lr;
	_ =	strace $0xD0000000  }
0x3: {  	_ = 	snop  }
0x4: {  	_ = 	snop  }
0x5: {  	_ = 	snop  }
0x6: {  	_ = 	snop  }
0x7: {  	_ = 	snop  }
__scs_overlays_trampoline_lowered:
0x8: {  	[smem:$0x3FA4] =	sst s0  }
0x9: {  	[smem:$0x3FA5] =	sst s1  }
0xa: {  	[smem:$0x3FA6] =	sst s2  }
0xb: {  	[smem:$0x3FA7] =	sst s3  }
0xc: {  	[smem:$0x3FA8] =	sst s4  }
0xd: {  	[smem:$0x3FA9] =	sst s5  }
0xe: {  	[smem:$0x3FAA] =	sst s6  }
0xf: {  	[smem:$0x3FAB] =	sst s7  }
0x10: {  	[smem:$0x3FAC] =	sst s8  }
0x11: {  	[smem:$0x3FAD] =	sst s9;
	s0 =	simm.s32 @!p0 $0x0  }
0x12: {  	s1 =	sld [smem:$0x3F93];
	s0 =	simm.s32 @p0 $0x1  }
0x13: {  	[smem:$0x3FAE] =	sst s0;
	s0 =	simm.s32 @!p1 $0x0  }
0x14: {  	s2 =	sld [smem:$0x3F92];
	s0 =	simm.s32 @p1 $0x1  }
0x15: {  	[smem:$0x3FAF] =	sst s0;
	s0 =	simm.s32 @!p2 $0x0  }
0x16: {  	s3 =	sld [smem:$0x3FDB];
	s0 =	simm.s32 @p2 $0x1  }
0x17: {  	s4 =	simm.s32 $0x1BF5;
	[smem:$0x3FB1] =	sst s0  }
0x18: {  	s0 =	sld [smem:$0x3F94];
	_ =	swait.ge [sflag:s4], $0x0  }
0x19: {  	s7 =	sld [smem:$0x3F95]  }
0x1a: {  	s8 =	sadd.s32 $0xFFFFE003, lr  }
0x1b: {  	s9 =	sadd.s32 $0xFFFFFEF7, lr;
	s5 =	simm.s32 $0xFFFFFFFF;
	p2 =	slt.u32 s8, $0xFFFFF086  }
0x1c: {  	p1 =	slt.u32 s9, $0xF7A;
	s5 =	simm.s32 @!p2 $0x0  }
0x1d: {  	s5 =	simm.s32 @p1 $0x1;
	p0 =	seq.s32 s7, s2  }
0x1e: {  	s7 =	smul.u32 @!p0 $0xF7A, s2;
	p2 =	seq.s32 @!p0 s5, $0x0  }
0x1f: {  	s9 =	smul.u32 $0xF7A, s1;
	s8 =	simm.s32 @!p0 $0x1BF5;
	p2 =	por !p2, p0  }
0x20: {  	[sflag:s8] =	ssyncset.s32 @!p0 $0xFFFFF086;
	s6 =	sadd.s32 @!p0 s3, s7;
	s7 =	simm.s32 @!p0 $0x108  }
0x21: {  	s3 =	sadd.s32 s3, s9;
	s6 =	sadd.s32 @!p0 $0x88, s6;
	s7 =	simm.s32 @p2 $0x1082  }
0x22: {  	[simem:s7], [sflag:s8] =	dma.local @!p0 [hbm:s6], $0xF7A  }
0x23: {  	s9 =	sor.u32 $0xD0000000, s2;
	s6 =	simm.s32 $0x108;
	_ =	swait.ge @!p0 [sflag:s8], $0x0  }
0x24: {  	s3 =	sadd.s32 $0x88, s3;
	s6 =	simm.s32 @!p1 $0x1082;
	[sflag:s4] =	ssyncset.s32 $0xFFFFF086  }
0x25: {  	[simem:s6], [sflag:s4] =	dma.local [hbm:s3], $0xF7A  }
0x26: {  	[smem:$0x3F95] =	sst s1;
	(tag) =	ssettag s2;
	_ =	strace s9  }
0x27: {  	s1 =	sld [smem:$0x3FA5]  }
0x28: {  	s2 =	sld [smem:$0x3FA6]  }
0x29: {  	s4 =	sld [smem:$0x3FA8]  }
0x2a: {  	p0 =	seq.s32 s5, $0x0;
	s5 =	sld [smem:$0x3FA9]  }
0x2b: {  	s6 =	sld [smem:$0x3FAA]  }
0x2c: {  	s7 =	sld [smem:$0x3FAB]  }
0x2d: {  	s3 =	simm.s32 $0x108;
	s8 =	sld [smem:$0x3FAC]  }
0x2e: {  	s3 =	simm.s32 @!p0 $0x1082;
	s9 =	sld [smem:$0x3FAD]  }
0x2f: {  	lr =	sadd.s32 s0, s3;
	s0 =	sld [smem:$0x3FA4]  }
0x30: {  	s3 =	sld [smem:$0x3FA7]  }
0x31: {  	[smem:$0x3FB0] =	sst s10  }
0x32: {  	s10 =	sld [smem:$0x3FAE];
	_ =	sdelay $0x3  }
0x33: {  	p0 =	seq.s32 s10, $0x1;
	s10 =	sld [smem:$0x3FB0];
	_ =	sdelay $0x3  }
0x34: {  	[smem:$0x3FB0] =	sst s10  }
0x35: {  	s10 =	sld [smem:$0x3FAF];
	_ =	sdelay $0x3  }
0x36: {  	p1 =	seq.s32 s10, $0x1;
	s10 =	sld [smem:$0x3FB0];
	_ =	sdelay $0x3  }
0x37: {  	[smem:$0x3FB0] =	sst s10  }
0x38: {  	s10 =	sld [smem:$0x3FB1]  }
0x39: {  	_ = 	snop;
	(pc) =	sbr.ind lr, $3  }
0x3a: {  	_ = 	snop  }
0x3b: {  	_ = 	snop  }
0x3c: {  	p2 =	seq.s32 s10, $0x1;
	s10 =	sld [smem:$0x3FB0]  }
0x3d: {  	_ =	shalt  }
0x3e: {  	_ =	shalt  }
0x3f: {  	_ =	shalt  }
0x40: {  	_ =	shalt  }
0x41: {  	_ =	shalt  }
0x42: {  	_ =	shalt  }
0x43: {  	_ =	shalt  }
0x44: {  	_ =	shalt  }
0x45: {  	_ =	shalt  }
0x46: {  	_ =	shalt  }
0x47: {  	_ =	shalt  }
0x48: {  	_ =	shalt  }
0x49: {  	_ =	shalt  }
0x4a: {  	_ =	shalt  }
0x4b: {  	_ =	shalt  }
0x4c: {  	_ =	shalt  }
0x4d: {  	_ =	shalt  }
0x4e: {  	_ =	shalt  }
0x4f: {  	_ =	shalt  }
0x50: {  	_ =	shalt  }
0x51: {  	_ =	shalt  }
0x52: {  	_ =	shalt  }
0x53: {  	_ =	shalt  }
0x54: {  	_ =	shalt  }
0x55: {  	_ =	shalt  }
0x56: {  	_ =	shalt  }
0x57: {  	_ =	shalt  }
0x58: {  	_ =	shalt  }
0x59: {  	_ =	shalt  }
0x5a: {  	_ =	shalt  }
0x5b: {  	_ =	shalt  }
0x5c: {  	_ =	shalt  }
0x5d: {  	_ =	shalt  }
0x5e: {  	_ =	shalt  }
0x5f: {  	_ =	shalt  }
0x60: {  	_ =	shalt  }
0x61: {  	_ =	shalt  }
0x62: {  	_ =	shalt  }
0x63: {  	_ =	shalt  }
0x64: {  	_ =	shalt  }
0x65: {  	_ =	shalt  }
0x66: {  	_ =	shalt  }
0x67: {  	_ =	shalt  }
0x68: {  	_ =	shalt  }
0x69: {  	_ =	shalt  }
0x6a: {  	_ =	shalt  }
0x6b: {  	_ =	shalt  }
0x6c: {  	_ =	shalt  }
0x6d: {  	_ =	shalt  }
0x6e: {  	_ =	shalt  }
0x6f: {  	_ =	shalt  }
0x70: {  	_ =	shalt  }
0x71: {  	_ =	shalt  }
0x72: {  	_ =	shalt  }
0x73: {  	_ =	shalt  }
0x74: {  	_ =	shalt  }
0x75: {  	_ =	shalt  }
0x76: {  	_ =	shalt  }
0x77: {  	_ =	shalt  }
0x78: {  	_ =	shalt  }
0x79: {  	_ =	shalt  }
0x7a: {  	_ =	shalt  }
0x7b: {  	_ =	shalt  }
0x7c: {  	_ =	shalt  }
0x7d: {  	_ =	shalt  }
0x7e: {  	_ =	shalt  }
0x7f: {  	_ =	shalt  }
0x80: {  	_ =	shalt  }
0x81: {  	_ =	shalt  }
0x82: {  	_ =	shalt  }
0x83: {  	_ =	shalt  }
0x84: {  	_ =	shalt  }
0x85: {  	_ =	shalt  }
0x86: {  	_ =	shalt  }
0x87: {  	_ =	shalt  }
.Lfunc_end0:
.L_simem_size_0:
called_computation.2_lowered:
.L_overlay_start_0:
0x88: {  	s2 =	sld [smem:$0x3FD9]  }
0x89: {  	s3 =	sld [smem:$0x3FFE];
	_ =	sdelay $0x1  }
0x8a: {  	s1 =	srdreg.scid  }
0x8b: {  	s0 =	sand.u32 $0x1, s1  }
0x8c: {  	s17 =	sshll.u32 s0, $0xA;
	s2 =	sadd.s32 s3, s2  }
0x8d: {  	s2 =	sadd.s32 s2, s17  }
0x8e: {  	[smem:$0x3FBC] =	sst s2  }
0x8f: {  	_ = 	snop  }
0x90: {  	s2 =	sld [smem:$0x3FD0];
	(tm) =	ssettm $0x1  }
0x91: {  	s18 =	sld [smem:$0x3FFB];
	_ =	sdelay $0x3  }
0x92: {  	_ =	strace s18  }
0x93: {  	s3 =	sld [smem:$0x3FFC];
	_ =	sdelay $0x3  }
0x94: {  	_ =	strace s3  }
0x95: {  	s3 =	sld [smem:$0x3FFD];
	_ =	sdelay $0x3  }
0x96: {  	_ =	strace s3  }
0x97: {  	_ =	strace $0x8FFFFFFF  }
0x98: {  	s19 =	sld [smem:$0x3FDB];
	_ =	sdelay $0x1  }
0x99: {  	s4 =	simm.s32 $_scs_section_size  }
0x9a: {  	s5 =	simm.s32 $_size__tile_overlayer_lowered;
	s6 =	simm.s32 $_tile_overlayer_lowered  }
0x9b: {  	s22 =	simm.s32 $0x1BFF;
	s21 =	sshll.u32 s6, $0x1;
	s3 =	sadd.s32 s4, s19  }
0x9c: {  	s7 =	simm.s32 $0x0;
	s20 =	sshll.u32 s5, $0x1;
	s5 =	sadd.s32 s21, s3  }
0x9d: {  	[timem:s7], [sflag:s22] =	dma.local [hbm:s5], s20  }
0x9e: {  	_ =	swait.ge [sflag:s22], s20  }
0x9f: {  	s4 =	ssub.s32 $0x0, s20;
	[sflag:s22] =	ssyncset.done $0x0  }
0xa0: {  	[sflag:s22] =	ssyncadd.s32 s4;
	_ =	sdelay $0x1  }
0xa1: {  	s23 =	simm.s32 $0x1B8B  }
0xa2: {  	_ =	swait.ge [sflag:s23], $0x1  }
0xa3: {  	[sflag:s23] =	ssyncset.done $0x0  }
0xa4: {  	s25 =	simm.s32 $0x1B8E;
	s24 =	sld [smem:$0x3FFE];
	[sflag:s23] =	ssyncadd.s32 $0xFFFFFFFF  }
0xa5: {  	s26 =	simm.s32 $execute0_lowered;
	[smem:$0x3FD2] =	sst s25  }
0xa6: {  	s5 =	sshll.u32 s26, $0x1;
	_ =	strace $0x8000004C;
	[dreg:$0x1] =	wrdreg $0xFFFFFFFF  }
0xa7: {  	s28 =	simm.s32 $_size_execute0_lowered;
	s3 =	sadd.s32 s3, s5;
	[dreg:$0x0] =	wrdreg $0x0  }
0xa8: {  	s5 =	sshll.u32 s28, $0x1;
	[dreg:$0x2] =	wrdreg s3  }
0xa9: {  	[dreg:$0x3] =	wrdreg s5  }
0xaa: {  	[dreg:$0x4] =	wrdreg $0xC0  }
0xab: {  	_ =	task [dreg:s7], $0x5FFFF  }
0xac: {  	[dreg:$0x1] =	wrdreg $0xFFFFFFFF  }
0xad: {  	[dreg:$0x0] =	wrdreg $0x60  }
0xae: {  	[dreg:$0x2] =	wrdreg s24  }
0xaf: {  	[dreg:$0x3] =	wrdreg s2  }
0xb0: {  	[dreg:$0x4] =	wrdreg $0x82000  }
0xb1: {  	[dreg:$0x5] =	wrdreg $0x9  }
0xb2: {  	_ =	task.clear_ibuf [dreg:s7], $0x6FFFF;
	_ =	strace $0x9000004C  }
0xb3: {  	s29 =	simm.s32 $0x9;
	_ =	strace $0x8000004E  }
0xb4: {  	_ =	swait.ge [sflag:s29], $0x1  }
0xb5: {  	[sflag:s29] =	ssyncadd.s32 $0xFFFFFFFF  }
0xb6: {  	_ =	strace $0x9000004E  }
0xb7: {  	_ =	sfence  }
0xb8: {  	s30 =	sld [smem:$0x0];
	_ =	sdelay $0x2  }
0xb9: {  	s31 =	sshll.u32 s1, $0xD;
	s1 =	sshrl.u32 s1, $0x2  }
0xba: {  	s3 =	sand.u32 $0x4000, s31;
	s1 =	sadd.s32 s1, s30  }
0xbb: {  	s0 =	sor.u32 s3, s0;
	s1 =	sshll.u32 s1, $0x11  }
0xbc: {  	s0 =	sor.u32 s1, s0  }
0xbd: {  	s0 =	sadd.s32 $0x8F2B, s0  }
0xbe: {  	[sflag:s0] =	ssyncadd.remote.s32 $0x1  }
0xbf: {  	_ =	sfence.sel $0xFFFF  }
0xc0: {  	[dreg:$0x0] =	wrdreg $0xFFFFFFFF;
	(pc) =	sbr.abs _section_cstart, $3  }
0xc1: {  	[dreg:$0x1] =	wrdreg $0xFFFFFFFF  }
0xc2: {  	_ =	task.clear_ibuf [dreg:s7], $0x2FFFF;
	_ =	strace $0x9FFFFFFF  }
0xc3: {  	(tm) =	ssettm $0x7FFFFFFF  }
tec
execute0_lowered:
.L_overlay_start_1:
0x0: {  	(tag) =	ssettag $0x1  }
0x1: {  	s0 =	rddreg [dreg:$0x0]  }
0x2: {  	s2 =	rddreg [dreg:$0x1]  }
0x3: {  	s1 =	rddreg [dreg:$0x2];
	s3 =	simm.s32 $0x0;
	s13 =	stileid.u32  }
0x4: {  	s6 =	srdreg.scid;
	s28 =	simm.s32 $0x5;
	s29 =	simm.s32 $0x100  }
0x5: {  	s30 =	simm.s32 $0x80;
	s31 =	simm.s32 $0x200;
	s4 =	sadd.s32 $0x77400, s0  }
0x6: {  	s7 =	smul.u32 $0x4E000, s13;
	s5 =	sadd.s32 $0x63800, s0;
	s0 =	sadd.s32 $0x113800, s0  }
0x7: {  	[smem:$0x7FF] =	sst s3;
	s12 =	smul.u32 $0x4F00, s13;
	s18 =	sadd.s32 $0x128800, s1  }
0x8: {  	s8 =	sand.u32 $0x1, s6;
	s19 =	smul.u32 $0x13800, s13;
	s20 =	sadd.s32 $0x130800, s1  }
0x9: {  	s21 =	sadd.s32 $0x134800, s1;
	_ =	strace $0x8000004D;
	[dreg:$0x8] =	wrdreg s18  }
0xa: {  	s22 =	sadd.s32 $0x138800, s1;
	s25 =	smul.u32 $0x9E0, s13;
	[dreg:$0xa] =	wrdreg s20  }
0xb: {  	p0 =	seq.s32 s13, $0xF;
	s11 =	smul.u32 $0x4F000, s8;
	[dreg:$0xb] =	wrdreg s21  }
0xc: {  	s9 =	ssub.s32 $0x2, s8;
	s8 =	smul.u32 $0x138800, s8;
	[dreg:$0xc] =	wrdreg s22  }
0xd: {  	s10 =	sshrl.u32 s7, $0x2;
	s14 =	sshrl.u32 s9, $0x1;
	s24 =	sshrl.u32 s12, $0x3  }
0xe: {  	s22 =	sadd.s32 s25, s2;
	s6 =	sadd.s32 s10, s1;
	s7 =	ssub.s32 s9, s14  }
0xf: {  	s11 =	sadd.s32 s12, s11;
	s14 =	sadd.s32 $0x12C800, s1;
	s9 =	sadd.s32 s19, s8  }
0x10: {  	s8 =	sshrl.u32 s8, $0x3;
	s21 =	sadd.s32 s2, s24;
	s2 =	simm.s32 $0x180  }
0x11: {  	s12 =	simm.s32 $0x0;
	s10 =	sadd.s32 $0x4000, s6;
	s15 =	sadd.s32 $0x8000, s6  }
0x12: {  	s16 =	sadd.s32 $0xC000, s6;
	s17 =	sadd.s32 $0x10000, s6;
	[dreg:$0x9] =	wrdreg s14  }
0x13: {  	s9 =	sshrl.u32 s9, $0x3;
	s8 =	sadd.s32 s0, s8;
	s19 =	smax.u32 s7, $0x1  }
0x14: {  	s23 =	sshrl.u32 s11, $0x3;
	s26 =	sadd.s32 $0x180, s11;
	[dreg:$0x4] =	wrdreg s10  }
0x15: {  	s25 =	sadd.s32 $0x100, s11;
	s7 =	simm.s32 $0x4200;
	[dreg:$0x5] =	wrdreg s15  }
0x16: {  	s11 =	simm.s32 $0x4;
	[dreg:$0x6] =	wrdreg s16;
	s10 =	sadd.s32 $0x124800, s1  }
0x17: {  	[dreg:$0x7] =	wrdreg s17;
	s0 =	sadd.s32 s0, s9;
	s18 =	sadd.s32 $0x24900, s8  }
0x18: {  	s20 =	sadd.s32 s5, s23;
	s8 =	simm.s32 $0x2;
	s9 =	simm.s32 $0x3  }
0x19: {  	[dreg:$0xd] =	wrdreg s0;
	s23 =	sadd.s32 $0x10, s20;
	s0 =	sshrl.u32 s26, $0x3  }
0x1a: {  	v0 =	vimm.f32 $0.0e+00;
	s26 =	sadd.s32 $0x10, s21;
	s24 =	sadd.s32 s0, s5;
	s0 =	simm.s32 $0x1  }
.LBB2_1:
0x1b: {  	s13 =	simm.s32 $0x0;
	s14 =	simm.s32 $0x200  }
.LBB2_2:
0x1c: {  	p1 =	sne.s32 s14, $0xFE00;
	[tilespmem:s13+$0x270] =	vst v0  }
0x1d: {  	[tilespmem:s13+$0x200] =	vst v0  }
0x1e: {  	[tilespmem:s13+$0x210] =	vst v0  }
.Ltmp0:
0x1f: {  	[tilespmem:s13+$0x220] =	vst v0;
	(pc) =	sbr.rel @p1 .LBB2_2-.Ltmp0, $4  }
0x20: {  	[tilespmem:s13+$0x230] =	vst v0  }
0x21: {  	[tilespmem:s13+$0x240] =	vst v0  }
0x22: {  	[tilespmem:s13+$0x250] =	vst v0  }
0x23: {  	[tilespmem:s13+$0x260] =	vst v0;
	s13 =	sshra.s32 s14, $0x2;
	s14 =	sadd.s32 $0x200, s14  }
0x24: {  	[tilespmem:s13+$0x270] =	vst v0  }
0x25: {  	[tilespmem:s13+$0x200] =	vst v0  }
0x26: {  	[tilespmem:s13+$0x210] =	vst v0  }
0x27: {  	[tilespmem:s13+$0x220] =	vst v0  }
0x28: {  	[tilespmem:s13+$0x230] =	vst v0  }
0x29: {  	[tilespmem:s13+$0x240] =	vst v0  }
0x2a: {  	[tilespmem:s13+$0x250] =	vst v0  }
0x2b: {  	[tilespmem:s13+$0x260] =	vst v0;
	s13 =	simm.s32 @p0 $0x200;
	s14 =	simm.s32 @p0 $0x5  }
0x2c: {  	[spmem:s10] =	stream.linear.scatter @p0 [tilespmem:s13], [sflag:$0x5], $0x4000, $0x38;
	[tilespmem:$0x1BB00] =	vst v63  }
0x2d: {  	_ =	swait.ge @p0 [sflag:s14], $0x4000  }
0x2e: {  	[sflag:s14] =	ssyncset.done @p0 $0x0  }
0x2f: {  	s15 =	rddreg [dreg:$0x8];
	[sflag:s14] =	ssyncadd.s32 @p0 $0xFFFFC000  }
0x30: {  	[spmem:s15] =	stream.linear.scatter @p0 [tilespmem:s13], [sflag:$0x5], $0x4000, $0x38;
	[tilespmem:$0x1BB00] =	vst v63  }
0x31: {  	_ =	swait.ge @p0 [sflag:s14], $0x4000  }
0x32: {  	[sflag:s14] =	ssyncset.done @p0 $0x0  }
0x33: {  	s15 =	rddreg [dreg:$0x9];
	[sflag:s14] =	ssyncadd.s32 @p0 $0xFFFFC000  }
0x34: {  	[spmem:s15] =	stream.linear.scatter @p0 [tilespmem:s13], [sflag:$0x5], $0x4000, $0x38;
	[tilespmem:$0x1BB00] =	vst v63  }
0x35: {  	_ =	swait.ge @p0 [sflag:s14], $0x4000  }
0x36: {  	[sflag:s14] =	ssyncset.done @p0 $0x0  }
0x37: {  	s15 =	rddreg [dreg:$0xa];
	[sflag:s14] =	ssyncadd.s32 @p0 $0xFFFFC000  }
0x38: {  	[spmem:s15] =	stream.linear.scatter @p0 [tilespmem:s13], [sflag:$0x5], $0x4000, $0x38;
	[tilespmem:$0x1BB00] =	vst v63  }
0x39: {  	_ =	swait.ge @p0 [sflag:s14], $0x4000  }
0x3a: {  	[sflag:s14] =	ssyncset.done @p0 $0x0  }
0x3b: {  	s15 =	rddreg [dreg:$0xb];
	[sflag:s14] =	ssyncadd.s32 @p0 $0xFFFFC000  }
0x3c: {  	[spmem:s15] =	stream.linear.scatter @p0 [tilespmem:s13], [sflag:$0x5], $0x4000, $0x38;
	[tilespmem:$0x1BB00] =	vst v63  }
0x3d: {  	_ =	swait.ge @p0 [sflag:s14], $0x4000  }
0x3e: {  	[sflag:s14] =	ssyncset.done @p0 $0x0  }
0x3f: {  	s15 =	rddreg [dreg:$0xc];
	[sflag:s14] =	ssyncadd.s32 @p0 $0xFFFFC000  }
0x40: {  	[spmem:s15] =	stream.linear.scatter @p0 [tilespmem:s13], [sflag:$0x5], $0x800, $0x38;
	[tilespmem:$0x1BB00] =	vst v63  }
0x41: {  	_ =	swait.ge @p0 [sflag:s14], $0x800  }
0x42: {  	[sflag:s14] =	ssyncset.done @p0 $0x0  }
0x43: {  	s13 =	simm.s32 @!p0 $0x200;
	[sflag:s14] =	ssyncadd.s32 @p0 $0xFFFFF800;
	s14 =	simm.s32 @!p0 $0x5  }
0x44: {  	[spmem:s6] =	stream.linear.scatter @!p0 [tilespmem:s13], [sflag:$0x5], $0x4000, $0x38;
	[tilespmem:$0x1BB00] =	vst v63  }
0x45: {  	_ =	swait.ge @!p0 [sflag:s14], $0x4000  }
0x46: {  	[sflag:s14] =	ssyncset.done @!p0 $0x0  }
0x47: {  	s15 =	rddreg [dreg:$0x4];
	[sflag:s14] =	ssyncadd.s32 @!p0 $0xFFFFC000  }
0x48: {  	[spmem:s15] =	stream.linear.scatter @!p0 [tilespmem:s13], [sflag:$0x5], $0x4000, $0x38;
	[tilespmem:$0x1BB00] =	vst v63  }
0x49: {  	_ =	swait.ge @!p0 [sflag:s14], $0x4000  }
0x4a: {  	[sflag:s14] =	ssyncset.done @!p0 $0x0  }
0x4b: {  	s15 =	rddreg [dreg:$0x5];
	[sflag:s14] =	ssyncadd.s32 @!p0 $0xFFFFC000  }
0x4c: {  	[spmem:s15] =	stream.linear.scatter @!p0 [tilespmem:s13], [sflag:$0x5], $0x4000, $0x38;
	[tilespmem:$0x1BB00] =	vst v63  }
0x4d: {  	_ =	swait.ge @!p0 [sflag:s14], $0x4000  }
0x4e: {  	[sflag:s14] =	ssyncset.done @!p0 $0x0  }
0x4f: {  	s15 =	rddreg [dreg:$0x6];
	[sflag:s14] =	ssyncadd.s32 @!p0 $0xFFFFC000  }
0x50: {  	[spmem:s15] =	stream.linear.scatter @!p0 [tilespmem:s13], [sflag:$0x5], $0x4000, $0x38;
	[tilespmem:$0x1BB00] =	vst v63  }
0x51: {  	_ =	swait.ge @!p0 [sflag:s14], $0x4000  }
0x52: {  	[sflag:s14] =	ssyncset.done @!p0 $0x0  }
0x53: {  	s15 =	rddreg [dreg:$0x7];
	[sflag:s14] =	ssyncadd.s32 @!p0 $0xFFFFC000  }
0x54: {  	[spmem:s15] =	stream.linear.scatter @!p0 [tilespmem:s13], [sflag:$0x5], $0x3800, $0x38;
	[tilespmem:$0x1BB00] =	vst v63  }
0x55: {  	_ =	swait.ge @!p0 [sflag:s14], $0x3800  }
0x56: {  	[sflag:s14] =	ssyncset.done @!p0 $0x0  }
0x57: {  	[sflag:s14] =	ssyncadd.s32 @!p0 $0xFFFFC800  }
0x58: {  	s17 =	simm.s32 $0x0;
	[bflag:$0x0] =	sbarrier.arrive $0xFFFF  }
0x59: {  	[tilespmem:s17], [sflag:$0x5] =	stream.linear.gather [hbm4b:s20+s17], $0x80, $0x38;
	[tilespmem:$0x1BB00] =	vst v63  }
0x5a: {  	_ =	swait.ge [sflag:s28], $0x80  }
0x5b: {  	[sflag:s28] =	ssyncset.done $0x0  }
0x5c: {  	[sflag:s28] =	ssyncadd.s32 $0xFFFFFF80  }
0x5d: {  	[tilespmem:s29], [sflag:$0x5] =	stream.linear.gather [hbm4b:s21+s17], $0x80, $0x38;
	[tilespmem:$0x1BB00] =	vst v63  }
0x5e: {  	_ =	swait.ge [sflag:s28], $0x80  }
0x5f: {  	[sflag:s28] =	ssyncset.done $0x0  }
0x60: {  	[sflag:s28] =	ssyncadd.s32 $0xFFFFFF80  }
0x61: {  	[tilespmem:s31], [sflag:$0x1] =	stream.indirect.gather [hbm4b:s4+s30], $0x80, s17, s30, $0xb8;
	[tilespmem:$0x1BB00] =	vst v63  }
0x62: {  	_ =	swait.ge [sflag:s0], $0x4000  }
0x63: {  	[sflag:s0] =	ssyncset.done $0x0  }
0x64: {  	[sflag:s0] =	ssyncadd.s32 $0xFFFFC000  }
0x65: {  	[spmem:s1] =	stream.indirect.scatter.add.f32 [tilespmem:s31], [sflag:$0x3], $0x80, s29, s30, $0xb8;
	[tilespmem:$0x1BB00] =	vst v63  }
0x66: {  	_ = 	snop  }
0x67: {  	[tilespmem:s30], [sflag:$0x5] =	stream.linear.gather [hbm4b:s23+s17], $0x80, $0x38;
	[tilespmem:$0x1BB00] =	vst v63  }
0x68: {  	_ =	swait.ge [sflag:s28], $0x80  }
0x69: {  	[sflag:s28] =	ssyncset.done $0x0  }
0x6a: {  	[sflag:s28] =	ssyncadd.s32 $0xFFFFFF80  }
0x6b: {  	[tilespmem:s2], [sflag:$0x5] =	stream.linear.gather [hbm4b:s26+s17], $0x80, $0x38;
	[tilespmem:$0x1BB00] =	vst v63  }
0x6c: {  	_ =	swait.ge [sflag:s28], $0x80  }
0x6d: {  	[sflag:s28] =	ssyncset.done $0x0  }
0x6e: {  	[sflag:s28] =	ssyncadd.s32 $0xFFFFFF80  }
0x6f: {  	[tilespmem:s7], [sflag:$0x2] =	stream.indirect.gather [hbm4b:s4+s30], $0x80, s30, s30, $0xb8;
	[tilespmem:$0x1BB00] =	vst v63  }
0x70: {  	_ =	swait.ge [sflag:s8], $0x4000  }
0x71: {  	[sflag:s8] =	ssyncset.done $0x0  }
0x72: {  	[sflag:s8] =	ssyncadd.s32 $0xFFFFC000  }
0x73: {  	[spmem:s1] =	stream.indirect.scatter.add.f32 [tilespmem:s7], [sflag:$0x4], $0x80, s2, s30, $0xb8;
	[tilespmem:$0x1BB00] =	vst v63  }
0x74: {  	_ =	swait.ge [sflag:s9], $0x4000  }
0x75: {  	s14 =	sshrl.u32 s25, $0x3;
	[sflag:s9] =	ssyncset.done $0x0  }
0x76: {  	s13 =	sadd.s32 s5, s14;
	[sflag:s9] =	ssyncadd.s32 $0xFFFFC000  }
0x77: {  	[tilespmem:s3], [sflag:$0x5] =	stream.linear.gather [hbm4b:s13+s3], $0x80, $0x38;
	[tilespmem:$0x1BB00] =	vst v63  }
0x78: {  	_ =	swait.ge [sflag:s28], $0x80  }
0x79: {  	s15 =	sadd.s32 $0x0, s22;
	[sflag:s28] =	ssyncset.done $0x0  }
0x7a: {  	s16 =	sadd.s32 $0x20, s15;
	[sflag:s28] =	ssyncadd.s32 $0xFFFFFF80  }
0x7b: {  	[tilespmem:s29], [sflag:$0x5] =	stream.linear.gather [hbm4b:s16+s3], $0x80, $0x38;
	[tilespmem:$0x1BB00] =	vst v63  }
0x7c: {  	_ =	swait.ge [sflag:s28], $0x80  }
0x7d: {  	[sflag:s28] =	ssyncset.done $0x0  }
0x7e: {  	[sflag:s28] =	ssyncadd.s32 $0xFFFFFF80  }
0x7f: {  	[tilespmem:s31], [sflag:$0x1] =	stream.indirect.gather [hbm4b:s4+s30], $0x80, s3, s30, $0xb8;
	[tilespmem:$0x1BB00] =	vst v63  }
0x80: {  	_ =	swait.ge [sflag:s0], $0x4000  }
0x81: {  	[sflag:s0] =	ssyncset.done $0x0  }
0x82: {  	[sflag:s0] =	ssyncadd.s32 $0xFFFFC000  }
0x83: {  	[spmem:s1] =	stream.indirect.scatter.add.f32 [tilespmem:s31], [sflag:$0x3], $0x80, s29, s30, $0xb8;
	[tilespmem:$0x1BB00] =	vst v63  }
0x84: {  	_ =	swait.ge [sflag:s11], $0x4000  }
0x85: {  	[sflag:s11] =	ssyncset.done $0x0  }
0x86: {  	s17 =	sadd.s32 $0x0, s24;
	[sflag:s11] =	ssyncadd.s32 $0xFFFFC000  }
0x87: {  	[tilespmem:s30], [sflag:$0x5] =	stream.linear.gather [hbm4b:s17+s3], $0x80, $0x38;
	[tilespmem:$0x1BB00] =	vst v63  }
0x88: {  	_ =	swait.ge [sflag:s28], $0x80  }
0x89: {  	[sflag:s28] =	ssyncset.done $0x0  }
0x8a: {  	s13 =	sadd.s32 $0x30, s15;
	[sflag:s28] =	ssyncadd.s32 $0xFFFFFF80  }
0x8b: {  	[tilespmem:s2], [sflag:$0x5] =	stream.linear.gather [hbm4b:s13+s3], $0x80, $0x38;
	[tilespmem:$0x1BB00] =	vst v63  }
0x8c: {  	_ =	swait.ge [sflag:s28], $0x80  }
0x8d: {  	[sflag:s28] =	ssyncset.done $0x0  }
0x8e: {  	[sflag:s28] =	ssyncadd.s32 $0xFFFFFF80  }
0x8f: {  	[tilespmem:s7], [sflag:$0x2] =	stream.indirect.gather [hbm4b:s4+s30], $0x80, s30, s30, $0xb8;
	[tilespmem:$0x1BB00] =	vst v63  }
0x90: {  	_ =	swait.ge [sflag:s8], $0x4000  }
0x91: {  	[sflag:s8] =	ssyncset.done $0x0  }
0x92: {  	s14 =	sadd.s32 $0x100, s25;
	s13 =	simm.s32 $0x20;
	[sflag:s8] =	ssyncadd.s32 $0xFFFFC000  }
.LBB2_4:
0x93: {  	[spmem:s1] =	stream.indirect.scatter.add.f32 [tilespmem:s7], [sflag:$0x4], $0x80, s2, s30, $0xb8;
	[tilespmem:$0x1BB00] =	vst v63  }
0x94: {  	s15 =	smov.u32 s13  }
0x95: {  	p1 =	sne.s32 s13, $0x9A0;
	s13 =	sadd.s32 $0x20, s13;
	_ =	swait.ge [sflag:s9], $0x4000  }
0x96: {  	s16 =	sshrl.u32 s14, $0x3;
	[sflag:s9] =	ssyncset.done $0x0  }
0x97: {  	s16 =	sadd.s32 s5, s16;
	[sflag:s9] =	ssyncadd.s32 $0xFFFFC000  }
0x98: {  	[tilespmem:s3], [sflag:$0x5] =	stream.linear.gather [hbm4b:s16+s3], $0x80, $0x38;
	[tilespmem:$0x1BB00] =	vst v63  }
0x99: {  	_ =	swait.ge [sflag:s28], $0x80  }
0x9a: {  	s16 =	sadd.s32 s15, s22;
	[sflag:s28] =	ssyncset.done $0x0  }
0x9b: {  	s17 =	sadd.s32 $0x20, s16;
	[sflag:s28] =	ssyncadd.s32 $0xFFFFFF80  }
0x9c: {  	[tilespmem:s29], [sflag:$0x5] =	stream.linear.gather [hbm4b:s17+s3], $0x80, $0x38;
	[tilespmem:$0x1BB00] =	vst v63  }
0x9d: {  	_ =	swait.ge [sflag:s28], $0x80  }
0x9e: {  	[sflag:s28] =	ssyncset.done $0x0  }
0x9f: {  	[sflag:s28] =	ssyncadd.s32 $0xFFFFFF80  }
0xa0: {  	[tilespmem:s31], [sflag:$0x1] =	stream.indirect.gather [hbm4b:s4+s30], $0x80, s3, s30, $0xb8;
	[tilespmem:$0x1BB00] =	vst v63  }
0xa1: {  	_ =	swait.ge [sflag:s0], $0x4000  }
0xa2: {  	[sflag:s0] =	ssyncset.done $0x0  }
0xa3: {  	[sflag:s0] =	ssyncadd.s32 $0xFFFFC000  }
0xa4: {  	[spmem:s1] =	stream.indirect.scatter.add.f32 [tilespmem:s31], [sflag:$0x3], $0x80, s29, s30, $0xb8;
	[tilespmem:$0x1BB00] =	vst v63  }
0xa5: {  	_ =	swait.ge [sflag:s11], $0x4000  }
0xa6: {  	[sflag:s11] =	ssyncset.done $0x0  }
0xa7: {  	s15 =	sadd.s32 s15, s24;
	[sflag:s11] =	ssyncadd.s32 $0xFFFFC000  }
0xa8: {  	[tilespmem:s30], [sflag:$0x5] =	stream.linear.gather [hbm4b:s15+s3], $0x80, $0x38;
	[tilespmem:$0x1BB00] =	vst v63  }
0xa9: {  	_ =	swait.ge [sflag:s28], $0x80  }
0xaa: {  	[sflag:s28] =	ssyncset.done $0x0  }
0xab: {  	s15 =	sadd.s32 $0x30, s16;
	[sflag:s28] =	ssyncadd.s32 $0xFFFFFF80  }
0xac: {  	[tilespmem:s2], [sflag:$0x5] =	stream.linear.gather [hbm4b:s15+s3], $0x80, $0x38;
	[tilespmem:$0x1BB00] =	vst v63  }
0xad: {  	_ =	swait.ge [sflag:s28], $0x80  }
0xae: {  	[sflag:s28] =	ssyncset.done $0x0  }
.Ltmp1:
0xaf: {  	[sflag:s28] =	ssyncadd.s32 $0xFFFFFF80;
	(pc) =	sbr.rel @p1 .LBB2_4-.Ltmp1, $4  }
0xb0: {  	[tilespmem:s7], [sflag:$0x2] =	stream.indirect.gather [hbm4b:s4+s30], $0x80, s30, s30, $0xb8;
	[tilespmem:$0x1BB00] =	vst v63  }
0xb1: {  	_ =	swait.ge [sflag:s8], $0x4000  }
0xb2: {  	[sflag:s8] =	ssyncset.done $0x0  }
0xb3: {  	s14 =	sadd.s32 $0x100, s14;
	[sflag:s8] =	ssyncadd.s32 $0xFFFFC000  }
0xb4: {  	[spmem:s1] =	stream.indirect.scatter.add.f32 [tilespmem:s7], [sflag:$0x4], $0x80, s2, s30, $0xb8;
	[tilespmem:$0x1BB00] =	vst v63  }
0xb5: {  	_ =	swait.ge [sflag:s9], $0x4000  }
0xb6: {  	[sflag:s9] =	ssyncset.done $0x0  }
0xb7: {  	[sflag:s9] =	ssyncadd.s32 $0xFFFFC000  }
0xb8: {  	_ =	swait.ge [sflag:s11], $0x4000  }
0xb9: {  	[sflag:s11] =	ssyncset.done $0x0  }
0xba: {  	[sflag:s11] =	ssyncadd.s32 $0xFFFFC000  }
0xbb: {  	s13 =	sshrl.u32 @p0 s10, $0x3;
	s14 =	simm.s32 @p0 $0x1FC5;
	[bflag:$0x0] =	sbarrier.arrive $0xFFFF  }
0xbc: {  	[hbm:s18], [sflag:s14] =	dma.local @p0 [spmem:s13], $0x2800  }
0xbd: {  	s12 =	sadd.s32 $0x1, s12;
	s13 =	simm.s32 @p0 $0x5  }
0xbe: {  	p1 =	sne.s32 s12, s19;
	s14 =	stileid.u32;
	_ =	swait.ge @p0 [sflag:s13], $0x2800  }
0xbf: {  	s14 =	sshll.u32 @!p0 s14, $0x6;
	[sflag:s13] =	ssyncset.done @p0 $0x0;
	s15 =	rddreg [dreg:$0xd]  }
0xc0: {  	[sflag:s13] =	ssyncadd.s32 @p0 $0xFFFFD800;
	s13 =	sor.u32 @!p0 $0x1C05, s14;
	s14 =	sshrl.u32 @!p0 s6, $0x3  }
0xc1: {  	[hbm:s15], [sflag:s13] =	dma.local @!p0 [spmem:s14], $0x2700  }
.Ltmp2:
0xc2: {  	_ = 	snop;
	(pc) =	sbr.rel @p1 .LBB2_1-.Ltmp2, $4  }
0xc3: {  	s13 =	simm.s32 @!p0 $0x5  }
0xc4: {  	_ =	swait.ge @!p0 [sflag:s13], $0x2700  }
0xc5: {  	[sflag:s13] =	ssyncset.done @!p0 $0x0  }
0xc6: {  	[sflag:s13] =	ssyncadd.s32 @!p0 $0xFFFFD900  }
0xc7: {  	_ =	sfence.sel $0x180000  }
0xc8: {  	[bflag:$0x0] =	sbarrier.arrive $0xFFFF  }
0xc9: {  	_ =	strace $0x9000004D  }
0xca: {  	s0 =	stileid.u32;
	[bflag:$0x2] =	sbarrier.arrive $0xFFFF  }
0xcb: {  	p0 =	sne.s32 s0, $0x0;
	s0 =	rddreg [dreg:$0x3]  }
0xcc: {  	s0 =	sadd.s32 @!p0 $0x100000, s0  }
0xcd: {  	[sflag:s0] =	ssyncadd.tile.s32 @!p0 $0x1;
	_ =	shalt  }
.Lfunc_end2:
_tile_overlayer_lowered:
.L_overlay_start_2:
0xce: {  	(tag) =	ssettag $0x2  }
0xcf: {  	s0 =	rddreg [dreg:$0x0];
	s2 =	stileid.u32  }
0xd0: {  	s1 =	rddreg [dreg:$0x1];
	p0 =	sne.s32 s2, $0x0  }
0xd1: {  	s3 =	rddreg [dreg:$0x2];
	[bflag:$0x3] =	sbarrier.arrive $0xFFFF;
	s2 =	simm.s32 @!p0 $0x1C05  }
0xd2: {  	[timem:s3], [sflag:s2] =	dma.local @!p0 [hbm:s0], s1  }
0xd3: {  	s0 =	simm.s32 @!p0 $0x5  }
0xd4: {  	_ =	swait.ge @!p0 [sflag:s0], s1  }
0xd5: {  	s1 =	ssub.s32 @!p0 $0x0, s1;
	[sflag:s0] =	ssyncset.done @!p0 $0x0  }
0xd6: {  	[sflag:s0] =	ssyncadd.s32 @!p0 s1  }
0xd7: {  	[bflag:$0x3] =	sbarrier.arrive $0xFFFF  }
0xd8: {  	_ =	shalt  }

// kernel: kernel.19.cloned.1.call-start
scs
__scs_entry_jumppad:
0x0: {  	(pc) =	sbr.rel $0x88, $3  }
0x1: {  	(tag) =	ssettag $0x0;
	lr =	simm.s32 $0x1  }
0x2: {  	[smem:$0x3F95] =	sst lr;
	_ =	strace $0xD0000000  }
0x3: {  	_ = 	snop  }
0x4: {  	_ = 	snop  }
0x5: {  	_ = 	snop  }
0x6: {  	_ = 	snop  }
0x7: {  	_ = 	snop  }
__scs_overlays_trampoline_lowered:
0x8: {  	[smem:$0x3FA4] =	sst s0  }
0x9: {  	[smem:$0x3FA5] =	sst s1  }
0xa: {  	[smem:$0x3FA6] =	sst s2  }
0xb: {  	[smem:$0x3FA7] =	sst s3  }
0xc: {  	[smem:$0x3FA8] =	sst s4  }
0xd: {  	[smem:$0x3FA9] =	sst s5  }
0xe: {  	[smem:$0x3FAA] =	sst s6  }
0xf: {  	[smem:$0x3FAB] =	sst s7  }
0x10: {  	[smem:$0x3FAC] =	sst s8  }
0x11: {  	[smem:$0x3FAD] =	sst s9;
	s0 =	simm.s32 @!p0 $0x0  }
0x12: {  	s1 =	sld [smem:$0x3F93];
	s0 =	simm.s32 @p0 $0x1  }
0x13: {  	[smem:$0x3FAE] =	sst s0;
	s0 =	simm.s32 @!p1 $0x0  }
0x14: {  	s2 =	sld [smem:$0x3F92];
	s0 =	simm.s32 @p1 $0x1  }
0x15: {  	[smem:$0x3FAF] =	sst s0;
	s0 =	simm.s32 @!p2 $0x0  }
0x16: {  	s3 =	sld [smem:$0x3FDB];
	s0 =	simm.s32 @p2 $0x1  }
0x17: {  	s4 =	simm.s32 $0x1BF5;
	[smem:$0x3FB1] =	sst s0  }
0x18: {  	s0 =	sld [smem:$0x3F94];
	_ =	swait.ge [sflag:s4], $0x0  }
0x19: {  	s7 =	sld [smem:$0x3F95]  }
0x1a: {  	s8 =	sadd.s32 $0xFFFFE003, lr  }
0x1b: {  	s9 =	sadd.s32 $0xFFFFFEF7, lr;
	s5 =	simm.s32 $0xFFFFFFFF;
	p2 =	slt.u32 s8, $0xFFFFF086  }
0x1c: {  	p1 =	slt.u32 s9, $0xF7A;
	s5 =	simm.s32 @!p2 $0x0  }
0x1d: {  	s5 =	simm.s32 @p1 $0x1;
	p0 =	seq.s32 s7, s2  }
0x1e: {  	s7 =	smul.u32 @!p0 $0xF7A, s2;
	p2 =	seq.s32 @!p0 s5, $0x0  }
0x1f: {  	s9 =	smul.u32 $0xF7A, s1;
	s8 =	simm.s32 @!p0 $0x1BF5;
	p2 =	por !p2, p0  }
0x20: {  	[sflag:s8] =	ssyncset.s32 @!p0 $0xFFFFF086;
	s6 =	sadd.s32 @!p0 s3, s7;
	s7 =	simm.s32 @!p0 $0x108  }
0x21: {  	s3 =	sadd.s32 s3, s9;
	s6 =	sadd.s32 @!p0 $0x88, s6;
	s7 =	simm.s32 @p2 $0x1082  }
0x22: {  	[simem:s7], [sflag:s8] =	dma.local @!p0 [hbm:s6], $0xF7A  }
0x23: {  	s9 =	sor.u32 $0xD0000000, s2;
	s6 =	simm.s32 $0x108;
	_ =	swait.ge @!p0 [sflag:s8], $0x0  }
0x24: {  	s3 =	sadd.s32 $0x88, s3;
	s6 =	simm.s32 @!p1 $0x1082;
	[sflag:s4] =	ssyncset.s32 $0xFFFFF086  }
0x25: {  	[simem:s6], [sflag:s4] =	dma.local [hbm:s3], $0xF7A  }
0x26: {  	[smem:$0x3F95] =	sst s1;
	(tag) =	ssettag s2;
	_ =	strace s9  }
0x27: {  	s1 =	sld [smem:$0x3FA5]  }
0x28: {  	s2 =	sld [smem:$0x3FA6]  }
0x29: {  	s4 =	sld [smem:$0x3FA8]  }
0x2a: {  	p0 =	seq.s32 s5, $0x0;
	s5 =	sld [smem:$0x3FA9]  }
0x2b: {  	s6 =	sld [smem:$0x3FAA]  }
0x2c: {  	s7 =	sld [smem:$0x3FAB]  }
0x2d: {  	s3 =	simm.s32 $0x108;
	s8 =	sld [smem:$0x3FAC]  }
0x2e: {  	s3 =	simm.s32 @!p0 $0x1082;
	s9 =	sld [smem:$0x3FAD]  }
0x2f: {  	lr =	sadd.s32 s0, s3;
	s0 =	sld [smem:$0x3FA4]  }
0x30: {  	s3 =	sld [smem:$0x3FA7]  }
0x31: {  	[smem:$0x3FB0] =	sst s10  }
0x32: {  	s10 =	sld [smem:$0x3FAE];
	_ =	sdelay $0x3  }
0x33: {  	p0 =	seq.s32 s10, $0x1;
	s10 =	sld [smem:$0x3FB0];
	_ =	sdelay $0x3  }
0x34: {  	[smem:$0x3FB0] =	sst s10  }
0x35: {  	s10 =	sld [smem:$0x3FAF];
	_ =	sdelay $0x3  }
0x36: {  	p1 =	seq.s32 s10, $0x1;
	s10 =	sld [smem:$0x3FB0];
	_ =	sdelay $0x3  }
0x37: {  	[smem:$0x3FB0] =	sst s10  }
0x38: {  	s10 =	sld [smem:$0x3FB1]  }
0x39: {  	_ = 	snop;
	(pc) =	sbr.ind lr, $3  }
0x3a: {  	_ = 	snop  }
0x3b: {  	_ = 	snop  }
0x3c: {  	p2 =	seq.s32 s10, $0x1;
	s10 =	sld [smem:$0x3FB0]  }
0x3d: {  	_ =	shalt  }
0x3e: {  	_ =	shalt  }
0x3f: {  	_ =	shalt  }
0x40: {  	_ =	shalt  }
0x41: {  	_ =	shalt  }
0x42: {  	_ =	shalt  }
0x43: {  	_ =	shalt  }
0x44: {  	_ =	shalt  }
0x45: {  	_ =	shalt  }
0x46: {  	_ =	shalt  }
0x47: {  	_ =	shalt  }
0x48: {  	_ =	shalt  }
0x49: {  	_ =	shalt  }
0x4a: {  	_ =	shalt  }
0x4b: {  	_ =	shalt  }
0x4c: {  	_ =	shalt  }
0x4d: {  	_ =	shalt  }
0x4e: {  	_ =	shalt  }
0x4f: {  	_ =	shalt  }
0x50: {  	_ =	shalt  }
0x51: {  	_ =	shalt  }
0x52: {  	_ =	shalt  }
0x53: {  	_ =	shalt  }
0x54: {  	_ =	shalt  }
0x55: {  	_ =	shalt  }
0x56: {  	_ =	shalt  }
0x57: {  	_ =	shalt  }
0x58: {  	_ =	shalt  }
0x59: {  	_ =	shalt  }
0x5a: {  	_ =	shalt  }
0x5b: {  	_ =	shalt  }
0x5c: {  	_ =	shalt  }
0x5d: {  	_ =	shalt  }
0x5e: {  	_ =	shalt  }
0x5f: {  	_ =	shalt  }
0x60: {  	_ =	shalt  }
0x61: {  	_ =	shalt  }
0x62: {  	_ =	shalt  }
0x63: {  	_ =	shalt  }
0x64: {  	_ =	shalt  }
0x65: {  	_ =	shalt  }
0x66: {  	_ =	shalt  }
0x67: {  	_ =	shalt  }
0x68: {  	_ =	shalt  }
0x69: {  	_ =	shalt  }
0x6a: {  	_ =	shalt  }
0x6b: {  	_ =	shalt  }
0x6c: {  	_ =	shalt  }
0x6d: {  	_ =	shalt  }
0x6e: {  	_ =	shalt  }
0x6f: {  	_ =	shalt  }
0x70: {  	_ =	shalt  }
0x71: {  	_ =	shalt  }
0x72: {  	_ =	shalt  }
0x73: {  	_ =	shalt  }
0x74: {  	_ =	shalt  }
0x75: {  	_ =	shalt  }
0x76: {  	_ =	shalt  }
0x77: {  	_ =	shalt  }
0x78: {  	_ =	shalt  }
0x79: {  	_ =	shalt  }
0x7a: {  	_ =	shalt  }
0x7b: {  	_ =	shalt  }
0x7c: {  	_ =	shalt  }
0x7d: {  	_ =	shalt  }
0x7e: {  	_ =	shalt  }
0x7f: {  	_ =	shalt  }
0x80: {  	_ =	shalt  }
0x81: {  	_ =	shalt  }
0x82: {  	_ =	shalt  }
0x83: {  	_ =	shalt  }
0x84: {  	_ =	shalt  }
0x85: {  	_ =	shalt  }
0x86: {  	_ =	shalt  }
0x87: {  	_ =	shalt  }
.Lfunc_end0:
.L_simem_size_0:
called_computation.3_lowered:
.L_overlay_start_0:
0x88: {  	s2 =	sld [smem:$0x3FD9]  }
0x89: {  	s3 =	sld [smem:$0x3FFE];
	_ =	sdelay $0x1  }
0x8a: {  	s1 =	srdreg.scid  }
0x8b: {  	s0 =	sand.u32 $0x1, s1  }
0x8c: {  	s17 =	sshll.u32 s0, $0xA;
	s2 =	sadd.s32 s3, s2  }
0x8d: {  	s2 =	sadd.s32 s2, s17  }
0x8e: {  	[smem:$0x3FBC] =	sst s2  }
0x8f: {  	_ = 	snop  }
0x90: {  	s2 =	sld [smem:$0x3FD0];
	(tm) =	ssettm $0x1  }
0x91: {  	s18 =	sld [smem:$0x3FFB];
	_ =	sdelay $0x3  }
0x92: {  	_ =	strace s18  }
0x93: {  	s3 =	sld [smem:$0x3FFC];
	_ =	sdelay $0x3  }
0x94: {  	_ =	strace s3  }
0x95: {  	s3 =	sld [smem:$0x3FFD];
	_ =	sdelay $0x3  }
0x96: {  	_ =	strace s3  }
0x97: {  	_ =	strace $0x8FFFFFFF  }
0x98: {  	s19 =	sld [smem:$0x3FDB];
	_ =	sdelay $0x1  }
0x99: {  	s4 =	simm.s32 $_scs_section_size  }
0x9a: {  	s5 =	simm.s32 $_size__tile_overlayer_lowered;
	s6 =	simm.s32 $_tile_overlayer_lowered  }
0x9b: {  	s22 =	simm.s32 $0x1BFF;
	s21 =	sshll.u32 s6, $0x1;
	s3 =	sadd.s32 s4, s19  }
0x9c: {  	s7 =	simm.s32 $0x0;
	s20 =	sshll.u32 s5, $0x1;
	s5 =	sadd.s32 s21, s3  }
0x9d: {  	[timem:s7], [sflag:s22] =	dma.local [hbm:s5], s20  }
0x9e: {  	_ =	swait.ge [sflag:s22], s20  }
0x9f: {  	s4 =	ssub.s32 $0x0, s20;
	[sflag:s22] =	ssyncset.done $0x0  }
0xa0: {  	[sflag:s22] =	ssyncadd.s32 s4;
	_ =	sdelay $0x1  }
0xa1: {  	s23 =	simm.s32 $0x1B8B  }
0xa2: {  	_ =	swait.ge [sflag:s23], $0x1  }
0xa3: {  	[sflag:s23] =	ssyncset.done $0x0  }
0xa4: {  	s25 =	simm.s32 $0x1B8E;
	s24 =	sld [smem:$0x3FFE];
	[sflag:s23] =	ssyncadd.s32 $0xFFFFFFFF  }
0xa5: {  	s26 =	simm.s32 $execute0_lowered;
	[smem:$0x3FD2] =	sst s25  }
0xa6: {  	s5 =	sshll.u32 s26, $0x1;
	_ =	strace $0x8000004F;
	[dreg:$0x1] =	wrdreg $0xFFFFFFFF  }
0xa7: {  	s28 =	simm.s32 $_size_execute0_lowered;
	s3 =	sadd.s32 s3, s5;
	[dreg:$0x0] =	wrdreg $0x0  }
0xa8: {  	s5 =	sshll.u32 s28, $0x1;
	[dreg:$0x2] =	wrdreg s3  }
0xa9: {  	[dreg:$0x3] =	wrdreg s5  }
0xaa: {  	[dreg:$0x4] =	wrdreg $0xC0  }
0xab: {  	_ =	task [dreg:s7], $0x5FFFF  }
0xac: {  	[dreg:$0x1] =	wrdreg $0xFFFFFFFF  }
0xad: {  	[dreg:$0x0] =	wrdreg $0x60  }
0xae: {  	[dreg:$0x2] =	wrdreg s24  }
0xaf: {  	[dreg:$0x3] =	wrdreg s2  }
0xb0: {  	[dreg:$0x4] =	wrdreg $0x82000  }
0xb1: {  	[dreg:$0x5] =	wrdreg $0x9  }
0xb2: {  	_ =	task.clear_ibuf [dreg:s7], $0x6FFFF;
	_ =	strace $0x9000004F  }
0xb3: {  	s29 =	simm.s32 $0x9;
	_ =	strace $0x80000051  }
0xb4: {  	_ =	swait.ge [sflag:s29], $0x1  }
0xb5: {  	[sflag:s29] =	ssyncadd.s32 $0xFFFFFFFF  }
0xb6: {  	_ =	strace $0x90000051  }
0xb7: {  	_ =	sfence  }
0xb8: {  	s30 =	sld [smem:$0x0];
	_ =	sdelay $0x2  }
0xb9: {  	s31 =	sshll.u32 s1, $0xD;
	s1 =	sshrl.u32 s1, $0x2  }
0xba: {  	s3 =	sand.u32 $0x4000, s31;
	s1 =	sadd.s32 s1, s30  }
0xbb: {  	s0 =	sor.u32 s3, s0;
	s1 =	sshll.u32 s1, $0x11  }
0xbc: {  	s0 =	sor.u32 s1, s0  }
0xbd: {  	s0 =	sadd.s32 $0x8F2B, s0  }
0xbe: {  	[sflag:s0] =	ssyncadd.remote.s32 $0x1  }
0xbf: {  	_ =	sfence.sel $0xFFFF  }
0xc0: {  	[dreg:$0x0] =	wrdreg $0xFFFFFFFF;
	(pc) =	sbr.abs _section_cstart, $3  }
0xc1: {  	[dreg:$0x1] =	wrdreg $0xFFFFFFFF  }
0xc2: {  	_ =	task.clear_ibuf [dreg:s7], $0x2FFFF;
	_ =	strace $0x9FFFFFFF  }
0xc3: {  	(tm) =	ssettm $0x7FFFFFFF  }
tec
execute0_lowered:
.L_overlay_start_1:
0x0: {  	(tag) =	ssettag $0x1  }
0x1: {  	s0 =	rddreg [dreg:$0x0]  }
0x2: {  	s2 =	rddreg [dreg:$0x1]  }
0x3: {  	s1 =	rddreg [dreg:$0x2];
	s3 =	simm.s32 $0x0;
	s13 =	stileid.u32  }
0x4: {  	s6 =	srdreg.scid;
	s28 =	simm.s32 $0x5;
	s29 =	simm.s32 $0x100  }
0x5: {  	s30 =	simm.s32 $0x80;
	s31 =	simm.s32 $0x200;
	[smem:$0x7FF] =	sst s3  }
0x6: {  	s4 =	sadd.s32 $0x77400, s0;
	s7 =	smul.u32 $0x4E000, s13;
	s5 =	sadd.s32 $0x63800, s0  }
0x7: {  	s0 =	sadd.s32 $0xC5600, s0;
	s12 =	smul.u32 $0x4F00, s13;
	s18 =	sadd.s32 $0x128800, s1  }
0x8: {  	s8 =	sand.u32 $0x1, s6;
	s19 =	smul.u32 $0x13800, s13;
	s20 =	sadd.s32 $0x130800, s1  }
0x9: {  	s21 =	sadd.s32 $0x134800, s1;
	_ =	strace $0x80000050;
	[dreg:$0x8] =	wrdreg s18  }
0xa: {  	s22 =	sadd.s32 $0x138800, s1;
	s25 =	smul.u32 $0x9E0, s13;
	[dreg:$0xa] =	wrdreg s20  }
0xb: {  	p0 =	seq.s32 s13, $0xF;
	s11 =	smul.u32 $0x4F000, s8;
	[dreg:$0xb] =	wrdreg s21  }
0xc: {  	s9 =	ssub.s32 $0x2, s8;
	s8 =	smul.u32 $0x138800, s8;
	[dreg:$0xc] =	wrdreg s22  }
0xd: {  	s10 =	sshrl.u32 s7, $0x2;
	s14 =	sshrl.u32 s9, $0x1;
	s24 =	sshrl.u32 s12, $0x3  }
0xe: {  	s22 =	sadd.s32 s25, s2;
	s6 =	sadd.s32 s10, s1;
	s7 =	ssub.s32 s9, s14  }
0xf: {  	s11 =	sadd.s32 s12, s11;
	s14 =	sadd.s32 $0x12C800, s1;
	s9 =	sadd.s32 s19, s8  }
0x10: {  	s8 =	sshrl.u32 s8, $0x3;
	s21 =	sadd.s32 s2, s24;
	s2 =	simm.s32 $0x180  }
0x11: {  	s12 =	simm.s32 $0x0;
	s10 =	sadd.s32 $0x4000, s6;
	s15 =	sadd.s32 $0x8000, s6  }
0x12: {  	s16 =	sadd.s32 $0xC000, s6;
	s17 =	sadd.s32 $0x10000, s6;
	[dreg:$0x9] =	wrdreg s14  }
0x13: {  	s9 =	sshrl.u32 s9, $0x3;
	s8 =	sadd.s32 s0, s8;
	s19 =	smax.u32 s7, $0x1  }
0x14: {  	s23 =	sshrl.u32 s11, $0x3;
	s26 =	sadd.s32 $0x180, s11;
	[dreg:$0x4] =	wrdreg s10  }
0x15: {  	s25 =	sadd.s32 $0x100, s11;
	s7 =	simm.s32 $0x4200;
	[dreg:$0x5] =	wrdreg s15  }
0x16: {  	s11 =	simm.s32 $0x4;
	[dreg:$0x6] =	wrdreg s16;
	s10 =	sadd.s32 $0x124800, s1  }
0x17: {  	[dreg:$0x7] =	wrdreg s17;
	s0 =	sadd.s32 s0, s9;
	s18 =	sadd.s32 $0x24900, s8  }
0x18: {  	s20 =	sadd.s32 s5, s23;
	s8 =	simm.s32 $0x2;
	s9 =	simm.s32 $0x3  }
0x19: {  	[dreg:$0xd] =	wrdreg s0;
	s23 =	sadd.s32 $0x10, s20;
	s0 =	sshrl.u32 s26, $0x3  }
0x1a: {  	v0 =	vimm.f32 $0.0e+00;
	s26 =	sadd.s32 $0x10, s21;
	s24 =	sadd.s32 s0, s5;
	s0 =	simm.s32 $0x1  }
.LBB2_1:
0x1b: {  	s13 =	simm.s32 $0x0;
	s14 =	simm.s32 $0x200  }
.LBB2_2:
0x1c: {  	p1 =	sne.s32 s14, $0xFE00;
	[tilespmem:s13+$0x270] =	vst v0  }
0x1d: {  	[tilespmem:s13+$0x200] =	vst v0  }
0x1e: {  	[tilespmem:s13+$0x210] =	vst v0  }
.Ltmp0:
0x1f: {  	[tilespmem:s13+$0x220] =	vst v0;
	(pc) =	sbr.rel @p1 .LBB2_2-.Ltmp0, $4  }
0x20: {  	[tilespmem:s13+$0x230] =	vst v0  }
0x21: {  	[tilespmem:s13+$0x240] =	vst v0  }
0x22: {  	[tilespmem:s13+$0x250] =	vst v0  }
0x23: {  	[tilespmem:s13+$0x260] =	vst v0;
	s13 =	sshra.s32 s14, $0x2;
	s14 =	sadd.s32 $0x200, s14  }
0x24: {  	[tilespmem:s13+$0x270] =	vst v0  }
0x25: {  	[tilespmem:s13+$0x200] =	vst v0  }
0x26: {  	[tilespmem:s13+$0x210] =	vst v0  }
0x27: {  	[tilespmem:s13+$0x220] =	vst v0  }
0x28: {  	[tilespmem:s13+$0x230] =	vst v0  }
0x29: {  	[tilespmem:s13+$0x240] =	vst v0  }
0x2a: {  	[tilespmem:s13+$0x250] =	vst v0  }
0x2b: {  	[tilespmem:s13+$0x260] =	vst v0;
	s13 =	simm.s32 @p0 $0x200;
	s14 =	simm.s32 @p0 $0x5  }
0x2c: {  	[spmem:s10] =	stream.linear.scatter @p0 [tilespmem:s13], [sflag:$0x5], $0x4000, $0x38;
	[tilespmem:$0x1BB00] =	vst v63  }
0x2d: {  	_ =	swait.ge @p0 [sflag:s14], $0x4000  }
0x2e: {  	[sflag:s14] =	ssyncset.done @p0 $0x0  }
0x2f: {  	s15 =	rddreg [dreg:$0x8];
	[sflag:s14] =	ssyncadd.s32 @p0 $0xFFFFC000  }
0x30: {  	[spmem:s15] =	stream.linear.scatter @p0 [tilespmem:s13], [sflag:$0x5], $0x4000, $0x38;
	[tilespmem:$0x1BB00] =	vst v63  }
0x31: {  	_ =	swait.ge @p0 [sflag:s14], $0x4000  }
0x32: {  	[sflag:s14] =	ssyncset.done @p0 $0x0  }
0x33: {  	s15 =	rddreg [dreg:$0x9];
	[sflag:s14] =	ssyncadd.s32 @p0 $0xFFFFC000  }
0x34: {  	[spmem:s15] =	stream.linear.scatter @p0 [tilespmem:s13], [sflag:$0x5], $0x4000, $0x38;
	[tilespmem:$0x1BB00] =	vst v63  }
0x35: {  	_ =	swait.ge @p0 [sflag:s14], $0x4000  }
0x36: {  	[sflag:s14] =	ssyncset.done @p0 $0x0  }
0x37: {  	s15 =	rddreg [dreg:$0xa];
	[sflag:s14] =	ssyncadd.s32 @p0 $0xFFFFC000  }
0x38: {  	[spmem:s15] =	stream.linear.scatter @p0 [tilespmem:s13], [sflag:$0x5], $0x4000, $0x38;
	[tilespmem:$0x1BB00] =	vst v63  }
0x39: {  	_ =	swait.ge @p0 [sflag:s14], $0x4000  }
0x3a: {  	[sflag:s14] =	ssyncset.done @p0 $0x0  }
0x3b: {  	s15 =	rddreg [dreg:$0xb];
	[sflag:s14] =	ssyncadd.s32 @p0 $0xFFFFC000  }
0x3c: {  	[spmem:s15] =	stream.linear.scatter @p0 [tilespmem:s13], [sflag:$0x5], $0x4000, $0x38;
	[tilespmem:$0x1BB00] =	vst v63  }
0x3d: {  	_ =	swait.ge @p0 [sflag:s14], $0x4000  }
0x3e: {  	[sflag:s14] =	ssyncset.done @p0 $0x0  }
0x3f: {  	s15 =	rddreg [dreg:$0xc];
	[sflag:s14] =	ssyncadd.s32 @p0 $0xFFFFC000  }
0x40: {  	[spmem:s15] =	stream.linear.scatter @p0 [tilespmem:s13], [sflag:$0x5], $0x800, $0x38;
	[tilespmem:$0x1BB00] =	vst v63  }
0x41: {  	_ =	swait.ge @p0 [sflag:s14], $0x800  }
0x42: {  	[sflag:s14] =	ssyncset.done @p0 $0x0  }
0x43: {  	s13 =	simm.s32 @!p0 $0x200;
	[sflag:s14] =	ssyncadd.s32 @p0 $0xFFFFF800;
	s14 =	simm.s32 @!p0 $0x5  }
0x44: {  	[spmem:s6] =	stream.linear.scatter @!p0 [tilespmem:s13], [sflag:$0x5], $0x4000, $0x38;
	[tilespmem:$0x1BB00] =	vst v63  }
0x45: {  	_ =	swait.ge @!p0 [sflag:s14], $0x4000  }
0x46: {  	[sflag:s14] =	ssyncset.done @!p0 $0x0  }
0x47: {  	s15 =	rddreg [dreg:$0x4];
	[sflag:s14] =	ssyncadd.s32 @!p0 $0xFFFFC000  }
0x48: {  	[spmem:s15] =	stream.linear.scatter @!p0 [tilespmem:s13], [sflag:$0x5], $0x4000, $0x38;
	[tilespmem:$0x1BB00] =	vst v63  }
0x49: {  	_ =	swait.ge @!p0 [sflag:s14], $0x4000  }
0x4a: {  	[sflag:s14] =	ssyncset.done @!p0 $0x0  }
0x4b: {  	s15 =	rddreg [dreg:$0x5];
	[sflag:s14] =	ssyncadd.s32 @!p0 $0xFFFFC000  }
0x4c: {  	[spmem:s15] =	stream.linear.scatter @!p0 [tilespmem:s13], [sflag:$0x5], $0x4000, $0x38;
	[tilespmem:$0x1BB00] =	vst v63  }
0x4d: {  	_ =	swait.ge @!p0 [sflag:s14], $0x4000  }
0x4e: {  	[sflag:s14] =	ssyncset.done @!p0 $0x0  }
0x4f: {  	s15 =	rddreg [dreg:$0x6];
	[sflag:s14] =	ssyncadd.s32 @!p0 $0xFFFFC000  }
0x50: {  	[spmem:s15] =	stream.linear.scatter @!p0 [tilespmem:s13], [sflag:$0x5], $0x4000, $0x38;
	[tilespmem:$0x1BB00] =	vst v63  }
0x51: {  	_ =	swait.ge @!p0 [sflag:s14], $0x4000  }
0x52: {  	[sflag:s14] =	ssyncset.done @!p0 $0x0  }
0x53: {  	s15 =	rddreg [dreg:$0x7];
	[sflag:s14] =	ssyncadd.s32 @!p0 $0xFFFFC000  }
0x54: {  	[spmem:s15] =	stream.linear.scatter @!p0 [tilespmem:s13], [sflag:$0x5], $0x3800, $0x38;
	[tilespmem:$0x1BB00] =	vst v63  }
0x55: {  	_ =	swait.ge @!p0 [sflag:s14], $0x3800  }
0x56: {  	[sflag:s14] =	ssyncset.done @!p0 $0x0  }
0x57: {  	[sflag:s14] =	ssyncadd.s32 @!p0 $0xFFFFC800  }
0x58: {  	s17 =	simm.s32 $0x0;
	[bflag:$0x0] =	sbarrier.arrive $0xFFFF  }
0x59: {  	[tilespmem:s17], [sflag:$0x5] =	stream.linear.gather [hbm4b:s20+s17], $0x80, $0x38;
	[tilespmem:$0x1BB00] =	vst v63  }
0x5a: {  	_ =	swait.ge [sflag:s28], $0x80  }
0x5b: {  	[sflag:s28] =	ssyncset.done $0x0  }
0x5c: {  	[sflag:s28] =	ssyncadd.s32 $0xFFFFFF80  }
0x5d: {  	[tilespmem:s29], [sflag:$0x5] =	stream.linear.gather [hbm4b:s21+s17], $0x80, $0x38;
	[tilespmem:$0x1BB00] =	vst v63  }
0x5e: {  	_ =	swait.ge [sflag:s28], $0x80  }
0x5f: {  	[sflag:s28] =	ssyncset.done $0x0  }
0x60: {  	[sflag:s28] =	ssyncadd.s32 $0xFFFFFF80  }
0x61: {  	[tilespmem:s31], [sflag:$0x1] =	stream.indirect.gather [hbm4b:s4+s30], $0x80, s17, s30, $0xb8;
	[tilespmem:$0x1BB00] =	vst v63  }
0x62: {  	_ =	swait.ge [sflag:s0], $0x4000  }
0x63: {  	[sflag:s0] =	ssyncset.done $0x0  }
0x64: {  	[sflag:s0] =	ssyncadd.s32 $0xFFFFC000  }
0x65: {  	[spmem:s1] =	stream.indirect.scatter.add.f32 [tilespmem:s31], [sflag:$0x3], $0x80, s29, s30, $0xb8;
	[tilespmem:$0x1BB00] =	vst v63  }
0x66: {  	_ = 	snop  }
0x67: {  	[tilespmem:s30], [sflag:$0x5] =	stream.linear.gather [hbm4b:s23+s17], $0x80, $0x38;
	[tilespmem:$0x1BB00] =	vst v63  }
0x68: {  	_ =	swait.ge [sflag:s28], $0x80  }
0x69: {  	[sflag:s28] =	ssyncset.done $0x0  }
0x6a: {  	[sflag:s28] =	ssyncadd.s32 $0xFFFFFF80  }
0x6b: {  	[tilespmem:s2], [sflag:$0x5] =	stream.linear.gather [hbm4b:s26+s17], $0x80, $0x38;
	[tilespmem:$0x1BB00] =	vst v63  }
0x6c: {  	_ =	swait.ge [sflag:s28], $0x80  }
0x6d: {  	[sflag:s28] =	ssyncset.done $0x0  }
0x6e: {  	[sflag:s28] =	ssyncadd.s32 $0xFFFFFF80  }
0x6f: {  	[tilespmem:s7], [sflag:$0x2] =	stream.indirect.gather [hbm4b:s4+s30], $0x80, s30, s30, $0xb8;
	[tilespmem:$0x1BB00] =	vst v63  }
0x70: {  	_ =	swait.ge [sflag:s8], $0x4000  }
0x71: {  	[sflag:s8] =	ssyncset.done $0x0  }
0x72: {  	[sflag:s8] =	ssyncadd.s32 $0xFFFFC000  }
0x73: {  	[spmem:s1] =	stream.indirect.scatter.add.f32 [tilespmem:s7], [sflag:$0x4], $0x80, s2, s30, $0xb8;
	[tilespmem:$0x1BB00] =	vst v63  }
0x74: {  	_ =	swait.ge [sflag:s9], $0x4000  }
0x75: {  	s14 =	sshrl.u32 s25, $0x3;
	[sflag:s9] =	ssyncset.done $0x0  }
0x76: {  	s13 =	sadd.s32 s5, s14;
	[sflag:s9] =	ssyncadd.s32 $0xFFFFC000  }
0x77: {  	[tilespmem:s3], [sflag:$0x5] =	stream.linear.gather [hbm4b:s13+s3], $0x80, $0x38;
	[tilespmem:$0x1BB00] =	vst v63  }
0x78: {  	_ =	swait.ge [sflag:s28], $0x80  }
0x79: {  	s15 =	sadd.s32 $0x0, s22;
	[sflag:s28] =	ssyncset.done $0x0  }
0x7a: {  	s16 =	sadd.s32 $0x20, s15;
	[sflag:s28] =	ssyncadd.s32 $0xFFFFFF80  }
0x7b: {  	[tilespmem:s29], [sflag:$0x5] =	stream.linear.gather [hbm4b:s16+s3], $0x80, $0x38;
	[tilespmem:$0x1BB00] =	vst v63  }
0x7c: {  	_ =	swait.ge [sflag:s28], $0x80  }
0x7d: {  	[sflag:s28] =	ssyncset.done $0x0  }
0x7e: {  	[sflag:s28] =	ssyncadd.s32 $0xFFFFFF80  }
0x7f: {  	[tilespmem:s31], [sflag:$0x1] =	stream.indirect.gather [hbm4b:s4+s30], $0x80, s3, s30, $0xb8;
	[tilespmem:$0x1BB00] =	vst v63  }
0x80: {  	_ =	swait.ge [sflag:s0], $0x4000  }
0x81: {  	[sflag:s0] =	ssyncset.done $0x0  }
0x82: {  	[sflag:s0] =	ssyncadd.s32 $0xFFFFC000  }
0x83: {  	[spmem:s1] =	stream.indirect.scatter.add.f32 [tilespmem:s31], [sflag:$0x3], $0x80, s29, s30, $0xb8;
	[tilespmem:$0x1BB00] =	vst v63  }
0x84: {  	_ =	swait.ge [sflag:s11], $0x4000  }
0x85: {  	[sflag:s11] =	ssyncset.done $0x0  }
0x86: {  	s17 =	sadd.s32 $0x0, s24;
	[sflag:s11] =	ssyncadd.s32 $0xFFFFC000  }
0x87: {  	[tilespmem:s30], [sflag:$0x5] =	stream.linear.gather [hbm4b:s17+s3], $0x80, $0x38;
	[tilespmem:$0x1BB00] =	vst v63  }
0x88: {  	_ =	swait.ge [sflag:s28], $0x80  }
0x89: {  	[sflag:s28] =	ssyncset.done $0x0  }
0x8a: {  	s13 =	sadd.s32 $0x30, s15;
	[sflag:s28] =	ssyncadd.s32 $0xFFFFFF80  }
0x8b: {  	[tilespmem:s2], [sflag:$0x5] =	stream.linear.gather [hbm4b:s13+s3], $0x80, $0x38;
	[tilespmem:$0x1BB00] =	vst v63  }
0x8c: {  	_ =	swait.ge [sflag:s28], $0x80  }
0x8d: {  	[sflag:s28] =	ssyncset.done $0x0  }
0x8e: {  	[sflag:s28] =	ssyncadd.s32 $0xFFFFFF80  }
0x8f: {  	[tilespmem:s7], [sflag:$0x2] =	stream.indirect.gather [hbm4b:s4+s30], $0x80, s30, s30, $0xb8;
	[tilespmem:$0x1BB00] =	vst v63  }
0x90: {  	_ =	swait.ge [sflag:s8], $0x4000  }
0x91: {  	[sflag:s8] =	ssyncset.done $0x0  }
0x92: {  	s14 =	sadd.s32 $0x100, s25;
	s13 =	simm.s32 $0x20;
	[sflag:s8] =	ssyncadd.s32 $0xFFFFC000  }
.LBB2_4:
0x93: {  	[spmem:s1] =	stream.indirect.scatter.add.f32 [tilespmem:s7], [sflag:$0x4], $0x80, s2, s30, $0xb8;
	[tilespmem:$0x1BB00] =	vst v63  }
0x94: {  	s15 =	smov.u32 s13  }
0x95: {  	p1 =	sne.s32 s13, $0x9A0;
	s13 =	sadd.s32 $0x20, s13;
	_ =	swait.ge [sflag:s9], $0x4000  }
0x96: {  	s16 =	sshrl.u32 s14, $0x3;
	[sflag:s9] =	ssyncset.done $0x0  }
0x97: {  	s16 =	sadd.s32 s5, s16;
	[sflag:s9] =	ssyncadd.s32 $0xFFFFC000  }
0x98: {  	[tilespmem:s3], [sflag:$0x5] =	stream.linear.gather [hbm4b:s16+s3], $0x80, $0x38;
	[tilespmem:$0x1BB00] =	vst v63  }
0x99: {  	_ =	swait.ge [sflag:s28], $0x80  }
0x9a: {  	s16 =	sadd.s32 s15, s22;
	[sflag:s28] =	ssyncset.done $0x0  }
0x9b: {  	s17 =	sadd.s32 $0x20, s16;
	[sflag:s28] =	ssyncadd.s32 $0xFFFFFF80  }
0x9c: {  	[tilespmem:s29], [sflag:$0x5] =	stream.linear.gather [hbm4b:s17+s3], $0x80, $0x38;
	[tilespmem:$0x1BB00] =	vst v63  }
0x9d: {  	_ =	swait.ge [sflag:s28], $0x80  }
0x9e: {  	[sflag:s28] =	ssyncset.done $0x0  }
0x9f: {  	[sflag:s28] =	ssyncadd.s32 $0xFFFFFF80  }
0xa0: {  	[tilespmem:s31], [sflag:$0x1] =	stream.indirect.gather [hbm4b:s4+s30], $0x80, s3, s30, $0xb8;
	[tilespmem:$0x1BB00] =	vst v63  }
0xa1: {  	_ =	swait.ge [sflag:s0], $0x4000  }
0xa2: {  	[sflag:s0] =	ssyncset.done $0x0  }
0xa3: {  	[sflag:s0] =	ssyncadd.s32 $0xFFFFC000  }
0xa4: {  	[spmem:s1] =	stream.indirect.scatter.add.f32 [tilespmem:s31], [sflag:$0x3], $0x80, s29, s30, $0xb8;
	[tilespmem:$0x1BB00] =	vst v63  }
0xa5: {  	_ =	swait.ge [sflag:s11], $0x4000  }
0xa6: {  	[sflag:s11] =	ssyncset.done $0x0  }
0xa7: {  	s15 =	sadd.s32 s15, s24;
	[sflag:s11] =	ssyncadd.s32 $0xFFFFC000  }
0xa8: {  	[tilespmem:s30], [sflag:$0x5] =	stream.linear.gather [hbm4b:s15+s3], $0x80, $0x38;
	[tilespmem:$0x1BB00] =	vst v63  }
0xa9: {  	_ =	swait.ge [sflag:s28], $0x80  }
0xaa: {  	[sflag:s28] =	ssyncset.done $0x0  }
0xab: {  	s15 =	sadd.s32 $0x30, s16;
	[sflag:s28] =	ssyncadd.s32 $0xFFFFFF80  }
0xac: {  	[tilespmem:s2], [sflag:$0x5] =	stream.linear.gather [hbm4b:s15+s3], $0x80, $0x38;
	[tilespmem:$0x1BB00] =	vst v63  }
0xad: {  	_ =	swait.ge [sflag:s28], $0x80  }
0xae: {  	[sflag:s28] =	ssyncset.done $0x0  }
.Ltmp1:
0xaf: {  	[sflag:s28] =	ssyncadd.s32 $0xFFFFFF80;
	(pc) =	sbr.rel @p1 .LBB2_4-.Ltmp1, $4  }
0xb0: {  	[tilespmem:s7], [sflag:$0x2] =	stream.indirect.gather [hbm4b:s4+s30], $0x80, s30, s30, $0xb8;
	[tilespmem:$0x1BB00] =	vst v63  }
0xb1: {  	_ =	swait.ge [sflag:s8], $0x4000  }
0xb2: {  	[sflag:s8] =	ssyncset.done $0x0  }
0xb3: {  	s14 =	sadd.s32 $0x100, s14;
	[sflag:s8] =	ssyncadd.s32 $0xFFFFC000  }
0xb4: {  	[spmem:s1] =	stream.indirect.scatter.add.f32 [tilespmem:s7], [sflag:$0x4], $0x80, s2, s30, $0xb8;
	[tilespmem:$0x1BB00] =	vst v63  }
0xb5: {  	_ =	swait.ge [sflag:s9], $0x4000  }
0xb6: {  	[sflag:s9] =	ssyncset.done $0x0  }
0xb7: {  	[sflag:s9] =	ssyncadd.s32 $0xFFFFC000  }
0xb8: {  	_ =	swait.ge [sflag:s11], $0x4000  }
0xb9: {  	[sflag:s11] =	ssyncset.done $0x0  }
0xba: {  	[sflag:s11] =	ssyncadd.s32 $0xFFFFC000  }
0xbb: {  	s13 =	sshrl.u32 @p0 s10, $0x3;
	s14 =	simm.s32 @p0 $0x1FC5;
	[bflag:$0x0] =	sbarrier.arrive $0xFFFF  }
0xbc: {  	[hbm:s18], [sflag:s14] =	dma.local @p0 [spmem:s13], $0x2800  }
0xbd: {  	s12 =	sadd.s32 $0x1, s12;
	s13 =	simm.s32 @p0 $0x5  }
0xbe: {  	p1 =	sne.s32 s12, s19;
	s14 =	stileid.u32;
	_ =	swait.ge @p0 [sflag:s13], $0x2800  }
0xbf: {  	s14 =	sshll.u32 @!p0 s14, $0x6;
	[sflag:s13] =	ssyncset.done @p0 $0x0;
	s15 =	rddreg [dreg:$0xd]  }
0xc0: {  	[sflag:s13] =	ssyncadd.s32 @p0 $0xFFFFD800;
	s13 =	sor.u32 @!p0 $0x1C05, s14;
	s14 =	sshrl.u32 @!p0 s6, $0x3  }
0xc1: {  	[hbm:s15], [sflag:s13] =	dma.local @!p0 [spmem:s14], $0x2700  }
.Ltmp2:
0xc2: {  	_ = 	snop;
	(pc) =	sbr.rel @p1 .LBB2_1-.Ltmp2, $4  }
0xc3: {  	s13 =	simm.s32 @!p0 $0x5  }
0xc4: {  	_ =	swait.ge @!p0 [sflag:s13], $0x2700  }
0xc5: {  	[sflag:s13] =	ssyncset.done @!p0 $0x0  }
0xc6: {  	[sflag:s13] =	ssyncadd.s32 @!p0 $0xFFFFD900  }
0xc7: {  	_ =	sfence.sel $0x180000  }
0xc8: {  	[bflag:$0x0] =	sbarrier.arrive $0xFFFF  }
0xc9: {  	_ =	strace $0x90000050  }
0xca: {  	s0 =	stileid.u32;
	[bflag:$0x2] =	sbarrier.arrive $0xFFFF  }
0xcb: {  	p0 =	sne.s32 s0, $0x0;
	s0 =	rddreg [dreg:$0x3]  }
0xcc: {  	s0 =	sadd.s32 @!p0 $0x100000, s0  }
0xcd: {  	[sflag:s0] =	ssyncadd.tile.s32 @!p0 $0x1;
	_ =	shalt  }
.Lfunc_end2:
_tile_overlayer_lowered:
.L_overlay_start_2:
0xce: {  	(tag) =	ssettag $0x2  }
0xcf: {  	s0 =	rddreg [dreg:$0x0];
	s2 =	stileid.u32  }
0xd0: {  	s1 =	rddreg [dreg:$0x1];
	p0 =	sne.s32 s2, $0x0  }
0xd1: {  	s3 =	rddreg [dreg:$0x2];
	[bflag:$0x3] =	sbarrier.arrive $0xFFFF;
	s2 =	simm.s32 @!p0 $0x1C05  }
0xd2: {  	[timem:s3], [sflag:s2] =	dma.local @!p0 [hbm:s0], s1  }
0xd3: {  	s0 =	simm.s32 @!p0 $0x5  }
0xd4: {  	_ =	swait.ge @!p0 [sflag:s0], s1  }
0xd5: {  	s1 =	ssub.s32 @!p0 $0x0, s1;
	[sflag:s0] =	ssyncset.done @!p0 $0x0  }
0xd6: {  	[sflag:s0] =	ssyncadd.s32 @!p0 s1  }
0xd7: {  	[bflag:$0x3] =	sbarrier.arrive $0xFFFF  }
0xd8: {  	_ =	shalt  }

</sc_bundles>
